<compile_context>
chip_gen: v7x
topology: tpu7x:2x2x1
jax: 0.10.2.dev20260603
libtpu: 0.0.44.dev20260713+nightly
codegen_flags: <defaults>
</compile_context>

<pallas_src>
import functools

import jax
import jax.numpy as jnp
from jax import lax
from jax.experimental import pallas as pl
from jax.experimental.pallas import tpu as pltpu
from jax.experimental.pallas import tpu_sc as plsc

EMB_DIM = 32
NUM_DOMAINS = 10
NUM_NEG = 5
NUM_TILES = 32
NB = 128
LANES = 16


def _make_sc_kernel(n_rows):
    rows_per_tile = n_rows // NUM_TILES
    n_blocks = rows_per_tile // NB
    slots = NB * NUM_DOMAINS

    @functools.partial(
        pl.kernel,
        out_type=jax.ShapeDtypeStruct((n_rows,), jnp.float32),
        mesh=plsc.VectorSubcoreMesh(core_axis_name="c", subcore_axis_name="s"),
        compiler_params=pltpu.CompilerParams(use_tc_tiling_on_sc=False),
        scratch_types=[
            pltpu.VMEM((NB * 128,), jnp.int32),
            pltpu.VMEM((NB, NUM_DOMAINS, EMB_DIM), jnp.float32),
            pltpu.VMEM((2, LANES), jnp.float32),
            pltpu.VMEM((NB,), jnp.float32),
            pltpu.SemaphoreType.DMA,
        ],
    )
    def sc_kernel(idx_hbm, table_hbm, wc_hbm, out_hbm, idx_v, rows_v, wc_v,
                  sc_v, sem):
        wid = lax.axis_index("s") * 2 + lax.axis_index("c")
        pltpu.sync_copy(wc_hbm, wc_v)
        w_row = wc_v[0, :]
        c_row = wc_v[1, :]
        half_expw = jnp.exp(w_row) * 0.5

        def block_body(b, carry):
            blk = wid * n_blocks + b
            pltpu.sync_copy(idx_hbm.at[pl.ds(blk * NB * 128, NB * 128)], idx_v)
            copies = [
                pltpu.async_copy(
                    table_hbm.at[idx_v.at[pl.ds(r * 128, NUM_DOMAINS)]],
                    rows_v.at[r], sem)
                for r in range(NB)
            ]
            for cp in copies:
                cp.wait()

            lane = lax.iota(jnp.int32, LANES)

            def group_body(g, c2):
                def row_body(ii, acc):
                    row = g * LANES + ii
                    v0 = rows_v[row, 0, 0:LANES]
                    v1 = rows_v[row, 0, LANES:EMB_DIM]
                    s0 = v0
                    s1 = v1
                    q = v0 * v0 + v1 * v1
                    for j in range(1, NUM_DOMAINS):
                        v0 = rows_v[row, j, 0:LANES]
                        v1 = rows_v[row, j, LANES:EMB_DIM]
                        s0 = s0 + v0
                        s1 = s1 + v1
                        q = q + v0 * v0 + v1 * v1
                    t = s0 * s0 + s1 * s1 - q
                    for step in (8, 4, 2, 1):
                        t = t + t.at[lane ^ step].get(
                            mode="promise_in_bounds")
                    return jnp.where(lane == ii, t, acc)

                acc = lax.fori_loop(0, LANES, row_body,
                                    jnp.zeros((LANES,), jnp.float32))
                sc_v[pl.ds(g * LANES, LANES)] = jnp.exp(
                    acc * half_expw + c_row)
                return c2

            lax.fori_loop(0, NB // LANES, group_body, 0)
            pltpu.sync_copy(sc_v, out_hbm.at[pl.ds(blk * NB, NB)])
            return carry

        lax.fori_loop(0, n_blocks, block_body, 0)

    return sc_kernel


def kernel(pos_x, neg_x, emb_table, pair_w0, c):
    b = pos_x.shape[0]
    pos128 = jnp.pad(pos_x, ((0, 0), (0, 128 - NUM_DOMAINS)))
    neg128 = jnp.pad(neg_x, ((0, 0), (0, 0), (0, 128 - NUM_DOMAINS)))
    x128 = jnp.concatenate(
        [pos128, neg128.reshape(b * NUM_NEG, 128)], axis=0)
    n_rows = x128.shape[0]
    idx1d = x128.reshape(-1)
    wc = jnp.stack([
        jnp.broadcast_to(pair_w0[0], (LANES,)),
        jnp.broadcast_to(c[0], (LANES,)),
    ]).astype(jnp.float32)
    scores = _make_sc_kernel(n_rows)(idx1d, emb_table, wc)
    pos_score = scores[:b]
    neg_score = scores[b:].reshape(b, NUM_NEG)
    return pos_score, neg_score

# --- scband reference (transcript-rebuilt; emitter-appended) ---
"""Pipeline reference for scband-ape-61555471286335 (READ-ONLY COPY).

The authoritative reference and input builder live on the scoring server;
editing this copy changes nothing except your own understanding.
"""

import jax, jax.numpy as jnp
import numpy as np

EMB_DIM = 32
NUM_DOMAINS = 10
NUM_ENTITIES = 1000000
BATCH = 16384
NUM_NEG = 5


def setup_inputs(seed: int = 0) -> dict:
    key = jax.random.key(seed)
    k1, k2, k3, k4, k5 = jax.random.split(key, 5)
    pos_x = jax.random.randint(k1, (BATCH, NUM_DOMAINS), 0, NUM_ENTITIES, dtype=jnp.int32)
    neg_x = jax.random.randint(k2, (BATCH, NUM_NEG, NUM_DOMAINS), 0, NUM_ENTITIES, dtype=jnp.int32)
    # learned parameters; embeddings scaled small to keep exp() numerically sane
    emb_table = jax.random.normal(k3, (NUM_ENTITIES, EMB_DIM), dtype=jnp.float32) * 0.02
    pair_w0 = jax.random.uniform(k4, (1,), dtype=jnp.float32)
    c = jax.random.uniform(k5, (1,), dtype=jnp.float32)
    return {"pos_x": pos_x, "neg_x": neg_x, "emb_table": emb_table, "pair_w0": pair_w0, "c": c}


def _obtain_score(x, table, pair_w0, c):
    # x: int[B, NUM_DOMAINS] -> score: float[B]
    e = jnp.take(table, x, axis=0)  # [B, D, emb] gather (SparseCore embedding lookup)
    parts = [e[:, i, :] for i in range(NUM_DOMAINS)]
    scores = []
    # NOTE: faithful to the original torch code, where k is never incremented
    # inside obtain_score, so pair_W['0'] is used for every pair.
    for i in range(NUM_DOMAINS):
        for j in range(i + 1, NUM_DOMAINS):
            r = jnp.sum(parts[i] * parts[j], axis=-1, keepdims=True)
            r = r * jnp.exp(pair_w0)
            scores.append(r)
    s = jnp.concatenate(scores, axis=-1)  # [B, num_pairs]
    return jnp.exp(jnp.sum(s, axis=-1) + c)  # [B]


def reference(pos_x, neg_x, emb_table, pair_w0, c):
    pos_score = _obtain_score(pos_x, emb_table, pair_w0, c)
    neg_scores = []
    for n in range(NUM_NEG):
        neg_scores.append(_obtain_score(neg_x[:, n, :], emb_table, pair_w0, c))
    neg_score = jnp.stack(neg_scores, axis=-1)  # [B, NUM_NEG]
    return (pos_score, neg_score)

if __name__ == "__main__":
    import jax
    _d = setup_inputs()
    print(jax.jit(kernel)(*tuple(_d.values())))

</pallas_src>

<mosaic_0001>
#map = affine_map<(d0, d1) -> (0)>
#map1 = affine_map<(d0, d1) -> (0, 0)>
module attributes {stable_mosaic.version = 14 : i64} {
  func.func @sc_kernel(%arg0: i32, %arg1: i32, %arg2: memref<12582912xi32, #tpu.memory_space<hbm>>, %arg3: memref<1000000x32xf32, #tpu.memory_space<hbm>>, %arg4: memref<2x16xf32, #tpu.memory_space<hbm>>, %arg5: memref<98304xf32, #tpu.memory_space<hbm>>, %arg6: memref<16384xi32, #tpu.memory_space<vmem>>, %arg7: memref<128x10x32xf32, #tpu.memory_space<vmem>>, %arg8: memref<2x16xf32, #tpu.memory_space<vmem>>, %arg9: memref<128xf32, #tpu.memory_space<vmem>>, %arg10: memref<!tpu.dma_semaphore, #tpu.memory_space<semaphore_mem>>) attributes {dimension_semantics = [#tpu.dimension_semantics<core_parallel>, #tpu.dimension_semantics<subcore_parallel>], iteration_bounds = array<i64: 2, 16>, scalar_prefetch = 0 : i64, scratch_operands = 5 : i64, tpu.core_type = #tpu.core_type<sc_vector_subcore>, window_params = [{transform_indices = #map}, {transform_indices = #map1}, {transform_indices = #map1}, {transform_indices = #map}]} {
    %mul3A = arith.constant 2 : i32
    %mul3A_0 = arith.muli %arg1, %mul3A : i32
    %add3A = arith.addi %mul3A_0, %arg0 : i32
    "tpu.region"() ({
      %run_scoped3A = tpu.sem_alloc : memref<!tpu.dma_semaphore, #tpu.memory_space<semaphore_mem>>
      tpu.enqueue_dma source(%arg4 : memref<2x16xf32, #tpu.memory_space<hbm>>) target(%arg8 : memref<2x16xf32, #tpu.memory_space<vmem>>) target_semaphore(%run_scoped3A : memref<!tpu.dma_semaphore, #tpu.memory_space<semaphore_mem>>)
      tpu.wait_dma2 semaphore(%run_scoped3A : memref<!tpu.dma_semaphore, #tpu.memory_space<semaphore_mem>>) src(%arg4 : memref<2x16xf32, #tpu.memory_space<hbm>>) dst(%arg8 : memref<2x16xf32, #tpu.memory_space<vmem>>)
      tpu.yield
    }) : () -> ()
    %get3A = arith.constant 0 : i32
    %get3A_1 = arith.index_cast %get3A : i32 to index
    %get3A_2 = arith.constant 0 : index
    %get3A_3 = tpu.vector_load %arg8[%get3A_1, %get3A_2] {strides = array<i32>} : memref<2x16xf32, #tpu.memory_space<vmem>>, vector<1x16xf32>,
    %get3A_4 = vector.shape_cast %get3A_3 : vector<1x16xf32> to vector<16xf32>
    %get3A_5 = arith.constant 1 : i32
    %get3A_6 = arith.index_cast %get3A_5 : i32 to index
    %get3A_7 = arith.constant 0 : index
    %get3A_8 = tpu.vector_load %arg8[%get3A_6, %get3A_7] {strides = array<i32>} : memref<2x16xf32, #tpu.memory_space<vmem>>, vector<1x16xf32>,
    %get3A_9 = vector.shape_cast %get3A_8 : vector<1x16xf32> to vector<16xf32>
    %exp3A = math.exp %get3A_4 : vector<16xf32>
    %mul3A_10 = arith.constant 5.000000e-01 : f32
    %mul3A_11 = vector.broadcast %mul3A_10 : f32 to vector<16xf32>
    %mul3A_12 = arith.mulf %exp3A, %mul3A_11 : vector<16xf32>
    %scan3A = arith.constant 0 : i32
    %scan3A_13 = arith.constant 0 : i32
    %scan3A_14 = arith.constant 24 : i32
    %scan3A_15 = arith.addi %scan3A_13, %scan3A_14 : i32
    %scan3A_16 = arith.constant 1 : i32
    scf.for %scan3A_18 = %scan3A_13 to %scan3A_15 step %scan3A_16  : i32 {
      %mul3A_19 = arith.constant 24 : i32
      %mul3A_20 = arith.muli %add3A, %mul3A_19 : i32
      %add3A_21 = arith.addi %mul3A_20, %scan3A_18 : i32
      %mul3A_22 = arith.constant 128 : i32
      %mul3A_23 = arith.muli %add3A_21, %mul3A_22 : i32
      %mul3A_24 = arith.constant 128 : i32
      %mul3A_25 = arith.muli %mul3A_23, %mul3A_24 : i32
      "tpu.region"() ({
        %run_scoped3A = tpu.sem_alloc : memref<!tpu.dma_semaphore, #tpu.memory_space<semaphore_mem>>
        %dma_start3A_2592 = tpu.memref_slice %arg2[%mul3A_25] : memref<12582912xi32, #tpu.memory_space<hbm>> -> memref<16384xi32, #tpu.memory_space<hbm>>
        %dma_start3A_2593 = tpu.memref_slice %arg2[%mul3A_25] : memref<12582912xi32, #tpu.memory_space<hbm>> -> memref<16384xi32, #tpu.memory_space<hbm>>
        tpu.enqueue_dma source(%dma_start3A_2593 : memref<16384xi32, #tpu.memory_space<hbm>>) target(%arg6 : memref<16384xi32, #tpu.memory_space<vmem>>) target_semaphore(%run_scoped3A : memref<!tpu.dma_semaphore, #tpu.memory_space<semaphore_mem>>)
        %dma_wait3A_2594 = tpu.memref_slice %arg2[%mul3A_25] : memref<12582912xi32, #tpu.memory_space<hbm>> -> memref<16384xi32, #tpu.memory_space<hbm>>
        %dma_wait3A_2595 = tpu.memref_slice %arg2[%mul3A_25] : memref<12582912xi32, #tpu.memory_space<hbm>> -> memref<16384xi32, #tpu.memory_space<hbm>>
        tpu.wait_dma2 semaphore(%run_scoped3A : memref<!tpu.dma_semaphore, #tpu.memory_space<semaphore_mem>>) src(%dma_wait3A_2595 : memref<16384xi32, #tpu.memory_space<hbm>>) dst(%arg6 : memref<16384xi32, #tpu.memory_space<vmem>>)
        tpu.yield
      }) : () -> ()
      %dma_start3A = arith.constant 0 : i32
      %dma_start3A_26 = arith.constant 0 : i32
      %dma_start3A_27 = arith.constant 0 : i32
      %dma_start3A_28 = tpu.memref_slice %arg7[%dma_start3A, %dma_start3A_26, %dma_start3A_27] : memref<128x10x32xf32, #tpu.memory_space<vmem>> -> memref<1x10x32xf32, #tpu.memory_space<vmem>>
      %dma_start3A_29 = tpu.memref_squeeze %dma_start3A_28 : memref<1x10x32xf32, #tpu.memory_space<vmem>> -> memref<10x32xf32, #tpu.memory_space<vmem>>
      %dma_start3A_30 = arith.constant 0 : i32
      %dma_start3A_31 = tpu.memref_slice %arg6[%dma_start3A_30] : memref<16384xi32, #tpu.memory_space<vmem>> -> memref<10xi32, #tpu.memory_space<vmem>>
      %dma_start3A_32 = arith.constant 0 : i32
      %dma_start3A_33 = arith.constant 0 : i32
      %dma_start3A_34 = tpu.memref_slice %arg3[%dma_start3A_32, %dma_start3A_33] : memref<1000000x32xf32, #tpu.memory_space<hbm>> -> memref<1000000x32xf32, #tpu.memory_space<hbm>>
      tpu.enqueue_indirect_dma source(%dma_start3A_34 : memref<1000000x32xf32, #tpu.memory_space<hbm>>) target(%dma_start3A_29 : memref<10x32xf32, #tpu.memory_space<vmem>>) offsets(%dma_start3A_31 : memref<10xi32, #tpu.memory_space<vmem>>) semaphore(%arg10 : memref<!tpu.dma_semaphore, #tpu.memory_space<semaphore_mem>>)
      %dma_start3A_35 = arith.constant 1 : i32
      %dma_start3A_36 = arith.constant 0 : i32
      %dma_start3A_37 = arith.constant 0 : i32
      %dma_start3A_38 = tpu.memref_slice %arg7[%dma_start3A_35, %dma_start3A_36, %dma_start3A_37] : memref<128x10x32xf32, #tpu.memory_space<vmem>> -> memref<1x10x32xf32, #tpu.memory_space<vmem>>
      %dma_start3A_39 = tpu.memref_squeeze %dma_start3A_38 : memref<1x10x32xf32, #tpu.memory_space<vmem>> -> memref<10x32xf32, #tpu.memory_space<vmem>>
      %dma_start3A_40 = arith.constant 128 : i32
      %dma_start3A_41 = tpu.memref_slice %arg6[%dma_start3A_40] : memref<16384xi32, #tpu.memory_space<vmem>> -> memref<10xi32, #tpu.memory_space<vmem>>
      %dma_start3A_42 = arith.constant 0 : i32
      %dma_start3A_43 = arith.constant 0 : i32
      %dma_start3A_44 = tpu.memref_slice %arg3[%dma_start3A_42, %dma_start3A_43] : memref<1000000x32xf32, #tpu.memory_space<hbm>> -> memref<1000000x32xf32, #tpu.memory_space<hbm>>
      tpu.enqueue_indirect_dma source(%dma_start3A_44 : memref<1000000x32xf32, #tpu.memory_space<hbm>>) target(%dma_start3A_39 : memref<10x32xf32, #tpu.memory_space<vmem>>) offsets(%dma_start3A_41 : memref<10xi32, #tpu.memory_space<vmem>>) semaphore(%arg10 : memref<!tpu.dma_semaphore, #tpu.memory_space<semaphore_mem>>)
      %dma_start3A_45 = arith.constant 2 : i32
      %dma_start3A_46 = arith.constant 0 : i32
      %dma_start3A_47 = arith.constant 0 : i32
      %dma_start3A_48 = tpu.memref_slice %arg7[%dma_start3A_45, %dma_start3A_46, %dma_start3A_47] : memref<128x10x32xf32, #tpu.memory_space<vmem>> -> memref<1x10x32xf32, #tpu.memory_space<vmem>>
      %dma_start3A_49 = tpu.memref_squeeze %dma_start3A_48 : memref<1x10x32xf32, #tpu.memory_space<vmem>> -> memref<10x32xf32, #tpu.memory_space<vmem>>
      %dma_start3A_50 = arith.constant 256 : i32
      %dma_start3A_51 = tpu.memref_slice %arg6[%dma_start3A_50] : memref<16384xi32, #tpu.memory_space<vmem>> -> memref<10xi32, #tpu.memory_space<vmem>>
      %dma_start3A_52 = arith.constant 0 : i32
      %dma_start3A_53 = arith.constant 0 : i32
      %dma_start3A_54 = tpu.memref_slice %arg3[%dma_start3A_52, %dma_start3A_53] : memref<1000000x32xf32, #tpu.memory_space<hbm>> -> memref<1000000x32xf32, #tpu.memory_space<hbm>>
      tpu.enqueue_indirect_dma source(%dma_start3A_54 : memref<1000000x32xf32, #tpu.memory_space<hbm>>) target(%dma_start3A_49 : memref<10x32xf32, #tpu.memory_space<vmem>>) offsets(%dma_start3A_51 : memref<10xi32, #tpu.memory_space<vmem>>) semaphore(%arg10 : memref<!tpu.dma_semaphore, #tpu.memory_space<semaphore_mem>>)
      %dma_start3A_55 = arith.constant 3 : i32
      %dma_start3A_56 = arith.constant 0 : i32
      %dma_start3A_57 = arith.constant 0 : i32
      %dma_start3A_58 = tpu.memref_slice %arg7[%dma_start3A_55, %dma_start3A_56, %dma_start3A_57] : memref<128x10x32xf32, #tpu.memory_space<vmem>> -> memref<1x10x32xf32, #tpu.memory_space<vmem>>
      %dma_start3A_59 = tpu.memref_squeeze %dma_start3A_58 : memref<1x10x32xf32, #tpu.memory_space<vmem>> -> memref<10x32xf32, #tpu.memory_space<vmem>>
      %dma_start3A_60 = arith.constant 384 : i32
      %dma_start3A_61 = tpu.memref_slice %arg6[%dma_start3A_60] : memref<16384xi32, #tpu.memory_space<vmem>> -> memref<10xi32, #tpu.memory_space<vmem>>
      %dma_start3A_62 = arith.constant 0 : i32
      %dma_start3A_63 = arith.constant 0 : i32
      %dma_start3A_64 = tpu.memref_slice %arg3[%dma_start3A_62, %dma_start3A_63] : memref<1000000x32xf32, #tpu.memory_space<hbm>> -> memref<1000000x32xf32, #tpu.memory_space<hbm>>
      tpu.enqueue_indirect_dma source(%dma_start3A_64 : memref<1000000x32xf32, #tpu.memory_space<hbm>>) target(%dma_start3A_59 : memref<10x32xf32, #tpu.memory_space<vmem>>) offsets(%dma_start3A_61 : memref<10xi32, #tpu.memory_space<vmem>>) semaphore(%arg10 : memref<!tpu.dma_semaphore, #tpu.memory_space<semaphore_mem>>)
      %dma_start3A_65 = arith.constant 4 : i32
      %dma_start3A_66 = arith.constant 0 : i32
      %dma_start3A_67 = arith.constant 0 : i32
      %dma_start3A_68 = tpu.memref_slice %arg7[%dma_start3A_65, %dma_start3A_66, %dma_start3A_67] : memref<128x10x32xf32, #tpu.memory_space<vmem>> -> memref<1x10x32xf32, #tpu.memory_space<vmem>>
      %dma_start3A_69 = tpu.memref_squeeze %dma_start3A_68 : memref<1x10x32xf32, #tpu.memory_space<vmem>> -> memref<10x32xf32, #tpu.memory_space<vmem>>
      %dma_start3A_70 = arith.constant 512 : i32
      %dma_start3A_71 = tpu.memref_slice %arg6[%dma_start3A_70] : memref<16384xi32, #tpu.memory_space<vmem>> -> memref<10xi32, #tpu.memory_space<vmem>>
      %dma_start3A_72 = arith.constant 0 : i32
      %dma_start3A_73 = arith.constant 0 : i32
      %dma_start3A_74 = tpu.memref_slice %arg3[%dma_start3A_72, %dma_start3A_73] : memref<1000000x32xf32, #tpu.memory_space<hbm>> -> memref<1000000x32xf32, #tpu.memory_space<hbm>>
      tpu.enqueue_indirect_dma source(%dma_start3A_74 : memref<1000000x32xf32, #tpu.memory_space<hbm>>) target(%dma_start3A_69 : memref<10x32xf32, #tpu.memory_space<vmem>>) offsets(%dma_start3A_71 : memref<10xi32, #tpu.memory_space<vmem>>) semaphore(%arg10 : memref<!tpu.dma_semaphore, #tpu.memory_space<semaphore_mem>>)
      %dma_start3A_75 = arith.constant 5 : i32
      %dma_start3A_76 = arith.constant 0 : i32
      %dma_start3A_77 = arith.constant 0 : i32
      %dma_start3A_78 = tpu.memref_slice %arg7[%dma_start3A_75, %dma_start3A_76, %dma_start3A_77] : memref<128x10x32xf32, #tpu.memory_space<vmem>> -> memref<1x10x32xf32, #tpu.memory_space<vmem>>
      %dma_start3A_79 = tpu.memref_squeeze %dma_start3A_78 : memref<1x10x32xf32, #tpu.memory_space<vmem>> -> memref<10x32xf32, #tpu.memory_space<vmem>>
      %dma_start3A_80 = arith.constant 640 : i32
      %dma_start3A_81 = tpu.memref_slice %arg6[%dma_start3A_80] : memref<16384xi32, #tpu.memory_space<vmem>> -> memref<10xi32, #tpu.memory_space<vmem>>
      %dma_start3A_82 = arith.constant 0 : i32
      %dma_start3A_83 = arith.constant 0 : i32
      %dma_start3A_84 = tpu.memref_slice %arg3[%dma_start3A_82, %dma_start3A_83] : memref<1000000x32xf32, #tpu.memory_space<hbm>> -> memref<1000000x32xf32, #tpu.memory_space<hbm>>
      tpu.enqueue_indirect_dma source(%dma_start3A_84 : memref<1000000x32xf32, #tpu.memory_space<hbm>>) target(%dma_start3A_79 : memref<10x32xf32, #tpu.memory_space<vmem>>) offsets(%dma_start3A_81 : memref<10xi32, #tpu.memory_space<vmem>>) semaphore(%arg10 : memref<!tpu.dma_semaphore, #tpu.memory_space<semaphore_mem>>)
      %dma_start3A_85 = arith.constant 6 : i32
      %dma_start3A_86 = arith.constant 0 : i32
      %dma_start3A_87 = arith.constant 0 : i32
      %dma_start3A_88 = tpu.memref_slice %arg7[%dma_start3A_85, %dma_start3A_86, %dma_start3A_87] : memref<128x10x32xf32, #tpu.memory_space<vmem>> -> memref<1x10x32xf32, #tpu.memory_space<vmem>>
      %dma_start3A_89 = tpu.memref_squeeze %dma_start3A_88 : memref<1x10x32xf32, #tpu.memory_space<vmem>> -> memref<10x32xf32, #tpu.memory_space<vmem>>
      %dma_start3A_90 = arith.constant 768 : i32
      %dma_start3A_91 = tpu.memref_slice %arg6[%dma_start3A_90] : memref<16384xi32, #tpu.memory_space<vmem>> -> memref<10xi32, #tpu.memory_space<vmem>>
      %dma_start3A_92 = arith.constant 0 : i32
      %dma_start3A_93 = arith.constant 0 : i32
      %dma_start3A_94 = tpu.memref_slice %arg3[%dma_start3A_92, %dma_start3A_93] : memref<1000000x32xf32, #tpu.memory_space<hbm>> -> memref<1000000x32xf32, #tpu.memory_space<hbm>>
      tpu.enqueue_indirect_dma source(%dma_start3A_94 : memref<1000000x32xf32, #tpu.memory_space<hbm>>) target(%dma_start3A_89 : memref<10x32xf32, #tpu.memory_space<vmem>>) offsets(%dma_start3A_91 : memref<10xi32, #tpu.memory_space<vmem>>) semaphore(%arg10 : memref<!tpu.dma_semaphore, #tpu.memory_space<semaphore_mem>>)
      %dma_start3A_95 = arith.constant 7 : i32
      %dma_start3A_96 = arith.constant 0 : i32
      %dma_start3A_97 = arith.constant 0 : i32
      %dma_start3A_98 = tpu.memref_slice %arg7[%dma_start3A_95, %dma_start3A_96, %dma_start3A_97] : memref<128x10x32xf32, #tpu.memory_space<vmem>> -> memref<1x10x32xf32, #tpu.memory_space<vmem>>
      %dma_start3A_99 = tpu.memref_squeeze %dma_start3A_98 : memref<1x10x32xf32, #tpu.memory_space<vmem>> -> memref<10x32xf32, #tpu.memory_space<vmem>>
      %dma_start3A_100 = arith.constant 896 : i32
      %dma_start3A_101 = tpu.memref_slice %arg6[%dma_start3A_100] : memref<16384xi32, #tpu.memory_space<vmem>> -> memref<10xi32, #tpu.memory_space<vmem>>
      %dma_start3A_102 = arith.constant 0 : i32
      %dma_start3A_103 = arith.constant 0 : i32
      %dma_start3A_104 = tpu.memref_slice %arg3[%dma_start3A_102, %dma_start3A_103] : memref<1000000x32xf32, #tpu.memory_space<hbm>> -> memref<1000000x32xf32, #tpu.memory_space<hbm>>
      tpu.enqueue_indirect_dma source(%dma_start3A_104 : memref<1000000x32xf32, #tpu.memory_space<hbm>>) target(%dma_start3A_99 : memref<10x32xf32, #tpu.memory_space<vmem>>) offsets(%dma_start3A_101 : memref<10xi32, #tpu.memory_space<vmem>>) semaphore(%arg10 : memref<!tpu.dma_semaphore, #tpu.memory_space<semaphore_mem>>)
      %dma_start3A_105 = arith.constant 8 : i32
      %dma_start3A_106 = arith.constant 0 : i32
      %dma_start3A_107 = arith.constant 0 : i32
      %dma_start3A_108 = tpu.memref_slice %arg7[%dma_start3A_105, %dma_start3A_106, %dma_start3A_107] : memref<128x10x32xf32, #tpu.memory_space<vmem>> -> memref<1x10x32xf32, #tpu.memory_space<vmem>>
      %dma_start3A_109 = tpu.memref_squeeze %dma_start3A_108 : memref<1x10x32xf32, #tpu.memory_space<vmem>> -> memref<10x32xf32, #tpu.memory_space<vmem>>
      %dma_start3A_110 = arith.constant 1024 : i32
      %dma_start3A_111 = tpu.memref_slice %arg6[%dma_start3A_110] : memref<16384xi32, #tpu.memory_space<vmem>> -> memref<10xi32, #tpu.memory_space<vmem>>
      %dma_start3A_112 = arith.constant 0 : i32
      %dma_start3A_113 = arith.constant 0 : i32
      %dma_start3A_114 = tpu.memref_slice %arg3[%dma_start3A_112, %dma_start3A_113] : memref<1000000x32xf32, #tpu.memory_space<hbm>> -> memref<1000000x32xf32, #tpu.memory_space<hbm>>
      tpu.enqueue_indirect_dma source(%dma_start3A_114 : memref<1000000x32xf32, #tpu.memory_space<hbm>>) target(%dma_start3A_109 : memref<10x32xf32, #tpu.memory_space<vmem>>) offsets(%dma_start3A_111 : memref<10xi32, #tpu.memory_space<vmem>>) semaphore(%arg10 : memref<!tpu.dma_semaphore, #tpu.memory_space<semaphore_mem>>)
      %dma_start3A_115 = arith.constant 9 : i32
      %dma_start3A_116 = arith.constant 0 : i32
      %dma_start3A_117 = arith.constant 0 : i32
      %dma_start3A_118 = tpu.memref_slice %arg7[%dma_start3A_115, %dma_start3A_116, %dma_start3A_117] : memref<128x10x32xf32, #tpu.memory_space<vmem>> -> memref<1x10x32xf32, #tpu.memory_space<vmem>>
      %dma_start3A_119 = tpu.memref_squeeze %dma_start3A_118 : memref<1x10x32xf32, #tpu.memory_space<vmem>> -> memref<10x32xf32, #tpu.memory_space<vmem>>
      %dma_start3A_120 = arith.constant 1152 : i32
      %dma_start3A_121 = tpu.memref_slice %arg6[%dma_start3A_120] : memref<16384xi32, #tpu.memory_space<vmem>> -> memref<10xi32, #tpu.memory_space<vmem>>
      %dma_start3A_122 = arith.constant 0 : i32
      %dma_start3A_123 = arith.constant 0 : i32
      %dma_start3A_124 = tpu.memref_slice %arg3[%dma_start3A_122, %dma_start3A_123] : memref<1000000x32xf32, #tpu.memory_space<hbm>> -> memref<1000000x32xf32, #tpu.memory_space<hbm>>
      tpu.enqueue_indirect_dma source(%dma_start3A_124 : memref<1000000x32xf32, #tpu.memory_space<hbm>>) target(%dma_start3A_119 : memref<10x32xf32, #tpu.memory_space<vmem>>) offsets(%dma_start3A_121 : memref<10xi32, #tpu.memory_space<vmem>>) semaphore(%arg10 : memref<!tpu.dma_semaphore, #tpu.memory_space<semaphore_mem>>)
      %dma_start3A_125 = arith.constant 10 : i32
      %dma_start3A_126 = arith.constant 0 : i32
      %dma_start3A_127 = arith.constant 0 : i32
      %dma_start3A_128 = tpu.memref_slice %arg7[%dma_start3A_125, %dma_start3A_126, %dma_start3A_127] : memref<128x10x32xf32, #tpu.memory_space<vmem>> -> memref<1x10x32xf32, #tpu.memory_space<vmem>>
      %dma_start3A_129 = tpu.memref_squeeze %dma_start3A_128 : memref<1x10x32xf32, #tpu.memory_space<vmem>> -> memref<10x32xf32, #tpu.memory_space<vmem>>
      %dma_start3A_130 = arith.constant 1280 : i32
      %dma_start3A_131 = tpu.memref_slice %arg6[%dma_start3A_130] : memref<16384xi32, #tpu.memory_space<vmem>> -> memref<10xi32, #tpu.memory_space<vmem>>
      %dma_start3A_132 = arith.constant 0 : i32
      %dma_start3A_133 = arith.constant 0 : i32
      %dma_start3A_134 = tpu.memref_slice %arg3[%dma_start3A_132, %dma_start3A_133] : memref<1000000x32xf32, #tpu.memory_space<hbm>> -> memref<1000000x32xf32, #tpu.memory_space<hbm>>
      tpu.enqueue_indirect_dma source(%dma_start3A_134 : memref<1000000x32xf32, #tpu.memory_space<hbm>>) target(%dma_start3A_129 : memref<10x32xf32, #tpu.memory_space<vmem>>) offsets(%dma_start3A_131 : memref<10xi32, #tpu.memory_space<vmem>>) semaphore(%arg10 : memref<!tpu.dma_semaphore, #tpu.memory_space<semaphore_mem>>)
      %dma_start3A_135 = arith.constant 11 : i32
      %dma_start3A_136 = arith.constant 0 : i32
      %dma_start3A_137 = arith.constant 0 : i32
      %dma_start3A_138 = tpu.memref_slice %arg7[%dma_start3A_135, %dma_start3A_136, %dma_start3A_137] : memref<128x10x32xf32, #tpu.memory_space<vmem>> -> memref<1x10x32xf32, #tpu.memory_space<vmem>>
      %dma_start3A_139 = tpu.memref_squeeze %dma_start3A_138 : memref<1x10x32xf32, #tpu.memory_space<vmem>> -> memref<10x32xf32, #tpu.memory_space<vmem>>
      %dma_start3A_140 = arith.constant 1408 : i32
      %dma_start3A_141 = tpu.memref_slice %arg6[%dma_start3A_140] : memref<16384xi32, #tpu.memory_space<vmem>> -> memref<10xi32, #tpu.memory_space<vmem>>
      %dma_start3A_142 = arith.constant 0 : i32
      %dma_start3A_143 = arith.constant 0 : i32
      %dma_start3A_144 = tpu.memref_slice %arg3[%dma_start3A_142, %dma_start3A_143] : memref<1000000x32xf32, #tpu.memory_space<hbm>> -> memref<1000000x32xf32, #tpu.memory_space<hbm>>
      tpu.enqueue_indirect_dma source(%dma_start3A_144 : memref<1000000x32xf32, #tpu.memory_space<hbm>>) target(%dma_start3A_139 : memref<10x32xf32, #tpu.memory_space<vmem>>) offsets(%dma_start3A_141 : memref<10xi32, #tpu.memory_space<vmem>>) semaphore(%arg10 : memref<!tpu.dma_semaphore, #tpu.memory_space<semaphore_mem>>)
      %dma_start3A_145 = arith.constant 12 : i32
      %dma_start3A_146 = arith.constant 0 : i32
      %dma_start3A_147 = arith.constant 0 : i32
      %dma_start3A_148 = tpu.memref_slice %arg7[%dma_start3A_145, %dma_start3A_146, %dma_start3A_147] : memref<128x10x32xf32, #tpu.memory_space<vmem>> -> memref<1x10x32xf32, #tpu.memory_space<vmem>>
      %dma_start3A_149 = tpu.memref_squeeze %dma_start3A_148 : memref<1x10x32xf32, #tpu.memory_space<vmem>> -> memref<10x32xf32, #tpu.memory_space<vmem>>
      %dma_start3A_150 = arith.constant 1536 : i32
      %dma_start3A_151 = tpu.memref_slice %arg6[%dma_start3A_150] : memref<16384xi32, #tpu.memory_space<vmem>> -> memref<10xi32, #tpu.memory_space<vmem>>
      %dma_start3A_152 = arith.constant 0 : i32
      %dma_start3A_153 = arith.constant 0 : i32
      %dma_start3A_154 = tpu.memref_slice %arg3[%dma_start3A_152, %dma_start3A_153] : memref<1000000x32xf32, #tpu.memory_space<hbm>> -> memref<1000000x32xf32, #tpu.memory_space<hbm>>
      tpu.enqueue_indirect_dma source(%dma_start3A_154 : memref<1000000x32xf32, #tpu.memory_space<hbm>>) target(%dma_start3A_149 : memref<10x32xf32, #tpu.memory_space<vmem>>) offsets(%dma_start3A_151 : memref<10xi32, #tpu.memory_space<vmem>>) semaphore(%arg10 : memref<!tpu.dma_semaphore, #tpu.memory_space<semaphore_mem>>)
      %dma_start3A_155 = arith.constant 13 : i32
      %dma_start3A_156 = arith.constant 0 : i32
      %dma_start3A_157 = arith.constant 0 : i32
      %dma_start3A_158 = tpu.memref_slice %arg7[%dma_start3A_155, %dma_start3A_156, %dma_start3A_157] : memref<128x10x32xf32, #tpu.memory_space<vmem>> -> memref<1x10x32xf32, #tpu.memory_space<vmem>>
      %dma_start3A_159 = tpu.memref_squeeze %dma_start3A_158 : memref<1x10x32xf32, #tpu.memory_space<vmem>> -> memref<10x32xf32, #tpu.memory_space<vmem>>
      %dma_start3A_160 = arith.constant 1664 : i32
      %dma_start3A_161 = tpu.memref_slice %arg6[%dma_start3A_160] : memref<16384xi32, #tpu.memory_space<vmem>> -> memref<10xi32, #tpu.memory_space<vmem>>
      %dma_start3A_162 = arith.constant 0 : i32
      %dma_start3A_163 = arith.constant 0 : i32
      %dma_start3A_164 = tpu.memref_slice %arg3[%dma_start3A_162, %dma_start3A_163] : memref<1000000x32xf32, #tpu.memory_space<hbm>> -> memref<1000000x32xf32, #tpu.memory_space<hbm>>
      tpu.enqueue_indirect_dma source(%dma_start3A_164 : memref<1000000x32xf32, #tpu.memory_space<hbm>>) target(%dma_start3A_159 : memref<10x32xf32, #tpu.memory_space<vmem>>) offsets(%dma_start3A_161 : memref<10xi32, #tpu.memory_space<vmem>>) semaphore(%arg10 : memref<!tpu.dma_semaphore, #tpu.memory_space<semaphore_mem>>)
      %dma_start3A_165 = arith.constant 14 : i32
      %dma_start3A_166 = arith.constant 0 : i32
      %dma_start3A_167 = arith.constant 0 : i32
      %dma_start3A_168 = tpu.memref_slice %arg7[%dma_start3A_165, %dma_start3A_166, %dma_start3A_167] : memref<128x10x32xf32, #tpu.memory_space<vmem>> -> memref<1x10x32xf32, #tpu.memory_space<vmem>>
      %dma_start3A_169 = tpu.memref_squeeze %dma_start3A_168 : memref<1x10x32xf32, #tpu.memory_space<vmem>> -> memref<10x32xf32, #tpu.memory_space<vmem>>
      %dma_start3A_170 = arith.constant 1792 : i32
      %dma_start3A_171 = tpu.memref_slice %arg6[%dma_start3A_170] : memref<16384xi32, #tpu.memory_space<vmem>> -> memref<10xi32, #tpu.memory_space<vmem>>
      %dma_start3A_172 = arith.constant 0 : i32
      %dma_start3A_173 = arith.constant 0 : i32
      %dma_start3A_174 = tpu.memref_slice %arg3[%dma_start3A_172, %dma_start3A_173] : memref<1000000x32xf32, #tpu.memory_space<hbm>> -> memref<1000000x32xf32, #tpu.memory_space<hbm>>
      tpu.enqueue_indirect_dma source(%dma_start3A_174 : memref<1000000x32xf32, #tpu.memory_space<hbm>>) target(%dma_start3A_169 : memref<10x32xf32, #tpu.memory_space<vmem>>) offsets(%dma_start3A_171 : memref<10xi32, #tpu.memory_space<vmem>>) semaphore(%arg10 : memref<!tpu.dma_semaphore, #tpu.memory_space<semaphore_mem>>)
      %dma_start3A_175 = arith.constant 15 : i32
      %dma_start3A_176 = arith.constant 0 : i32
      %dma_start3A_177 = arith.constant 0 : i32
      %dma_start3A_178 = tpu.memref_slice %arg7[%dma_start3A_175, %dma_start3A_176, %dma_start3A_177] : memref<128x10x32xf32, #tpu.memory_space<vmem>> -> memref<1x10x32xf32, #tpu.memory_space<vmem>>
      %dma_start3A_179 = tpu.memref_squeeze %dma_start3A_178 : memref<1x10x32xf32, #tpu.memory_space<vmem>> -> memref<10x32xf32, #tpu.memory_space<vmem>>
      %dma_start3A_180 = arith.constant 1920 : i32
      %dma_start3A_181 = tpu.memref_slice %arg6[%dma_start3A_180] : memref<16384xi32, #tpu.memory_space<vmem>> -> memref<10xi32, #tpu.memory_space<vmem>>
      %dma_start3A_182 = arith.constant 0 : i32
      %dma_start3A_183 = arith.constant 0 : i32
      %dma_start3A_184 = tpu.memref_slice %arg3[%dma_start3A_182, %dma_start3A_183] : memref<1000000x32xf32, #tpu.memory_space<hbm>> -> memref<1000000x32xf32, #tpu.memory_space<hbm>>
      tpu.enqueue_indirect_dma source(%dma_start3A_184 : memref<1000000x32xf32, #tpu.memory_space<hbm>>) target(%dma_start3A_179 : memref<10x32xf32, #tpu.memory_space<vmem>>) offsets(%dma_start3A_181 : memref<10xi32, #tpu.memory_space<vmem>>) semaphore(%arg10 : memref<!tpu.dma_semaphore, #tpu.memory_space<semaphore_mem>>)
      %dma_start3A_185 = arith.constant 16 : i32
      %dma_start3A_186 = arith.constant 0 : i32
      %dma_start3A_187 = arith.constant 0 : i32
      %dma_start3A_188 = tpu.memref_slice %arg7[%dma_start3A_185, %dma_start3A_186, %dma_start3A_187] : memref<128x10x32xf32, #tpu.memory_space<vmem>> -> memref<1x10x32xf32, #tpu.memory_space<vmem>>
      %dma_start3A_189 = tpu.memref_squeeze %dma_start3A_188 : memref<1x10x32xf32, #tpu.memory_space<vmem>> -> memref<10x32xf32, #tpu.memory_space<vmem>>
      %dma_start3A_190 = arith.constant 2048 : i32
      %dma_start3A_191 = tpu.memref_slice %arg6[%dma_start3A_190] : memref<16384xi32, #tpu.memory_space<vmem>> -> memref<10xi32, #tpu.memory_space<vmem>>
      %dma_start3A_192 = arith.constant 0 : i32
      %dma_start3A_193 = arith.constant 0 : i32
      %dma_start3A_194 = tpu.memref_slice %arg3[%dma_start3A_192, %dma_start3A_193] : memref<1000000x32xf32, #tpu.memory_space<hbm>> -> memref<1000000x32xf32, #tpu.memory_space<hbm>>
      tpu.enqueue_indirect_dma source(%dma_start3A_194 : memref<1000000x32xf32, #tpu.memory_space<hbm>>) target(%dma_start3A_189 : memref<10x32xf32, #tpu.memory_space<vmem>>) offsets(%dma_start3A_191 : memref<10xi32, #tpu.memory_space<vmem>>) semaphore(%arg10 : memref<!tpu.dma_semaphore, #tpu.memory_space<semaphore_mem>>)
      %dma_start3A_195 = arith.constant 17 : i32
      %dma_start3A_196 = arith.constant 0 : i32
      %dma_start3A_197 = arith.constant 0 : i32
      %dma_start3A_198 = tpu.memref_slice %arg7[%dma_start3A_195, %dma_start3A_196, %dma_start3A_197] : memref<128x10x32xf32, #tpu.memory_space<vmem>> -> memref<1x10x32xf32, #tpu.memory_space<vmem>>
      %dma_start3A_199 = tpu.memref_squeeze %dma_start3A_198 : memref<1x10x32xf32, #tpu.memory_space<vmem>> -> memref<10x32xf32, #tpu.memory_space<vmem>>
      %dma_start3A_200 = arith.constant 2176 : i32
      %dma_start3A_201 = tpu.memref_slice %arg6[%dma_start3A_200] : memref<16384xi32, #tpu.memory_space<vmem>> -> memref<10xi32, #tpu.memory_space<vmem>>
      %dma_start3A_202 = arith.constant 0 : i32
      %dma_start3A_203 = arith.constant 0 : i32
      %dma_start3A_204 = tpu.memref_slice %arg3[%dma_start3A_202, %dma_start3A_203] : memref<1000000x32xf32, #tpu.memory_space<hbm>> -> memref<1000000x32xf32, #tpu.memory_space<hbm>>
      tpu.enqueue_indirect_dma source(%dma_start3A_204 : memref<1000000x32xf32, #tpu.memory_space<hbm>>) target(%dma_start3A_199 : memref<10x32xf32, #tpu.memory_space<vmem>>) offsets(%dma_start3A_201 : memref<10xi32, #tpu.memory_space<vmem>>) semaphore(%arg10 : memref<!tpu.dma_semaphore, #tpu.memory_space<semaphore_mem>>)
      %dma_start3A_205 = arith.constant 18 : i32
      %dma_start3A_206 = arith.constant 0 : i32
      %dma_start3A_207 = arith.constant 0 : i32
      %dma_start3A_208 = tpu.memref_slice %arg7[%dma_start3A_205, %dma_start3A_206, %dma_start3A_207] : memref<128x10x32xf32, #tpu.memory_space<vmem>> -> memref<1x10x32xf32, #tpu.memory_space<vmem>>
      %dma_start3A_209 = tpu.memref_squeeze %dma_start3A_208 : memref<1x10x32xf32, #tpu.memory_space<vmem>> -> memref<10x32xf32, #tpu.memory_space<vmem>>
      %dma_start3A_210 = arith.constant 2304 : i32
      %dma_start3A_211 = tpu.memref_slice %arg6[%dma_start3A_210] : memref<16384xi32, #tpu.memory_space<vmem>> -> memref<10xi32, #tpu.memory_space<vmem>>
      %dma_start3A_212 = arith.constant 0 : i32
      %dma_start3A_213 = arith.constant 0 : i32
      %dma_start3A_214 = tpu.memref_slice %arg3[%dma_start3A_212, %dma_start3A_213] : memref<1000000x32xf32, #tpu.memory_space<hbm>> -> memref<1000000x32xf32, #tpu.memory_space<hbm>>
      tpu.enqueue_indirect_dma source(%dma_start3A_214 : memref<1000000x32xf32, #tpu.memory_space<hbm>>) target(%dma_start3A_209 : memref<10x32xf32, #tpu.memory_space<vmem>>) offsets(%dma_start3A_211 : memref<10xi32, #tpu.memory_space<vmem>>) semaphore(%arg10 : memref<!tpu.dma_semaphore, #tpu.memory_space<semaphore_mem>>)
      %dma_start3A_215 = arith.constant 19 : i32
      %dma_start3A_216 = arith.constant 0 : i32
      %dma_start3A_217 = arith.constant 0 : i32
      %dma_start3A_218 = tpu.memref_slice %arg7[%dma_start3A_215, %dma_start3A_216, %dma_start3A_217] : memref<128x10x32xf32, #tpu.memory_space<vmem>> -> memref<1x10x32xf32, #tpu.memory_space<vmem>>
      %dma_start3A_219 = tpu.memref_squeeze %dma_start3A_218 : memref<1x10x32xf32, #tpu.memory_space<vmem>> -> memref<10x32xf32, #tpu.memory_space<vmem>>
      %dma_start3A_220 = arith.constant 2432 : i32
      %dma_start3A_221 = tpu.memref_slice %arg6[%dma_start3A_220] : memref<16384xi32, #tpu.memory_space<vmem>> -> memref<10xi32, #tpu.memory_space<vmem>>
      %dma_start3A_222 = arith.constant 0 : i32
      %dma_start3A_223 = arith.constant 0 : i32
      %dma_start3A_224 = tpu.memref_slice %arg3[%dma_start3A_222, %dma_start3A_223] : memref<1000000x32xf32, #tpu.memory_space<hbm>> -> memref<1000000x32xf32, #tpu.memory_space<hbm>>
      tpu.enqueue_indirect_dma source(%dma_start3A_224 : memref<1000000x32xf32, #tpu.memory_space<hbm>>) target(%dma_start3A_219 : memref<10x32xf32, #tpu.memory_space<vmem>>) offsets(%dma_start3A_221 : memref<10xi32, #tpu.memory_space<vmem>>) semaphore(%arg10 : memref<!tpu.dma_semaphore, #tpu.memory_space<semaphore_mem>>)
      %dma_start3A_225 = arith.constant 20 : i32
      %dma_start3A_226 = arith.constant 0 : i32
      %dma_start3A_227 = arith.constant 0 : i32
      %dma_start3A_228 = tpu.memref_slice %arg7[%dma_start3A_225, %dma_start3A_226, %dma_start3A_227] : memref<128x10x32xf32, #tpu.memory_space<vmem>> -> memref<1x10x32xf32, #tpu.memory_space<vmem>>
      %dma_start3A_229 = tpu.memref_squeeze %dma_start3A_228 : memref<1x10x32xf32, #tpu.memory_space<vmem>> -> memref<10x32xf32, #tpu.memory_space<vmem>>
      %dma_start3A_230 = arith.constant 2560 : i32
      %dma_start3A_231 = tpu.memref_slice %arg6[%dma_start3A_230] : memref<16384xi32, #tpu.memory_space<vmem>> -> memref<10xi32, #tpu.memory_space<vmem>>
      %dma_start3A_232 = arith.constant 0 : i32
      %dma_start3A_233 = arith.constant 0 : i32
      %dma_start3A_234 = tpu.memref_slice %arg3[%dma_start3A_232, %dma_start3A_233] : memref<1000000x32xf32, #tpu.memory_space<hbm>> -> memref<1000000x32xf32, #tpu.memory_space<hbm>>
      tpu.enqueue_indirect_dma source(%dma_start3A_234 : memref<1000000x32xf32, #tpu.memory_space<hbm>>) target(%dma_start3A_229 : memref<10x32xf32, #tpu.memory_space<vmem>>) offsets(%dma_start3A_231 : memref<10xi32, #tpu.memory_space<vmem>>) semaphore(%arg10 : memref<!tpu.dma_semaphore, #tpu.memory_space<semaphore_mem>>)
      %dma_start3A_235 = arith.constant 21 : i32
      %dma_start3A_236 = arith.constant 0 : i32
      %dma_start3A_237 = arith.constant 0 : i32
      %dma_start3A_238 = tpu.memref_slice %arg7[%dma_start3A_235, %dma_start3A_236, %dma_start3A_237] : memref<128x10x32xf32, #tpu.memory_space<vmem>> -> memref<1x10x32xf32, #tpu.memory_space<vmem>>
      %dma_start3A_239 = tpu.memref_squeeze %dma_start3A_238 : memref<1x10x32xf32, #tpu.memory_space<vmem>> -> memref<10x32xf32, #tpu.memory_space<vmem>>
      %dma_start3A_240 = arith.constant 2688 : i32
      %dma_start3A_241 = tpu.memref_slice %arg6[%dma_start3A_240] : memref<16384xi32, #tpu.memory_space<vmem>> -> memref<10xi32, #tpu.memory_space<vmem>>
      %dma_start3A_242 = arith.constant 0 : i32
      %dma_start3A_243 = arith.constant 0 : i32
      %dma_start3A_244 = tpu.memref_slice %arg3[%dma_start3A_242, %dma_start3A_243] : memref<1000000x32xf32, #tpu.memory_space<hbm>> -> memref<1000000x32xf32, #tpu.memory_space<hbm>>
      tpu.enqueue_indirect_dma source(%dma_start3A_244 : memref<1000000x32xf32, #tpu.memory_space<hbm>>) target(%dma_start3A_239 : memref<10x32xf32, #tpu.memory_space<vmem>>) offsets(%dma_start3A_241 : memref<10xi32, #tpu.memory_space<vmem>>) semaphore(%arg10 : memref<!tpu.dma_semaphore, #tpu.memory_space<semaphore_mem>>)
      %dma_start3A_245 = arith.constant 22 : i32
      %dma_start3A_246 = arith.constant 0 : i32
      %dma_start3A_247 = arith.constant 0 : i32
      %dma_start3A_248 = tpu.memref_slice %arg7[%dma_start3A_245, %dma_start3A_246, %dma_start3A_247] : memref<128x10x32xf32, #tpu.memory_space<vmem>> -> memref<1x10x32xf32, #tpu.memory_space<vmem>>
      %dma_start3A_249 = tpu.memref_squeeze %dma_start3A_248 : memref<1x10x32xf32, #tpu.memory_space<vmem>> -> memref<10x32xf32, #tpu.memory_space<vmem>>
      %dma_start3A_250 = arith.constant 2816 : i32
      %dma_start3A_251 = tpu.memref_slice %arg6[%dma_start3A_250] : memref<16384xi32, #tpu.memory_space<vmem>> -> memref<10xi32, #tpu.memory_space<vmem>>
      %dma_start3A_252 = arith.constant 0 : i32
      %dma_start3A_253 = arith.constant 0 : i32
      %dma_start3A_254 = tpu.memref_slice %arg3[%dma_start3A_252, %dma_start3A_253] : memref<1000000x32xf32, #tpu.memory_space<hbm>> -> memref<1000000x32xf32, #tpu.memory_space<hbm>>
      tpu.enqueue_indirect_dma source(%dma_start3A_254 : memref<1000000x32xf32, #tpu.memory_space<hbm>>) target(%dma_start3A_249 : memref<10x32xf32, #tpu.memory_space<vmem>>) offsets(%dma_start3A_251 : memref<10xi32, #tpu.memory_space<vmem>>) semaphore(%arg10 : memref<!tpu.dma_semaphore, #tpu.memory_space<semaphore_mem>>)
      %dma_start3A_255 = arith.constant 23 : i32
      %dma_start3A_256 = arith.constant 0 : i32
      %dma_start3A_257 = arith.constant 0 : i32
      %dma_start3A_258 = tpu.memref_slice %arg7[%dma_start3A_255, %dma_start3A_256, %dma_start3A_257] : memref<128x10x32xf32, #tpu.memory_space<vmem>> -> memref<1x10x32xf32, #tpu.memory_space<vmem>>
      %dma_start3A_259 = tpu.memref_squeeze %dma_start3A_258 : memref<1x10x32xf32, #tpu.memory_space<vmem>> -> memref<10x32xf32, #tpu.memory_space<vmem>>
      %dma_start3A_260 = arith.constant 2944 : i32
      %dma_start3A_261 = tpu.memref_slice %arg6[%dma_start3A_260] : memref<16384xi32, #tpu.memory_space<vmem>> -> memref<10xi32, #tpu.memory_space<vmem>>
      %dma_start3A_262 = arith.constant 0 : i32
      %dma_start3A_263 = arith.constant 0 : i32
      %dma_start3A_264 = tpu.memref_slice %arg3[%dma_start3A_262, %dma_start3A_263] : memref<1000000x32xf32, #tpu.memory_space<hbm>> -> memref<1000000x32xf32, #tpu.memory_space<hbm>>
      tpu.enqueue_indirect_dma source(%dma_start3A_264 : memref<1000000x32xf32, #tpu.memory_space<hbm>>) target(%dma_start3A_259 : memref<10x32xf32, #tpu.memory_space<vmem>>) offsets(%dma_start3A_261 : memref<10xi32, #tpu.memory_space<vmem>>) semaphore(%arg10 : memref<!tpu.dma_semaphore, #tpu.memory_space<semaphore_mem>>)
      %dma_start3A_265 = arith.constant 24 : i32
      %dma_start3A_266 = arith.constant 0 : i32
      %dma_start3A_267 = arith.constant 0 : i32
      %dma_start3A_268 = tpu.memref_slice %arg7[%dma_start3A_265, %dma_start3A_266, %dma_start3A_267] : memref<128x10x32xf32, #tpu.memory_space<vmem>> -> memref<1x10x32xf32, #tpu.memory_space<vmem>>
      %dma_start3A_269 = tpu.memref_squeeze %dma_start3A_268 : memref<1x10x32xf32, #tpu.memory_space<vmem>> -> memref<10x32xf32, #tpu.memory_space<vmem>>
      %dma_start3A_270 = arith.constant 3072 : i32
      %dma_start3A_271 = tpu.memref_slice %arg6[%dma_start3A_270] : memref<16384xi32, #tpu.memory_space<vmem>> -> memref<10xi32, #tpu.memory_space<vmem>>
      %dma_start3A_272 = arith.constant 0 : i32
      %dma_start3A_273 = arith.constant 0 : i32
      %dma_start3A_274 = tpu.memref_slice %arg3[%dma_start3A_272, %dma_start3A_273] : memref<1000000x32xf32, #tpu.memory_space<hbm>> -> memref<1000000x32xf32, #tpu.memory_space<hbm>>
      tpu.enqueue_indirect_dma source(%dma_start3A_274 : memref<1000000x32xf32, #tpu.memory_space<hbm>>) target(%dma_start3A_269 : memref<10x32xf32, #tpu.memory_space<vmem>>) offsets(%dma_start3A_271 : memref<10xi32, #tpu.memory_space<vmem>>) semaphore(%arg10 : memref<!tpu.dma_semaphore, #tpu.memory_space<semaphore_mem>>)
      %dma_start3A_275 = arith.constant 25 : i32
      %dma_start3A_276 = arith.constant 0 : i32
      %dma_start3A_277 = arith.constant 0 : i32
      %dma_start3A_278 = tpu.memref_slice %arg7[%dma_start3A_275, %dma_start3A_276, %dma_start3A_277] : memref<128x10x32xf32, #tpu.memory_space<vmem>> -> memref<1x10x32xf32, #tpu.memory_space<vmem>>
      %dma_start3A_279 = tpu.memref_squeeze %dma_start3A_278 : memref<1x10x32xf32, #tpu.memory_space<vmem>> -> memref<10x32xf32, #tpu.memory_space<vmem>>
      %dma_start3A_280 = arith.constant 3200 : i32
      %dma_start3A_281 = tpu.memref_slice %arg6[%dma_start3A_280] : memref<16384xi32, #tpu.memory_space<vmem>> -> memref<10xi32, #tpu.memory_space<vmem>>
      %dma_start3A_282 = arith.constant 0 : i32
      %dma_start3A_283 = arith.constant 0 : i32
      %dma_start3A_284 = tpu.memref_slice %arg3[%dma_start3A_282, %dma_start3A_283] : memref<1000000x32xf32, #tpu.memory_space<hbm>> -> memref<1000000x32xf32, #tpu.memory_space<hbm>>
      tpu.enqueue_indirect_dma source(%dma_start3A_284 : memref<1000000x32xf32, #tpu.memory_space<hbm>>) target(%dma_start3A_279 : memref<10x32xf32, #tpu.memory_space<vmem>>) offsets(%dma_start3A_281 : memref<10xi32, #tpu.memory_space<vmem>>) semaphore(%arg10 : memref<!tpu.dma_semaphore, #tpu.memory_space<semaphore_mem>>)
      %dma_start3A_285 = arith.constant 26 : i32
      %dma_start3A_286 = arith.constant 0 : i32
      %dma_start3A_287 = arith.constant 0 : i32
      %dma_start3A_288 = tpu.memref_slice %arg7[%dma_start3A_285, %dma_start3A_286, %dma_start3A_287] : memref<128x10x32xf32, #tpu.memory_space<vmem>> -> memref<1x10x32xf32, #tpu.memory_space<vmem>>
      %dma_start3A_289 = tpu.memref_squeeze %dma_start3A_288 : memref<1x10x32xf32, #tpu.memory_space<vmem>> -> memref<10x32xf32, #tpu.memory_space<vmem>>
      %dma_start3A_290 = arith.constant 3328 : i32
      %dma_start3A_291 = tpu.memref_slice %arg6[%dma_start3A_290] : memref<16384xi32, #tpu.memory_space<vmem>> -> memref<10xi32, #tpu.memory_space<vmem>>
      %dma_start3A_292 = arith.constant 0 : i32
      %dma_start3A_293 = arith.constant 0 : i32
      %dma_start3A_294 = tpu.memref_slice %arg3[%dma_start3A_292, %dma_start3A_293] : memref<1000000x32xf32, #tpu.memory_space<hbm>> -> memref<1000000x32xf32, #tpu.memory_space<hbm>>
      tpu.enqueue_indirect_dma source(%dma_start3A_294 : memref<1000000x32xf32, #tpu.memory_space<hbm>>) target(%dma_start3A_289 : memref<10x32xf32, #tpu.memory_space<vmem>>) offsets(%dma_start3A_291 : memref<10xi32, #tpu.memory_space<vmem>>) semaphore(%arg10 : memref<!tpu.dma_semaphore, #tpu.memory_space<semaphore_mem>>)
      %dma_start3A_295 = arith.constant 27 : i32
      %dma_start3A_296 = arith.constant 0 : i32
      %dma_start3A_297 = arith.constant 0 : i32
      %dma_start3A_298 = tpu.memref_slice %arg7[%dma_start3A_295, %dma_start3A_296, %dma_start3A_297] : memref<128x10x32xf32, #tpu.memory_space<vmem>> -> memref<1x10x32xf32, #tpu.memory_space<vmem>>
      %dma_start3A_299 = tpu.memref_squeeze %dma_start3A_298 : memref<1x10x32xf32, #tpu.memory_space<vmem>> -> memref<10x32xf32, #tpu.memory_space<vmem>>
      %dma_start3A_300 = arith.constant 3456 : i32
      %dma_start3A_301 = tpu.memref_slice %arg6[%dma_start3A_300] : memref<16384xi32, #tpu.memory_space<vmem>> -> memref<10xi32, #tpu.memory_space<vmem>>
      %dma_start3A_302 = arith.constant 0 : i32
      %dma_start3A_303 = arith.constant 0 : i32
      %dma_start3A_304 = tpu.memref_slice %arg3[%dma_start3A_302, %dma_start3A_303] : memref<1000000x32xf32, #tpu.memory_space<hbm>> -> memref<1000000x32xf32, #tpu.memory_space<hbm>>
      tpu.enqueue_indirect_dma source(%dma_start3A_304 : memref<1000000x32xf32, #tpu.memory_space<hbm>>) target(%dma_start3A_299 : memref<10x32xf32, #tpu.memory_space<vmem>>) offsets(%dma_start3A_301 : memref<10xi32, #tpu.memory_space<vmem>>) semaphore(%arg10 : memref<!tpu.dma_semaphore, #tpu.memory_space<semaphore_mem>>)
      %dma_start3A_305 = arith.constant 28 : i32
      %dma_start3A_306 = arith.constant 0 : i32
      %dma_start3A_307 = arith.constant 0 : i32
      %dma_start3A_308 = tpu.memref_slice %arg7[%dma_start3A_305, %dma_start3A_306, %dma_start3A_307] : memref<128x10x32xf32, #tpu.memory_space<vmem>> -> memref<1x10x32xf32, #tpu.memory_space<vmem>>
      %dma_start3A_309 = tpu.memref_squeeze %dma_start3A_308 : memref<1x10x32xf32, #tpu.memory_space<vmem>> -> memref<10x32xf32, #tpu.memory_space<vmem>>
      %dma_start3A_310 = arith.constant 3584 : i32
      %dma_start3A_311 = tpu.memref_slice %arg6[%dma_start3A_310] : memref<16384xi32, #tpu.memory_space<vmem>> -> memref<10xi32, #tpu.memory_space<vmem>>
      %dma_start3A_312 = arith.constant 0 : i32
      %dma_start3A_313 = arith.constant 0 : i32
      %dma_start3A_314 = tpu.memref_slice %arg3[%dma_start3A_312, %dma_start3A_313] : memref<1000000x32xf32, #tpu.memory_space<hbm>> -> memref<1000000x32xf32, #tpu.memory_space<hbm>>
      tpu.enqueue_indirect_dma source(%dma_start3A_314 : memref<1000000x32xf32, #tpu.memory_space<hbm>>) target(%dma_start3A_309 : memref<10x32xf32, #tpu.memory_space<vmem>>) offsets(%dma_start3A_311 : memref<10xi32, #tpu.memory_space<vmem>>) semaphore(%arg10 : memref<!tpu.dma_semaphore, #tpu.memory_space<semaphore_mem>>)
      %dma_start3A_315 = arith.constant 29 : i32
      %dma_start3A_316 = arith.constant 0 : i32
      %dma_start3A_317 = arith.constant 0 : i32
      %dma_start3A_318 = tpu.memref_slice %arg7[%dma_start3A_315, %dma_start3A_316, %dma_start3A_317] : memref<128x10x32xf32, #tpu.memory_space<vmem>> -> memref<1x10x32xf32, #tpu.memory_space<vmem>>
      %dma_start3A_319 = tpu.memref_squeeze %dma_start3A_318 : memref<1x10x32xf32, #tpu.memory_space<vmem>> -> memref<10x32xf32, #tpu.memory_space<vmem>>
      %dma_start3A_320 = arith.constant 3712 : i32
      %dma_start3A_321 = tpu.memref_slice %arg6[%dma_start3A_320] : memref<16384xi32, #tpu.memory_space<vmem>> -> memref<10xi32, #tpu.memory_space<vmem>>
      %dma_start3A_322 = arith.constant 0 : i32
      %dma_start3A_323 = arith.constant 0 : i32
      %dma_start3A_324 = tpu.memref_slice %arg3[%dma_start3A_322, %dma_start3A_323] : memref<1000000x32xf32, #tpu.memory_space<hbm>> -> memref<1000000x32xf32, #tpu.memory_space<hbm>>
      tpu.enqueue_indirect_dma source(%dma_start3A_324 : memref<1000000x32xf32, #tpu.memory_space<hbm>>) target(%dma_start3A_319 : memref<10x32xf32, #tpu.memory_space<vmem>>) offsets(%dma_start3A_321 : memref<10xi32, #tpu.memory_space<vmem>>) semaphore(%arg10 : memref<!tpu.dma_semaphore, #tpu.memory_space<semaphore_mem>>)
      %dma_start3A_325 = arith.constant 30 : i32
      %dma_start3A_326 = arith.constant 0 : i32
      %dma_start3A_327 = arith.constant 0 : i32
      %dma_start3A_328 = tpu.memref_slice %arg7[%dma_start3A_325, %dma_start3A_326, %dma_start3A_327] : memref<128x10x32xf32, #tpu.memory_space<vmem>> -> memref<1x10x32xf32, #tpu.memory_space<vmem>>
      %dma_start3A_329 = tpu.memref_squeeze %dma_start3A_328 : memref<1x10x32xf32, #tpu.memory_space<vmem>> -> memref<10x32xf32, #tpu.memory_space<vmem>>
      %dma_start3A_330 = arith.constant 3840 : i32
      %dma_start3A_331 = tpu.memref_slice %arg6[%dma_start3A_330] : memref<16384xi32, #tpu.memory_space<vmem>> -> memref<10xi32, #tpu.memory_space<vmem>>
      %dma_start3A_332 = arith.constant 0 : i32
      %dma_start3A_333 = arith.constant 0 : i32
      %dma_start3A_334 = tpu.memref_slice %arg3[%dma_start3A_332, %dma_start3A_333] : memref<1000000x32xf32, #tpu.memory_space<hbm>> -> memref<1000000x32xf32, #tpu.memory_space<hbm>>
      tpu.enqueue_indirect_dma source(%dma_start3A_334 : memref<1000000x32xf32, #tpu.memory_space<hbm>>) target(%dma_start3A_329 : memref<10x32xf32, #tpu.memory_space<vmem>>) offsets(%dma_start3A_331 : memref<10xi32, #tpu.memory_space<vmem>>) semaphore(%arg10 : memref<!tpu.dma_semaphore, #tpu.memory_space<semaphore_mem>>)
      %dma_start3A_335 = arith.constant 31 : i32
      %dma_start3A_336 = arith.constant 0 : i32
      %dma_start3A_337 = arith.constant 0 : i32
      %dma_start3A_338 = tpu.memref_slice %arg7[%dma_start3A_335, %dma_start3A_336, %dma_start3A_337] : memref<128x10x32xf32, #tpu.memory_space<vmem>> -> memref<1x10x32xf32, #tpu.memory_space<vmem>>
      %dma_start3A_339 = tpu.memref_squeeze %dma_start3A_338 : memref<1x10x32xf32, #tpu.memory_space<vmem>> -> memref<10x32xf32, #tpu.memory_space<vmem>>
      %dma_start3A_340 = arith.constant 3968 : i32
      %dma_start3A_341 = tpu.memref_slice %arg6[%dma_start3A_340] : memref<16384xi32, #tpu.memory_space<vmem>> -> memref<10xi32, #tpu.memory_space<vmem>>
      %dma_start3A_342 = arith.constant 0 : i32
      %dma_start3A_343 = arith.constant 0 : i32
      %dma_start3A_344 = tpu.memref_slice %arg3[%dma_start3A_342, %dma_start3A_343] : memref<1000000x32xf32, #tpu.memory_space<hbm>> -> memref<1000000x32xf32, #tpu.memory_space<hbm>>
      tpu.enqueue_indirect_dma source(%dma_start3A_344 : memref<1000000x32xf32, #tpu.memory_space<hbm>>) target(%dma_start3A_339 : memref<10x32xf32, #tpu.memory_space<vmem>>) offsets(%dma_start3A_341 : memref<10xi32, #tpu.memory_space<vmem>>) semaphore(%arg10 : memref<!tpu.dma_semaphore, #tpu.memory_space<semaphore_mem>>)
      %dma_start3A_345 = arith.constant 32 : i32
      %dma_start3A_346 = arith.constant 0 : i32
      %dma_start3A_347 = arith.constant 0 : i32
      %dma_start3A_348 = tpu.memref_slice %arg7[%dma_start3A_345, %dma_start3A_346, %dma_start3A_347] : memref<128x10x32xf32, #tpu.memory_space<vmem>> -> memref<1x10x32xf32, #tpu.memory_space<vmem>>
      %dma_start3A_349 = tpu.memref_squeeze %dma_start3A_348 : memref<1x10x32xf32, #tpu.memory_space<vmem>> -> memref<10x32xf32, #tpu.memory_space<vmem>>
      %dma_start3A_350 = arith.constant 4096 : i32
      %dma_start3A_351 = tpu.memref_slice %arg6[%dma_start3A_350] : memref<16384xi32, #tpu.memory_space<vmem>> -> memref<10xi32, #tpu.memory_space<vmem>>
      %dma_start3A_352 = arith.constant 0 : i32
      %dma_start3A_353 = arith.constant 0 : i32
      %dma_start3A_354 = tpu.memref_slice %arg3[%dma_start3A_352, %dma_start3A_353] : memref<1000000x32xf32, #tpu.memory_space<hbm>> -> memref<1000000x32xf32, #tpu.memory_space<hbm>>
      tpu.enqueue_indirect_dma source(%dma_start3A_354 : memref<1000000x32xf32, #tpu.memory_space<hbm>>) target(%dma_start3A_349 : memref<10x32xf32, #tpu.memory_space<vmem>>) offsets(%dma_start3A_351 : memref<10xi32, #tpu.memory_space<vmem>>) semaphore(%arg10 : memref<!tpu.dma_semaphore, #tpu.memory_space<semaphore_mem>>)
      %dma_start3A_355 = arith.constant 33 : i32
      %dma_start3A_356 = arith.constant 0 : i32
      %dma_start3A_357 = arith.constant 0 : i32
      %dma_start3A_358 = tpu.memref_slice %arg7[%dma_start3A_355, %dma_start3A_356, %dma_start3A_357] : memref<128x10x32xf32, #tpu.memory_space<vmem>> -> memref<1x10x32xf32, #tpu.memory_space<vmem>>
      %dma_start3A_359 = tpu.memref_squeeze %dma_start3A_358 : memref<1x10x32xf32, #tpu.memory_space<vmem>> -> memref<10x32xf32, #tpu.memory_space<vmem>>
      %dma_start3A_360 = arith.constant 4224 : i32
      %dma_start3A_361 = tpu.memref_slice %arg6[%dma_start3A_360] : memref<16384xi32, #tpu.memory_space<vmem>> -> memref<10xi32, #tpu.memory_space<vmem>>
      %dma_start3A_362 = arith.constant 0 : i32
      %dma_start3A_363 = arith.constant 0 : i32
      %dma_start3A_364 = tpu.memref_slice %arg3[%dma_start3A_362, %dma_start3A_363] : memref<1000000x32xf32, #tpu.memory_space<hbm>> -> memref<1000000x32xf32, #tpu.memory_space<hbm>>
      tpu.enqueue_indirect_dma source(%dma_start3A_364 : memref<1000000x32xf32, #tpu.memory_space<hbm>>) target(%dma_start3A_359 : memref<10x32xf32, #tpu.memory_space<vmem>>) offsets(%dma_start3A_361 : memref<10xi32, #tpu.memory_space<vmem>>) semaphore(%arg10 : memref<!tpu.dma_semaphore, #tpu.memory_space<semaphore_mem>>)
      %dma_start3A_365 = arith.constant 34 : i32
      %dma_start3A_366 = arith.constant 0 : i32
      %dma_start3A_367 = arith.constant 0 : i32
      %dma_start3A_368 = tpu.memref_slice %arg7[%dma_start3A_365, %dma_start3A_366, %dma_start3A_367] : memref<128x10x32xf32, #tpu.memory_space<vmem>> -> memref<1x10x32xf32, #tpu.memory_space<vmem>>
      %dma_start3A_369 = tpu.memref_squeeze %dma_start3A_368 : memref<1x10x32xf32, #tpu.memory_space<vmem>> -> memref<10x32xf32, #tpu.memory_space<vmem>>
      %dma_start3A_370 = arith.constant 4352 : i32
      %dma_start3A_371 = tpu.memref_slice %arg6[%dma_start3A_370] : memref<16384xi32, #tpu.memory_space<vmem>> -> memref<10xi32, #tpu.memory_space<vmem>>
      %dma_start3A_372 = arith.constant 0 : i32
      %dma_start3A_373 = arith.constant 0 : i32
      %dma_start3A_374 = tpu.memref_slice %arg3[%dma_start3A_372, %dma_start3A_373] : memref<1000000x32xf32, #tpu.memory_space<hbm>> -> memref<1000000x32xf32, #tpu.memory_space<hbm>>
      tpu.enqueue_indirect_dma source(%dma_start3A_374 : memref<1000000x32xf32, #tpu.memory_space<hbm>>) target(%dma_start3A_369 : memref<10x32xf32, #tpu.memory_space<vmem>>) offsets(%dma_start3A_371 : memref<10xi32, #tpu.memory_space<vmem>>) semaphore(%arg10 : memref<!tpu.dma_semaphore, #tpu.memory_space<semaphore_mem>>)
      %dma_start3A_375 = arith.constant 35 : i32
      %dma_start3A_376 = arith.constant 0 : i32
      %dma_start3A_377 = arith.constant 0 : i32
      %dma_start3A_378 = tpu.memref_slice %arg7[%dma_start3A_375, %dma_start3A_376, %dma_start3A_377] : memref<128x10x32xf32, #tpu.memory_space<vmem>> -> memref<1x10x32xf32, #tpu.memory_space<vmem>>
      %dma_start3A_379 = tpu.memref_squeeze %dma_start3A_378 : memref<1x10x32xf32, #tpu.memory_space<vmem>> -> memref<10x32xf32, #tpu.memory_space<vmem>>
      %dma_start3A_380 = arith.constant 4480 : i32
      %dma_start3A_381 = tpu.memref_slice %arg6[%dma_start3A_380] : memref<16384xi32, #tpu.memory_space<vmem>> -> memref<10xi32, #tpu.memory_space<vmem>>
      %dma_start3A_382 = arith.constant 0 : i32
      %dma_start3A_383 = arith.constant 0 : i32
      %dma_start3A_384 = tpu.memref_slice %arg3[%dma_start3A_382, %dma_start3A_383] : memref<1000000x32xf32, #tpu.memory_space<hbm>> -> memref<1000000x32xf32, #tpu.memory_space<hbm>>
      tpu.enqueue_indirect_dma source(%dma_start3A_384 : memref<1000000x32xf32, #tpu.memory_space<hbm>>) target(%dma_start3A_379 : memref<10x32xf32, #tpu.memory_space<vmem>>) offsets(%dma_start3A_381 : memref<10xi32, #tpu.memory_space<vmem>>) semaphore(%arg10 : memref<!tpu.dma_semaphore, #tpu.memory_space<semaphore_mem>>)
      %dma_start3A_385 = arith.constant 36 : i32
      %dma_start3A_386 = arith.constant 0 : i32
      %dma_start3A_387 = arith.constant 0 : i32
      %dma_start3A_388 = tpu.memref_slice %arg7[%dma_start3A_385, %dma_start3A_386, %dma_start3A_387] : memref<128x10x32xf32, #tpu.memory_space<vmem>> -> memref<1x10x32xf32, #tpu.memory_space<vmem>>
      %dma_start3A_389 = tpu.memref_squeeze %dma_start3A_388 : memref<1x10x32xf32, #tpu.memory_space<vmem>> -> memref<10x32xf32, #tpu.memory_space<vmem>>
      %dma_start3A_390 = arith.constant 4608 : i32
      %dma_start3A_391 = tpu.memref_slice %arg6[%dma_start3A_390] : memref<16384xi32, #tpu.memory_space<vmem>> -> memref<10xi32, #tpu.memory_space<vmem>>
      %dma_start3A_392 = arith.constant 0 : i32
      %dma_start3A_393 = arith.constant 0 : i32
      %dma_start3A_394 = tpu.memref_slice %arg3[%dma_start3A_392, %dma_start3A_393] : memref<1000000x32xf32, #tpu.memory_space<hbm>> -> memref<1000000x32xf32, #tpu.memory_space<hbm>>
      tpu.enqueue_indirect_dma source(%dma_start3A_394 : memref<1000000x32xf32, #tpu.memory_space<hbm>>) target(%dma_start3A_389 : memref<10x32xf32, #tpu.memory_space<vmem>>) offsets(%dma_start3A_391 : memref<10xi32, #tpu.memory_space<vmem>>) semaphore(%arg10 : memref<!tpu.dma_semaphore, #tpu.memory_space<semaphore_mem>>)
      %dma_start3A_395 = arith.constant 37 : i32
      %dma_start3A_396 = arith.constant 0 : i32
      %dma_start3A_397 = arith.constant 0 : i32
      %dma_start3A_398 = tpu.memref_slice %arg7[%dma_start3A_395, %dma_start3A_396, %dma_start3A_397] : memref<128x10x32xf32, #tpu.memory_space<vmem>> -> memref<1x10x32xf32, #tpu.memory_space<vmem>>
      %dma_start3A_399 = tpu.memref_squeeze %dma_start3A_398 : memref<1x10x32xf32, #tpu.memory_space<vmem>> -> memref<10x32xf32, #tpu.memory_space<vmem>>
      %dma_start3A_400 = arith.constant 4736 : i32
      %dma_start3A_401 = tpu.memref_slice %arg6[%dma_start3A_400] : memref<16384xi32, #tpu.memory_space<vmem>> -> memref<10xi32, #tpu.memory_space<vmem>>
      %dma_start3A_402 = arith.constant 0 : i32
      %dma_start3A_403 = arith.constant 0 : i32
      %dma_start3A_404 = tpu.memref_slice %arg3[%dma_start3A_402, %dma_start3A_403] : memref<1000000x32xf32, #tpu.memory_space<hbm>> -> memref<1000000x32xf32, #tpu.memory_space<hbm>>
      tpu.enqueue_indirect_dma source(%dma_start3A_404 : memref<1000000x32xf32, #tpu.memory_space<hbm>>) target(%dma_start3A_399 : memref<10x32xf32, #tpu.memory_space<vmem>>) offsets(%dma_start3A_401 : memref<10xi32, #tpu.memory_space<vmem>>) semaphore(%arg10 : memref<!tpu.dma_semaphore, #tpu.memory_space<semaphore_mem>>)
      %dma_start3A_405 = arith.constant 38 : i32
      %dma_start3A_406 = arith.constant 0 : i32
      %dma_start3A_407 = arith.constant 0 : i32
      %dma_start3A_408 = tpu.memref_slice %arg7[%dma_start3A_405, %dma_start3A_406, %dma_start3A_407] : memref<128x10x32xf32, #tpu.memory_space<vmem>> -> memref<1x10x32xf32, #tpu.memory_space<vmem>>
      %dma_start3A_409 = tpu.memref_squeeze %dma_start3A_408 : memref<1x10x32xf32, #tpu.memory_space<vmem>> -> memref<10x32xf32, #tpu.memory_space<vmem>>
      %dma_start3A_410 = arith.constant 4864 : i32
      %dma_start3A_411 = tpu.memref_slice %arg6[%dma_start3A_410] : memref<16384xi32, #tpu.memory_space<vmem>> -> memref<10xi32, #tpu.memory_space<vmem>>
      %dma_start3A_412 = arith.constant 0 : i32
      %dma_start3A_413 = arith.constant 0 : i32
      %dma_start3A_414 = tpu.memref_slice %arg3[%dma_start3A_412, %dma_start3A_413] : memref<1000000x32xf32, #tpu.memory_space<hbm>> -> memref<1000000x32xf32, #tpu.memory_space<hbm>>
      tpu.enqueue_indirect_dma source(%dma_start3A_414 : memref<1000000x32xf32, #tpu.memory_space<hbm>>) target(%dma_start3A_409 : memref<10x32xf32, #tpu.memory_space<vmem>>) offsets(%dma_start3A_411 : memref<10xi32, #tpu.memory_space<vmem>>) semaphore(%arg10 : memref<!tpu.dma_semaphore, #tpu.memory_space<semaphore_mem>>)
      %dma_start3A_415 = arith.constant 39 : i32
      %dma_start3A_416 = arith.constant 0 : i32
      %dma_start3A_417 = arith.constant 0 : i32
      %dma_start3A_418 = tpu.memref_slice %arg7[%dma_start3A_415, %dma_start3A_416, %dma_start3A_417] : memref<128x10x32xf32, #tpu.memory_space<vmem>> -> memref<1x10x32xf32, #tpu.memory_space<vmem>>
      %dma_start3A_419 = tpu.memref_squeeze %dma_start3A_418 : memref<1x10x32xf32, #tpu.memory_space<vmem>> -> memref<10x32xf32, #tpu.memory_space<vmem>>
      %dma_start3A_420 = arith.constant 4992 : i32
      %dma_start3A_421 = tpu.memref_slice %arg6[%dma_start3A_420] : memref<16384xi32, #tpu.memory_space<vmem>> -> memref<10xi32, #tpu.memory_space<vmem>>
      %dma_start3A_422 = arith.constant 0 : i32
      %dma_start3A_423 = arith.constant 0 : i32
      %dma_start3A_424 = tpu.memref_slice %arg3[%dma_start3A_422, %dma_start3A_423] : memref<1000000x32xf32, #tpu.memory_space<hbm>> -> memref<1000000x32xf32, #tpu.memory_space<hbm>>
      tpu.enqueue_indirect_dma source(%dma_start3A_424 : memref<1000000x32xf32, #tpu.memory_space<hbm>>) target(%dma_start3A_419 : memref<10x32xf32, #tpu.memory_space<vmem>>) offsets(%dma_start3A_421 : memref<10xi32, #tpu.memory_space<vmem>>) semaphore(%arg10 : memref<!tpu.dma_semaphore, #tpu.memory_space<semaphore_mem>>)
      %dma_start3A_425 = arith.constant 40 : i32
      %dma_start3A_426 = arith.constant 0 : i32
      %dma_start3A_427 = arith.constant 0 : i32
      %dma_start3A_428 = tpu.memref_slice %arg7[%dma_start3A_425, %dma_start3A_426, %dma_start3A_427] : memref<128x10x32xf32, #tpu.memory_space<vmem>> -> memref<1x10x32xf32, #tpu.memory_space<vmem>>
      %dma_start3A_429 = tpu.memref_squeeze %dma_start3A_428 : memref<1x10x32xf32, #tpu.memory_space<vmem>> -> memref<10x32xf32, #tpu.memory_space<vmem>>
      %dma_start3A_430 = arith.constant 5120 : i32
      %dma_start3A_431 = tpu.memref_slice %arg6[%dma_start3A_430] : memref<16384xi32, #tpu.memory_space<vmem>> -> memref<10xi32, #tpu.memory_space<vmem>>
      %dma_start3A_432 = arith.constant 0 : i32
      %dma_start3A_433 = arith.constant 0 : i32
      %dma_start3A_434 = tpu.memref_slice %arg3[%dma_start3A_432, %dma_start3A_433] : memref<1000000x32xf32, #tpu.memory_space<hbm>> -> memref<1000000x32xf32, #tpu.memory_space<hbm>>
      tpu.enqueue_indirect_dma source(%dma_start3A_434 : memref<1000000x32xf32, #tpu.memory_space<hbm>>) target(%dma_start3A_429 : memref<10x32xf32, #tpu.memory_space<vmem>>) offsets(%dma_start3A_431 : memref<10xi32, #tpu.memory_space<vmem>>) semaphore(%arg10 : memref<!tpu.dma_semaphore, #tpu.memory_space<semaphore_mem>>)
      %dma_start3A_435 = arith.constant 41 : i32
      %dma_start3A_436 = arith.constant 0 : i32
      %dma_start3A_437 = arith.constant 0 : i32
      %dma_start3A_438 = tpu.memref_slice %arg7[%dma_start3A_435, %dma_start3A_436, %dma_start3A_437] : memref<128x10x32xf32, #tpu.memory_space<vmem>> -> memref<1x10x32xf32, #tpu.memory_space<vmem>>
      %dma_start3A_439 = tpu.memref_squeeze %dma_start3A_438 : memref<1x10x32xf32, #tpu.memory_space<vmem>> -> memref<10x32xf32, #tpu.memory_space<vmem>>
      %dma_start3A_440 = arith.constant 5248 : i32
      %dma_start3A_441 = tpu.memref_slice %arg6[%dma_start3A_440] : memref<16384xi32, #tpu.memory_space<vmem>> -> memref<10xi32, #tpu.memory_space<vmem>>
      %dma_start3A_442 = arith.constant 0 : i32
      %dma_start3A_443 = arith.constant 0 : i32
      %dma_start3A_444 = tpu.memref_slice %arg3[%dma_start3A_442, %dma_start3A_443] : memref<1000000x32xf32, #tpu.memory_space<hbm>> -> memref<1000000x32xf32, #tpu.memory_space<hbm>>
      tpu.enqueue_indirect_dma source(%dma_start3A_444 : memref<1000000x32xf32, #tpu.memory_space<hbm>>) target(%dma_start3A_439 : memref<10x32xf32, #tpu.memory_space<vmem>>) offsets(%dma_start3A_441 : memref<10xi32, #tpu.memory_space<vmem>>) semaphore(%arg10 : memref<!tpu.dma_semaphore, #tpu.memory_space<semaphore_mem>>)
      %dma_start3A_445 = arith.constant 42 : i32
      %dma_start3A_446 = arith.constant 0 : i32
      %dma_start3A_447 = arith.constant 0 : i32
      %dma_start3A_448 = tpu.memref_slice %arg7[%dma_start3A_445, %dma_start3A_446, %dma_start3A_447] : memref<128x10x32xf32, #tpu.memory_space<vmem>> -> memref<1x10x32xf32, #tpu.memory_space<vmem>>
      %dma_start3A_449 = tpu.memref_squeeze %dma_start3A_448 : memref<1x10x32xf32, #tpu.memory_space<vmem>> -> memref<10x32xf32, #tpu.memory_space<vmem>>
      %dma_start3A_450 = arith.constant 5376 : i32
      %dma_start3A_451 = tpu.memref_slice %arg6[%dma_start3A_450] : memref<16384xi32, #tpu.memory_space<vmem>> -> memref<10xi32, #tpu.memory_space<vmem>>
      %dma_start3A_452 = arith.constant 0 : i32
      %dma_start3A_453 = arith.constant 0 : i32
      %dma_start3A_454 = tpu.memref_slice %arg3[%dma_start3A_452, %dma_start3A_453] : memref<1000000x32xf32, #tpu.memory_space<hbm>> -> memref<1000000x32xf32, #tpu.memory_space<hbm>>
      tpu.enqueue_indirect_dma source(%dma_start3A_454 : memref<1000000x32xf32, #tpu.memory_space<hbm>>) target(%dma_start3A_449 : memref<10x32xf32, #tpu.memory_space<vmem>>) offsets(%dma_start3A_451 : memref<10xi32, #tpu.memory_space<vmem>>) semaphore(%arg10 : memref<!tpu.dma_semaphore, #tpu.memory_space<semaphore_mem>>)
      %dma_start3A_455 = arith.constant 43 : i32
      %dma_start3A_456 = arith.constant 0 : i32
      %dma_start3A_457 = arith.constant 0 : i32
      %dma_start3A_458 = tpu.memref_slice %arg7[%dma_start3A_455, %dma_start3A_456, %dma_start3A_457] : memref<128x10x32xf32, #tpu.memory_space<vmem>> -> memref<1x10x32xf32, #tpu.memory_space<vmem>>
      %dma_start3A_459 = tpu.memref_squeeze %dma_start3A_458 : memref<1x10x32xf32, #tpu.memory_space<vmem>> -> memref<10x32xf32, #tpu.memory_space<vmem>>
      %dma_start3A_460 = arith.constant 5504 : i32
      %dma_start3A_461 = tpu.memref_slice %arg6[%dma_start3A_460] : memref<16384xi32, #tpu.memory_space<vmem>> -> memref<10xi32, #tpu.memory_space<vmem>>
      %dma_start3A_462 = arith.constant 0 : i32
      %dma_start3A_463 = arith.constant 0 : i32
      %dma_start3A_464 = tpu.memref_slice %arg3[%dma_start3A_462, %dma_start3A_463] : memref<1000000x32xf32, #tpu.memory_space<hbm>> -> memref<1000000x32xf32, #tpu.memory_space<hbm>>
      tpu.enqueue_indirect_dma source(%dma_start3A_464 : memref<1000000x32xf32, #tpu.memory_space<hbm>>) target(%dma_start3A_459 : memref<10x32xf32, #tpu.memory_space<vmem>>) offsets(%dma_start3A_461 : memref<10xi32, #tpu.memory_space<vmem>>) semaphore(%arg10 : memref<!tpu.dma_semaphore, #tpu.memory_space<semaphore_mem>>)
      %dma_start3A_465 = arith.constant 44 : i32
      %dma_start3A_466 = arith.constant 0 : i32
      %dma_start3A_467 = arith.constant 0 : i32
      %dma_start3A_468 = tpu.memref_slice %arg7[%dma_start3A_465, %dma_start3A_466, %dma_start3A_467] : memref<128x10x32xf32, #tpu.memory_space<vmem>> -> memref<1x10x32xf32, #tpu.memory_space<vmem>>
      %dma_start3A_469 = tpu.memref_squeeze %dma_start3A_468 : memref<1x10x32xf32, #tpu.memory_space<vmem>> -> memref<10x32xf32, #tpu.memory_space<vmem>>
      %dma_start3A_470 = arith.constant 5632 : i32
      %dma_start3A_471 = tpu.memref_slice %arg6[%dma_start3A_470] : memref<16384xi32, #tpu.memory_space<vmem>> -> memref<10xi32, #tpu.memory_space<vmem>>
      %dma_start3A_472 = arith.constant 0 : i32
      %dma_start3A_473 = arith.constant 0 : i32
      %dma_start3A_474 = tpu.memref_slice %arg3[%dma_start3A_472, %dma_start3A_473] : memref<1000000x32xf32, #tpu.memory_space<hbm>> -> memref<1000000x32xf32, #tpu.memory_space<hbm>>
      tpu.enqueue_indirect_dma source(%dma_start3A_474 : memref<1000000x32xf32, #tpu.memory_space<hbm>>) target(%dma_start3A_469 : memref<10x32xf32, #tpu.memory_space<vmem>>) offsets(%dma_start3A_471 : memref<10xi32, #tpu.memory_space<vmem>>) semaphore(%arg10 : memref<!tpu.dma_semaphore, #tpu.memory_space<semaphore_mem>>)
      %dma_start3A_475 = arith.constant 45 : i32
      %dma_start3A_476 = arith.constant 0 : i32
      %dma_start3A_477 = arith.constant 0 : i32
      %dma_start3A_478 = tpu.memref_slice %arg7[%dma_start3A_475, %dma_start3A_476, %dma_start3A_477] : memref<128x10x32xf32, #tpu.memory_space<vmem>> -> memref<1x10x32xf32, #tpu.memory_space<vmem>>
      %dma_start3A_479 = tpu.memref_squeeze %dma_start3A_478 : memref<1x10x32xf32, #tpu.memory_space<vmem>> -> memref<10x32xf32, #tpu.memory_space<vmem>>
      %dma_start3A_480 = arith.constant 5760 : i32
      %dma_start3A_481 = tpu.memref_slice %arg6[%dma_start3A_480] : memref<16384xi32, #tpu.memory_space<vmem>> -> memref<10xi32, #tpu.memory_space<vmem>>
      %dma_start3A_482 = arith.constant 0 : i32
      %dma_start3A_483 = arith.constant 0 : i32
      %dma_start3A_484 = tpu.memref_slice %arg3[%dma_start3A_482, %dma_start3A_483] : memref<1000000x32xf32, #tpu.memory_space<hbm>> -> memref<1000000x32xf32, #tpu.memory_space<hbm>>
      tpu.enqueue_indirect_dma source(%dma_start3A_484 : memref<1000000x32xf32, #tpu.memory_space<hbm>>) target(%dma_start3A_479 : memref<10x32xf32, #tpu.memory_space<vmem>>) offsets(%dma_start3A_481 : memref<10xi32, #tpu.memory_space<vmem>>) semaphore(%arg10 : memref<!tpu.dma_semaphore, #tpu.memory_space<semaphore_mem>>)
      %dma_start3A_485 = arith.constant 46 : i32
      %dma_start3A_486 = arith.constant 0 : i32
      %dma_start3A_487 = arith.constant 0 : i32
      %dma_start3A_488 = tpu.memref_slice %arg7[%dma_start3A_485, %dma_start3A_486, %dma_start3A_487] : memref<128x10x32xf32, #tpu.memory_space<vmem>> -> memref<1x10x32xf32, #tpu.memory_space<vmem>>
      %dma_start3A_489 = tpu.memref_squeeze %dma_start3A_488 : memref<1x10x32xf32, #tpu.memory_space<vmem>> -> memref<10x32xf32, #tpu.memory_space<vmem>>
      %dma_start3A_490 = arith.constant 5888 : i32
      %dma_start3A_491 = tpu.memref_slice %arg6[%dma_start3A_490] : memref<16384xi32, #tpu.memory_space<vmem>> -> memref<10xi32, #tpu.memory_space<vmem>>
      %dma_start3A_492 = arith.constant 0 : i32
      %dma_start3A_493 = arith.constant 0 : i32
      %dma_start3A_494 = tpu.memref_slice %arg3[%dma_start3A_492, %dma_start3A_493] : memref<1000000x32xf32, #tpu.memory_space<hbm>> -> memref<1000000x32xf32, #tpu.memory_space<hbm>>
      tpu.enqueue_indirect_dma source(%dma_start3A_494 : memref<1000000x32xf32, #tpu.memory_space<hbm>>) target(%dma_start3A_489 : memref<10x32xf32, #tpu.memory_space<vmem>>) offsets(%dma_start3A_491 : memref<10xi32, #tpu.memory_space<vmem>>) semaphore(%arg10 : memref<!tpu.dma_semaphore, #tpu.memory_space<semaphore_mem>>)
      %dma_start3A_495 = arith.constant 47 : i32
      %dma_start3A_496 = arith.constant 0 : i32
      %dma_start3A_497 = arith.constant 0 : i32
      %dma_start3A_498 = tpu.memref_slice %arg7[%dma_start3A_495, %dma_start3A_496, %dma_start3A_497] : memref<128x10x32xf32, #tpu.memory_space<vmem>> -> memref<1x10x32xf32, #tpu.memory_space<vmem>>
      %dma_start3A_499 = tpu.memref_squeeze %dma_start3A_498 : memref<1x10x32xf32, #tpu.memory_space<vmem>> -> memref<10x32xf32, #tpu.memory_space<vmem>>
      %dma_start3A_500 = arith.constant 6016 : i32
      %dma_start3A_501 = tpu.memref_slice %arg6[%dma_start3A_500] : memref<16384xi32, #tpu.memory_space<vmem>> -> memref<10xi32, #tpu.memory_space<vmem>>
      %dma_start3A_502 = arith.constant 0 : i32
      %dma_start3A_503 = arith.constant 0 : i32
      %dma_start3A_504 = tpu.memref_slice %arg3[%dma_start3A_502, %dma_start3A_503] : memref<1000000x32xf32, #tpu.memory_space<hbm>> -> memref<1000000x32xf32, #tpu.memory_space<hbm>>
      tpu.enqueue_indirect_dma source(%dma_start3A_504 : memref<1000000x32xf32, #tpu.memory_space<hbm>>) target(%dma_start3A_499 : memref<10x32xf32, #tpu.memory_space<vmem>>) offsets(%dma_start3A_501 : memref<10xi32, #tpu.memory_space<vmem>>) semaphore(%arg10 : memref<!tpu.dma_semaphore, #tpu.memory_space<semaphore_mem>>)
      %dma_start3A_505 = arith.constant 48 : i32
      %dma_start3A_506 = arith.constant 0 : i32
      %dma_start3A_507 = arith.constant 0 : i32
      %dma_start3A_508 = tpu.memref_slice %arg7[%dma_start3A_505, %dma_start3A_506, %dma_start3A_507] : memref<128x10x32xf32, #tpu.memory_space<vmem>> -> memref<1x10x32xf32, #tpu.memory_space<vmem>>
      %dma_start3A_509 = tpu.memref_squeeze %dma_start3A_508 : memref<1x10x32xf32, #tpu.memory_space<vmem>> -> memref<10x32xf32, #tpu.memory_space<vmem>>
      %dma_start3A_510 = arith.constant 6144 : i32
      %dma_start3A_511 = tpu.memref_slice %arg6[%dma_start3A_510] : memref<16384xi32, #tpu.memory_space<vmem>> -> memref<10xi32, #tpu.memory_space<vmem>>
      %dma_start3A_512 = arith.constant 0 : i32
      %dma_start3A_513 = arith.constant 0 : i32
      %dma_start3A_514 = tpu.memref_slice %arg3[%dma_start3A_512, %dma_start3A_513] : memref<1000000x32xf32, #tpu.memory_space<hbm>> -> memref<1000000x32xf32, #tpu.memory_space<hbm>>
      tpu.enqueue_indirect_dma source(%dma_start3A_514 : memref<1000000x32xf32, #tpu.memory_space<hbm>>) target(%dma_start3A_509 : memref<10x32xf32, #tpu.memory_space<vmem>>) offsets(%dma_start3A_511 : memref<10xi32, #tpu.memory_space<vmem>>) semaphore(%arg10 : memref<!tpu.dma_semaphore, #tpu.memory_space<semaphore_mem>>)
      %dma_start3A_515 = arith.constant 49 : i32
      %dma_start3A_516 = arith.constant 0 : i32
      %dma_start3A_517 = arith.constant 0 : i32
      %dma_start3A_518 = tpu.memref_slice %arg7[%dma_start3A_515, %dma_start3A_516, %dma_start3A_517] : memref<128x10x32xf32, #tpu.memory_space<vmem>> -> memref<1x10x32xf32, #tpu.memory_space<vmem>>
      %dma_start3A_519 = tpu.memref_squeeze %dma_start3A_518 : memref<1x10x32xf32, #tpu.memory_space<vmem>> -> memref<10x32xf32, #tpu.memory_space<vmem>>
      %dma_start3A_520 = arith.constant 6272 : i32
      %dma_start3A_521 = tpu.memref_slice %arg6[%dma_start3A_520] : memref<16384xi32, #tpu.memory_space<vmem>> -> memref<10xi32, #tpu.memory_space<vmem>>
      %dma_start3A_522 = arith.constant 0 : i32
      %dma_start3A_523 = arith.constant 0 : i32
      %dma_start3A_524 = tpu.memref_slice %arg3[%dma_start3A_522, %dma_start3A_523] : memref<1000000x32xf32, #tpu.memory_space<hbm>> -> memref<1000000x32xf32, #tpu.memory_space<hbm>>
      tpu.enqueue_indirect_dma source(%dma_start3A_524 : memref<1000000x32xf32, #tpu.memory_space<hbm>>) target(%dma_start3A_519 : memref<10x32xf32, #tpu.memory_space<vmem>>) offsets(%dma_start3A_521 : memref<10xi32, #tpu.memory_space<vmem>>) semaphore(%arg10 : memref<!tpu.dma_semaphore, #tpu.memory_space<semaphore_mem>>)
      %dma_start3A_525 = arith.constant 50 : i32
      %dma_start3A_526 = arith.constant 0 : i32
      %dma_start3A_527 = arith.constant 0 : i32
      %dma_start3A_528 = tpu.memref_slice %arg7[%dma_start3A_525, %dma_start3A_526, %dma_start3A_527] : memref<128x10x32xf32, #tpu.memory_space<vmem>> -> memref<1x10x32xf32, #tpu.memory_space<vmem>>
      %dma_start3A_529 = tpu.memref_squeeze %dma_start3A_528 : memref<1x10x32xf32, #tpu.memory_space<vmem>> -> memref<10x32xf32, #tpu.memory_space<vmem>>
      %dma_start3A_530 = arith.constant 6400 : i32
      %dma_start3A_531 = tpu.memref_slice %arg6[%dma_start3A_530] : memref<16384xi32, #tpu.memory_space<vmem>> -> memref<10xi32, #tpu.memory_space<vmem>>
      %dma_start3A_532 = arith.constant 0 : i32
      %dma_start3A_533 = arith.constant 0 : i32
      %dma_start3A_534 = tpu.memref_slice %arg3[%dma_start3A_532, %dma_start3A_533] : memref<1000000x32xf32, #tpu.memory_space<hbm>> -> memref<1000000x32xf32, #tpu.memory_space<hbm>>
      tpu.enqueue_indirect_dma source(%dma_start3A_534 : memref<1000000x32xf32, #tpu.memory_space<hbm>>) target(%dma_start3A_529 : memref<10x32xf32, #tpu.memory_space<vmem>>) offsets(%dma_start3A_531 : memref<10xi32, #tpu.memory_space<vmem>>) semaphore(%arg10 : memref<!tpu.dma_semaphore, #tpu.memory_space<semaphore_mem>>)
      %dma_start3A_535 = arith.constant 51 : i32
      %dma_start3A_536 = arith.constant 0 : i32
      %dma_start3A_537 = arith.constant 0 : i32
      %dma_start3A_538 = tpu.memref_slice %arg7[%dma_start3A_535, %dma_start3A_536, %dma_start3A_537] : memref<128x10x32xf32, #tpu.memory_space<vmem>> -> memref<1x10x32xf32, #tpu.memory_space<vmem>>
      %dma_start3A_539 = tpu.memref_squeeze %dma_start3A_538 : memref<1x10x32xf32, #tpu.memory_space<vmem>> -> memref<10x32xf32, #tpu.memory_space<vmem>>
      %dma_start3A_540 = arith.constant 6528 : i32
      %dma_start3A_541 = tpu.memref_slice %arg6[%dma_start3A_540] : memref<16384xi32, #tpu.memory_space<vmem>> -> memref<10xi32, #tpu.memory_space<vmem>>
      %dma_start3A_542 = arith.constant 0 : i32
      %dma_start3A_543 = arith.constant 0 : i32
      %dma_start3A_544 = tpu.memref_slice %arg3[%dma_start3A_542, %dma_start3A_543] : memref<1000000x32xf32, #tpu.memory_space<hbm>> -> memref<1000000x32xf32, #tpu.memory_space<hbm>>
      tpu.enqueue_indirect_dma source(%dma_start3A_544 : memref<1000000x32xf32, #tpu.memory_space<hbm>>) target(%dma_start3A_539 : memref<10x32xf32, #tpu.memory_space<vmem>>) offsets(%dma_start3A_541 : memref<10xi32, #tpu.memory_space<vmem>>) semaphore(%arg10 : memref<!tpu.dma_semaphore, #tpu.memory_space<semaphore_mem>>)
      %dma_start3A_545 = arith.constant 52 : i32
      %dma_start3A_546 = arith.constant 0 : i32
      %dma_start3A_547 = arith.constant 0 : i32
      %dma_start3A_548 = tpu.memref_slice %arg7[%dma_start3A_545, %dma_start3A_546, %dma_start3A_547] : memref<128x10x32xf32, #tpu.memory_space<vmem>> -> memref<1x10x32xf32, #tpu.memory_space<vmem>>
      %dma_start3A_549 = tpu.memref_squeeze %dma_start3A_548 : memref<1x10x32xf32, #tpu.memory_space<vmem>> -> memref<10x32xf32, #tpu.memory_space<vmem>>
      %dma_start3A_550 = arith.constant 6656 : i32
      %dma_start3A_551 = tpu.memref_slice %arg6[%dma_start3A_550] : memref<16384xi32, #tpu.memory_space<vmem>> -> memref<10xi32, #tpu.memory_space<vmem>>
      %dma_start3A_552 = arith.constant 0 : i32
      %dma_start3A_553 = arith.constant 0 : i32
      %dma_start3A_554 = tpu.memref_slice %arg3[%dma_start3A_552, %dma_start3A_553] : memref<1000000x32xf32, #tpu.memory_space<hbm>> -> memref<1000000x32xf32, #tpu.memory_space<hbm>>
      tpu.enqueue_indirect_dma source(%dma_start3A_554 : memref<1000000x32xf32, #tpu.memory_space<hbm>>) target(%dma_start3A_549 : memref<10x32xf32, #tpu.memory_space<vmem>>) offsets(%dma_start3A_551 : memref<10xi32, #tpu.memory_space<vmem>>) semaphore(%arg10 : memref<!tpu.dma_semaphore, #tpu.memory_space<semaphore_mem>>)
      %dma_start3A_555 = arith.constant 53 : i32
      %dma_start3A_556 = arith.constant 0 : i32
      %dma_start3A_557 = arith.constant 0 : i32
      %dma_start3A_558 = tpu.memref_slice %arg7[%dma_start3A_555, %dma_start3A_556, %dma_start3A_557] : memref<128x10x32xf32, #tpu.memory_space<vmem>> -> memref<1x10x32xf32, #tpu.memory_space<vmem>>
      %dma_start3A_559 = tpu.memref_squeeze %dma_start3A_558 : memref<1x10x32xf32, #tpu.memory_space<vmem>> -> memref<10x32xf32, #tpu.memory_space<vmem>>
      %dma_start3A_560 = arith.constant 6784 : i32
      %dma_start3A_561 = tpu.memref_slice %arg6[%dma_start3A_560] : memref<16384xi32, #tpu.memory_space<vmem>> -> memref<10xi32, #tpu.memory_space<vmem>>
      %dma_start3A_562 = arith.constant 0 : i32
      %dma_start3A_563 = arith.constant 0 : i32
      %dma_start3A_564 = tpu.memref_slice %arg3[%dma_start3A_562, %dma_start3A_563] : memref<1000000x32xf32, #tpu.memory_space<hbm>> -> memref<1000000x32xf32, #tpu.memory_space<hbm>>
      tpu.enqueue_indirect_dma source(%dma_start3A_564 : memref<1000000x32xf32, #tpu.memory_space<hbm>>) target(%dma_start3A_559 : memref<10x32xf32, #tpu.memory_space<vmem>>) offsets(%dma_start3A_561 : memref<10xi32, #tpu.memory_space<vmem>>) semaphore(%arg10 : memref<!tpu.dma_semaphore, #tpu.memory_space<semaphore_mem>>)
      %dma_start3A_565 = arith.constant 54 : i32
      %dma_start3A_566 = arith.constant 0 : i32
      %dma_start3A_567 = arith.constant 0 : i32
      %dma_start3A_568 = tpu.memref_slice %arg7[%dma_start3A_565, %dma_start3A_566, %dma_start3A_567] : memref<128x10x32xf32, #tpu.memory_space<vmem>> -> memref<1x10x32xf32, #tpu.memory_space<vmem>>
      %dma_start3A_569 = tpu.memref_squeeze %dma_start3A_568 : memref<1x10x32xf32, #tpu.memory_space<vmem>> -> memref<10x32xf32, #tpu.memory_space<vmem>>
      %dma_start3A_570 = arith.constant 6912 : i32
      %dma_start3A_571 = tpu.memref_slice %arg6[%dma_start3A_570] : memref<16384xi32, #tpu.memory_space<vmem>> -> memref<10xi32, #tpu.memory_space<vmem>>
      %dma_start3A_572 = arith.constant 0 : i32
      %dma_start3A_573 = arith.constant 0 : i32
      %dma_start3A_574 = tpu.memref_slice %arg3[%dma_start3A_572, %dma_start3A_573] : memref<1000000x32xf32, #tpu.memory_space<hbm>> -> memref<1000000x32xf32, #tpu.memory_space<hbm>>
      tpu.enqueue_indirect_dma source(%dma_start3A_574 : memref<1000000x32xf32, #tpu.memory_space<hbm>>) target(%dma_start3A_569 : memref<10x32xf32, #tpu.memory_space<vmem>>) offsets(%dma_start3A_571 : memref<10xi32, #tpu.memory_space<vmem>>) semaphore(%arg10 : memref<!tpu.dma_semaphore, #tpu.memory_space<semaphore_mem>>)
      %dma_start3A_575 = arith.constant 55 : i32
      %dma_start3A_576 = arith.constant 0 : i32
      %dma_start3A_577 = arith.constant 0 : i32
      %dma_start3A_578 = tpu.memref_slice %arg7[%dma_start3A_575, %dma_start3A_576, %dma_start3A_577] : memref<128x10x32xf32, #tpu.memory_space<vmem>> -> memref<1x10x32xf32, #tpu.memory_space<vmem>>
      %dma_start3A_579 = tpu.memref_squeeze %dma_start3A_578 : memref<1x10x32xf32, #tpu.memory_space<vmem>> -> memref<10x32xf32, #tpu.memory_space<vmem>>
      %dma_start3A_580 = arith.constant 7040 : i32
      %dma_start3A_581 = tpu.memref_slice %arg6[%dma_start3A_580] : memref<16384xi32, #tpu.memory_space<vmem>> -> memref<10xi32, #tpu.memory_space<vmem>>
      %dma_start3A_582 = arith.constant 0 : i32
      %dma_start3A_583 = arith.constant 0 : i32
      %dma_start3A_584 = tpu.memref_slice %arg3[%dma_start3A_582, %dma_start3A_583] : memref<1000000x32xf32, #tpu.memory_space<hbm>> -> memref<1000000x32xf32, #tpu.memory_space<hbm>>
      tpu.enqueue_indirect_dma source(%dma_start3A_584 : memref<1000000x32xf32, #tpu.memory_space<hbm>>) target(%dma_start3A_579 : memref<10x32xf32, #tpu.memory_space<vmem>>) offsets(%dma_start3A_581 : memref<10xi32, #tpu.memory_space<vmem>>) semaphore(%arg10 : memref<!tpu.dma_semaphore, #tpu.memory_space<semaphore_mem>>)
      %dma_start3A_585 = arith.constant 56 : i32
      %dma_start3A_586 = arith.constant 0 : i32
      %dma_start3A_587 = arith.constant 0 : i32
      %dma_start3A_588 = tpu.memref_slice %arg7[%dma_start3A_585, %dma_start3A_586, %dma_start3A_587] : memref<128x10x32xf32, #tpu.memory_space<vmem>> -> memref<1x10x32xf32, #tpu.memory_space<vmem>>
      %dma_start3A_589 = tpu.memref_squeeze %dma_start3A_588 : memref<1x10x32xf32, #tpu.memory_space<vmem>> -> memref<10x32xf32, #tpu.memory_space<vmem>>
      %dma_start3A_590 = arith.constant 7168 : i32
      %dma_start3A_591 = tpu.memref_slice %arg6[%dma_start3A_590] : memref<16384xi32, #tpu.memory_space<vmem>> -> memref<10xi32, #tpu.memory_space<vmem>>
      %dma_start3A_592 = arith.constant 0 : i32
      %dma_start3A_593 = arith.constant 0 : i32
      %dma_start3A_594 = tpu.memref_slice %arg3[%dma_start3A_592, %dma_start3A_593] : memref<1000000x32xf32, #tpu.memory_space<hbm>> -> memref<1000000x32xf32, #tpu.memory_space<hbm>>
      tpu.enqueue_indirect_dma source(%dma_start3A_594 : memref<1000000x32xf32, #tpu.memory_space<hbm>>) target(%dma_start3A_589 : memref<10x32xf32, #tpu.memory_space<vmem>>) offsets(%dma_start3A_591 : memref<10xi32, #tpu.memory_space<vmem>>) semaphore(%arg10 : memref<!tpu.dma_semaphore, #tpu.memory_space<semaphore_mem>>)
      %dma_start3A_595 = arith.constant 57 : i32
      %dma_start3A_596 = arith.constant 0 : i32
      %dma_start3A_597 = arith.constant 0 : i32
      %dma_start3A_598 = tpu.memref_slice %arg7[%dma_start3A_595, %dma_start3A_596, %dma_start3A_597] : memref<128x10x32xf32, #tpu.memory_space<vmem>> -> memref<1x10x32xf32, #tpu.memory_space<vmem>>
      %dma_start3A_599 = tpu.memref_squeeze %dma_start3A_598 : memref<1x10x32xf32, #tpu.memory_space<vmem>> -> memref<10x32xf32, #tpu.memory_space<vmem>>
      %dma_start3A_600 = arith.constant 7296 : i32
      %dma_start3A_601 = tpu.memref_slice %arg6[%dma_start3A_600] : memref<16384xi32, #tpu.memory_space<vmem>> -> memref<10xi32, #tpu.memory_space<vmem>>
      %dma_start3A_602 = arith.constant 0 : i32
      %dma_start3A_603 = arith.constant 0 : i32
      %dma_start3A_604 = tpu.memref_slice %arg3[%dma_start3A_602, %dma_start3A_603] : memref<1000000x32xf32, #tpu.memory_space<hbm>> -> memref<1000000x32xf32, #tpu.memory_space<hbm>>
      tpu.enqueue_indirect_dma source(%dma_start3A_604 : memref<1000000x32xf32, #tpu.memory_space<hbm>>) target(%dma_start3A_599 : memref<10x32xf32, #tpu.memory_space<vmem>>) offsets(%dma_start3A_601 : memref<10xi32, #tpu.memory_space<vmem>>) semaphore(%arg10 : memref<!tpu.dma_semaphore, #tpu.memory_space<semaphore_mem>>)
      %dma_start3A_605 = arith.constant 58 : i32
      %dma_start3A_606 = arith.constant 0 : i32
      %dma_start3A_607 = arith.constant 0 : i32
      %dma_start3A_608 = tpu.memref_slice %arg7[%dma_start3A_605, %dma_start3A_606, %dma_start3A_607] : memref<128x10x32xf32, #tpu.memory_space<vmem>> -> memref<1x10x32xf32, #tpu.memory_space<vmem>>
      %dma_start3A_609 = tpu.memref_squeeze %dma_start3A_608 : memref<1x10x32xf32, #tpu.memory_space<vmem>> -> memref<10x32xf32, #tpu.memory_space<vmem>>
      %dma_start3A_610 = arith.constant 7424 : i32
      %dma_start3A_611 = tpu.memref_slice %arg6[%dma_start3A_610] : memref<16384xi32, #tpu.memory_space<vmem>> -> memref<10xi32, #tpu.memory_space<vmem>>
      %dma_start3A_612 = arith.constant 0 : i32
      %dma_start3A_613 = arith.constant 0 : i32
      %dma_start3A_614 = tpu.memref_slice %arg3[%dma_start3A_612, %dma_start3A_613] : memref<1000000x32xf32, #tpu.memory_space<hbm>> -> memref<1000000x32xf32, #tpu.memory_space<hbm>>
      tpu.enqueue_indirect_dma source(%dma_start3A_614 : memref<1000000x32xf32, #tpu.memory_space<hbm>>) target(%dma_start3A_609 : memref<10x32xf32, #tpu.memory_space<vmem>>) offsets(%dma_start3A_611 : memref<10xi32, #tpu.memory_space<vmem>>) semaphore(%arg10 : memref<!tpu.dma_semaphore, #tpu.memory_space<semaphore_mem>>)
      %dma_start3A_615 = arith.constant 59 : i32
      %dma_start3A_616 = arith.constant 0 : i32
      %dma_start3A_617 = arith.constant 0 : i32
      %dma_start3A_618 = tpu.memref_slice %arg7[%dma_start3A_615, %dma_start3A_616, %dma_start3A_617] : memref<128x10x32xf32, #tpu.memory_space<vmem>> -> memref<1x10x32xf32, #tpu.memory_space<vmem>>
      %dma_start3A_619 = tpu.memref_squeeze %dma_start3A_618 : memref<1x10x32xf32, #tpu.memory_space<vmem>> -> memref<10x32xf32, #tpu.memory_space<vmem>>
      %dma_start3A_620 = arith.constant 7552 : i32
      %dma_start3A_621 = tpu.memref_slice %arg6[%dma_start3A_620] : memref<16384xi32, #tpu.memory_space<vmem>> -> memref<10xi32, #tpu.memory_space<vmem>>
      %dma_start3A_622 = arith.constant 0 : i32
      %dma_start3A_623 = arith.constant 0 : i32
      %dma_start3A_624 = tpu.memref_slice %arg3[%dma_start3A_622, %dma_start3A_623] : memref<1000000x32xf32, #tpu.memory_space<hbm>> -> memref<1000000x32xf32, #tpu.memory_space<hbm>>
      tpu.enqueue_indirect_dma source(%dma_start3A_624 : memref<1000000x32xf32, #tpu.memory_space<hbm>>) target(%dma_start3A_619 : memref<10x32xf32, #tpu.memory_space<vmem>>) offsets(%dma_start3A_621 : memref<10xi32, #tpu.memory_space<vmem>>) semaphore(%arg10 : memref<!tpu.dma_semaphore, #tpu.memory_space<semaphore_mem>>)
      %dma_start3A_625 = arith.constant 60 : i32
      %dma_start3A_626 = arith.constant 0 : i32
      %dma_start3A_627 = arith.constant 0 : i32
      %dma_start3A_628 = tpu.memref_slice %arg7[%dma_start3A_625, %dma_start3A_626, %dma_start3A_627] : memref<128x10x32xf32, #tpu.memory_space<vmem>> -> memref<1x10x32xf32, #tpu.memory_space<vmem>>
      %dma_start3A_629 = tpu.memref_squeeze %dma_start3A_628 : memref<1x10x32xf32, #tpu.memory_space<vmem>> -> memref<10x32xf32, #tpu.memory_space<vmem>>
      %dma_start3A_630 = arith.constant 7680 : i32
      %dma_start3A_631 = tpu.memref_slice %arg6[%dma_start3A_630] : memref<16384xi32, #tpu.memory_space<vmem>> -> memref<10xi32, #tpu.memory_space<vmem>>
      %dma_start3A_632 = arith.constant 0 : i32
      %dma_start3A_633 = arith.constant 0 : i32
      %dma_start3A_634 = tpu.memref_slice %arg3[%dma_start3A_632, %dma_start3A_633] : memref<1000000x32xf32, #tpu.memory_space<hbm>> -> memref<1000000x32xf32, #tpu.memory_space<hbm>>
      tpu.enqueue_indirect_dma source(%dma_start3A_634 : memref<1000000x32xf32, #tpu.memory_space<hbm>>) target(%dma_start3A_629 : memref<10x32xf32, #tpu.memory_space<vmem>>) offsets(%dma_start3A_631 : memref<10xi32, #tpu.memory_space<vmem>>) semaphore(%arg10 : memref<!tpu.dma_semaphore, #tpu.memory_space<semaphore_mem>>)
      %dma_start3A_635 = arith.constant 61 : i32
      %dma_start3A_636 = arith.constant 0 : i32
      %dma_start3A_637 = arith.constant 0 : i32
      %dma_start3A_638 = tpu.memref_slice %arg7[%dma_start3A_635, %dma_start3A_636, %dma_start3A_637] : memref<128x10x32xf32, #tpu.memory_space<vmem>> -> memref<1x10x32xf32, #tpu.memory_space<vmem>>
      %dma_start3A_639 = tpu.memref_squeeze %dma_start3A_638 : memref<1x10x32xf32, #tpu.memory_space<vmem>> -> memref<10x32xf32, #tpu.memory_space<vmem>>
      %dma_start3A_640 = arith.constant 7808 : i32
      %dma_start3A_641 = tpu.memref_slice %arg6[%dma_start3A_640] : memref<16384xi32, #tpu.memory_space<vmem>> -> memref<10xi32, #tpu.memory_space<vmem>>
      %dma_start3A_642 = arith.constant 0 : i32
      %dma_start3A_643 = arith.constant 0 : i32
      %dma_start3A_644 = tpu.memref_slice %arg3[%dma_start3A_642, %dma_start3A_643] : memref<1000000x32xf32, #tpu.memory_space<hbm>> -> memref<1000000x32xf32, #tpu.memory_space<hbm>>
      tpu.enqueue_indirect_dma source(%dma_start3A_644 : memref<1000000x32xf32, #tpu.memory_space<hbm>>) target(%dma_start3A_639 : memref<10x32xf32, #tpu.memory_space<vmem>>) offsets(%dma_start3A_641 : memref<10xi32, #tpu.memory_space<vmem>>) semaphore(%arg10 : memref<!tpu.dma_semaphore, #tpu.memory_space<semaphore_mem>>)
      %dma_start3A_645 = arith.constant 62 : i32
      %dma_start3A_646 = arith.constant 0 : i32
      %dma_start3A_647 = arith.constant 0 : i32
      %dma_start3A_648 = tpu.memref_slice %arg7[%dma_start3A_645, %dma_start3A_646, %dma_start3A_647] : memref<128x10x32xf32, #tpu.memory_space<vmem>> -> memref<1x10x32xf32, #tpu.memory_space<vmem>>
      %dma_start3A_649 = tpu.memref_squeeze %dma_start3A_648 : memref<1x10x32xf32, #tpu.memory_space<vmem>> -> memref<10x32xf32, #tpu.memory_space<vmem>>
      %dma_start3A_650 = arith.constant 7936 : i32
      %dma_start3A_651 = tpu.memref_slice %arg6[%dma_start3A_650] : memref<16384xi32, #tpu.memory_space<vmem>> -> memref<10xi32, #tpu.memory_space<vmem>>
      %dma_start3A_652 = arith.constant 0 : i32
      %dma_start3A_653 = arith.constant 0 : i32
      %dma_start3A_654 = tpu.memref_slice %arg3[%dma_start3A_652, %dma_start3A_653] : memref<1000000x32xf32, #tpu.memory_space<hbm>> -> memref<1000000x32xf32, #tpu.memory_space<hbm>>
      tpu.enqueue_indirect_dma source(%dma_start3A_654 : memref<1000000x32xf32, #tpu.memory_space<hbm>>) target(%dma_start3A_649 : memref<10x32xf32, #tpu.memory_space<vmem>>) offsets(%dma_start3A_651 : memref<10xi32, #tpu.memory_space<vmem>>) semaphore(%arg10 : memref<!tpu.dma_semaphore, #tpu.memory_space<semaphore_mem>>)
      %dma_start3A_655 = arith.constant 63 : i32
      %dma_start3A_656 = arith.constant 0 : i32
      %dma_start3A_657 = arith.constant 0 : i32
      %dma_start3A_658 = tpu.memref_slice %arg7[%dma_start3A_655, %dma_start3A_656, %dma_start3A_657] : memref<128x10x32xf32, #tpu.memory_space<vmem>> -> memref<1x10x32xf32, #tpu.memory_space<vmem>>
      %dma_start3A_659 = tpu.memref_squeeze %dma_start3A_658 : memref<1x10x32xf32, #tpu.memory_space<vmem>> -> memref<10x32xf32, #tpu.memory_space<vmem>>
      %dma_start3A_660 = arith.constant 8064 : i32
      %dma_start3A_661 = tpu.memref_slice %arg6[%dma_start3A_660] : memref<16384xi32, #tpu.memory_space<vmem>> -> memref<10xi32, #tpu.memory_space<vmem>>
      %dma_start3A_662 = arith.constant 0 : i32
      %dma_start3A_663 = arith.constant 0 : i32
      %dma_start3A_664 = tpu.memref_slice %arg3[%dma_start3A_662, %dma_start3A_663] : memref<1000000x32xf32, #tpu.memory_space<hbm>> -> memref<1000000x32xf32, #tpu.memory_space<hbm>>
      tpu.enqueue_indirect_dma source(%dma_start3A_664 : memref<1000000x32xf32, #tpu.memory_space<hbm>>) target(%dma_start3A_659 : memref<10x32xf32, #tpu.memory_space<vmem>>) offsets(%dma_start3A_661 : memref<10xi32, #tpu.memory_space<vmem>>) semaphore(%arg10 : memref<!tpu.dma_semaphore, #tpu.memory_space<semaphore_mem>>)
      %dma_start3A_665 = arith.constant 64 : i32
      %dma_start3A_666 = arith.constant 0 : i32
      %dma_start3A_667 = arith.constant 0 : i32
      %dma_start3A_668 = tpu.memref_slice %arg7[%dma_start3A_665, %dma_start3A_666, %dma_start3A_667] : memref<128x10x32xf32, #tpu.memory_space<vmem>> -> memref<1x10x32xf32, #tpu.memory_space<vmem>>
      %dma_start3A_669 = tpu.memref_squeeze %dma_start3A_668 : memref<1x10x32xf32, #tpu.memory_space<vmem>> -> memref<10x32xf32, #tpu.memory_space<vmem>>
      %dma_start3A_670 = arith.constant 8192 : i32
      %dma_start3A_671 = tpu.memref_slice %arg6[%dma_start3A_670] : memref<16384xi32, #tpu.memory_space<vmem>> -> memref<10xi32, #tpu.memory_space<vmem>>
      %dma_start3A_672 = arith.constant 0 : i32
      %dma_start3A_673 = arith.constant 0 : i32
      %dma_start3A_674 = tpu.memref_slice %arg3[%dma_start3A_672, %dma_start3A_673] : memref<1000000x32xf32, #tpu.memory_space<hbm>> -> memref<1000000x32xf32, #tpu.memory_space<hbm>>
      tpu.enqueue_indirect_dma source(%dma_start3A_674 : memref<1000000x32xf32, #tpu.memory_space<hbm>>) target(%dma_start3A_669 : memref<10x32xf32, #tpu.memory_space<vmem>>) offsets(%dma_start3A_671 : memref<10xi32, #tpu.memory_space<vmem>>) semaphore(%arg10 : memref<!tpu.dma_semaphore, #tpu.memory_space<semaphore_mem>>)
      %dma_start3A_675 = arith.constant 65 : i32
      %dma_start3A_676 = arith.constant 0 : i32
      %dma_start3A_677 = arith.constant 0 : i32
      %dma_start3A_678 = tpu.memref_slice %arg7[%dma_start3A_675, %dma_start3A_676, %dma_start3A_677] : memref<128x10x32xf32, #tpu.memory_space<vmem>> -> memref<1x10x32xf32, #tpu.memory_space<vmem>>
      %dma_start3A_679 = tpu.memref_squeeze %dma_start3A_678 : memref<1x10x32xf32, #tpu.memory_space<vmem>> -> memref<10x32xf32, #tpu.memory_space<vmem>>
      %dma_start3A_680 = arith.constant 8320 : i32
      %dma_start3A_681 = tpu.memref_slice %arg6[%dma_start3A_680] : memref<16384xi32, #tpu.memory_space<vmem>> -> memref<10xi32, #tpu.memory_space<vmem>>
      %dma_start3A_682 = arith.constant 0 : i32
      %dma_start3A_683 = arith.constant 0 : i32
      %dma_start3A_684 = tpu.memref_slice %arg3[%dma_start3A_682, %dma_start3A_683] : memref<1000000x32xf32, #tpu.memory_space<hbm>> -> memref<1000000x32xf32, #tpu.memory_space<hbm>>
      tpu.enqueue_indirect_dma source(%dma_start3A_684 : memref<1000000x32xf32, #tpu.memory_space<hbm>>) target(%dma_start3A_679 : memref<10x32xf32, #tpu.memory_space<vmem>>) offsets(%dma_start3A_681 : memref<10xi32, #tpu.memory_space<vmem>>) semaphore(%arg10 : memref<!tpu.dma_semaphore, #tpu.memory_space<semaphore_mem>>)
      %dma_start3A_685 = arith.constant 66 : i32
      %dma_start3A_686 = arith.constant 0 : i32
      %dma_start3A_687 = arith.constant 0 : i32
      %dma_start3A_688 = tpu.memref_slice %arg7[%dma_start3A_685, %dma_start3A_686, %dma_start3A_687] : memref<128x10x32xf32, #tpu.memory_space<vmem>> -> memref<1x10x32xf32, #tpu.memory_space<vmem>>
      %dma_start3A_689 = tpu.memref_squeeze %dma_start3A_688 : memref<1x10x32xf32, #tpu.memory_space<vmem>> -> memref<10x32xf32, #tpu.memory_space<vmem>>
      %dma_start3A_690 = arith.constant 8448 : i32
      %dma_start3A_691 = tpu.memref_slice %arg6[%dma_start3A_690] : memref<16384xi32, #tpu.memory_space<vmem>> -> memref<10xi32, #tpu.memory_space<vmem>>
      %dma_start3A_692 = arith.constant 0 : i32
      %dma_start3A_693 = arith.constant 0 : i32
      %dma_start3A_694 = tpu.memref_slice %arg3[%dma_start3A_692, %dma_start3A_693] : memref<1000000x32xf32, #tpu.memory_space<hbm>> -> memref<1000000x32xf32, #tpu.memory_space<hbm>>
      tpu.enqueue_indirect_dma source(%dma_start3A_694 : memref<1000000x32xf32, #tpu.memory_space<hbm>>) target(%dma_start3A_689 : memref<10x32xf32, #tpu.memory_space<vmem>>) offsets(%dma_start3A_691 : memref<10xi32, #tpu.memory_space<vmem>>) semaphore(%arg10 : memref<!tpu.dma_semaphore, #tpu.memory_space<semaphore_mem>>)
      %dma_start3A_695 = arith.constant 67 : i32
      %dma_start3A_696 = arith.constant 0 : i32
      %dma_start3A_697 = arith.constant 0 : i32
      %dma_start3A_698 = tpu.memref_slice %arg7[%dma_start3A_695, %dma_start3A_696, %dma_start3A_697] : memref<128x10x32xf32, #tpu.memory_space<vmem>> -> memref<1x10x32xf32, #tpu.memory_space<vmem>>
      %dma_start3A_699 = tpu.memref_squeeze %dma_start3A_698 : memref<1x10x32xf32, #tpu.memory_space<vmem>> -> memref<10x32xf32, #tpu.memory_space<vmem>>
      %dma_start3A_700 = arith.constant 8576 : i32
      %dma_start3A_701 = tpu.memref_slice %arg6[%dma_start3A_700] : memref<16384xi32, #tpu.memory_space<vmem>> -> memref<10xi32, #tpu.memory_space<vmem>>
      %dma_start3A_702 = arith.constant 0 : i32
      %dma_start3A_703 = arith.constant 0 : i32
      %dma_start3A_704 = tpu.memref_slice %arg3[%dma_start3A_702, %dma_start3A_703] : memref<1000000x32xf32, #tpu.memory_space<hbm>> -> memref<1000000x32xf32, #tpu.memory_space<hbm>>
      tpu.enqueue_indirect_dma source(%dma_start3A_704 : memref<1000000x32xf32, #tpu.memory_space<hbm>>) target(%dma_start3A_699 : memref<10x32xf32, #tpu.memory_space<vmem>>) offsets(%dma_start3A_701 : memref<10xi32, #tpu.memory_space<vmem>>) semaphore(%arg10 : memref<!tpu.dma_semaphore, #tpu.memory_space<semaphore_mem>>)
      %dma_start3A_705 = arith.constant 68 : i32
      %dma_start3A_706 = arith.constant 0 : i32
      %dma_start3A_707 = arith.constant 0 : i32
      %dma_start3A_708 = tpu.memref_slice %arg7[%dma_start3A_705, %dma_start3A_706, %dma_start3A_707] : memref<128x10x32xf32, #tpu.memory_space<vmem>> -> memref<1x10x32xf32, #tpu.memory_space<vmem>>
      %dma_start3A_709 = tpu.memref_squeeze %dma_start3A_708 : memref<1x10x32xf32, #tpu.memory_space<vmem>> -> memref<10x32xf32, #tpu.memory_space<vmem>>
      %dma_start3A_710 = arith.constant 8704 : i32
      %dma_start3A_711 = tpu.memref_slice %arg6[%dma_start3A_710] : memref<16384xi32, #tpu.memory_space<vmem>> -> memref<10xi32, #tpu.memory_space<vmem>>
      %dma_start3A_712 = arith.constant 0 : i32
      %dma_start3A_713 = arith.constant 0 : i32
      %dma_start3A_714 = tpu.memref_slice %arg3[%dma_start3A_712, %dma_start3A_713] : memref<1000000x32xf32, #tpu.memory_space<hbm>> -> memref<1000000x32xf32, #tpu.memory_space<hbm>>
      tpu.enqueue_indirect_dma source(%dma_start3A_714 : memref<1000000x32xf32, #tpu.memory_space<hbm>>) target(%dma_start3A_709 : memref<10x32xf32, #tpu.memory_space<vmem>>) offsets(%dma_start3A_711 : memref<10xi32, #tpu.memory_space<vmem>>) semaphore(%arg10 : memref<!tpu.dma_semaphore, #tpu.memory_space<semaphore_mem>>)
      %dma_start3A_715 = arith.constant 69 : i32
      %dma_start3A_716 = arith.constant 0 : i32
      %dma_start3A_717 = arith.constant 0 : i32
      %dma_start3A_718 = tpu.memref_slice %arg7[%dma_start3A_715, %dma_start3A_716, %dma_start3A_717] : memref<128x10x32xf32, #tpu.memory_space<vmem>> -> memref<1x10x32xf32, #tpu.memory_space<vmem>>
      %dma_start3A_719 = tpu.memref_squeeze %dma_start3A_718 : memref<1x10x32xf32, #tpu.memory_space<vmem>> -> memref<10x32xf32, #tpu.memory_space<vmem>>
      %dma_start3A_720 = arith.constant 8832 : i32
      %dma_start3A_721 = tpu.memref_slice %arg6[%dma_start3A_720] : memref<16384xi32, #tpu.memory_space<vmem>> -> memref<10xi32, #tpu.memory_space<vmem>>
      %dma_start3A_722 = arith.constant 0 : i32
      %dma_start3A_723 = arith.constant 0 : i32
      %dma_start3A_724 = tpu.memref_slice %arg3[%dma_start3A_722, %dma_start3A_723] : memref<1000000x32xf32, #tpu.memory_space<hbm>> -> memref<1000000x32xf32, #tpu.memory_space<hbm>>
      tpu.enqueue_indirect_dma source(%dma_start3A_724 : memref<1000000x32xf32, #tpu.memory_space<hbm>>) target(%dma_start3A_719 : memref<10x32xf32, #tpu.memory_space<vmem>>) offsets(%dma_start3A_721 : memref<10xi32, #tpu.memory_space<vmem>>) semaphore(%arg10 : memref<!tpu.dma_semaphore, #tpu.memory_space<semaphore_mem>>)
      %dma_start3A_725 = arith.constant 70 : i32
      %dma_start3A_726 = arith.constant 0 : i32
      %dma_start3A_727 = arith.constant 0 : i32
      %dma_start3A_728 = tpu.memref_slice %arg7[%dma_start3A_725, %dma_start3A_726, %dma_start3A_727] : memref<128x10x32xf32, #tpu.memory_space<vmem>> -> memref<1x10x32xf32, #tpu.memory_space<vmem>>
      %dma_start3A_729 = tpu.memref_squeeze %dma_start3A_728 : memref<1x10x32xf32, #tpu.memory_space<vmem>> -> memref<10x32xf32, #tpu.memory_space<vmem>>
      %dma_start3A_730 = arith.constant 8960 : i32
      %dma_start3A_731 = tpu.memref_slice %arg6[%dma_start3A_730] : memref<16384xi32, #tpu.memory_space<vmem>> -> memref<10xi32, #tpu.memory_space<vmem>>
      %dma_start3A_732 = arith.constant 0 : i32
      %dma_start3A_733 = arith.constant 0 : i32
      %dma_start3A_734 = tpu.memref_slice %arg3[%dma_start3A_732, %dma_start3A_733] : memref<1000000x32xf32, #tpu.memory_space<hbm>> -> memref<1000000x32xf32, #tpu.memory_space<hbm>>
      tpu.enqueue_indirect_dma source(%dma_start3A_734 : memref<1000000x32xf32, #tpu.memory_space<hbm>>) target(%dma_start3A_729 : memref<10x32xf32, #tpu.memory_space<vmem>>) offsets(%dma_start3A_731 : memref<10xi32, #tpu.memory_space<vmem>>) semaphore(%arg10 : memref<!tpu.dma_semaphore, #tpu.memory_space<semaphore_mem>>)
      %dma_start3A_735 = arith.constant 71 : i32
      %dma_start3A_736 = arith.constant 0 : i32
      %dma_start3A_737 = arith.constant 0 : i32
      %dma_start3A_738 = tpu.memref_slice %arg7[%dma_start3A_735, %dma_start3A_736, %dma_start3A_737] : memref<128x10x32xf32, #tpu.memory_space<vmem>> -> memref<1x10x32xf32, #tpu.memory_space<vmem>>
      %dma_start3A_739 = tpu.memref_squeeze %dma_start3A_738 : memref<1x10x32xf32, #tpu.memory_space<vmem>> -> memref<10x32xf32, #tpu.memory_space<vmem>>
      %dma_start3A_740 = arith.constant 9088 : i32
      %dma_start3A_741 = tpu.memref_slice %arg6[%dma_start3A_740] : memref<16384xi32, #tpu.memory_space<vmem>> -> memref<10xi32, #tpu.memory_space<vmem>>
      %dma_start3A_742 = arith.constant 0 : i32
      %dma_start3A_743 = arith.constant 0 : i32
      %dma_start3A_744 = tpu.memref_slice %arg3[%dma_start3A_742, %dma_start3A_743] : memref<1000000x32xf32, #tpu.memory_space<hbm>> -> memref<1000000x32xf32, #tpu.memory_space<hbm>>
      tpu.enqueue_indirect_dma source(%dma_start3A_744 : memref<1000000x32xf32, #tpu.memory_space<hbm>>) target(%dma_start3A_739 : memref<10x32xf32, #tpu.memory_space<vmem>>) offsets(%dma_start3A_741 : memref<10xi32, #tpu.memory_space<vmem>>) semaphore(%arg10 : memref<!tpu.dma_semaphore, #tpu.memory_space<semaphore_mem>>)
      %dma_start3A_745 = arith.constant 72 : i32
      %dma_start3A_746 = arith.constant 0 : i32
      %dma_start3A_747 = arith.constant 0 : i32
      %dma_start3A_748 = tpu.memref_slice %arg7[%dma_start3A_745, %dma_start3A_746, %dma_start3A_747] : memref<128x10x32xf32, #tpu.memory_space<vmem>> -> memref<1x10x32xf32, #tpu.memory_space<vmem>>
      %dma_start3A_749 = tpu.memref_squeeze %dma_start3A_748 : memref<1x10x32xf32, #tpu.memory_space<vmem>> -> memref<10x32xf32, #tpu.memory_space<vmem>>
      %dma_start3A_750 = arith.constant 9216 : i32
      %dma_start3A_751 = tpu.memref_slice %arg6[%dma_start3A_750] : memref<16384xi32, #tpu.memory_space<vmem>> -> memref<10xi32, #tpu.memory_space<vmem>>
      %dma_start3A_752 = arith.constant 0 : i32
      %dma_start3A_753 = arith.constant 0 : i32
      %dma_start3A_754 = tpu.memref_slice %arg3[%dma_start3A_752, %dma_start3A_753] : memref<1000000x32xf32, #tpu.memory_space<hbm>> -> memref<1000000x32xf32, #tpu.memory_space<hbm>>
      tpu.enqueue_indirect_dma source(%dma_start3A_754 : memref<1000000x32xf32, #tpu.memory_space<hbm>>) target(%dma_start3A_749 : memref<10x32xf32, #tpu.memory_space<vmem>>) offsets(%dma_start3A_751 : memref<10xi32, #tpu.memory_space<vmem>>) semaphore(%arg10 : memref<!tpu.dma_semaphore, #tpu.memory_space<semaphore_mem>>)
      %dma_start3A_755 = arith.constant 73 : i32
      %dma_start3A_756 = arith.constant 0 : i32
      %dma_start3A_757 = arith.constant 0 : i32
      %dma_start3A_758 = tpu.memref_slice %arg7[%dma_start3A_755, %dma_start3A_756, %dma_start3A_757] : memref<128x10x32xf32, #tpu.memory_space<vmem>> -> memref<1x10x32xf32, #tpu.memory_space<vmem>>
      %dma_start3A_759 = tpu.memref_squeeze %dma_start3A_758 : memref<1x10x32xf32, #tpu.memory_space<vmem>> -> memref<10x32xf32, #tpu.memory_space<vmem>>
      %dma_start3A_760 = arith.constant 9344 : i32
      %dma_start3A_761 = tpu.memref_slice %arg6[%dma_start3A_760] : memref<16384xi32, #tpu.memory_space<vmem>> -> memref<10xi32, #tpu.memory_space<vmem>>
      %dma_start3A_762 = arith.constant 0 : i32
      %dma_start3A_763 = arith.constant 0 : i32
      %dma_start3A_764 = tpu.memref_slice %arg3[%dma_start3A_762, %dma_start3A_763] : memref<1000000x32xf32, #tpu.memory_space<hbm>> -> memref<1000000x32xf32, #tpu.memory_space<hbm>>
      tpu.enqueue_indirect_dma source(%dma_start3A_764 : memref<1000000x32xf32, #tpu.memory_space<hbm>>) target(%dma_start3A_759 : memref<10x32xf32, #tpu.memory_space<vmem>>) offsets(%dma_start3A_761 : memref<10xi32, #tpu.memory_space<vmem>>) semaphore(%arg10 : memref<!tpu.dma_semaphore, #tpu.memory_space<semaphore_mem>>)
      %dma_start3A_765 = arith.constant 74 : i32
      %dma_start3A_766 = arith.constant 0 : i32
      %dma_start3A_767 = arith.constant 0 : i32
      %dma_start3A_768 = tpu.memref_slice %arg7[%dma_start3A_765, %dma_start3A_766, %dma_start3A_767] : memref<128x10x32xf32, #tpu.memory_space<vmem>> -> memref<1x10x32xf32, #tpu.memory_space<vmem>>
      %dma_start3A_769 = tpu.memref_squeeze %dma_start3A_768 : memref<1x10x32xf32, #tpu.memory_space<vmem>> -> memref<10x32xf32, #tpu.memory_space<vmem>>
      %dma_start3A_770 = arith.constant 9472 : i32
      %dma_start3A_771 = tpu.memref_slice %arg6[%dma_start3A_770] : memref<16384xi32, #tpu.memory_space<vmem>> -> memref<10xi32, #tpu.memory_space<vmem>>
      %dma_start3A_772 = arith.constant 0 : i32
      %dma_start3A_773 = arith.constant 0 : i32
      %dma_start3A_774 = tpu.memref_slice %arg3[%dma_start3A_772, %dma_start3A_773] : memref<1000000x32xf32, #tpu.memory_space<hbm>> -> memref<1000000x32xf32, #tpu.memory_space<hbm>>
      tpu.enqueue_indirect_dma source(%dma_start3A_774 : memref<1000000x32xf32, #tpu.memory_space<hbm>>) target(%dma_start3A_769 : memref<10x32xf32, #tpu.memory_space<vmem>>) offsets(%dma_start3A_771 : memref<10xi32, #tpu.memory_space<vmem>>) semaphore(%arg10 : memref<!tpu.dma_semaphore, #tpu.memory_space<semaphore_mem>>)
      %dma_start3A_775 = arith.constant 75 : i32
      %dma_start3A_776 = arith.constant 0 : i32
      %dma_start3A_777 = arith.constant 0 : i32
      %dma_start3A_778 = tpu.memref_slice %arg7[%dma_start3A_775, %dma_start3A_776, %dma_start3A_777] : memref<128x10x32xf32, #tpu.memory_space<vmem>> -> memref<1x10x32xf32, #tpu.memory_space<vmem>>
      %dma_start3A_779 = tpu.memref_squeeze %dma_start3A_778 : memref<1x10x32xf32, #tpu.memory_space<vmem>> -> memref<10x32xf32, #tpu.memory_space<vmem>>
      %dma_start3A_780 = arith.constant 9600 : i32
      %dma_start3A_781 = tpu.memref_slice %arg6[%dma_start3A_780] : memref<16384xi32, #tpu.memory_space<vmem>> -> memref<10xi32, #tpu.memory_space<vmem>>
      %dma_start3A_782 = arith.constant 0 : i32
      %dma_start3A_783 = arith.constant 0 : i32
      %dma_start3A_784 = tpu.memref_slice %arg3[%dma_start3A_782, %dma_start3A_783] : memref<1000000x32xf32, #tpu.memory_space<hbm>> -> memref<1000000x32xf32, #tpu.memory_space<hbm>>
      tpu.enqueue_indirect_dma source(%dma_start3A_784 : memref<1000000x32xf32, #tpu.memory_space<hbm>>) target(%dma_start3A_779 : memref<10x32xf32, #tpu.memory_space<vmem>>) offsets(%dma_start3A_781 : memref<10xi32, #tpu.memory_space<vmem>>) semaphore(%arg10 : memref<!tpu.dma_semaphore, #tpu.memory_space<semaphore_mem>>)
      %dma_start3A_785 = arith.constant 76 : i32
      %dma_start3A_786 = arith.constant 0 : i32
      %dma_start3A_787 = arith.constant 0 : i32
      %dma_start3A_788 = tpu.memref_slice %arg7[%dma_start3A_785, %dma_start3A_786, %dma_start3A_787] : memref<128x10x32xf32, #tpu.memory_space<vmem>> -> memref<1x10x32xf32, #tpu.memory_space<vmem>>
      %dma_start3A_789 = tpu.memref_squeeze %dma_start3A_788 : memref<1x10x32xf32, #tpu.memory_space<vmem>> -> memref<10x32xf32, #tpu.memory_space<vmem>>
      %dma_start3A_790 = arith.constant 9728 : i32
      %dma_start3A_791 = tpu.memref_slice %arg6[%dma_start3A_790] : memref<16384xi32, #tpu.memory_space<vmem>> -> memref<10xi32, #tpu.memory_space<vmem>>
      %dma_start3A_792 = arith.constant 0 : i32
      %dma_start3A_793 = arith.constant 0 : i32
      %dma_start3A_794 = tpu.memref_slice %arg3[%dma_start3A_792, %dma_start3A_793] : memref<1000000x32xf32, #tpu.memory_space<hbm>> -> memref<1000000x32xf32, #tpu.memory_space<hbm>>
      tpu.enqueue_indirect_dma source(%dma_start3A_794 : memref<1000000x32xf32, #tpu.memory_space<hbm>>) target(%dma_start3A_789 : memref<10x32xf32, #tpu.memory_space<vmem>>) offsets(%dma_start3A_791 : memref<10xi32, #tpu.memory_space<vmem>>) semaphore(%arg10 : memref<!tpu.dma_semaphore, #tpu.memory_space<semaphore_mem>>)
      %dma_start3A_795 = arith.constant 77 : i32
      %dma_start3A_796 = arith.constant 0 : i32
      %dma_start3A_797 = arith.constant 0 : i32
      %dma_start3A_798 = tpu.memref_slice %arg7[%dma_start3A_795, %dma_start3A_796, %dma_start3A_797] : memref<128x10x32xf32, #tpu.memory_space<vmem>> -> memref<1x10x32xf32, #tpu.memory_space<vmem>>
      %dma_start3A_799 = tpu.memref_squeeze %dma_start3A_798 : memref<1x10x32xf32, #tpu.memory_space<vmem>> -> memref<10x32xf32, #tpu.memory_space<vmem>>
      %dma_start3A_800 = arith.constant 9856 : i32
      %dma_start3A_801 = tpu.memref_slice %arg6[%dma_start3A_800] : memref<16384xi32, #tpu.memory_space<vmem>> -> memref<10xi32, #tpu.memory_space<vmem>>
      %dma_start3A_802 = arith.constant 0 : i32
      %dma_start3A_803 = arith.constant 0 : i32
      %dma_start3A_804 = tpu.memref_slice %arg3[%dma_start3A_802, %dma_start3A_803] : memref<1000000x32xf32, #tpu.memory_space<hbm>> -> memref<1000000x32xf32, #tpu.memory_space<hbm>>
      tpu.enqueue_indirect_dma source(%dma_start3A_804 : memref<1000000x32xf32, #tpu.memory_space<hbm>>) target(%dma_start3A_799 : memref<10x32xf32, #tpu.memory_space<vmem>>) offsets(%dma_start3A_801 : memref<10xi32, #tpu.memory_space<vmem>>) semaphore(%arg10 : memref<!tpu.dma_semaphore, #tpu.memory_space<semaphore_mem>>)
      %dma_start3A_805 = arith.constant 78 : i32
      %dma_start3A_806 = arith.constant 0 : i32
      %dma_start3A_807 = arith.constant 0 : i32
      %dma_start3A_808 = tpu.memref_slice %arg7[%dma_start3A_805, %dma_start3A_806, %dma_start3A_807] : memref<128x10x32xf32, #tpu.memory_space<vmem>> -> memref<1x10x32xf32, #tpu.memory_space<vmem>>
      %dma_start3A_809 = tpu.memref_squeeze %dma_start3A_808 : memref<1x10x32xf32, #tpu.memory_space<vmem>> -> memref<10x32xf32, #tpu.memory_space<vmem>>
      %dma_start3A_810 = arith.constant 9984 : i32
      %dma_start3A_811 = tpu.memref_slice %arg6[%dma_start3A_810] : memref<16384xi32, #tpu.memory_space<vmem>> -> memref<10xi32, #tpu.memory_space<vmem>>
      %dma_start3A_812 = arith.constant 0 : i32
      %dma_start3A_813 = arith.constant 0 : i32
      %dma_start3A_814 = tpu.memref_slice %arg3[%dma_start3A_812, %dma_start3A_813] : memref<1000000x32xf32, #tpu.memory_space<hbm>> -> memref<1000000x32xf32, #tpu.memory_space<hbm>>
      tpu.enqueue_indirect_dma source(%dma_start3A_814 : memref<1000000x32xf32, #tpu.memory_space<hbm>>) target(%dma_start3A_809 : memref<10x32xf32, #tpu.memory_space<vmem>>) offsets(%dma_start3A_811 : memref<10xi32, #tpu.memory_space<vmem>>) semaphore(%arg10 : memref<!tpu.dma_semaphore, #tpu.memory_space<semaphore_mem>>)
      %dma_start3A_815 = arith.constant 79 : i32
      %dma_start3A_816 = arith.constant 0 : i32
      %dma_start3A_817 = arith.constant 0 : i32
      %dma_start3A_818 = tpu.memref_slice %arg7[%dma_start3A_815, %dma_start3A_816, %dma_start3A_817] : memref<128x10x32xf32, #tpu.memory_space<vmem>> -> memref<1x10x32xf32, #tpu.memory_space<vmem>>
      %dma_start3A_819 = tpu.memref_squeeze %dma_start3A_818 : memref<1x10x32xf32, #tpu.memory_space<vmem>> -> memref<10x32xf32, #tpu.memory_space<vmem>>
      %dma_start3A_820 = arith.constant 10112 : i32
      %dma_start3A_821 = tpu.memref_slice %arg6[%dma_start3A_820] : memref<16384xi32, #tpu.memory_space<vmem>> -> memref<10xi32, #tpu.memory_space<vmem>>
      %dma_start3A_822 = arith.constant 0 : i32
      %dma_start3A_823 = arith.constant 0 : i32
      %dma_start3A_824 = tpu.memref_slice %arg3[%dma_start3A_822, %dma_start3A_823] : memref<1000000x32xf32, #tpu.memory_space<hbm>> -> memref<1000000x32xf32, #tpu.memory_space<hbm>>
      tpu.enqueue_indirect_dma source(%dma_start3A_824 : memref<1000000x32xf32, #tpu.memory_space<hbm>>) target(%dma_start3A_819 : memref<10x32xf32, #tpu.memory_space<vmem>>) offsets(%dma_start3A_821 : memref<10xi32, #tpu.memory_space<vmem>>) semaphore(%arg10 : memref<!tpu.dma_semaphore, #tpu.memory_space<semaphore_mem>>)
      %dma_start3A_825 = arith.constant 80 : i32
      %dma_start3A_826 = arith.constant 0 : i32
      %dma_start3A_827 = arith.constant 0 : i32
      %dma_start3A_828 = tpu.memref_slice %arg7[%dma_start3A_825, %dma_start3A_826, %dma_start3A_827] : memref<128x10x32xf32, #tpu.memory_space<vmem>> -> memref<1x10x32xf32, #tpu.memory_space<vmem>>
      %dma_start3A_829 = tpu.memref_squeeze %dma_start3A_828 : memref<1x10x32xf32, #tpu.memory_space<vmem>> -> memref<10x32xf32, #tpu.memory_space<vmem>>
      %dma_start3A_830 = arith.constant 10240 : i32
      %dma_start3A_831 = tpu.memref_slice %arg6[%dma_start3A_830] : memref<16384xi32, #tpu.memory_space<vmem>> -> memref<10xi32, #tpu.memory_space<vmem>>
      %dma_start3A_832 = arith.constant 0 : i32
      %dma_start3A_833 = arith.constant 0 : i32
      %dma_start3A_834 = tpu.memref_slice %arg3[%dma_start3A_832, %dma_start3A_833] : memref<1000000x32xf32, #tpu.memory_space<hbm>> -> memref<1000000x32xf32, #tpu.memory_space<hbm>>
      tpu.enqueue_indirect_dma source(%dma_start3A_834 : memref<1000000x32xf32, #tpu.memory_space<hbm>>) target(%dma_start3A_829 : memref<10x32xf32, #tpu.memory_space<vmem>>) offsets(%dma_start3A_831 : memref<10xi32, #tpu.memory_space<vmem>>) semaphore(%arg10 : memref<!tpu.dma_semaphore, #tpu.memory_space<semaphore_mem>>)
      %dma_start3A_835 = arith.constant 81 : i32
      %dma_start3A_836 = arith.constant 0 : i32
      %dma_start3A_837 = arith.constant 0 : i32
      %dma_start3A_838 = tpu.memref_slice %arg7[%dma_start3A_835, %dma_start3A_836, %dma_start3A_837] : memref<128x10x32xf32, #tpu.memory_space<vmem>> -> memref<1x10x32xf32, #tpu.memory_space<vmem>>
      %dma_start3A_839 = tpu.memref_squeeze %dma_start3A_838 : memref<1x10x32xf32, #tpu.memory_space<vmem>> -> memref<10x32xf32, #tpu.memory_space<vmem>>
      %dma_start3A_840 = arith.constant 10368 : i32
      %dma_start3A_841 = tpu.memref_slice %arg6[%dma_start3A_840] : memref<16384xi32, #tpu.memory_space<vmem>> -> memref<10xi32, #tpu.memory_space<vmem>>
      %dma_start3A_842 = arith.constant 0 : i32
      %dma_start3A_843 = arith.constant 0 : i32
      %dma_start3A_844 = tpu.memref_slice %arg3[%dma_start3A_842, %dma_start3A_843] : memref<1000000x32xf32, #tpu.memory_space<hbm>> -> memref<1000000x32xf32, #tpu.memory_space<hbm>>
      tpu.enqueue_indirect_dma source(%dma_start3A_844 : memref<1000000x32xf32, #tpu.memory_space<hbm>>) target(%dma_start3A_839 : memref<10x32xf32, #tpu.memory_space<vmem>>) offsets(%dma_start3A_841 : memref<10xi32, #tpu.memory_space<vmem>>) semaphore(%arg10 : memref<!tpu.dma_semaphore, #tpu.memory_space<semaphore_mem>>)
      %dma_start3A_845 = arith.constant 82 : i32
      %dma_start3A_846 = arith.constant 0 : i32
      %dma_start3A_847 = arith.constant 0 : i32
      %dma_start3A_848 = tpu.memref_slice %arg7[%dma_start3A_845, %dma_start3A_846, %dma_start3A_847] : memref<128x10x32xf32, #tpu.memory_space<vmem>> -> memref<1x10x32xf32, #tpu.memory_space<vmem>>
      %dma_start3A_849 = tpu.memref_squeeze %dma_start3A_848 : memref<1x10x32xf32, #tpu.memory_space<vmem>> -> memref<10x32xf32, #tpu.memory_space<vmem>>
      %dma_start3A_850 = arith.constant 10496 : i32
      %dma_start3A_851 = tpu.memref_slice %arg6[%dma_start3A_850] : memref<16384xi32, #tpu.memory_space<vmem>> -> memref<10xi32, #tpu.memory_space<vmem>>
      %dma_start3A_852 = arith.constant 0 : i32
      %dma_start3A_853 = arith.constant 0 : i32
      %dma_start3A_854 = tpu.memref_slice %arg3[%dma_start3A_852, %dma_start3A_853] : memref<1000000x32xf32, #tpu.memory_space<hbm>> -> memref<1000000x32xf32, #tpu.memory_space<hbm>>
      tpu.enqueue_indirect_dma source(%dma_start3A_854 : memref<1000000x32xf32, #tpu.memory_space<hbm>>) target(%dma_start3A_849 : memref<10x32xf32, #tpu.memory_space<vmem>>) offsets(%dma_start3A_851 : memref<10xi32, #tpu.memory_space<vmem>>) semaphore(%arg10 : memref<!tpu.dma_semaphore, #tpu.memory_space<semaphore_mem>>)
      %dma_start3A_855 = arith.constant 83 : i32
      %dma_start3A_856 = arith.constant 0 : i32
      %dma_start3A_857 = arith.constant 0 : i32
      %dma_start3A_858 = tpu.memref_slice %arg7[%dma_start3A_855, %dma_start3A_856, %dma_start3A_857] : memref<128x10x32xf32, #tpu.memory_space<vmem>> -> memref<1x10x32xf32, #tpu.memory_space<vmem>>
      %dma_start3A_859 = tpu.memref_squeeze %dma_start3A_858 : memref<1x10x32xf32, #tpu.memory_space<vmem>> -> memref<10x32xf32, #tpu.memory_space<vmem>>
      %dma_start3A_860 = arith.constant 10624 : i32
      %dma_start3A_861 = tpu.memref_slice %arg6[%dma_start3A_860] : memref<16384xi32, #tpu.memory_space<vmem>> -> memref<10xi32, #tpu.memory_space<vmem>>
      %dma_start3A_862 = arith.constant 0 : i32
      %dma_start3A_863 = arith.constant 0 : i32
      %dma_start3A_864 = tpu.memref_slice %arg3[%dma_start3A_862, %dma_start3A_863] : memref<1000000x32xf32, #tpu.memory_space<hbm>> -> memref<1000000x32xf32, #tpu.memory_space<hbm>>
      tpu.enqueue_indirect_dma source(%dma_start3A_864 : memref<1000000x32xf32, #tpu.memory_space<hbm>>) target(%dma_start3A_859 : memref<10x32xf32, #tpu.memory_space<vmem>>) offsets(%dma_start3A_861 : memref<10xi32, #tpu.memory_space<vmem>>) semaphore(%arg10 : memref<!tpu.dma_semaphore, #tpu.memory_space<semaphore_mem>>)
      %dma_start3A_865 = arith.constant 84 : i32
      %dma_start3A_866 = arith.constant 0 : i32
      %dma_start3A_867 = arith.constant 0 : i32
      %dma_start3A_868 = tpu.memref_slice %arg7[%dma_start3A_865, %dma_start3A_866, %dma_start3A_867] : memref<128x10x32xf32, #tpu.memory_space<vmem>> -> memref<1x10x32xf32, #tpu.memory_space<vmem>>
      %dma_start3A_869 = tpu.memref_squeeze %dma_start3A_868 : memref<1x10x32xf32, #tpu.memory_space<vmem>> -> memref<10x32xf32, #tpu.memory_space<vmem>>
      %dma_start3A_870 = arith.constant 10752 : i32
      %dma_start3A_871 = tpu.memref_slice %arg6[%dma_start3A_870] : memref<16384xi32, #tpu.memory_space<vmem>> -> memref<10xi32, #tpu.memory_space<vmem>>
      %dma_start3A_872 = arith.constant 0 : i32
      %dma_start3A_873 = arith.constant 0 : i32
      %dma_start3A_874 = tpu.memref_slice %arg3[%dma_start3A_872, %dma_start3A_873] : memref<1000000x32xf32, #tpu.memory_space<hbm>> -> memref<1000000x32xf32, #tpu.memory_space<hbm>>
      tpu.enqueue_indirect_dma source(%dma_start3A_874 : memref<1000000x32xf32, #tpu.memory_space<hbm>>) target(%dma_start3A_869 : memref<10x32xf32, #tpu.memory_space<vmem>>) offsets(%dma_start3A_871 : memref<10xi32, #tpu.memory_space<vmem>>) semaphore(%arg10 : memref<!tpu.dma_semaphore, #tpu.memory_space<semaphore_mem>>)
      %dma_start3A_875 = arith.constant 85 : i32
      %dma_start3A_876 = arith.constant 0 : i32
      %dma_start3A_877 = arith.constant 0 : i32
      %dma_start3A_878 = tpu.memref_slice %arg7[%dma_start3A_875, %dma_start3A_876, %dma_start3A_877] : memref<128x10x32xf32, #tpu.memory_space<vmem>> -> memref<1x10x32xf32, #tpu.memory_space<vmem>>
      %dma_start3A_879 = tpu.memref_squeeze %dma_start3A_878 : memref<1x10x32xf32, #tpu.memory_space<vmem>> -> memref<10x32xf32, #tpu.memory_space<vmem>>
      %dma_start3A_880 = arith.constant 10880 : i32
      %dma_start3A_881 = tpu.memref_slice %arg6[%dma_start3A_880] : memref<16384xi32, #tpu.memory_space<vmem>> -> memref<10xi32, #tpu.memory_space<vmem>>
      %dma_start3A_882 = arith.constant 0 : i32
      %dma_start3A_883 = arith.constant 0 : i32
      %dma_start3A_884 = tpu.memref_slice %arg3[%dma_start3A_882, %dma_start3A_883] : memref<1000000x32xf32, #tpu.memory_space<hbm>> -> memref<1000000x32xf32, #tpu.memory_space<hbm>>
      tpu.enqueue_indirect_dma source(%dma_start3A_884 : memref<1000000x32xf32, #tpu.memory_space<hbm>>) target(%dma_start3A_879 : memref<10x32xf32, #tpu.memory_space<vmem>>) offsets(%dma_start3A_881 : memref<10xi32, #tpu.memory_space<vmem>>) semaphore(%arg10 : memref<!tpu.dma_semaphore, #tpu.memory_space<semaphore_mem>>)
      %dma_start3A_885 = arith.constant 86 : i32
      %dma_start3A_886 = arith.constant 0 : i32
      %dma_start3A_887 = arith.constant 0 : i32
      %dma_start3A_888 = tpu.memref_slice %arg7[%dma_start3A_885, %dma_start3A_886, %dma_start3A_887] : memref<128x10x32xf32, #tpu.memory_space<vmem>> -> memref<1x10x32xf32, #tpu.memory_space<vmem>>
      %dma_start3A_889 = tpu.memref_squeeze %dma_start3A_888 : memref<1x10x32xf32, #tpu.memory_space<vmem>> -> memref<10x32xf32, #tpu.memory_space<vmem>>
      %dma_start3A_890 = arith.constant 11008 : i32
      %dma_start3A_891 = tpu.memref_slice %arg6[%dma_start3A_890] : memref<16384xi32, #tpu.memory_space<vmem>> -> memref<10xi32, #tpu.memory_space<vmem>>
      %dma_start3A_892 = arith.constant 0 : i32
      %dma_start3A_893 = arith.constant 0 : i32
      %dma_start3A_894 = tpu.memref_slice %arg3[%dma_start3A_892, %dma_start3A_893] : memref<1000000x32xf32, #tpu.memory_space<hbm>> -> memref<1000000x32xf32, #tpu.memory_space<hbm>>
      tpu.enqueue_indirect_dma source(%dma_start3A_894 : memref<1000000x32xf32, #tpu.memory_space<hbm>>) target(%dma_start3A_889 : memref<10x32xf32, #tpu.memory_space<vmem>>) offsets(%dma_start3A_891 : memref<10xi32, #tpu.memory_space<vmem>>) semaphore(%arg10 : memref<!tpu.dma_semaphore, #tpu.memory_space<semaphore_mem>>)
      %dma_start3A_895 = arith.constant 87 : i32
      %dma_start3A_896 = arith.constant 0 : i32
      %dma_start3A_897 = arith.constant 0 : i32
      %dma_start3A_898 = tpu.memref_slice %arg7[%dma_start3A_895, %dma_start3A_896, %dma_start3A_897] : memref<128x10x32xf32, #tpu.memory_space<vmem>> -> memref<1x10x32xf32, #tpu.memory_space<vmem>>
      %dma_start3A_899 = tpu.memref_squeeze %dma_start3A_898 : memref<1x10x32xf32, #tpu.memory_space<vmem>> -> memref<10x32xf32, #tpu.memory_space<vmem>>
      %dma_start3A_900 = arith.constant 11136 : i32
      %dma_start3A_901 = tpu.memref_slice %arg6[%dma_start3A_900] : memref<16384xi32, #tpu.memory_space<vmem>> -> memref<10xi32, #tpu.memory_space<vmem>>
      %dma_start3A_902 = arith.constant 0 : i32
      %dma_start3A_903 = arith.constant 0 : i32
      %dma_start3A_904 = tpu.memref_slice %arg3[%dma_start3A_902, %dma_start3A_903] : memref<1000000x32xf32, #tpu.memory_space<hbm>> -> memref<1000000x32xf32, #tpu.memory_space<hbm>>
      tpu.enqueue_indirect_dma source(%dma_start3A_904 : memref<1000000x32xf32, #tpu.memory_space<hbm>>) target(%dma_start3A_899 : memref<10x32xf32, #tpu.memory_space<vmem>>) offsets(%dma_start3A_901 : memref<10xi32, #tpu.memory_space<vmem>>) semaphore(%arg10 : memref<!tpu.dma_semaphore, #tpu.memory_space<semaphore_mem>>)
      %dma_start3A_905 = arith.constant 88 : i32
      %dma_start3A_906 = arith.constant 0 : i32
      %dma_start3A_907 = arith.constant 0 : i32
      %dma_start3A_908 = tpu.memref_slice %arg7[%dma_start3A_905, %dma_start3A_906, %dma_start3A_907] : memref<128x10x32xf32, #tpu.memory_space<vmem>> -> memref<1x10x32xf32, #tpu.memory_space<vmem>>
      %dma_start3A_909 = tpu.memref_squeeze %dma_start3A_908 : memref<1x10x32xf32, #tpu.memory_space<vmem>> -> memref<10x32xf32, #tpu.memory_space<vmem>>
      %dma_start3A_910 = arith.constant 11264 : i32
      %dma_start3A_911 = tpu.memref_slice %arg6[%dma_start3A_910] : memref<16384xi32, #tpu.memory_space<vmem>> -> memref<10xi32, #tpu.memory_space<vmem>>
      %dma_start3A_912 = arith.constant 0 : i32
      %dma_start3A_913 = arith.constant 0 : i32
      %dma_start3A_914 = tpu.memref_slice %arg3[%dma_start3A_912, %dma_start3A_913] : memref<1000000x32xf32, #tpu.memory_space<hbm>> -> memref<1000000x32xf32, #tpu.memory_space<hbm>>
      tpu.enqueue_indirect_dma source(%dma_start3A_914 : memref<1000000x32xf32, #tpu.memory_space<hbm>>) target(%dma_start3A_909 : memref<10x32xf32, #tpu.memory_space<vmem>>) offsets(%dma_start3A_911 : memref<10xi32, #tpu.memory_space<vmem>>) semaphore(%arg10 : memref<!tpu.dma_semaphore, #tpu.memory_space<semaphore_mem>>)
      %dma_start3A_915 = arith.constant 89 : i32
      %dma_start3A_916 = arith.constant 0 : i32
      %dma_start3A_917 = arith.constant 0 : i32
      %dma_start3A_918 = tpu.memref_slice %arg7[%dma_start3A_915, %dma_start3A_916, %dma_start3A_917] : memref<128x10x32xf32, #tpu.memory_space<vmem>> -> memref<1x10x32xf32, #tpu.memory_space<vmem>>
      %dma_start3A_919 = tpu.memref_squeeze %dma_start3A_918 : memref<1x10x32xf32, #tpu.memory_space<vmem>> -> memref<10x32xf32, #tpu.memory_space<vmem>>
      %dma_start3A_920 = arith.constant 11392 : i32
      %dma_start3A_921 = tpu.memref_slice %arg6[%dma_start3A_920] : memref<16384xi32, #tpu.memory_space<vmem>> -> memref<10xi32, #tpu.memory_space<vmem>>
      %dma_start3A_922 = arith.constant 0 : i32
      %dma_start3A_923 = arith.constant 0 : i32
      %dma_start3A_924 = tpu.memref_slice %arg3[%dma_start3A_922, %dma_start3A_923] : memref<1000000x32xf32, #tpu.memory_space<hbm>> -> memref<1000000x32xf32, #tpu.memory_space<hbm>>
      tpu.enqueue_indirect_dma source(%dma_start3A_924 : memref<1000000x32xf32, #tpu.memory_space<hbm>>) target(%dma_start3A_919 : memref<10x32xf32, #tpu.memory_space<vmem>>) offsets(%dma_start3A_921 : memref<10xi32, #tpu.memory_space<vmem>>) semaphore(%arg10 : memref<!tpu.dma_semaphore, #tpu.memory_space<semaphore_mem>>)
      %dma_start3A_925 = arith.constant 90 : i32
      %dma_start3A_926 = arith.constant 0 : i32
      %dma_start3A_927 = arith.constant 0 : i32
      %dma_start3A_928 = tpu.memref_slice %arg7[%dma_start3A_925, %dma_start3A_926, %dma_start3A_927] : memref<128x10x32xf32, #tpu.memory_space<vmem>> -> memref<1x10x32xf32, #tpu.memory_space<vmem>>
      %dma_start3A_929 = tpu.memref_squeeze %dma_start3A_928 : memref<1x10x32xf32, #tpu.memory_space<vmem>> -> memref<10x32xf32, #tpu.memory_space<vmem>>
      %dma_start3A_930 = arith.constant 11520 : i32
      %dma_start3A_931 = tpu.memref_slice %arg6[%dma_start3A_930] : memref<16384xi32, #tpu.memory_space<vmem>> -> memref<10xi32, #tpu.memory_space<vmem>>
      %dma_start3A_932 = arith.constant 0 : i32
      %dma_start3A_933 = arith.constant 0 : i32
      %dma_start3A_934 = tpu.memref_slice %arg3[%dma_start3A_932, %dma_start3A_933] : memref<1000000x32xf32, #tpu.memory_space<hbm>> -> memref<1000000x32xf32, #tpu.memory_space<hbm>>
      tpu.enqueue_indirect_dma source(%dma_start3A_934 : memref<1000000x32xf32, #tpu.memory_space<hbm>>) target(%dma_start3A_929 : memref<10x32xf32, #tpu.memory_space<vmem>>) offsets(%dma_start3A_931 : memref<10xi32, #tpu.memory_space<vmem>>) semaphore(%arg10 : memref<!tpu.dma_semaphore, #tpu.memory_space<semaphore_mem>>)
      %dma_start3A_935 = arith.constant 91 : i32
      %dma_start3A_936 = arith.constant 0 : i32
      %dma_start3A_937 = arith.constant 0 : i32
      %dma_start3A_938 = tpu.memref_slice %arg7[%dma_start3A_935, %dma_start3A_936, %dma_start3A_937] : memref<128x10x32xf32, #tpu.memory_space<vmem>> -> memref<1x10x32xf32, #tpu.memory_space<vmem>>
      %dma_start3A_939 = tpu.memref_squeeze %dma_start3A_938 : memref<1x10x32xf32, #tpu.memory_space<vmem>> -> memref<10x32xf32, #tpu.memory_space<vmem>>
      %dma_start3A_940 = arith.constant 11648 : i32
      %dma_start3A_941 = tpu.memref_slice %arg6[%dma_start3A_940] : memref<16384xi32, #tpu.memory_space<vmem>> -> memref<10xi32, #tpu.memory_space<vmem>>
      %dma_start3A_942 = arith.constant 0 : i32
      %dma_start3A_943 = arith.constant 0 : i32
      %dma_start3A_944 = tpu.memref_slice %arg3[%dma_start3A_942, %dma_start3A_943] : memref<1000000x32xf32, #tpu.memory_space<hbm>> -> memref<1000000x32xf32, #tpu.memory_space<hbm>>
      tpu.enqueue_indirect_dma source(%dma_start3A_944 : memref<1000000x32xf32, #tpu.memory_space<hbm>>) target(%dma_start3A_939 : memref<10x32xf32, #tpu.memory_space<vmem>>) offsets(%dma_start3A_941 : memref<10xi32, #tpu.memory_space<vmem>>) semaphore(%arg10 : memref<!tpu.dma_semaphore, #tpu.memory_space<semaphore_mem>>)
      %dma_start3A_945 = arith.constant 92 : i32
      %dma_start3A_946 = arith.constant 0 : i32
      %dma_start3A_947 = arith.constant 0 : i32
      %dma_start3A_948 = tpu.memref_slice %arg7[%dma_start3A_945, %dma_start3A_946, %dma_start3A_947] : memref<128x10x32xf32, #tpu.memory_space<vmem>> -> memref<1x10x32xf32, #tpu.memory_space<vmem>>
      %dma_start3A_949 = tpu.memref_squeeze %dma_start3A_948 : memref<1x10x32xf32, #tpu.memory_space<vmem>> -> memref<10x32xf32, #tpu.memory_space<vmem>>
      %dma_start3A_950 = arith.constant 11776 : i32
      %dma_start3A_951 = tpu.memref_slice %arg6[%dma_start3A_950] : memref<16384xi32, #tpu.memory_space<vmem>> -> memref<10xi32, #tpu.memory_space<vmem>>
      %dma_start3A_952 = arith.constant 0 : i32
      %dma_start3A_953 = arith.constant 0 : i32
      %dma_start3A_954 = tpu.memref_slice %arg3[%dma_start3A_952, %dma_start3A_953] : memref<1000000x32xf32, #tpu.memory_space<hbm>> -> memref<1000000x32xf32, #tpu.memory_space<hbm>>
      tpu.enqueue_indirect_dma source(%dma_start3A_954 : memref<1000000x32xf32, #tpu.memory_space<hbm>>) target(%dma_start3A_949 : memref<10x32xf32, #tpu.memory_space<vmem>>) offsets(%dma_start3A_951 : memref<10xi32, #tpu.memory_space<vmem>>) semaphore(%arg10 : memref<!tpu.dma_semaphore, #tpu.memory_space<semaphore_mem>>)
      %dma_start3A_955 = arith.constant 93 : i32
      %dma_start3A_956 = arith.constant 0 : i32
      %dma_start3A_957 = arith.constant 0 : i32
      %dma_start3A_958 = tpu.memref_slice %arg7[%dma_start3A_955, %dma_start3A_956, %dma_start3A_957] : memref<128x10x32xf32, #tpu.memory_space<vmem>> -> memref<1x10x32xf32, #tpu.memory_space<vmem>>
      %dma_start3A_959 = tpu.memref_squeeze %dma_start3A_958 : memref<1x10x32xf32, #tpu.memory_space<vmem>> -> memref<10x32xf32, #tpu.memory_space<vmem>>
      %dma_start3A_960 = arith.constant 11904 : i32
      %dma_start3A_961 = tpu.memref_slice %arg6[%dma_start3A_960] : memref<16384xi32, #tpu.memory_space<vmem>> -> memref<10xi32, #tpu.memory_space<vmem>>
      %dma_start3A_962 = arith.constant 0 : i32
      %dma_start3A_963 = arith.constant 0 : i32
      %dma_start3A_964 = tpu.memref_slice %arg3[%dma_start3A_962, %dma_start3A_963] : memref<1000000x32xf32, #tpu.memory_space<hbm>> -> memref<1000000x32xf32, #tpu.memory_space<hbm>>
      tpu.enqueue_indirect_dma source(%dma_start3A_964 : memref<1000000x32xf32, #tpu.memory_space<hbm>>) target(%dma_start3A_959 : memref<10x32xf32, #tpu.memory_space<vmem>>) offsets(%dma_start3A_961 : memref<10xi32, #tpu.memory_space<vmem>>) semaphore(%arg10 : memref<!tpu.dma_semaphore, #tpu.memory_space<semaphore_mem>>)
      %dma_start3A_965 = arith.constant 94 : i32
      %dma_start3A_966 = arith.constant 0 : i32
      %dma_start3A_967 = arith.constant 0 : i32
      %dma_start3A_968 = tpu.memref_slice %arg7[%dma_start3A_965, %dma_start3A_966, %dma_start3A_967] : memref<128x10x32xf32, #tpu.memory_space<vmem>> -> memref<1x10x32xf32, #tpu.memory_space<vmem>>
      %dma_start3A_969 = tpu.memref_squeeze %dma_start3A_968 : memref<1x10x32xf32, #tpu.memory_space<vmem>> -> memref<10x32xf32, #tpu.memory_space<vmem>>
      %dma_start3A_970 = arith.constant 12032 : i32
      %dma_start3A_971 = tpu.memref_slice %arg6[%dma_start3A_970] : memref<16384xi32, #tpu.memory_space<vmem>> -> memref<10xi32, #tpu.memory_space<vmem>>
      %dma_start3A_972 = arith.constant 0 : i32
      %dma_start3A_973 = arith.constant 0 : i32
      %dma_start3A_974 = tpu.memref_slice %arg3[%dma_start3A_972, %dma_start3A_973] : memref<1000000x32xf32, #tpu.memory_space<hbm>> -> memref<1000000x32xf32, #tpu.memory_space<hbm>>
      tpu.enqueue_indirect_dma source(%dma_start3A_974 : memref<1000000x32xf32, #tpu.memory_space<hbm>>) target(%dma_start3A_969 : memref<10x32xf32, #tpu.memory_space<vmem>>) offsets(%dma_start3A_971 : memref<10xi32, #tpu.memory_space<vmem>>) semaphore(%arg10 : memref<!tpu.dma_semaphore, #tpu.memory_space<semaphore_mem>>)
      %dma_start3A_975 = arith.constant 95 : i32
      %dma_start3A_976 = arith.constant 0 : i32
      %dma_start3A_977 = arith.constant 0 : i32
      %dma_start3A_978 = tpu.memref_slice %arg7[%dma_start3A_975, %dma_start3A_976, %dma_start3A_977] : memref<128x10x32xf32, #tpu.memory_space<vmem>> -> memref<1x10x32xf32, #tpu.memory_space<vmem>>
      %dma_start3A_979 = tpu.memref_squeeze %dma_start3A_978 : memref<1x10x32xf32, #tpu.memory_space<vmem>> -> memref<10x32xf32, #tpu.memory_space<vmem>>
      %dma_start3A_980 = arith.constant 12160 : i32
      %dma_start3A_981 = tpu.memref_slice %arg6[%dma_start3A_980] : memref<16384xi32, #tpu.memory_space<vmem>> -> memref<10xi32, #tpu.memory_space<vmem>>
      %dma_start3A_982 = arith.constant 0 : i32
      %dma_start3A_983 = arith.constant 0 : i32
      %dma_start3A_984 = tpu.memref_slice %arg3[%dma_start3A_982, %dma_start3A_983] : memref<1000000x32xf32, #tpu.memory_space<hbm>> -> memref<1000000x32xf32, #tpu.memory_space<hbm>>
      tpu.enqueue_indirect_dma source(%dma_start3A_984 : memref<1000000x32xf32, #tpu.memory_space<hbm>>) target(%dma_start3A_979 : memref<10x32xf32, #tpu.memory_space<vmem>>) offsets(%dma_start3A_981 : memref<10xi32, #tpu.memory_space<vmem>>) semaphore(%arg10 : memref<!tpu.dma_semaphore, #tpu.memory_space<semaphore_mem>>)
      %dma_start3A_985 = arith.constant 96 : i32
      %dma_start3A_986 = arith.constant 0 : i32
      %dma_start3A_987 = arith.constant 0 : i32
      %dma_start3A_988 = tpu.memref_slice %arg7[%dma_start3A_985, %dma_start3A_986, %dma_start3A_987] : memref<128x10x32xf32, #tpu.memory_space<vmem>> -> memref<1x10x32xf32, #tpu.memory_space<vmem>>
      %dma_start3A_989 = tpu.memref_squeeze %dma_start3A_988 : memref<1x10x32xf32, #tpu.memory_space<vmem>> -> memref<10x32xf32, #tpu.memory_space<vmem>>
      %dma_start3A_990 = arith.constant 12288 : i32
      %dma_start3A_991 = tpu.memref_slice %arg6[%dma_start3A_990] : memref<16384xi32, #tpu.memory_space<vmem>> -> memref<10xi32, #tpu.memory_space<vmem>>
      %dma_start3A_992 = arith.constant 0 : i32
      %dma_start3A_993 = arith.constant 0 : i32
      %dma_start3A_994 = tpu.memref_slice %arg3[%dma_start3A_992, %dma_start3A_993] : memref<1000000x32xf32, #tpu.memory_space<hbm>> -> memref<1000000x32xf32, #tpu.memory_space<hbm>>
      tpu.enqueue_indirect_dma source(%dma_start3A_994 : memref<1000000x32xf32, #tpu.memory_space<hbm>>) target(%dma_start3A_989 : memref<10x32xf32, #tpu.memory_space<vmem>>) offsets(%dma_start3A_991 : memref<10xi32, #tpu.memory_space<vmem>>) semaphore(%arg10 : memref<!tpu.dma_semaphore, #tpu.memory_space<semaphore_mem>>)
      %dma_start3A_995 = arith.constant 97 : i32
      %dma_start3A_996 = arith.constant 0 : i32
      %dma_start3A_997 = arith.constant 0 : i32
      %dma_start3A_998 = tpu.memref_slice %arg7[%dma_start3A_995, %dma_start3A_996, %dma_start3A_997] : memref<128x10x32xf32, #tpu.memory_space<vmem>> -> memref<1x10x32xf32, #tpu.memory_space<vmem>>
      %dma_start3A_999 = tpu.memref_squeeze %dma_start3A_998 : memref<1x10x32xf32, #tpu.memory_space<vmem>> -> memref<10x32xf32, #tpu.memory_space<vmem>>
      %dma_start3A_1000 = arith.constant 12416 : i32
      %dma_start3A_1001 = tpu.memref_slice %arg6[%dma_start3A_1000] : memref<16384xi32, #tpu.memory_space<vmem>> -> memref<10xi32, #tpu.memory_space<vmem>>
      %dma_start3A_1002 = arith.constant 0 : i32
      %dma_start3A_1003 = arith.constant 0 : i32
      %dma_start3A_1004 = tpu.memref_slice %arg3[%dma_start3A_1002, %dma_start3A_1003] : memref<1000000x32xf32, #tpu.memory_space<hbm>> -> memref<1000000x32xf32, #tpu.memory_space<hbm>>
      tpu.enqueue_indirect_dma source(%dma_start3A_1004 : memref<1000000x32xf32, #tpu.memory_space<hbm>>) target(%dma_start3A_999 : memref<10x32xf32, #tpu.memory_space<vmem>>) offsets(%dma_start3A_1001 : memref<10xi32, #tpu.memory_space<vmem>>) semaphore(%arg10 : memref<!tpu.dma_semaphore, #tpu.memory_space<semaphore_mem>>)
      %dma_start3A_1005 = arith.constant 98 : i32
      %dma_start3A_1006 = arith.constant 0 : i32
      %dma_start3A_1007 = arith.constant 0 : i32
      %dma_start3A_1008 = tpu.memref_slice %arg7[%dma_start3A_1005, %dma_start3A_1006, %dma_start3A_1007] : memref<128x10x32xf32, #tpu.memory_space<vmem>> -> memref<1x10x32xf32, #tpu.memory_space<vmem>>
      %dma_start3A_1009 = tpu.memref_squeeze %dma_start3A_1008 : memref<1x10x32xf32, #tpu.memory_space<vmem>> -> memref<10x32xf32, #tpu.memory_space<vmem>>
      %dma_start3A_1010 = arith.constant 12544 : i32
      %dma_start3A_1011 = tpu.memref_slice %arg6[%dma_start3A_1010] : memref<16384xi32, #tpu.memory_space<vmem>> -> memref<10xi32, #tpu.memory_space<vmem>>
      %dma_start3A_1012 = arith.constant 0 : i32
      %dma_start3A_1013 = arith.constant 0 : i32
      %dma_start3A_1014 = tpu.memref_slice %arg3[%dma_start3A_1012, %dma_start3A_1013] : memref<1000000x32xf32, #tpu.memory_space<hbm>> -> memref<1000000x32xf32, #tpu.memory_space<hbm>>
      tpu.enqueue_indirect_dma source(%dma_start3A_1014 : memref<1000000x32xf32, #tpu.memory_space<hbm>>) target(%dma_start3A_1009 : memref<10x32xf32, #tpu.memory_space<vmem>>) offsets(%dma_start3A_1011 : memref<10xi32, #tpu.memory_space<vmem>>) semaphore(%arg10 : memref<!tpu.dma_semaphore, #tpu.memory_space<semaphore_mem>>)
      %dma_start3A_1015 = arith.constant 99 : i32
      %dma_start3A_1016 = arith.constant 0 : i32
      %dma_start3A_1017 = arith.constant 0 : i32
      %dma_start3A_1018 = tpu.memref_slice %arg7[%dma_start3A_1015, %dma_start3A_1016, %dma_start3A_1017] : memref<128x10x32xf32, #tpu.memory_space<vmem>> -> memref<1x10x32xf32, #tpu.memory_space<vmem>>
      %dma_start3A_1019 = tpu.memref_squeeze %dma_start3A_1018 : memref<1x10x32xf32, #tpu.memory_space<vmem>> -> memref<10x32xf32, #tpu.memory_space<vmem>>
      %dma_start3A_1020 = arith.constant 12672 : i32
      %dma_start3A_1021 = tpu.memref_slice %arg6[%dma_start3A_1020] : memref<16384xi32, #tpu.memory_space<vmem>> -> memref<10xi32, #tpu.memory_space<vmem>>
      %dma_start3A_1022 = arith.constant 0 : i32
      %dma_start3A_1023 = arith.constant 0 : i32
      %dma_start3A_1024 = tpu.memref_slice %arg3[%dma_start3A_1022, %dma_start3A_1023] : memref<1000000x32xf32, #tpu.memory_space<hbm>> -> memref<1000000x32xf32, #tpu.memory_space<hbm>>
      tpu.enqueue_indirect_dma source(%dma_start3A_1024 : memref<1000000x32xf32, #tpu.memory_space<hbm>>) target(%dma_start3A_1019 : memref<10x32xf32, #tpu.memory_space<vmem>>) offsets(%dma_start3A_1021 : memref<10xi32, #tpu.memory_space<vmem>>) semaphore(%arg10 : memref<!tpu.dma_semaphore, #tpu.memory_space<semaphore_mem>>)
      %dma_start3A_1025 = arith.constant 100 : i32
      %dma_start3A_1026 = arith.constant 0 : i32
      %dma_start3A_1027 = arith.constant 0 : i32
      %dma_start3A_1028 = tpu.memref_slice %arg7[%dma_start3A_1025, %dma_start3A_1026, %dma_start3A_1027] : memref<128x10x32xf32, #tpu.memory_space<vmem>> -> memref<1x10x32xf32, #tpu.memory_space<vmem>>
      %dma_start3A_1029 = tpu.memref_squeeze %dma_start3A_1028 : memref<1x10x32xf32, #tpu.memory_space<vmem>> -> memref<10x32xf32, #tpu.memory_space<vmem>>
      %dma_start3A_1030 = arith.constant 12800 : i32
      %dma_start3A_1031 = tpu.memref_slice %arg6[%dma_start3A_1030] : memref<16384xi32, #tpu.memory_space<vmem>> -> memref<10xi32, #tpu.memory_space<vmem>>
      %dma_start3A_1032 = arith.constant 0 : i32
      %dma_start3A_1033 = arith.constant 0 : i32
      %dma_start3A_1034 = tpu.memref_slice %arg3[%dma_start3A_1032, %dma_start3A_1033] : memref<1000000x32xf32, #tpu.memory_space<hbm>> -> memref<1000000x32xf32, #tpu.memory_space<hbm>>
      tpu.enqueue_indirect_dma source(%dma_start3A_1034 : memref<1000000x32xf32, #tpu.memory_space<hbm>>) target(%dma_start3A_1029 : memref<10x32xf32, #tpu.memory_space<vmem>>) offsets(%dma_start3A_1031 : memref<10xi32, #tpu.memory_space<vmem>>) semaphore(%arg10 : memref<!tpu.dma_semaphore, #tpu.memory_space<semaphore_mem>>)
      %dma_start3A_1035 = arith.constant 101 : i32
      %dma_start3A_1036 = arith.constant 0 : i32
      %dma_start3A_1037 = arith.constant 0 : i32
      %dma_start3A_1038 = tpu.memref_slice %arg7[%dma_start3A_1035, %dma_start3A_1036, %dma_start3A_1037] : memref<128x10x32xf32, #tpu.memory_space<vmem>> -> memref<1x10x32xf32, #tpu.memory_space<vmem>>
      %dma_start3A_1039 = tpu.memref_squeeze %dma_start3A_1038 : memref<1x10x32xf32, #tpu.memory_space<vmem>> -> memref<10x32xf32, #tpu.memory_space<vmem>>
      %dma_start3A_1040 = arith.constant 12928 : i32
      %dma_start3A_1041 = tpu.memref_slice %arg6[%dma_start3A_1040] : memref<16384xi32, #tpu.memory_space<vmem>> -> memref<10xi32, #tpu.memory_space<vmem>>
      %dma_start3A_1042 = arith.constant 0 : i32
      %dma_start3A_1043 = arith.constant 0 : i32
      %dma_start3A_1044 = tpu.memref_slice %arg3[%dma_start3A_1042, %dma_start3A_1043] : memref<1000000x32xf32, #tpu.memory_space<hbm>> -> memref<1000000x32xf32, #tpu.memory_space<hbm>>
      tpu.enqueue_indirect_dma source(%dma_start3A_1044 : memref<1000000x32xf32, #tpu.memory_space<hbm>>) target(%dma_start3A_1039 : memref<10x32xf32, #tpu.memory_space<vmem>>) offsets(%dma_start3A_1041 : memref<10xi32, #tpu.memory_space<vmem>>) semaphore(%arg10 : memref<!tpu.dma_semaphore, #tpu.memory_space<semaphore_mem>>)
      %dma_start3A_1045 = arith.constant 102 : i32
      %dma_start3A_1046 = arith.constant 0 : i32
      %dma_start3A_1047 = arith.constant 0 : i32
      %dma_start3A_1048 = tpu.memref_slice %arg7[%dma_start3A_1045, %dma_start3A_1046, %dma_start3A_1047] : memref<128x10x32xf32, #tpu.memory_space<vmem>> -> memref<1x10x32xf32, #tpu.memory_space<vmem>>
      %dma_start3A_1049 = tpu.memref_squeeze %dma_start3A_1048 : memref<1x10x32xf32, #tpu.memory_space<vmem>> -> memref<10x32xf32, #tpu.memory_space<vmem>>
      %dma_start3A_1050 = arith.constant 13056 : i32
      %dma_start3A_1051 = tpu.memref_slice %arg6[%dma_start3A_1050] : memref<16384xi32, #tpu.memory_space<vmem>> -> memref<10xi32, #tpu.memory_space<vmem>>
      %dma_start3A_1052 = arith.constant 0 : i32
      %dma_start3A_1053 = arith.constant 0 : i32
      %dma_start3A_1054 = tpu.memref_slice %arg3[%dma_start3A_1052, %dma_start3A_1053] : memref<1000000x32xf32, #tpu.memory_space<hbm>> -> memref<1000000x32xf32, #tpu.memory_space<hbm>>
      tpu.enqueue_indirect_dma source(%dma_start3A_1054 : memref<1000000x32xf32, #tpu.memory_space<hbm>>) target(%dma_start3A_1049 : memref<10x32xf32, #tpu.memory_space<vmem>>) offsets(%dma_start3A_1051 : memref<10xi32, #tpu.memory_space<vmem>>) semaphore(%arg10 : memref<!tpu.dma_semaphore, #tpu.memory_space<semaphore_mem>>)
      %dma_start3A_1055 = arith.constant 103 : i32
      %dma_start3A_1056 = arith.constant 0 : i32
      %dma_start3A_1057 = arith.constant 0 : i32
      %dma_start3A_1058 = tpu.memref_slice %arg7[%dma_start3A_1055, %dma_start3A_1056, %dma_start3A_1057] : memref<128x10x32xf32, #tpu.memory_space<vmem>> -> memref<1x10x32xf32, #tpu.memory_space<vmem>>
      %dma_start3A_1059 = tpu.memref_squeeze %dma_start3A_1058 : memref<1x10x32xf32, #tpu.memory_space<vmem>> -> memref<10x32xf32, #tpu.memory_space<vmem>>
      %dma_start3A_1060 = arith.constant 13184 : i32
      %dma_start3A_1061 = tpu.memref_slice %arg6[%dma_start3A_1060] : memref<16384xi32, #tpu.memory_space<vmem>> -> memref<10xi32, #tpu.memory_space<vmem>>
      %dma_start3A_1062 = arith.constant 0 : i32
      %dma_start3A_1063 = arith.constant 0 : i32
      %dma_start3A_1064 = tpu.memref_slice %arg3[%dma_start3A_1062, %dma_start3A_1063] : memref<1000000x32xf32, #tpu.memory_space<hbm>> -> memref<1000000x32xf32, #tpu.memory_space<hbm>>
      tpu.enqueue_indirect_dma source(%dma_start3A_1064 : memref<1000000x32xf32, #tpu.memory_space<hbm>>) target(%dma_start3A_1059 : memref<10x32xf32, #tpu.memory_space<vmem>>) offsets(%dma_start3A_1061 : memref<10xi32, #tpu.memory_space<vmem>>) semaphore(%arg10 : memref<!tpu.dma_semaphore, #tpu.memory_space<semaphore_mem>>)
      %dma_start3A_1065 = arith.constant 104 : i32
      %dma_start3A_1066 = arith.constant 0 : i32
      %dma_start3A_1067 = arith.constant 0 : i32
      %dma_start3A_1068 = tpu.memref_slice %arg7[%dma_start3A_1065, %dma_start3A_1066, %dma_start3A_1067] : memref<128x10x32xf32, #tpu.memory_space<vmem>> -> memref<1x10x32xf32, #tpu.memory_space<vmem>>
      %dma_start3A_1069 = tpu.memref_squeeze %dma_start3A_1068 : memref<1x10x32xf32, #tpu.memory_space<vmem>> -> memref<10x32xf32, #tpu.memory_space<vmem>>
      %dma_start3A_1070 = arith.constant 13312 : i32
      %dma_start3A_1071 = tpu.memref_slice %arg6[%dma_start3A_1070] : memref<16384xi32, #tpu.memory_space<vmem>> -> memref<10xi32, #tpu.memory_space<vmem>>
      %dma_start3A_1072 = arith.constant 0 : i32
      %dma_start3A_1073 = arith.constant 0 : i32
      %dma_start3A_1074 = tpu.memref_slice %arg3[%dma_start3A_1072, %dma_start3A_1073] : memref<1000000x32xf32, #tpu.memory_space<hbm>> -> memref<1000000x32xf32, #tpu.memory_space<hbm>>
      tpu.enqueue_indirect_dma source(%dma_start3A_1074 : memref<1000000x32xf32, #tpu.memory_space<hbm>>) target(%dma_start3A_1069 : memref<10x32xf32, #tpu.memory_space<vmem>>) offsets(%dma_start3A_1071 : memref<10xi32, #tpu.memory_space<vmem>>) semaphore(%arg10 : memref<!tpu.dma_semaphore, #tpu.memory_space<semaphore_mem>>)
      %dma_start3A_1075 = arith.constant 105 : i32
      %dma_start3A_1076 = arith.constant 0 : i32
      %dma_start3A_1077 = arith.constant 0 : i32
      %dma_start3A_1078 = tpu.memref_slice %arg7[%dma_start3A_1075, %dma_start3A_1076, %dma_start3A_1077] : memref<128x10x32xf32, #tpu.memory_space<vmem>> -> memref<1x10x32xf32, #tpu.memory_space<vmem>>
      %dma_start3A_1079 = tpu.memref_squeeze %dma_start3A_1078 : memref<1x10x32xf32, #tpu.memory_space<vmem>> -> memref<10x32xf32, #tpu.memory_space<vmem>>
      %dma_start3A_1080 = arith.constant 13440 : i32
      %dma_start3A_1081 = tpu.memref_slice %arg6[%dma_start3A_1080] : memref<16384xi32, #tpu.memory_space<vmem>> -> memref<10xi32, #tpu.memory_space<vmem>>
      %dma_start3A_1082 = arith.constant 0 : i32
      %dma_start3A_1083 = arith.constant 0 : i32
      %dma_start3A_1084 = tpu.memref_slice %arg3[%dma_start3A_1082, %dma_start3A_1083] : memref<1000000x32xf32, #tpu.memory_space<hbm>> -> memref<1000000x32xf32, #tpu.memory_space<hbm>>
      tpu.enqueue_indirect_dma source(%dma_start3A_1084 : memref<1000000x32xf32, #tpu.memory_space<hbm>>) target(%dma_start3A_1079 : memref<10x32xf32, #tpu.memory_space<vmem>>) offsets(%dma_start3A_1081 : memref<10xi32, #tpu.memory_space<vmem>>) semaphore(%arg10 : memref<!tpu.dma_semaphore, #tpu.memory_space<semaphore_mem>>)
      %dma_start3A_1085 = arith.constant 106 : i32
      %dma_start3A_1086 = arith.constant 0 : i32
      %dma_start3A_1087 = arith.constant 0 : i32
      %dma_start3A_1088 = tpu.memref_slice %arg7[%dma_start3A_1085, %dma_start3A_1086, %dma_start3A_1087] : memref<128x10x32xf32, #tpu.memory_space<vmem>> -> memref<1x10x32xf32, #tpu.memory_space<vmem>>
      %dma_start3A_1089 = tpu.memref_squeeze %dma_start3A_1088 : memref<1x10x32xf32, #tpu.memory_space<vmem>> -> memref<10x32xf32, #tpu.memory_space<vmem>>
      %dma_start3A_1090 = arith.constant 13568 : i32
      %dma_start3A_1091 = tpu.memref_slice %arg6[%dma_start3A_1090] : memref<16384xi32, #tpu.memory_space<vmem>> -> memref<10xi32, #tpu.memory_space<vmem>>
      %dma_start3A_1092 = arith.constant 0 : i32
      %dma_start3A_1093 = arith.constant 0 : i32
      %dma_start3A_1094 = tpu.memref_slice %arg3[%dma_start3A_1092, %dma_start3A_1093] : memref<1000000x32xf32, #tpu.memory_space<hbm>> -> memref<1000000x32xf32, #tpu.memory_space<hbm>>
      tpu.enqueue_indirect_dma source(%dma_start3A_1094 : memref<1000000x32xf32, #tpu.memory_space<hbm>>) target(%dma_start3A_1089 : memref<10x32xf32, #tpu.memory_space<vmem>>) offsets(%dma_start3A_1091 : memref<10xi32, #tpu.memory_space<vmem>>) semaphore(%arg10 : memref<!tpu.dma_semaphore, #tpu.memory_space<semaphore_mem>>)
      %dma_start3A_1095 = arith.constant 107 : i32
      %dma_start3A_1096 = arith.constant 0 : i32
      %dma_start3A_1097 = arith.constant 0 : i32
      %dma_start3A_1098 = tpu.memref_slice %arg7[%dma_start3A_1095, %dma_start3A_1096, %dma_start3A_1097] : memref<128x10x32xf32, #tpu.memory_space<vmem>> -> memref<1x10x32xf32, #tpu.memory_space<vmem>>
      %dma_start3A_1099 = tpu.memref_squeeze %dma_start3A_1098 : memref<1x10x32xf32, #tpu.memory_space<vmem>> -> memref<10x32xf32, #tpu.memory_space<vmem>>
      %dma_start3A_1100 = arith.constant 13696 : i32
      %dma_start3A_1101 = tpu.memref_slice %arg6[%dma_start3A_1100] : memref<16384xi32, #tpu.memory_space<vmem>> -> memref<10xi32, #tpu.memory_space<vmem>>
      %dma_start3A_1102 = arith.constant 0 : i32
      %dma_start3A_1103 = arith.constant 0 : i32
      %dma_start3A_1104 = tpu.memref_slice %arg3[%dma_start3A_1102, %dma_start3A_1103] : memref<1000000x32xf32, #tpu.memory_space<hbm>> -> memref<1000000x32xf32, #tpu.memory_space<hbm>>
      tpu.enqueue_indirect_dma source(%dma_start3A_1104 : memref<1000000x32xf32, #tpu.memory_space<hbm>>) target(%dma_start3A_1099 : memref<10x32xf32, #tpu.memory_space<vmem>>) offsets(%dma_start3A_1101 : memref<10xi32, #tpu.memory_space<vmem>>) semaphore(%arg10 : memref<!tpu.dma_semaphore, #tpu.memory_space<semaphore_mem>>)
      %dma_start3A_1105 = arith.constant 108 : i32
      %dma_start3A_1106 = arith.constant 0 : i32
      %dma_start3A_1107 = arith.constant 0 : i32
      %dma_start3A_1108 = tpu.memref_slice %arg7[%dma_start3A_1105, %dma_start3A_1106, %dma_start3A_1107] : memref<128x10x32xf32, #tpu.memory_space<vmem>> -> memref<1x10x32xf32, #tpu.memory_space<vmem>>
      %dma_start3A_1109 = tpu.memref_squeeze %dma_start3A_1108 : memref<1x10x32xf32, #tpu.memory_space<vmem>> -> memref<10x32xf32, #tpu.memory_space<vmem>>
      %dma_start3A_1110 = arith.constant 13824 : i32
      %dma_start3A_1111 = tpu.memref_slice %arg6[%dma_start3A_1110] : memref<16384xi32, #tpu.memory_space<vmem>> -> memref<10xi32, #tpu.memory_space<vmem>>
      %dma_start3A_1112 = arith.constant 0 : i32
      %dma_start3A_1113 = arith.constant 0 : i32
      %dma_start3A_1114 = tpu.memref_slice %arg3[%dma_start3A_1112, %dma_start3A_1113] : memref<1000000x32xf32, #tpu.memory_space<hbm>> -> memref<1000000x32xf32, #tpu.memory_space<hbm>>
      tpu.enqueue_indirect_dma source(%dma_start3A_1114 : memref<1000000x32xf32, #tpu.memory_space<hbm>>) target(%dma_start3A_1109 : memref<10x32xf32, #tpu.memory_space<vmem>>) offsets(%dma_start3A_1111 : memref<10xi32, #tpu.memory_space<vmem>>) semaphore(%arg10 : memref<!tpu.dma_semaphore, #tpu.memory_space<semaphore_mem>>)
      %dma_start3A_1115 = arith.constant 109 : i32
      %dma_start3A_1116 = arith.constant 0 : i32
      %dma_start3A_1117 = arith.constant 0 : i32
      %dma_start3A_1118 = tpu.memref_slice %arg7[%dma_start3A_1115, %dma_start3A_1116, %dma_start3A_1117] : memref<128x10x32xf32, #tpu.memory_space<vmem>> -> memref<1x10x32xf32, #tpu.memory_space<vmem>>
      %dma_start3A_1119 = tpu.memref_squeeze %dma_start3A_1118 : memref<1x10x32xf32, #tpu.memory_space<vmem>> -> memref<10x32xf32, #tpu.memory_space<vmem>>
      %dma_start3A_1120 = arith.constant 13952 : i32
      %dma_start3A_1121 = tpu.memref_slice %arg6[%dma_start3A_1120] : memref<16384xi32, #tpu.memory_space<vmem>> -> memref<10xi32, #tpu.memory_space<vmem>>
      %dma_start3A_1122 = arith.constant 0 : i32
      %dma_start3A_1123 = arith.constant 0 : i32
      %dma_start3A_1124 = tpu.memref_slice %arg3[%dma_start3A_1122, %dma_start3A_1123] : memref<1000000x32xf32, #tpu.memory_space<hbm>> -> memref<1000000x32xf32, #tpu.memory_space<hbm>>
      tpu.enqueue_indirect_dma source(%dma_start3A_1124 : memref<1000000x32xf32, #tpu.memory_space<hbm>>) target(%dma_start3A_1119 : memref<10x32xf32, #tpu.memory_space<vmem>>) offsets(%dma_start3A_1121 : memref<10xi32, #tpu.memory_space<vmem>>) semaphore(%arg10 : memref<!tpu.dma_semaphore, #tpu.memory_space<semaphore_mem>>)
      %dma_start3A_1125 = arith.constant 110 : i32
      %dma_start3A_1126 = arith.constant 0 : i32
      %dma_start3A_1127 = arith.constant 0 : i32
      %dma_start3A_1128 = tpu.memref_slice %arg7[%dma_start3A_1125, %dma_start3A_1126, %dma_start3A_1127] : memref<128x10x32xf32, #tpu.memory_space<vmem>> -> memref<1x10x32xf32, #tpu.memory_space<vmem>>
      %dma_start3A_1129 = tpu.memref_squeeze %dma_start3A_1128 : memref<1x10x32xf32, #tpu.memory_space<vmem>> -> memref<10x32xf32, #tpu.memory_space<vmem>>
      %dma_start3A_1130 = arith.constant 14080 : i32
      %dma_start3A_1131 = tpu.memref_slice %arg6[%dma_start3A_1130] : memref<16384xi32, #tpu.memory_space<vmem>> -> memref<10xi32, #tpu.memory_space<vmem>>
      %dma_start3A_1132 = arith.constant 0 : i32
      %dma_start3A_1133 = arith.constant 0 : i32
      %dma_start3A_1134 = tpu.memref_slice %arg3[%dma_start3A_1132, %dma_start3A_1133] : memref<1000000x32xf32, #tpu.memory_space<hbm>> -> memref<1000000x32xf32, #tpu.memory_space<hbm>>
      tpu.enqueue_indirect_dma source(%dma_start3A_1134 : memref<1000000x32xf32, #tpu.memory_space<hbm>>) target(%dma_start3A_1129 : memref<10x32xf32, #tpu.memory_space<vmem>>) offsets(%dma_start3A_1131 : memref<10xi32, #tpu.memory_space<vmem>>) semaphore(%arg10 : memref<!tpu.dma_semaphore, #tpu.memory_space<semaphore_mem>>)
      %dma_start3A_1135 = arith.constant 111 : i32
      %dma_start3A_1136 = arith.constant 0 : i32
      %dma_start3A_1137 = arith.constant 0 : i32
      %dma_start3A_1138 = tpu.memref_slice %arg7[%dma_start3A_1135, %dma_start3A_1136, %dma_start3A_1137] : memref<128x10x32xf32, #tpu.memory_space<vmem>> -> memref<1x10x32xf32, #tpu.memory_space<vmem>>
      %dma_start3A_1139 = tpu.memref_squeeze %dma_start3A_1138 : memref<1x10x32xf32, #tpu.memory_space<vmem>> -> memref<10x32xf32, #tpu.memory_space<vmem>>
      %dma_start3A_1140 = arith.constant 14208 : i32
      %dma_start3A_1141 = tpu.memref_slice %arg6[%dma_start3A_1140] : memref<16384xi32, #tpu.memory_space<vmem>> -> memref<10xi32, #tpu.memory_space<vmem>>
      %dma_start3A_1142 = arith.constant 0 : i32
      %dma_start3A_1143 = arith.constant 0 : i32
      %dma_start3A_1144 = tpu.memref_slice %arg3[%dma_start3A_1142, %dma_start3A_1143] : memref<1000000x32xf32, #tpu.memory_space<hbm>> -> memref<1000000x32xf32, #tpu.memory_space<hbm>>
      tpu.enqueue_indirect_dma source(%dma_start3A_1144 : memref<1000000x32xf32, #tpu.memory_space<hbm>>) target(%dma_start3A_1139 : memref<10x32xf32, #tpu.memory_space<vmem>>) offsets(%dma_start3A_1141 : memref<10xi32, #tpu.memory_space<vmem>>) semaphore(%arg10 : memref<!tpu.dma_semaphore, #tpu.memory_space<semaphore_mem>>)
      %dma_start3A_1145 = arith.constant 112 : i32
      %dma_start3A_1146 = arith.constant 0 : i32
      %dma_start3A_1147 = arith.constant 0 : i32
      %dma_start3A_1148 = tpu.memref_slice %arg7[%dma_start3A_1145, %dma_start3A_1146, %dma_start3A_1147] : memref<128x10x32xf32, #tpu.memory_space<vmem>> -> memref<1x10x32xf32, #tpu.memory_space<vmem>>
      %dma_start3A_1149 = tpu.memref_squeeze %dma_start3A_1148 : memref<1x10x32xf32, #tpu.memory_space<vmem>> -> memref<10x32xf32, #tpu.memory_space<vmem>>
      %dma_start3A_1150 = arith.constant 14336 : i32
      %dma_start3A_1151 = tpu.memref_slice %arg6[%dma_start3A_1150] : memref<16384xi32, #tpu.memory_space<vmem>> -> memref<10xi32, #tpu.memory_space<vmem>>
      %dma_start3A_1152 = arith.constant 0 : i32
      %dma_start3A_1153 = arith.constant 0 : i32
      %dma_start3A_1154 = tpu.memref_slice %arg3[%dma_start3A_1152, %dma_start3A_1153] : memref<1000000x32xf32, #tpu.memory_space<hbm>> -> memref<1000000x32xf32, #tpu.memory_space<hbm>>
      tpu.enqueue_indirect_dma source(%dma_start3A_1154 : memref<1000000x32xf32, #tpu.memory_space<hbm>>) target(%dma_start3A_1149 : memref<10x32xf32, #tpu.memory_space<vmem>>) offsets(%dma_start3A_1151 : memref<10xi32, #tpu.memory_space<vmem>>) semaphore(%arg10 : memref<!tpu.dma_semaphore, #tpu.memory_space<semaphore_mem>>)
      %dma_start3A_1155 = arith.constant 113 : i32
      %dma_start3A_1156 = arith.constant 0 : i32
      %dma_start3A_1157 = arith.constant 0 : i32
      %dma_start3A_1158 = tpu.memref_slice %arg7[%dma_start3A_1155, %dma_start3A_1156, %dma_start3A_1157] : memref<128x10x32xf32, #tpu.memory_space<vmem>> -> memref<1x10x32xf32, #tpu.memory_space<vmem>>
      %dma_start3A_1159 = tpu.memref_squeeze %dma_start3A_1158 : memref<1x10x32xf32, #tpu.memory_space<vmem>> -> memref<10x32xf32, #tpu.memory_space<vmem>>
      %dma_start3A_1160 = arith.constant 14464 : i32
      %dma_start3A_1161 = tpu.memref_slice %arg6[%dma_start3A_1160] : memref<16384xi32, #tpu.memory_space<vmem>> -> memref<10xi32, #tpu.memory_space<vmem>>
      %dma_start3A_1162 = arith.constant 0 : i32
      %dma_start3A_1163 = arith.constant 0 : i32
      %dma_start3A_1164 = tpu.memref_slice %arg3[%dma_start3A_1162, %dma_start3A_1163] : memref<1000000x32xf32, #tpu.memory_space<hbm>> -> memref<1000000x32xf32, #tpu.memory_space<hbm>>
      tpu.enqueue_indirect_dma source(%dma_start3A_1164 : memref<1000000x32xf32, #tpu.memory_space<hbm>>) target(%dma_start3A_1159 : memref<10x32xf32, #tpu.memory_space<vmem>>) offsets(%dma_start3A_1161 : memref<10xi32, #tpu.memory_space<vmem>>) semaphore(%arg10 : memref<!tpu.dma_semaphore, #tpu.memory_space<semaphore_mem>>)
      %dma_start3A_1165 = arith.constant 114 : i32
      %dma_start3A_1166 = arith.constant 0 : i32
      %dma_start3A_1167 = arith.constant 0 : i32
      %dma_start3A_1168 = tpu.memref_slice %arg7[%dma_start3A_1165, %dma_start3A_1166, %dma_start3A_1167] : memref<128x10x32xf32, #tpu.memory_space<vmem>> -> memref<1x10x32xf32, #tpu.memory_space<vmem>>
      %dma_start3A_1169 = tpu.memref_squeeze %dma_start3A_1168 : memref<1x10x32xf32, #tpu.memory_space<vmem>> -> memref<10x32xf32, #tpu.memory_space<vmem>>
      %dma_start3A_1170 = arith.constant 14592 : i32
      %dma_start3A_1171 = tpu.memref_slice %arg6[%dma_start3A_1170] : memref<16384xi32, #tpu.memory_space<vmem>> -> memref<10xi32, #tpu.memory_space<vmem>>
      %dma_start3A_1172 = arith.constant 0 : i32
      %dma_start3A_1173 = arith.constant 0 : i32
      %dma_start3A_1174 = tpu.memref_slice %arg3[%dma_start3A_1172, %dma_start3A_1173] : memref<1000000x32xf32, #tpu.memory_space<hbm>> -> memref<1000000x32xf32, #tpu.memory_space<hbm>>
      tpu.enqueue_indirect_dma source(%dma_start3A_1174 : memref<1000000x32xf32, #tpu.memory_space<hbm>>) target(%dma_start3A_1169 : memref<10x32xf32, #tpu.memory_space<vmem>>) offsets(%dma_start3A_1171 : memref<10xi32, #tpu.memory_space<vmem>>) semaphore(%arg10 : memref<!tpu.dma_semaphore, #tpu.memory_space<semaphore_mem>>)
      %dma_start3A_1175 = arith.constant 115 : i32
      %dma_start3A_1176 = arith.constant 0 : i32
      %dma_start3A_1177 = arith.constant 0 : i32
      %dma_start3A_1178 = tpu.memref_slice %arg7[%dma_start3A_1175, %dma_start3A_1176, %dma_start3A_1177] : memref<128x10x32xf32, #tpu.memory_space<vmem>> -> memref<1x10x32xf32, #tpu.memory_space<vmem>>
      %dma_start3A_1179 = tpu.memref_squeeze %dma_start3A_1178 : memref<1x10x32xf32, #tpu.memory_space<vmem>> -> memref<10x32xf32, #tpu.memory_space<vmem>>
      %dma_start3A_1180 = arith.constant 14720 : i32
      %dma_start3A_1181 = tpu.memref_slice %arg6[%dma_start3A_1180] : memref<16384xi32, #tpu.memory_space<vmem>> -> memref<10xi32, #tpu.memory_space<vmem>>
      %dma_start3A_1182 = arith.constant 0 : i32
      %dma_start3A_1183 = arith.constant 0 : i32
      %dma_start3A_1184 = tpu.memref_slice %arg3[%dma_start3A_1182, %dma_start3A_1183] : memref<1000000x32xf32, #tpu.memory_space<hbm>> -> memref<1000000x32xf32, #tpu.memory_space<hbm>>
      tpu.enqueue_indirect_dma source(%dma_start3A_1184 : memref<1000000x32xf32, #tpu.memory_space<hbm>>) target(%dma_start3A_1179 : memref<10x32xf32, #tpu.memory_space<vmem>>) offsets(%dma_start3A_1181 : memref<10xi32, #tpu.memory_space<vmem>>) semaphore(%arg10 : memref<!tpu.dma_semaphore, #tpu.memory_space<semaphore_mem>>)
      %dma_start3A_1185 = arith.constant 116 : i32
      %dma_start3A_1186 = arith.constant 0 : i32
      %dma_start3A_1187 = arith.constant 0 : i32
      %dma_start3A_1188 = tpu.memref_slice %arg7[%dma_start3A_1185, %dma_start3A_1186, %dma_start3A_1187] : memref<128x10x32xf32, #tpu.memory_space<vmem>> -> memref<1x10x32xf32, #tpu.memory_space<vmem>>
      %dma_start3A_1189 = tpu.memref_squeeze %dma_start3A_1188 : memref<1x10x32xf32, #tpu.memory_space<vmem>> -> memref<10x32xf32, #tpu.memory_space<vmem>>
      %dma_start3A_1190 = arith.constant 14848 : i32
      %dma_start3A_1191 = tpu.memref_slice %arg6[%dma_start3A_1190] : memref<16384xi32, #tpu.memory_space<vmem>> -> memref<10xi32, #tpu.memory_space<vmem>>
      %dma_start3A_1192 = arith.constant 0 : i32
      %dma_start3A_1193 = arith.constant 0 : i32
      %dma_start3A_1194 = tpu.memref_slice %arg3[%dma_start3A_1192, %dma_start3A_1193] : memref<1000000x32xf32, #tpu.memory_space<hbm>> -> memref<1000000x32xf32, #tpu.memory_space<hbm>>
      tpu.enqueue_indirect_dma source(%dma_start3A_1194 : memref<1000000x32xf32, #tpu.memory_space<hbm>>) target(%dma_start3A_1189 : memref<10x32xf32, #tpu.memory_space<vmem>>) offsets(%dma_start3A_1191 : memref<10xi32, #tpu.memory_space<vmem>>) semaphore(%arg10 : memref<!tpu.dma_semaphore, #tpu.memory_space<semaphore_mem>>)
      %dma_start3A_1195 = arith.constant 117 : i32
      %dma_start3A_1196 = arith.constant 0 : i32
      %dma_start3A_1197 = arith.constant 0 : i32
      %dma_start3A_1198 = tpu.memref_slice %arg7[%dma_start3A_1195, %dma_start3A_1196, %dma_start3A_1197] : memref<128x10x32xf32, #tpu.memory_space<vmem>> -> memref<1x10x32xf32, #tpu.memory_space<vmem>>
      %dma_start3A_1199 = tpu.memref_squeeze %dma_start3A_1198 : memref<1x10x32xf32, #tpu.memory_space<vmem>> -> memref<10x32xf32, #tpu.memory_space<vmem>>
      %dma_start3A_1200 = arith.constant 14976 : i32
      %dma_start3A_1201 = tpu.memref_slice %arg6[%dma_start3A_1200] : memref<16384xi32, #tpu.memory_space<vmem>> -> memref<10xi32, #tpu.memory_space<vmem>>
      %dma_start3A_1202 = arith.constant 0 : i32
      %dma_start3A_1203 = arith.constant 0 : i32
      %dma_start3A_1204 = tpu.memref_slice %arg3[%dma_start3A_1202, %dma_start3A_1203] : memref<1000000x32xf32, #tpu.memory_space<hbm>> -> memref<1000000x32xf32, #tpu.memory_space<hbm>>
      tpu.enqueue_indirect_dma source(%dma_start3A_1204 : memref<1000000x32xf32, #tpu.memory_space<hbm>>) target(%dma_start3A_1199 : memref<10x32xf32, #tpu.memory_space<vmem>>) offsets(%dma_start3A_1201 : memref<10xi32, #tpu.memory_space<vmem>>) semaphore(%arg10 : memref<!tpu.dma_semaphore, #tpu.memory_space<semaphore_mem>>)
      %dma_start3A_1205 = arith.constant 118 : i32
      %dma_start3A_1206 = arith.constant 0 : i32
      %dma_start3A_1207 = arith.constant 0 : i32
      %dma_start3A_1208 = tpu.memref_slice %arg7[%dma_start3A_1205, %dma_start3A_1206, %dma_start3A_1207] : memref<128x10x32xf32, #tpu.memory_space<vmem>> -> memref<1x10x32xf32, #tpu.memory_space<vmem>>
      %dma_start3A_1209 = tpu.memref_squeeze %dma_start3A_1208 : memref<1x10x32xf32, #tpu.memory_space<vmem>> -> memref<10x32xf32, #tpu.memory_space<vmem>>
      %dma_start3A_1210 = arith.constant 15104 : i32
      %dma_start3A_1211 = tpu.memref_slice %arg6[%dma_start3A_1210] : memref<16384xi32, #tpu.memory_space<vmem>> -> memref<10xi32, #tpu.memory_space<vmem>>
      %dma_start3A_1212 = arith.constant 0 : i32
      %dma_start3A_1213 = arith.constant 0 : i32
      %dma_start3A_1214 = tpu.memref_slice %arg3[%dma_start3A_1212, %dma_start3A_1213] : memref<1000000x32xf32, #tpu.memory_space<hbm>> -> memref<1000000x32xf32, #tpu.memory_space<hbm>>
      tpu.enqueue_indirect_dma source(%dma_start3A_1214 : memref<1000000x32xf32, #tpu.memory_space<hbm>>) target(%dma_start3A_1209 : memref<10x32xf32, #tpu.memory_space<vmem>>) offsets(%dma_start3A_1211 : memref<10xi32, #tpu.memory_space<vmem>>) semaphore(%arg10 : memref<!tpu.dma_semaphore, #tpu.memory_space<semaphore_mem>>)
      %dma_start3A_1215 = arith.constant 119 : i32
      %dma_start3A_1216 = arith.constant 0 : i32
      %dma_start3A_1217 = arith.constant 0 : i32
      %dma_start3A_1218 = tpu.memref_slice %arg7[%dma_start3A_1215, %dma_start3A_1216, %dma_start3A_1217] : memref<128x10x32xf32, #tpu.memory_space<vmem>> -> memref<1x10x32xf32, #tpu.memory_space<vmem>>
      %dma_start3A_1219 = tpu.memref_squeeze %dma_start3A_1218 : memref<1x10x32xf32, #tpu.memory_space<vmem>> -> memref<10x32xf32, #tpu.memory_space<vmem>>
      %dma_start3A_1220 = arith.constant 15232 : i32
      %dma_start3A_1221 = tpu.memref_slice %arg6[%dma_start3A_1220] : memref<16384xi32, #tpu.memory_space<vmem>> -> memref<10xi32, #tpu.memory_space<vmem>>
      %dma_start3A_1222 = arith.constant 0 : i32
      %dma_start3A_1223 = arith.constant 0 : i32
      %dma_start3A_1224 = tpu.memref_slice %arg3[%dma_start3A_1222, %dma_start3A_1223] : memref<1000000x32xf32, #tpu.memory_space<hbm>> -> memref<1000000x32xf32, #tpu.memory_space<hbm>>
      tpu.enqueue_indirect_dma source(%dma_start3A_1224 : memref<1000000x32xf32, #tpu.memory_space<hbm>>) target(%dma_start3A_1219 : memref<10x32xf32, #tpu.memory_space<vmem>>) offsets(%dma_start3A_1221 : memref<10xi32, #tpu.memory_space<vmem>>) semaphore(%arg10 : memref<!tpu.dma_semaphore, #tpu.memory_space<semaphore_mem>>)
      %dma_start3A_1225 = arith.constant 120 : i32
      %dma_start3A_1226 = arith.constant 0 : i32
      %dma_start3A_1227 = arith.constant 0 : i32
      %dma_start3A_1228 = tpu.memref_slice %arg7[%dma_start3A_1225, %dma_start3A_1226, %dma_start3A_1227] : memref<128x10x32xf32, #tpu.memory_space<vmem>> -> memref<1x10x32xf32, #tpu.memory_space<vmem>>
      %dma_start3A_1229 = tpu.memref_squeeze %dma_start3A_1228 : memref<1x10x32xf32, #tpu.memory_space<vmem>> -> memref<10x32xf32, #tpu.memory_space<vmem>>
      %dma_start3A_1230 = arith.constant 15360 : i32
      %dma_start3A_1231 = tpu.memref_slice %arg6[%dma_start3A_1230] : memref<16384xi32, #tpu.memory_space<vmem>> -> memref<10xi32, #tpu.memory_space<vmem>>
      %dma_start3A_1232 = arith.constant 0 : i32
      %dma_start3A_1233 = arith.constant 0 : i32
      %dma_start3A_1234 = tpu.memref_slice %arg3[%dma_start3A_1232, %dma_start3A_1233] : memref<1000000x32xf32, #tpu.memory_space<hbm>> -> memref<1000000x32xf32, #tpu.memory_space<hbm>>
      tpu.enqueue_indirect_dma source(%dma_start3A_1234 : memref<1000000x32xf32, #tpu.memory_space<hbm>>) target(%dma_start3A_1229 : memref<10x32xf32, #tpu.memory_space<vmem>>) offsets(%dma_start3A_1231 : memref<10xi32, #tpu.memory_space<vmem>>) semaphore(%arg10 : memref<!tpu.dma_semaphore, #tpu.memory_space<semaphore_mem>>)
      %dma_start3A_1235 = arith.constant 121 : i32
      %dma_start3A_1236 = arith.constant 0 : i32
      %dma_start3A_1237 = arith.constant 0 : i32
      %dma_start3A_1238 = tpu.memref_slice %arg7[%dma_start3A_1235, %dma_start3A_1236, %dma_start3A_1237] : memref<128x10x32xf32, #tpu.memory_space<vmem>> -> memref<1x10x32xf32, #tpu.memory_space<vmem>>
      %dma_start3A_1239 = tpu.memref_squeeze %dma_start3A_1238 : memref<1x10x32xf32, #tpu.memory_space<vmem>> -> memref<10x32xf32, #tpu.memory_space<vmem>>
      %dma_start3A_1240 = arith.constant 15488 : i32
      %dma_start3A_1241 = tpu.memref_slice %arg6[%dma_start3A_1240] : memref<16384xi32, #tpu.memory_space<vmem>> -> memref<10xi32, #tpu.memory_space<vmem>>
      %dma_start3A_1242 = arith.constant 0 : i32
      %dma_start3A_1243 = arith.constant 0 : i32
      %dma_start3A_1244 = tpu.memref_slice %arg3[%dma_start3A_1242, %dma_start3A_1243] : memref<1000000x32xf32, #tpu.memory_space<hbm>> -> memref<1000000x32xf32, #tpu.memory_space<hbm>>
      tpu.enqueue_indirect_dma source(%dma_start3A_1244 : memref<1000000x32xf32, #tpu.memory_space<hbm>>) target(%dma_start3A_1239 : memref<10x32xf32, #tpu.memory_space<vmem>>) offsets(%dma_start3A_1241 : memref<10xi32, #tpu.memory_space<vmem>>) semaphore(%arg10 : memref<!tpu.dma_semaphore, #tpu.memory_space<semaphore_mem>>)
      %dma_start3A_1245 = arith.constant 122 : i32
      %dma_start3A_1246 = arith.constant 0 : i32
      %dma_start3A_1247 = arith.constant 0 : i32
      %dma_start3A_1248 = tpu.memref_slice %arg7[%dma_start3A_1245, %dma_start3A_1246, %dma_start3A_1247] : memref<128x10x32xf32, #tpu.memory_space<vmem>> -> memref<1x10x32xf32, #tpu.memory_space<vmem>>
      %dma_start3A_1249 = tpu.memref_squeeze %dma_start3A_1248 : memref<1x10x32xf32, #tpu.memory_space<vmem>> -> memref<10x32xf32, #tpu.memory_space<vmem>>
      %dma_start3A_1250 = arith.constant 15616 : i32
      %dma_start3A_1251 = tpu.memref_slice %arg6[%dma_start3A_1250] : memref<16384xi32, #tpu.memory_space<vmem>> -> memref<10xi32, #tpu.memory_space<vmem>>
      %dma_start3A_1252 = arith.constant 0 : i32
      %dma_start3A_1253 = arith.constant 0 : i32
      %dma_start3A_1254 = tpu.memref_slice %arg3[%dma_start3A_1252, %dma_start3A_1253] : memref<1000000x32xf32, #tpu.memory_space<hbm>> -> memref<1000000x32xf32, #tpu.memory_space<hbm>>
      tpu.enqueue_indirect_dma source(%dma_start3A_1254 : memref<1000000x32xf32, #tpu.memory_space<hbm>>) target(%dma_start3A_1249 : memref<10x32xf32, #tpu.memory_space<vmem>>) offsets(%dma_start3A_1251 : memref<10xi32, #tpu.memory_space<vmem>>) semaphore(%arg10 : memref<!tpu.dma_semaphore, #tpu.memory_space<semaphore_mem>>)
      %dma_start3A_1255 = arith.constant 123 : i32
      %dma_start3A_1256 = arith.constant 0 : i32
      %dma_start3A_1257 = arith.constant 0 : i32
      %dma_start3A_1258 = tpu.memref_slice %arg7[%dma_start3A_1255, %dma_start3A_1256, %dma_start3A_1257] : memref<128x10x32xf32, #tpu.memory_space<vmem>> -> memref<1x10x32xf32, #tpu.memory_space<vmem>>
      %dma_start3A_1259 = tpu.memref_squeeze %dma_start3A_1258 : memref<1x10x32xf32, #tpu.memory_space<vmem>> -> memref<10x32xf32, #tpu.memory_space<vmem>>
      %dma_start3A_1260 = arith.constant 15744 : i32
      %dma_start3A_1261 = tpu.memref_slice %arg6[%dma_start3A_1260] : memref<16384xi32, #tpu.memory_space<vmem>> -> memref<10xi32, #tpu.memory_space<vmem>>
      %dma_start3A_1262 = arith.constant 0 : i32
      %dma_start3A_1263 = arith.constant 0 : i32
      %dma_start3A_1264 = tpu.memref_slice %arg3[%dma_start3A_1262, %dma_start3A_1263] : memref<1000000x32xf32, #tpu.memory_space<hbm>> -> memref<1000000x32xf32, #tpu.memory_space<hbm>>
      tpu.enqueue_indirect_dma source(%dma_start3A_1264 : memref<1000000x32xf32, #tpu.memory_space<hbm>>) target(%dma_start3A_1259 : memref<10x32xf32, #tpu.memory_space<vmem>>) offsets(%dma_start3A_1261 : memref<10xi32, #tpu.memory_space<vmem>>) semaphore(%arg10 : memref<!tpu.dma_semaphore, #tpu.memory_space<semaphore_mem>>)
      %dma_start3A_1265 = arith.constant 124 : i32
      %dma_start3A_1266 = arith.constant 0 : i32
      %dma_start3A_1267 = arith.constant 0 : i32
      %dma_start3A_1268 = tpu.memref_slice %arg7[%dma_start3A_1265, %dma_start3A_1266, %dma_start3A_1267] : memref<128x10x32xf32, #tpu.memory_space<vmem>> -> memref<1x10x32xf32, #tpu.memory_space<vmem>>
      %dma_start3A_1269 = tpu.memref_squeeze %dma_start3A_1268 : memref<1x10x32xf32, #tpu.memory_space<vmem>> -> memref<10x32xf32, #tpu.memory_space<vmem>>
      %dma_start3A_1270 = arith.constant 15872 : i32
      %dma_start3A_1271 = tpu.memref_slice %arg6[%dma_start3A_1270] : memref<16384xi32, #tpu.memory_space<vmem>> -> memref<10xi32, #tpu.memory_space<vmem>>
      %dma_start3A_1272 = arith.constant 0 : i32
      %dma_start3A_1273 = arith.constant 0 : i32
      %dma_start3A_1274 = tpu.memref_slice %arg3[%dma_start3A_1272, %dma_start3A_1273] : memref<1000000x32xf32, #tpu.memory_space<hbm>> -> memref<1000000x32xf32, #tpu.memory_space<hbm>>
      tpu.enqueue_indirect_dma source(%dma_start3A_1274 : memref<1000000x32xf32, #tpu.memory_space<hbm>>) target(%dma_start3A_1269 : memref<10x32xf32, #tpu.memory_space<vmem>>) offsets(%dma_start3A_1271 : memref<10xi32, #tpu.memory_space<vmem>>) semaphore(%arg10 : memref<!tpu.dma_semaphore, #tpu.memory_space<semaphore_mem>>)
      %dma_start3A_1275 = arith.constant 125 : i32
      %dma_start3A_1276 = arith.constant 0 : i32
      %dma_start3A_1277 = arith.constant 0 : i32
      %dma_start3A_1278 = tpu.memref_slice %arg7[%dma_start3A_1275, %dma_start3A_1276, %dma_start3A_1277] : memref<128x10x32xf32, #tpu.memory_space<vmem>> -> memref<1x10x32xf32, #tpu.memory_space<vmem>>
      %dma_start3A_1279 = tpu.memref_squeeze %dma_start3A_1278 : memref<1x10x32xf32, #tpu.memory_space<vmem>> -> memref<10x32xf32, #tpu.memory_space<vmem>>
      %dma_start3A_1280 = arith.constant 16000 : i32
      %dma_start3A_1281 = tpu.memref_slice %arg6[%dma_start3A_1280] : memref<16384xi32, #tpu.memory_space<vmem>> -> memref<10xi32, #tpu.memory_space<vmem>>
      %dma_start3A_1282 = arith.constant 0 : i32
      %dma_start3A_1283 = arith.constant 0 : i32
      %dma_start3A_1284 = tpu.memref_slice %arg3[%dma_start3A_1282, %dma_start3A_1283] : memref<1000000x32xf32, #tpu.memory_space<hbm>> -> memref<1000000x32xf32, #tpu.memory_space<hbm>>
      tpu.enqueue_indirect_dma source(%dma_start3A_1284 : memref<1000000x32xf32, #tpu.memory_space<hbm>>) target(%dma_start3A_1279 : memref<10x32xf32, #tpu.memory_space<vmem>>) offsets(%dma_start3A_1281 : memref<10xi32, #tpu.memory_space<vmem>>) semaphore(%arg10 : memref<!tpu.dma_semaphore, #tpu.memory_space<semaphore_mem>>)
      %dma_start3A_1285 = arith.constant 126 : i32
      %dma_start3A_1286 = arith.constant 0 : i32
      %dma_start3A_1287 = arith.constant 0 : i32
      %dma_start3A_1288 = tpu.memref_slice %arg7[%dma_start3A_1285, %dma_start3A_1286, %dma_start3A_1287] : memref<128x10x32xf32, #tpu.memory_space<vmem>> -> memref<1x10x32xf32, #tpu.memory_space<vmem>>
      %dma_start3A_1289 = tpu.memref_squeeze %dma_start3A_1288 : memref<1x10x32xf32, #tpu.memory_space<vmem>> -> memref<10x32xf32, #tpu.memory_space<vmem>>
      %dma_start3A_1290 = arith.constant 16128 : i32
      %dma_start3A_1291 = tpu.memref_slice %arg6[%dma_start3A_1290] : memref<16384xi32, #tpu.memory_space<vmem>> -> memref<10xi32, #tpu.memory_space<vmem>>
      %dma_start3A_1292 = arith.constant 0 : i32
      %dma_start3A_1293 = arith.constant 0 : i32
      %dma_start3A_1294 = tpu.memref_slice %arg3[%dma_start3A_1292, %dma_start3A_1293] : memref<1000000x32xf32, #tpu.memory_space<hbm>> -> memref<1000000x32xf32, #tpu.memory_space<hbm>>
      tpu.enqueue_indirect_dma source(%dma_start3A_1294 : memref<1000000x32xf32, #tpu.memory_space<hbm>>) target(%dma_start3A_1289 : memref<10x32xf32, #tpu.memory_space<vmem>>) offsets(%dma_start3A_1291 : memref<10xi32, #tpu.memory_space<vmem>>) semaphore(%arg10 : memref<!tpu.dma_semaphore, #tpu.memory_space<semaphore_mem>>)
      %dma_start3A_1295 = arith.constant 127 : i32
      %dma_start3A_1296 = arith.constant 0 : i32
      %dma_start3A_1297 = arith.constant 0 : i32
      %dma_start3A_1298 = tpu.memref_slice %arg7[%dma_start3A_1295, %dma_start3A_1296, %dma_start3A_1297] : memref<128x10x32xf32, #tpu.memory_space<vmem>> -> memref<1x10x32xf32, #tpu.memory_space<vmem>>
      %dma_start3A_1299 = tpu.memref_squeeze %dma_start3A_1298 : memref<1x10x32xf32, #tpu.memory_space<vmem>> -> memref<10x32xf32, #tpu.memory_space<vmem>>
      %dma_start3A_1300 = arith.constant 16256 : i32
      %dma_start3A_1301 = tpu.memref_slice %arg6[%dma_start3A_1300] : memref<16384xi32, #tpu.memory_space<vmem>> -> memref<10xi32, #tpu.memory_space<vmem>>
      %dma_start3A_1302 = arith.constant 0 : i32
      %dma_start3A_1303 = arith.constant 0 : i32
      %dma_start3A_1304 = tpu.memref_slice %arg3[%dma_start3A_1302, %dma_start3A_1303] : memref<1000000x32xf32, #tpu.memory_space<hbm>> -> memref<1000000x32xf32, #tpu.memory_space<hbm>>
      tpu.enqueue_indirect_dma source(%dma_start3A_1304 : memref<1000000x32xf32, #tpu.memory_space<hbm>>) target(%dma_start3A_1299 : memref<10x32xf32, #tpu.memory_space<vmem>>) offsets(%dma_start3A_1301 : memref<10xi32, #tpu.memory_space<vmem>>) semaphore(%arg10 : memref<!tpu.dma_semaphore, #tpu.memory_space<semaphore_mem>>)
      %dma_wait3A = arith.constant 0 : i32
      %dma_wait3A_1305 = arith.constant 0 : i32
      %dma_wait3A_1306 = arith.constant 0 : i32
      %dma_wait3A_1307 = tpu.memref_slice %arg7[%dma_wait3A, %dma_wait3A_1305, %dma_wait3A_1306] : memref<128x10x32xf32, #tpu.memory_space<vmem>> -> memref<1x10x32xf32, #tpu.memory_space<vmem>>
      %dma_wait3A_1308 = tpu.memref_squeeze %dma_wait3A_1307 : memref<1x10x32xf32, #tpu.memory_space<vmem>> -> memref<10x32xf32, #tpu.memory_space<vmem>>
      %dma_wait3A_1309 = arith.constant 0 : i32
      %dma_wait3A_1310 = tpu.memref_slice %arg6[%dma_wait3A_1309] : memref<16384xi32, #tpu.memory_space<vmem>> -> memref<10xi32, #tpu.memory_space<vmem>>
      %dma_wait3A_1311 = arith.constant 0 : i32
      %dma_wait3A_1312 = arith.constant 0 : i32
      %dma_wait3A_1313 = tpu.memref_slice %arg3[%dma_wait3A_1311, %dma_wait3A_1312] : memref<1000000x32xf32, #tpu.memory_space<hbm>> -> memref<1000000x32xf32, #tpu.memory_space<hbm>>
      tpu.wait_indirect_dma semaphore(%arg10 : memref<!tpu.dma_semaphore, #tpu.memory_space<semaphore_mem>>) src(%dma_wait3A_1313 : memref<1000000x32xf32, #tpu.memory_space<hbm>>) dst(%dma_wait3A_1308 : memref<10x32xf32, #tpu.memory_space<vmem>>)
      %dma_wait3A_1314 = arith.constant 1 : i32
      %dma_wait3A_1315 = arith.constant 0 : i32
      %dma_wait3A_1316 = arith.constant 0 : i32
      %dma_wait3A_1317 = tpu.memref_slice %arg7[%dma_wait3A_1314, %dma_wait3A_1315, %dma_wait3A_1316] : memref<128x10x32xf32, #tpu.memory_space<vmem>> -> memref<1x10x32xf32, #tpu.memory_space<vmem>>
      %dma_wait3A_1318 = tpu.memref_squeeze %dma_wait3A_1317 : memref<1x10x32xf32, #tpu.memory_space<vmem>> -> memref<10x32xf32, #tpu.memory_space<vmem>>
      %dma_wait3A_1319 = arith.constant 128 : i32
      %dma_wait3A_1320 = tpu.memref_slice %arg6[%dma_wait3A_1319] : memref<16384xi32, #tpu.memory_space<vmem>> -> memref<10xi32, #tpu.memory_space<vmem>>
      %dma_wait3A_1321 = arith.constant 0 : i32
      %dma_wait3A_1322 = arith.constant 0 : i32
      %dma_wait3A_1323 = tpu.memref_slice %arg3[%dma_wait3A_1321, %dma_wait3A_1322] : memref<1000000x32xf32, #tpu.memory_space<hbm>> -> memref<1000000x32xf32, #tpu.memory_space<hbm>>
      tpu.wait_indirect_dma semaphore(%arg10 : memref<!tpu.dma_semaphore, #tpu.memory_space<semaphore_mem>>) src(%dma_wait3A_1323 : memref<1000000x32xf32, #tpu.memory_space<hbm>>) dst(%dma_wait3A_1318 : memref<10x32xf32, #tpu.memory_space<vmem>>)
      %dma_wait3A_1324 = arith.constant 2 : i32
      %dma_wait3A_1325 = arith.constant 0 : i32
      %dma_wait3A_1326 = arith.constant 0 : i32
      %dma_wait3A_1327 = tpu.memref_slice %arg7[%dma_wait3A_1324, %dma_wait3A_1325, %dma_wait3A_1326] : memref<128x10x32xf32, #tpu.memory_space<vmem>> -> memref<1x10x32xf32, #tpu.memory_space<vmem>>
      %dma_wait3A_1328 = tpu.memref_squeeze %dma_wait3A_1327 : memref<1x10x32xf32, #tpu.memory_space<vmem>> -> memref<10x32xf32, #tpu.memory_space<vmem>>
      %dma_wait3A_1329 = arith.constant 256 : i32
      %dma_wait3A_1330 = tpu.memref_slice %arg6[%dma_wait3A_1329] : memref<16384xi32, #tpu.memory_space<vmem>> -> memref<10xi32, #tpu.memory_space<vmem>>
      %dma_wait3A_1331 = arith.constant 0 : i32
      %dma_wait3A_1332 = arith.constant 0 : i32
      %dma_wait3A_1333 = tpu.memref_slice %arg3[%dma_wait3A_1331, %dma_wait3A_1332] : memref<1000000x32xf32, #tpu.memory_space<hbm>> -> memref<1000000x32xf32, #tpu.memory_space<hbm>>
      tpu.wait_indirect_dma semaphore(%arg10 : memref<!tpu.dma_semaphore, #tpu.memory_space<semaphore_mem>>) src(%dma_wait3A_1333 : memref<1000000x32xf32, #tpu.memory_space<hbm>>) dst(%dma_wait3A_1328 : memref<10x32xf32, #tpu.memory_space<vmem>>)
      %dma_wait3A_1334 = arith.constant 3 : i32
      %dma_wait3A_1335 = arith.constant 0 : i32
      %dma_wait3A_1336 = arith.constant 0 : i32
      %dma_wait3A_1337 = tpu.memref_slice %arg7[%dma_wait3A_1334, %dma_wait3A_1335, %dma_wait3A_1336] : memref<128x10x32xf32, #tpu.memory_space<vmem>> -> memref<1x10x32xf32, #tpu.memory_space<vmem>>
      %dma_wait3A_1338 = tpu.memref_squeeze %dma_wait3A_1337 : memref<1x10x32xf32, #tpu.memory_space<vmem>> -> memref<10x32xf32, #tpu.memory_space<vmem>>
      %dma_wait3A_1339 = arith.constant 384 : i32
      %dma_wait3A_1340 = tpu.memref_slice %arg6[%dma_wait3A_1339] : memref<16384xi32, #tpu.memory_space<vmem>> -> memref<10xi32, #tpu.memory_space<vmem>>
      %dma_wait3A_1341 = arith.constant 0 : i32
      %dma_wait3A_1342 = arith.constant 0 : i32
      %dma_wait3A_1343 = tpu.memref_slice %arg3[%dma_wait3A_1341, %dma_wait3A_1342] : memref<1000000x32xf32, #tpu.memory_space<hbm>> -> memref<1000000x32xf32, #tpu.memory_space<hbm>>
      tpu.wait_indirect_dma semaphore(%arg10 : memref<!tpu.dma_semaphore, #tpu.memory_space<semaphore_mem>>) src(%dma_wait3A_1343 : memref<1000000x32xf32, #tpu.memory_space<hbm>>) dst(%dma_wait3A_1338 : memref<10x32xf32, #tpu.memory_space<vmem>>)
      %dma_wait3A_1344 = arith.constant 4 : i32
      %dma_wait3A_1345 = arith.constant 0 : i32
      %dma_wait3A_1346 = arith.constant 0 : i32
      %dma_wait3A_1347 = tpu.memref_slice %arg7[%dma_wait3A_1344, %dma_wait3A_1345, %dma_wait3A_1346] : memref<128x10x32xf32, #tpu.memory_space<vmem>> -> memref<1x10x32xf32, #tpu.memory_space<vmem>>
      %dma_wait3A_1348 = tpu.memref_squeeze %dma_wait3A_1347 : memref<1x10x32xf32, #tpu.memory_space<vmem>> -> memref<10x32xf32, #tpu.memory_space<vmem>>
      %dma_wait3A_1349 = arith.constant 512 : i32
      %dma_wait3A_1350 = tpu.memref_slice %arg6[%dma_wait3A_1349] : memref<16384xi32, #tpu.memory_space<vmem>> -> memref<10xi32, #tpu.memory_space<vmem>>
      %dma_wait3A_1351 = arith.constant 0 : i32
      %dma_wait3A_1352 = arith.constant 0 : i32
      %dma_wait3A_1353 = tpu.memref_slice %arg3[%dma_wait3A_1351, %dma_wait3A_1352] : memref<1000000x32xf32, #tpu.memory_space<hbm>> -> memref<1000000x32xf32, #tpu.memory_space<hbm>>
      tpu.wait_indirect_dma semaphore(%arg10 : memref<!tpu.dma_semaphore, #tpu.memory_space<semaphore_mem>>) src(%dma_wait3A_1353 : memref<1000000x32xf32, #tpu.memory_space<hbm>>) dst(%dma_wait3A_1348 : memref<10x32xf32, #tpu.memory_space<vmem>>)
      %dma_wait3A_1354 = arith.constant 5 : i32
      %dma_wait3A_1355 = arith.constant 0 : i32
      %dma_wait3A_1356 = arith.constant 0 : i32
      %dma_wait3A_1357 = tpu.memref_slice %arg7[%dma_wait3A_1354, %dma_wait3A_1355, %dma_wait3A_1356] : memref<128x10x32xf32, #tpu.memory_space<vmem>> -> memref<1x10x32xf32, #tpu.memory_space<vmem>>
      %dma_wait3A_1358 = tpu.memref_squeeze %dma_wait3A_1357 : memref<1x10x32xf32, #tpu.memory_space<vmem>> -> memref<10x32xf32, #tpu.memory_space<vmem>>
      %dma_wait3A_1359 = arith.constant 640 : i32
      %dma_wait3A_1360 = tpu.memref_slice %arg6[%dma_wait3A_1359] : memref<16384xi32, #tpu.memory_space<vmem>> -> memref<10xi32, #tpu.memory_space<vmem>>
      %dma_wait3A_1361 = arith.constant 0 : i32
      %dma_wait3A_1362 = arith.constant 0 : i32
      %dma_wait3A_1363 = tpu.memref_slice %arg3[%dma_wait3A_1361, %dma_wait3A_1362] : memref<1000000x32xf32, #tpu.memory_space<hbm>> -> memref<1000000x32xf32, #tpu.memory_space<hbm>>
      tpu.wait_indirect_dma semaphore(%arg10 : memref<!tpu.dma_semaphore, #tpu.memory_space<semaphore_mem>>) src(%dma_wait3A_1363 : memref<1000000x32xf32, #tpu.memory_space<hbm>>) dst(%dma_wait3A_1358 : memref<10x32xf32, #tpu.memory_space<vmem>>)
      %dma_wait3A_1364 = arith.constant 6 : i32
      %dma_wait3A_1365 = arith.constant 0 : i32
      %dma_wait3A_1366 = arith.constant 0 : i32
      %dma_wait3A_1367 = tpu.memref_slice %arg7[%dma_wait3A_1364, %dma_wait3A_1365, %dma_wait3A_1366] : memref<128x10x32xf32, #tpu.memory_space<vmem>> -> memref<1x10x32xf32, #tpu.memory_space<vmem>>
      %dma_wait3A_1368 = tpu.memref_squeeze %dma_wait3A_1367 : memref<1x10x32xf32, #tpu.memory_space<vmem>> -> memref<10x32xf32, #tpu.memory_space<vmem>>
      %dma_wait3A_1369 = arith.constant 768 : i32
      %dma_wait3A_1370 = tpu.memref_slice %arg6[%dma_wait3A_1369] : memref<16384xi32, #tpu.memory_space<vmem>> -> memref<10xi32, #tpu.memory_space<vmem>>
      %dma_wait3A_1371 = arith.constant 0 : i32
      %dma_wait3A_1372 = arith.constant 0 : i32
      %dma_wait3A_1373 = tpu.memref_slice %arg3[%dma_wait3A_1371, %dma_wait3A_1372] : memref<1000000x32xf32, #tpu.memory_space<hbm>> -> memref<1000000x32xf32, #tpu.memory_space<hbm>>
      tpu.wait_indirect_dma semaphore(%arg10 : memref<!tpu.dma_semaphore, #tpu.memory_space<semaphore_mem>>) src(%dma_wait3A_1373 : memref<1000000x32xf32, #tpu.memory_space<hbm>>) dst(%dma_wait3A_1368 : memref<10x32xf32, #tpu.memory_space<vmem>>)
      %dma_wait3A_1374 = arith.constant 7 : i32
      %dma_wait3A_1375 = arith.constant 0 : i32
      %dma_wait3A_1376 = arith.constant 0 : i32
      %dma_wait3A_1377 = tpu.memref_slice %arg7[%dma_wait3A_1374, %dma_wait3A_1375, %dma_wait3A_1376] : memref<128x10x32xf32, #tpu.memory_space<vmem>> -> memref<1x10x32xf32, #tpu.memory_space<vmem>>
      %dma_wait3A_1378 = tpu.memref_squeeze %dma_wait3A_1377 : memref<1x10x32xf32, #tpu.memory_space<vmem>> -> memref<10x32xf32, #tpu.memory_space<vmem>>
      %dma_wait3A_1379 = arith.constant 896 : i32
      %dma_wait3A_1380 = tpu.memref_slice %arg6[%dma_wait3A_1379] : memref<16384xi32, #tpu.memory_space<vmem>> -> memref<10xi32, #tpu.memory_space<vmem>>
      %dma_wait3A_1381 = arith.constant 0 : i32
      %dma_wait3A_1382 = arith.constant 0 : i32
      %dma_wait3A_1383 = tpu.memref_slice %arg3[%dma_wait3A_1381, %dma_wait3A_1382] : memref<1000000x32xf32, #tpu.memory_space<hbm>> -> memref<1000000x32xf32, #tpu.memory_space<hbm>>
      tpu.wait_indirect_dma semaphore(%arg10 : memref<!tpu.dma_semaphore, #tpu.memory_space<semaphore_mem>>) src(%dma_wait3A_1383 : memref<1000000x32xf32, #tpu.memory_space<hbm>>) dst(%dma_wait3A_1378 : memref<10x32xf32, #tpu.memory_space<vmem>>)
      %dma_wait3A_1384 = arith.constant 8 : i32
      %dma_wait3A_1385 = arith.constant 0 : i32
      %dma_wait3A_1386 = arith.constant 0 : i32
      %dma_wait3A_1387 = tpu.memref_slice %arg7[%dma_wait3A_1384, %dma_wait3A_1385, %dma_wait3A_1386] : memref<128x10x32xf32, #tpu.memory_space<vmem>> -> memref<1x10x32xf32, #tpu.memory_space<vmem>>
      %dma_wait3A_1388 = tpu.memref_squeeze %dma_wait3A_1387 : memref<1x10x32xf32, #tpu.memory_space<vmem>> -> memref<10x32xf32, #tpu.memory_space<vmem>>
      %dma_wait3A_1389 = arith.constant 1024 : i32
      %dma_wait3A_1390 = tpu.memref_slice %arg6[%dma_wait3A_1389] : memref<16384xi32, #tpu.memory_space<vmem>> -> memref<10xi32, #tpu.memory_space<vmem>>
      %dma_wait3A_1391 = arith.constant 0 : i32
      %dma_wait3A_1392 = arith.constant 0 : i32
      %dma_wait3A_1393 = tpu.memref_slice %arg3[%dma_wait3A_1391, %dma_wait3A_1392] : memref<1000000x32xf32, #tpu.memory_space<hbm>> -> memref<1000000x32xf32, #tpu.memory_space<hbm>>
      tpu.wait_indirect_dma semaphore(%arg10 : memref<!tpu.dma_semaphore, #tpu.memory_space<semaphore_mem>>) src(%dma_wait3A_1393 : memref<1000000x32xf32, #tpu.memory_space<hbm>>) dst(%dma_wait3A_1388 : memref<10x32xf32, #tpu.memory_space<vmem>>)
      %dma_wait3A_1394 = arith.constant 9 : i32
      %dma_wait3A_1395 = arith.constant 0 : i32
      %dma_wait3A_1396 = arith.constant 0 : i32
      %dma_wait3A_1397 = tpu.memref_slice %arg7[%dma_wait3A_1394, %dma_wait3A_1395, %dma_wait3A_1396] : memref<128x10x32xf32, #tpu.memory_space<vmem>> -> memref<1x10x32xf32, #tpu.memory_space<vmem>>
      %dma_wait3A_1398 = tpu.memref_squeeze %dma_wait3A_1397 : memref<1x10x32xf32, #tpu.memory_space<vmem>> -> memref<10x32xf32, #tpu.memory_space<vmem>>
      %dma_wait3A_1399 = arith.constant 1152 : i32
      %dma_wait3A_1400 = tpu.memref_slice %arg6[%dma_wait3A_1399] : memref<16384xi32, #tpu.memory_space<vmem>> -> memref<10xi32, #tpu.memory_space<vmem>>
      %dma_wait3A_1401 = arith.constant 0 : i32
      %dma_wait3A_1402 = arith.constant 0 : i32
      %dma_wait3A_1403 = tpu.memref_slice %arg3[%dma_wait3A_1401, %dma_wait3A_1402] : memref<1000000x32xf32, #tpu.memory_space<hbm>> -> memref<1000000x32xf32, #tpu.memory_space<hbm>>
      tpu.wait_indirect_dma semaphore(%arg10 : memref<!tpu.dma_semaphore, #tpu.memory_space<semaphore_mem>>) src(%dma_wait3A_1403 : memref<1000000x32xf32, #tpu.memory_space<hbm>>) dst(%dma_wait3A_1398 : memref<10x32xf32, #tpu.memory_space<vmem>>)
      %dma_wait3A_1404 = arith.constant 10 : i32
      %dma_wait3A_1405 = arith.constant 0 : i32
      %dma_wait3A_1406 = arith.constant 0 : i32
      %dma_wait3A_1407 = tpu.memref_slice %arg7[%dma_wait3A_1404, %dma_wait3A_1405, %dma_wait3A_1406] : memref<128x10x32xf32, #tpu.memory_space<vmem>> -> memref<1x10x32xf32, #tpu.memory_space<vmem>>
      %dma_wait3A_1408 = tpu.memref_squeeze %dma_wait3A_1407 : memref<1x10x32xf32, #tpu.memory_space<vmem>> -> memref<10x32xf32, #tpu.memory_space<vmem>>
      %dma_wait3A_1409 = arith.constant 1280 : i32
      %dma_wait3A_1410 = tpu.memref_slice %arg6[%dma_wait3A_1409] : memref<16384xi32, #tpu.memory_space<vmem>> -> memref<10xi32, #tpu.memory_space<vmem>>
      %dma_wait3A_1411 = arith.constant 0 : i32
      %dma_wait3A_1412 = arith.constant 0 : i32
      %dma_wait3A_1413 = tpu.memref_slice %arg3[%dma_wait3A_1411, %dma_wait3A_1412] : memref<1000000x32xf32, #tpu.memory_space<hbm>> -> memref<1000000x32xf32, #tpu.memory_space<hbm>>
      tpu.wait_indirect_dma semaphore(%arg10 : memref<!tpu.dma_semaphore, #tpu.memory_space<semaphore_mem>>) src(%dma_wait3A_1413 : memref<1000000x32xf32, #tpu.memory_space<hbm>>) dst(%dma_wait3A_1408 : memref<10x32xf32, #tpu.memory_space<vmem>>)
      %dma_wait3A_1414 = arith.constant 11 : i32
      %dma_wait3A_1415 = arith.constant 0 : i32
      %dma_wait3A_1416 = arith.constant 0 : i32
      %dma_wait3A_1417 = tpu.memref_slice %arg7[%dma_wait3A_1414, %dma_wait3A_1415, %dma_wait3A_1416] : memref<128x10x32xf32, #tpu.memory_space<vmem>> -> memref<1x10x32xf32, #tpu.memory_space<vmem>>
      %dma_wait3A_1418 = tpu.memref_squeeze %dma_wait3A_1417 : memref<1x10x32xf32, #tpu.memory_space<vmem>> -> memref<10x32xf32, #tpu.memory_space<vmem>>
      %dma_wait3A_1419 = arith.constant 1408 : i32
      %dma_wait3A_1420 = tpu.memref_slice %arg6[%dma_wait3A_1419] : memref<16384xi32, #tpu.memory_space<vmem>> -> memref<10xi32, #tpu.memory_space<vmem>>
      %dma_wait3A_1421 = arith.constant 0 : i32
      %dma_wait3A_1422 = arith.constant 0 : i32
      %dma_wait3A_1423 = tpu.memref_slice %arg3[%dma_wait3A_1421, %dma_wait3A_1422] : memref<1000000x32xf32, #tpu.memory_space<hbm>> -> memref<1000000x32xf32, #tpu.memory_space<hbm>>
      tpu.wait_indirect_dma semaphore(%arg10 : memref<!tpu.dma_semaphore, #tpu.memory_space<semaphore_mem>>) src(%dma_wait3A_1423 : memref<1000000x32xf32, #tpu.memory_space<hbm>>) dst(%dma_wait3A_1418 : memref<10x32xf32, #tpu.memory_space<vmem>>)
      %dma_wait3A_1424 = arith.constant 12 : i32
      %dma_wait3A_1425 = arith.constant 0 : i32
      %dma_wait3A_1426 = arith.constant 0 : i32
      %dma_wait3A_1427 = tpu.memref_slice %arg7[%dma_wait3A_1424, %dma_wait3A_1425, %dma_wait3A_1426] : memref<128x10x32xf32, #tpu.memory_space<vmem>> -> memref<1x10x32xf32, #tpu.memory_space<vmem>>
      %dma_wait3A_1428 = tpu.memref_squeeze %dma_wait3A_1427 : memref<1x10x32xf32, #tpu.memory_space<vmem>> -> memref<10x32xf32, #tpu.memory_space<vmem>>
      %dma_wait3A_1429 = arith.constant 1536 : i32
      %dma_wait3A_1430 = tpu.memref_slice %arg6[%dma_wait3A_1429] : memref<16384xi32, #tpu.memory_space<vmem>> -> memref<10xi32, #tpu.memory_space<vmem>>
      %dma_wait3A_1431 = arith.constant 0 : i32
      %dma_wait3A_1432 = arith.constant 0 : i32
      %dma_wait3A_1433 = tpu.memref_slice %arg3[%dma_wait3A_1431, %dma_wait3A_1432] : memref<1000000x32xf32, #tpu.memory_space<hbm>> -> memref<1000000x32xf32, #tpu.memory_space<hbm>>
      tpu.wait_indirect_dma semaphore(%arg10 : memref<!tpu.dma_semaphore, #tpu.memory_space<semaphore_mem>>) src(%dma_wait3A_1433 : memref<1000000x32xf32, #tpu.memory_space<hbm>>) dst(%dma_wait3A_1428 : memref<10x32xf32, #tpu.memory_space<vmem>>)
      %dma_wait3A_1434 = arith.constant 13 : i32
      %dma_wait3A_1435 = arith.constant 0 : i32
      %dma_wait3A_1436 = arith.constant 0 : i32
      %dma_wait3A_1437 = tpu.memref_slice %arg7[%dma_wait3A_1434, %dma_wait3A_1435, %dma_wait3A_1436] : memref<128x10x32xf32, #tpu.memory_space<vmem>> -> memref<1x10x32xf32, #tpu.memory_space<vmem>>
      %dma_wait3A_1438 = tpu.memref_squeeze %dma_wait3A_1437 : memref<1x10x32xf32, #tpu.memory_space<vmem>> -> memref<10x32xf32, #tpu.memory_space<vmem>>
      %dma_wait3A_1439 = arith.constant 1664 : i32
      %dma_wait3A_1440 = tpu.memref_slice %arg6[%dma_wait3A_1439] : memref<16384xi32, #tpu.memory_space<vmem>> -> memref<10xi32, #tpu.memory_space<vmem>>
      %dma_wait3A_1441 = arith.constant 0 : i32
      %dma_wait3A_1442 = arith.constant 0 : i32
      %dma_wait3A_1443 = tpu.memref_slice %arg3[%dma_wait3A_1441, %dma_wait3A_1442] : memref<1000000x32xf32, #tpu.memory_space<hbm>> -> memref<1000000x32xf32, #tpu.memory_space<hbm>>
      tpu.wait_indirect_dma semaphore(%arg10 : memref<!tpu.dma_semaphore, #tpu.memory_space<semaphore_mem>>) src(%dma_wait3A_1443 : memref<1000000x32xf32, #tpu.memory_space<hbm>>) dst(%dma_wait3A_1438 : memref<10x32xf32, #tpu.memory_space<vmem>>)
      %dma_wait3A_1444 = arith.constant 14 : i32
      %dma_wait3A_1445 = arith.constant 0 : i32
      %dma_wait3A_1446 = arith.constant 0 : i32
      %dma_wait3A_1447 = tpu.memref_slice %arg7[%dma_wait3A_1444, %dma_wait3A_1445, %dma_wait3A_1446] : memref<128x10x32xf32, #tpu.memory_space<vmem>> -> memref<1x10x32xf32, #tpu.memory_space<vmem>>
      %dma_wait3A_1448 = tpu.memref_squeeze %dma_wait3A_1447 : memref<1x10x32xf32, #tpu.memory_space<vmem>> -> memref<10x32xf32, #tpu.memory_space<vmem>>
      %dma_wait3A_1449 = arith.constant 1792 : i32
      %dma_wait3A_1450 = tpu.memref_slice %arg6[%dma_wait3A_1449] : memref<16384xi32, #tpu.memory_space<vmem>> -> memref<10xi32, #tpu.memory_space<vmem>>
      %dma_wait3A_1451 = arith.constant 0 : i32
      %dma_wait3A_1452 = arith.constant 0 : i32
      %dma_wait3A_1453 = tpu.memref_slice %arg3[%dma_wait3A_1451, %dma_wait3A_1452] : memref<1000000x32xf32, #tpu.memory_space<hbm>> -> memref<1000000x32xf32, #tpu.memory_space<hbm>>
      tpu.wait_indirect_dma semaphore(%arg10 : memref<!tpu.dma_semaphore, #tpu.memory_space<semaphore_mem>>) src(%dma_wait3A_1453 : memref<1000000x32xf32, #tpu.memory_space<hbm>>) dst(%dma_wait3A_1448 : memref<10x32xf32, #tpu.memory_space<vmem>>)
      %dma_wait3A_1454 = arith.constant 15 : i32
      %dma_wait3A_1455 = arith.constant 0 : i32
      %dma_wait3A_1456 = arith.constant 0 : i32
      %dma_wait3A_1457 = tpu.memref_slice %arg7[%dma_wait3A_1454, %dma_wait3A_1455, %dma_wait3A_1456] : memref<128x10x32xf32, #tpu.memory_space<vmem>> -> memref<1x10x32xf32, #tpu.memory_space<vmem>>
      %dma_wait3A_1458 = tpu.memref_squeeze %dma_wait3A_1457 : memref<1x10x32xf32, #tpu.memory_space<vmem>> -> memref<10x32xf32, #tpu.memory_space<vmem>>
      %dma_wait3A_1459 = arith.constant 1920 : i32
      %dma_wait3A_1460 = tpu.memref_slice %arg6[%dma_wait3A_1459] : memref<16384xi32, #tpu.memory_space<vmem>> -> memref<10xi32, #tpu.memory_space<vmem>>
      %dma_wait3A_1461 = arith.constant 0 : i32
      %dma_wait3A_1462 = arith.constant 0 : i32
      %dma_wait3A_1463 = tpu.memref_slice %arg3[%dma_wait3A_1461, %dma_wait3A_1462] : memref<1000000x32xf32, #tpu.memory_space<hbm>> -> memref<1000000x32xf32, #tpu.memory_space<hbm>>
      tpu.wait_indirect_dma semaphore(%arg10 : memref<!tpu.dma_semaphore, #tpu.memory_space<semaphore_mem>>) src(%dma_wait3A_1463 : memref<1000000x32xf32, #tpu.memory_space<hbm>>) dst(%dma_wait3A_1458 : memref<10x32xf32, #tpu.memory_space<vmem>>)
      %dma_wait3A_1464 = arith.constant 16 : i32
      %dma_wait3A_1465 = arith.constant 0 : i32
      %dma_wait3A_1466 = arith.constant 0 : i32
      %dma_wait3A_1467 = tpu.memref_slice %arg7[%dma_wait3A_1464, %dma_wait3A_1465, %dma_wait3A_1466] : memref<128x10x32xf32, #tpu.memory_space<vmem>> -> memref<1x10x32xf32, #tpu.memory_space<vmem>>
      %dma_wait3A_1468 = tpu.memref_squeeze %dma_wait3A_1467 : memref<1x10x32xf32, #tpu.memory_space<vmem>> -> memref<10x32xf32, #tpu.memory_space<vmem>>
      %dma_wait3A_1469 = arith.constant 2048 : i32
      %dma_wait3A_1470 = tpu.memref_slice %arg6[%dma_wait3A_1469] : memref<16384xi32, #tpu.memory_space<vmem>> -> memref<10xi32, #tpu.memory_space<vmem>>
      %dma_wait3A_1471 = arith.constant 0 : i32
      %dma_wait3A_1472 = arith.constant 0 : i32
      %dma_wait3A_1473 = tpu.memref_slice %arg3[%dma_wait3A_1471, %dma_wait3A_1472] : memref<1000000x32xf32, #tpu.memory_space<hbm>> -> memref<1000000x32xf32, #tpu.memory_space<hbm>>
      tpu.wait_indirect_dma semaphore(%arg10 : memref<!tpu.dma_semaphore, #tpu.memory_space<semaphore_mem>>) src(%dma_wait3A_1473 : memref<1000000x32xf32, #tpu.memory_space<hbm>>) dst(%dma_wait3A_1468 : memref<10x32xf32, #tpu.memory_space<vmem>>)
      %dma_wait3A_1474 = arith.constant 17 : i32
      %dma_wait3A_1475 = arith.constant 0 : i32
      %dma_wait3A_1476 = arith.constant 0 : i32
      %dma_wait3A_1477 = tpu.memref_slice %arg7[%dma_wait3A_1474, %dma_wait3A_1475, %dma_wait3A_1476] : memref<128x10x32xf32, #tpu.memory_space<vmem>> -> memref<1x10x32xf32, #tpu.memory_space<vmem>>
      %dma_wait3A_1478 = tpu.memref_squeeze %dma_wait3A_1477 : memref<1x10x32xf32, #tpu.memory_space<vmem>> -> memref<10x32xf32, #tpu.memory_space<vmem>>
      %dma_wait3A_1479 = arith.constant 2176 : i32
      %dma_wait3A_1480 = tpu.memref_slice %arg6[%dma_wait3A_1479] : memref<16384xi32, #tpu.memory_space<vmem>> -> memref<10xi32, #tpu.memory_space<vmem>>
      %dma_wait3A_1481 = arith.constant 0 : i32
      %dma_wait3A_1482 = arith.constant 0 : i32
      %dma_wait3A_1483 = tpu.memref_slice %arg3[%dma_wait3A_1481, %dma_wait3A_1482] : memref<1000000x32xf32, #tpu.memory_space<hbm>> -> memref<1000000x32xf32, #tpu.memory_space<hbm>>
      tpu.wait_indirect_dma semaphore(%arg10 : memref<!tpu.dma_semaphore, #tpu.memory_space<semaphore_mem>>) src(%dma_wait3A_1483 : memref<1000000x32xf32, #tpu.memory_space<hbm>>) dst(%dma_wait3A_1478 : memref<10x32xf32, #tpu.memory_space<vmem>>)
      %dma_wait3A_1484 = arith.constant 18 : i32
      %dma_wait3A_1485 = arith.constant 0 : i32
      %dma_wait3A_1486 = arith.constant 0 : i32
      %dma_wait3A_1487 = tpu.memref_slice %arg7[%dma_wait3A_1484, %dma_wait3A_1485, %dma_wait3A_1486] : memref<128x10x32xf32, #tpu.memory_space<vmem>> -> memref<1x10x32xf32, #tpu.memory_space<vmem>>
      %dma_wait3A_1488 = tpu.memref_squeeze %dma_wait3A_1487 : memref<1x10x32xf32, #tpu.memory_space<vmem>> -> memref<10x32xf32, #tpu.memory_space<vmem>>
      %dma_wait3A_1489 = arith.constant 2304 : i32
      %dma_wait3A_1490 = tpu.memref_slice %arg6[%dma_wait3A_1489] : memref<16384xi32, #tpu.memory_space<vmem>> -> memref<10xi32, #tpu.memory_space<vmem>>
      %dma_wait3A_1491 = arith.constant 0 : i32
      %dma_wait3A_1492 = arith.constant 0 : i32
      %dma_wait3A_1493 = tpu.memref_slice %arg3[%dma_wait3A_1491, %dma_wait3A_1492] : memref<1000000x32xf32, #tpu.memory_space<hbm>> -> memref<1000000x32xf32, #tpu.memory_space<hbm>>
      tpu.wait_indirect_dma semaphore(%arg10 : memref<!tpu.dma_semaphore, #tpu.memory_space<semaphore_mem>>) src(%dma_wait3A_1493 : memref<1000000x32xf32, #tpu.memory_space<hbm>>) dst(%dma_wait3A_1488 : memref<10x32xf32, #tpu.memory_space<vmem>>)
      %dma_wait3A_1494 = arith.constant 19 : i32
      %dma_wait3A_1495 = arith.constant 0 : i32
      %dma_wait3A_1496 = arith.constant 0 : i32
      %dma_wait3A_1497 = tpu.memref_slice %arg7[%dma_wait3A_1494, %dma_wait3A_1495, %dma_wait3A_1496] : memref<128x10x32xf32, #tpu.memory_space<vmem>> -> memref<1x10x32xf32, #tpu.memory_space<vmem>>
      %dma_wait3A_1498 = tpu.memref_squeeze %dma_wait3A_1497 : memref<1x10x32xf32, #tpu.memory_space<vmem>> -> memref<10x32xf32, #tpu.memory_space<vmem>>
      %dma_wait3A_1499 = arith.constant 2432 : i32
      %dma_wait3A_1500 = tpu.memref_slice %arg6[%dma_wait3A_1499] : memref<16384xi32, #tpu.memory_space<vmem>> -> memref<10xi32, #tpu.memory_space<vmem>>
      %dma_wait3A_1501 = arith.constant 0 : i32
      %dma_wait3A_1502 = arith.constant 0 : i32
      %dma_wait3A_1503 = tpu.memref_slice %arg3[%dma_wait3A_1501, %dma_wait3A_1502] : memref<1000000x32xf32, #tpu.memory_space<hbm>> -> memref<1000000x32xf32, #tpu.memory_space<hbm>>
      tpu.wait_indirect_dma semaphore(%arg10 : memref<!tpu.dma_semaphore, #tpu.memory_space<semaphore_mem>>) src(%dma_wait3A_1503 : memref<1000000x32xf32, #tpu.memory_space<hbm>>) dst(%dma_wait3A_1498 : memref<10x32xf32, #tpu.memory_space<vmem>>)
      %dma_wait3A_1504 = arith.constant 20 : i32
      %dma_wait3A_1505 = arith.constant 0 : i32
      %dma_wait3A_1506 = arith.constant 0 : i32
      %dma_wait3A_1507 = tpu.memref_slice %arg7[%dma_wait3A_1504, %dma_wait3A_1505, %dma_wait3A_1506] : memref<128x10x32xf32, #tpu.memory_space<vmem>> -> memref<1x10x32xf32, #tpu.memory_space<vmem>>
      %dma_wait3A_1508 = tpu.memref_squeeze %dma_wait3A_1507 : memref<1x10x32xf32, #tpu.memory_space<vmem>> -> memref<10x32xf32, #tpu.memory_space<vmem>>
      %dma_wait3A_1509 = arith.constant 2560 : i32
      %dma_wait3A_1510 = tpu.memref_slice %arg6[%dma_wait3A_1509] : memref<16384xi32, #tpu.memory_space<vmem>> -> memref<10xi32, #tpu.memory_space<vmem>>
      %dma_wait3A_1511 = arith.constant 0 : i32
      %dma_wait3A_1512 = arith.constant 0 : i32
      %dma_wait3A_1513 = tpu.memref_slice %arg3[%dma_wait3A_1511, %dma_wait3A_1512] : memref<1000000x32xf32, #tpu.memory_space<hbm>> -> memref<1000000x32xf32, #tpu.memory_space<hbm>>
      tpu.wait_indirect_dma semaphore(%arg10 : memref<!tpu.dma_semaphore, #tpu.memory_space<semaphore_mem>>) src(%dma_wait3A_1513 : memref<1000000x32xf32, #tpu.memory_space<hbm>>) dst(%dma_wait3A_1508 : memref<10x32xf32, #tpu.memory_space<vmem>>)
      %dma_wait3A_1514 = arith.constant 21 : i32
      %dma_wait3A_1515 = arith.constant 0 : i32
      %dma_wait3A_1516 = arith.constant 0 : i32
      %dma_wait3A_1517 = tpu.memref_slice %arg7[%dma_wait3A_1514, %dma_wait3A_1515, %dma_wait3A_1516] : memref<128x10x32xf32, #tpu.memory_space<vmem>> -> memref<1x10x32xf32, #tpu.memory_space<vmem>>
      %dma_wait3A_1518 = tpu.memref_squeeze %dma_wait3A_1517 : memref<1x10x32xf32, #tpu.memory_space<vmem>> -> memref<10x32xf32, #tpu.memory_space<vmem>>
      %dma_wait3A_1519 = arith.constant 2688 : i32
      %dma_wait3A_1520 = tpu.memref_slice %arg6[%dma_wait3A_1519] : memref<16384xi32, #tpu.memory_space<vmem>> -> memref<10xi32, #tpu.memory_space<vmem>>
      %dma_wait3A_1521 = arith.constant 0 : i32
      %dma_wait3A_1522 = arith.constant 0 : i32
      %dma_wait3A_1523 = tpu.memref_slice %arg3[%dma_wait3A_1521, %dma_wait3A_1522] : memref<1000000x32xf32, #tpu.memory_space<hbm>> -> memref<1000000x32xf32, #tpu.memory_space<hbm>>
      tpu.wait_indirect_dma semaphore(%arg10 : memref<!tpu.dma_semaphore, #tpu.memory_space<semaphore_mem>>) src(%dma_wait3A_1523 : memref<1000000x32xf32, #tpu.memory_space<hbm>>) dst(%dma_wait3A_1518 : memref<10x32xf32, #tpu.memory_space<vmem>>)
      %dma_wait3A_1524 = arith.constant 22 : i32
      %dma_wait3A_1525 = arith.constant 0 : i32
      %dma_wait3A_1526 = arith.constant 0 : i32
      %dma_wait3A_1527 = tpu.memref_slice %arg7[%dma_wait3A_1524, %dma_wait3A_1525, %dma_wait3A_1526] : memref<128x10x32xf32, #tpu.memory_space<vmem>> -> memref<1x10x32xf32, #tpu.memory_space<vmem>>
      %dma_wait3A_1528 = tpu.memref_squeeze %dma_wait3A_1527 : memref<1x10x32xf32, #tpu.memory_space<vmem>> -> memref<10x32xf32, #tpu.memory_space<vmem>>
      %dma_wait3A_1529 = arith.constant 2816 : i32
      %dma_wait3A_1530 = tpu.memref_slice %arg6[%dma_wait3A_1529] : memref<16384xi32, #tpu.memory_space<vmem>> -> memref<10xi32, #tpu.memory_space<vmem>>
      %dma_wait3A_1531 = arith.constant 0 : i32
      %dma_wait3A_1532 = arith.constant 0 : i32
      %dma_wait3A_1533 = tpu.memref_slice %arg3[%dma_wait3A_1531, %dma_wait3A_1532] : memref<1000000x32xf32, #tpu.memory_space<hbm>> -> memref<1000000x32xf32, #tpu.memory_space<hbm>>
      tpu.wait_indirect_dma semaphore(%arg10 : memref<!tpu.dma_semaphore, #tpu.memory_space<semaphore_mem>>) src(%dma_wait3A_1533 : memref<1000000x32xf32, #tpu.memory_space<hbm>>) dst(%dma_wait3A_1528 : memref<10x32xf32, #tpu.memory_space<vmem>>)
      %dma_wait3A_1534 = arith.constant 23 : i32
      %dma_wait3A_1535 = arith.constant 0 : i32
      %dma_wait3A_1536 = arith.constant 0 : i32
      %dma_wait3A_1537 = tpu.memref_slice %arg7[%dma_wait3A_1534, %dma_wait3A_1535, %dma_wait3A_1536] : memref<128x10x32xf32, #tpu.memory_space<vmem>> -> memref<1x10x32xf32, #tpu.memory_space<vmem>>
      %dma_wait3A_1538 = tpu.memref_squeeze %dma_wait3A_1537 : memref<1x10x32xf32, #tpu.memory_space<vmem>> -> memref<10x32xf32, #tpu.memory_space<vmem>>
      %dma_wait3A_1539 = arith.constant 2944 : i32
      %dma_wait3A_1540 = tpu.memref_slice %arg6[%dma_wait3A_1539] : memref<16384xi32, #tpu.memory_space<vmem>> -> memref<10xi32, #tpu.memory_space<vmem>>
      %dma_wait3A_1541 = arith.constant 0 : i32
      %dma_wait3A_1542 = arith.constant 0 : i32
      %dma_wait3A_1543 = tpu.memref_slice %arg3[%dma_wait3A_1541, %dma_wait3A_1542] : memref<1000000x32xf32, #tpu.memory_space<hbm>> -> memref<1000000x32xf32, #tpu.memory_space<hbm>>
      tpu.wait_indirect_dma semaphore(%arg10 : memref<!tpu.dma_semaphore, #tpu.memory_space<semaphore_mem>>) src(%dma_wait3A_1543 : memref<1000000x32xf32, #tpu.memory_space<hbm>>) dst(%dma_wait3A_1538 : memref<10x32xf32, #tpu.memory_space<vmem>>)
      %dma_wait3A_1544 = arith.constant 24 : i32
      %dma_wait3A_1545 = arith.constant 0 : i32
      %dma_wait3A_1546 = arith.constant 0 : i32
      %dma_wait3A_1547 = tpu.memref_slice %arg7[%dma_wait3A_1544, %dma_wait3A_1545, %dma_wait3A_1546] : memref<128x10x32xf32, #tpu.memory_space<vmem>> -> memref<1x10x32xf32, #tpu.memory_space<vmem>>
      %dma_wait3A_1548 = tpu.memref_squeeze %dma_wait3A_1547 : memref<1x10x32xf32, #tpu.memory_space<vmem>> -> memref<10x32xf32, #tpu.memory_space<vmem>>
      %dma_wait3A_1549 = arith.constant 3072 : i32
      %dma_wait3A_1550 = tpu.memref_slice %arg6[%dma_wait3A_1549] : memref<16384xi32, #tpu.memory_space<vmem>> -> memref<10xi32, #tpu.memory_space<vmem>>
      %dma_wait3A_1551 = arith.constant 0 : i32
      %dma_wait3A_1552 = arith.constant 0 : i32
      %dma_wait3A_1553 = tpu.memref_slice %arg3[%dma_wait3A_1551, %dma_wait3A_1552] : memref<1000000x32xf32, #tpu.memory_space<hbm>> -> memref<1000000x32xf32, #tpu.memory_space<hbm>>
      tpu.wait_indirect_dma semaphore(%arg10 : memref<!tpu.dma_semaphore, #tpu.memory_space<semaphore_mem>>) src(%dma_wait3A_1553 : memref<1000000x32xf32, #tpu.memory_space<hbm>>) dst(%dma_wait3A_1548 : memref<10x32xf32, #tpu.memory_space<vmem>>)
      %dma_wait3A_1554 = arith.constant 25 : i32
      %dma_wait3A_1555 = arith.constant 0 : i32
      %dma_wait3A_1556 = arith.constant 0 : i32
      %dma_wait3A_1557 = tpu.memref_slice %arg7[%dma_wait3A_1554, %dma_wait3A_1555, %dma_wait3A_1556] : memref<128x10x32xf32, #tpu.memory_space<vmem>> -> memref<1x10x32xf32, #tpu.memory_space<vmem>>
      %dma_wait3A_1558 = tpu.memref_squeeze %dma_wait3A_1557 : memref<1x10x32xf32, #tpu.memory_space<vmem>> -> memref<10x32xf32, #tpu.memory_space<vmem>>
      %dma_wait3A_1559 = arith.constant 3200 : i32
      %dma_wait3A_1560 = tpu.memref_slice %arg6[%dma_wait3A_1559] : memref<16384xi32, #tpu.memory_space<vmem>> -> memref<10xi32, #tpu.memory_space<vmem>>
      %dma_wait3A_1561 = arith.constant 0 : i32
      %dma_wait3A_1562 = arith.constant 0 : i32
      %dma_wait3A_1563 = tpu.memref_slice %arg3[%dma_wait3A_1561, %dma_wait3A_1562] : memref<1000000x32xf32, #tpu.memory_space<hbm>> -> memref<1000000x32xf32, #tpu.memory_space<hbm>>
      tpu.wait_indirect_dma semaphore(%arg10 : memref<!tpu.dma_semaphore, #tpu.memory_space<semaphore_mem>>) src(%dma_wait3A_1563 : memref<1000000x32xf32, #tpu.memory_space<hbm>>) dst(%dma_wait3A_1558 : memref<10x32xf32, #tpu.memory_space<vmem>>)
      %dma_wait3A_1564 = arith.constant 26 : i32
      %dma_wait3A_1565 = arith.constant 0 : i32
      %dma_wait3A_1566 = arith.constant 0 : i32
      %dma_wait3A_1567 = tpu.memref_slice %arg7[%dma_wait3A_1564, %dma_wait3A_1565, %dma_wait3A_1566] : memref<128x10x32xf32, #tpu.memory_space<vmem>> -> memref<1x10x32xf32, #tpu.memory_space<vmem>>
      %dma_wait3A_1568 = tpu.memref_squeeze %dma_wait3A_1567 : memref<1x10x32xf32, #tpu.memory_space<vmem>> -> memref<10x32xf32, #tpu.memory_space<vmem>>
      %dma_wait3A_1569 = arith.constant 3328 : i32
      %dma_wait3A_1570 = tpu.memref_slice %arg6[%dma_wait3A_1569] : memref<16384xi32, #tpu.memory_space<vmem>> -> memref<10xi32, #tpu.memory_space<vmem>>
      %dma_wait3A_1571 = arith.constant 0 : i32
      %dma_wait3A_1572 = arith.constant 0 : i32
      %dma_wait3A_1573 = tpu.memref_slice %arg3[%dma_wait3A_1571, %dma_wait3A_1572] : memref<1000000x32xf32, #tpu.memory_space<hbm>> -> memref<1000000x32xf32, #tpu.memory_space<hbm>>
      tpu.wait_indirect_dma semaphore(%arg10 : memref<!tpu.dma_semaphore, #tpu.memory_space<semaphore_mem>>) src(%dma_wait3A_1573 : memref<1000000x32xf32, #tpu.memory_space<hbm>>) dst(%dma_wait3A_1568 : memref<10x32xf32, #tpu.memory_space<vmem>>)
      %dma_wait3A_1574 = arith.constant 27 : i32
      %dma_wait3A_1575 = arith.constant 0 : i32
      %dma_wait3A_1576 = arith.constant 0 : i32
      %dma_wait3A_1577 = tpu.memref_slice %arg7[%dma_wait3A_1574, %dma_wait3A_1575, %dma_wait3A_1576] : memref<128x10x32xf32, #tpu.memory_space<vmem>> -> memref<1x10x32xf32, #tpu.memory_space<vmem>>
      %dma_wait3A_1578 = tpu.memref_squeeze %dma_wait3A_1577 : memref<1x10x32xf32, #tpu.memory_space<vmem>> -> memref<10x32xf32, #tpu.memory_space<vmem>>
      %dma_wait3A_1579 = arith.constant 3456 : i32
      %dma_wait3A_1580 = tpu.memref_slice %arg6[%dma_wait3A_1579] : memref<16384xi32, #tpu.memory_space<vmem>> -> memref<10xi32, #tpu.memory_space<vmem>>
      %dma_wait3A_1581 = arith.constant 0 : i32
      %dma_wait3A_1582 = arith.constant 0 : i32
      %dma_wait3A_1583 = tpu.memref_slice %arg3[%dma_wait3A_1581, %dma_wait3A_1582] : memref<1000000x32xf32, #tpu.memory_space<hbm>> -> memref<1000000x32xf32, #tpu.memory_space<hbm>>
      tpu.wait_indirect_dma semaphore(%arg10 : memref<!tpu.dma_semaphore, #tpu.memory_space<semaphore_mem>>) src(%dma_wait3A_1583 : memref<1000000x32xf32, #tpu.memory_space<hbm>>) dst(%dma_wait3A_1578 : memref<10x32xf32, #tpu.memory_space<vmem>>)
      %dma_wait3A_1584 = arith.constant 28 : i32
      %dma_wait3A_1585 = arith.constant 0 : i32
      %dma_wait3A_1586 = arith.constant 0 : i32
      %dma_wait3A_1587 = tpu.memref_slice %arg7[%dma_wait3A_1584, %dma_wait3A_1585, %dma_wait3A_1586] : memref<128x10x32xf32, #tpu.memory_space<vmem>> -> memref<1x10x32xf32, #tpu.memory_space<vmem>>
      %dma_wait3A_1588 = tpu.memref_squeeze %dma_wait3A_1587 : memref<1x10x32xf32, #tpu.memory_space<vmem>> -> memref<10x32xf32, #tpu.memory_space<vmem>>
      %dma_wait3A_1589 = arith.constant 3584 : i32
      %dma_wait3A_1590 = tpu.memref_slice %arg6[%dma_wait3A_1589] : memref<16384xi32, #tpu.memory_space<vmem>> -> memref<10xi32, #tpu.memory_space<vmem>>
      %dma_wait3A_1591 = arith.constant 0 : i32
      %dma_wait3A_1592 = arith.constant 0 : i32
      %dma_wait3A_1593 = tpu.memref_slice %arg3[%dma_wait3A_1591, %dma_wait3A_1592] : memref<1000000x32xf32, #tpu.memory_space<hbm>> -> memref<1000000x32xf32, #tpu.memory_space<hbm>>
      tpu.wait_indirect_dma semaphore(%arg10 : memref<!tpu.dma_semaphore, #tpu.memory_space<semaphore_mem>>) src(%dma_wait3A_1593 : memref<1000000x32xf32, #tpu.memory_space<hbm>>) dst(%dma_wait3A_1588 : memref<10x32xf32, #tpu.memory_space<vmem>>)
      %dma_wait3A_1594 = arith.constant 29 : i32
      %dma_wait3A_1595 = arith.constant 0 : i32
      %dma_wait3A_1596 = arith.constant 0 : i32
      %dma_wait3A_1597 = tpu.memref_slice %arg7[%dma_wait3A_1594, %dma_wait3A_1595, %dma_wait3A_1596] : memref<128x10x32xf32, #tpu.memory_space<vmem>> -> memref<1x10x32xf32, #tpu.memory_space<vmem>>
      %dma_wait3A_1598 = tpu.memref_squeeze %dma_wait3A_1597 : memref<1x10x32xf32, #tpu.memory_space<vmem>> -> memref<10x32xf32, #tpu.memory_space<vmem>>
      %dma_wait3A_1599 = arith.constant 3712 : i32
      %dma_wait3A_1600 = tpu.memref_slice %arg6[%dma_wait3A_1599] : memref<16384xi32, #tpu.memory_space<vmem>> -> memref<10xi32, #tpu.memory_space<vmem>>
      %dma_wait3A_1601 = arith.constant 0 : i32
      %dma_wait3A_1602 = arith.constant 0 : i32
      %dma_wait3A_1603 = tpu.memref_slice %arg3[%dma_wait3A_1601, %dma_wait3A_1602] : memref<1000000x32xf32, #tpu.memory_space<hbm>> -> memref<1000000x32xf32, #tpu.memory_space<hbm>>
      tpu.wait_indirect_dma semaphore(%arg10 : memref<!tpu.dma_semaphore, #tpu.memory_space<semaphore_mem>>) src(%dma_wait3A_1603 : memref<1000000x32xf32, #tpu.memory_space<hbm>>) dst(%dma_wait3A_1598 : memref<10x32xf32, #tpu.memory_space<vmem>>)
      %dma_wait3A_1604 = arith.constant 30 : i32
      %dma_wait3A_1605 = arith.constant 0 : i32
      %dma_wait3A_1606 = arith.constant 0 : i32
      %dma_wait3A_1607 = tpu.memref_slice %arg7[%dma_wait3A_1604, %dma_wait3A_1605, %dma_wait3A_1606] : memref<128x10x32xf32, #tpu.memory_space<vmem>> -> memref<1x10x32xf32, #tpu.memory_space<vmem>>
      %dma_wait3A_1608 = tpu.memref_squeeze %dma_wait3A_1607 : memref<1x10x32xf32, #tpu.memory_space<vmem>> -> memref<10x32xf32, #tpu.memory_space<vmem>>
      %dma_wait3A_1609 = arith.constant 3840 : i32
      %dma_wait3A_1610 = tpu.memref_slice %arg6[%dma_wait3A_1609] : memref<16384xi32, #tpu.memory_space<vmem>> -> memref<10xi32, #tpu.memory_space<vmem>>
      %dma_wait3A_1611 = arith.constant 0 : i32
      %dma_wait3A_1612 = arith.constant 0 : i32
      %dma_wait3A_1613 = tpu.memref_slice %arg3[%dma_wait3A_1611, %dma_wait3A_1612] : memref<1000000x32xf32, #tpu.memory_space<hbm>> -> memref<1000000x32xf32, #tpu.memory_space<hbm>>
      tpu.wait_indirect_dma semaphore(%arg10 : memref<!tpu.dma_semaphore, #tpu.memory_space<semaphore_mem>>) src(%dma_wait3A_1613 : memref<1000000x32xf32, #tpu.memory_space<hbm>>) dst(%dma_wait3A_1608 : memref<10x32xf32, #tpu.memory_space<vmem>>)
      %dma_wait3A_1614 = arith.constant 31 : i32
      %dma_wait3A_1615 = arith.constant 0 : i32
      %dma_wait3A_1616 = arith.constant 0 : i32
      %dma_wait3A_1617 = tpu.memref_slice %arg7[%dma_wait3A_1614, %dma_wait3A_1615, %dma_wait3A_1616] : memref<128x10x32xf32, #tpu.memory_space<vmem>> -> memref<1x10x32xf32, #tpu.memory_space<vmem>>
      %dma_wait3A_1618 = tpu.memref_squeeze %dma_wait3A_1617 : memref<1x10x32xf32, #tpu.memory_space<vmem>> -> memref<10x32xf32, #tpu.memory_space<vmem>>
      %dma_wait3A_1619 = arith.constant 3968 : i32
      %dma_wait3A_1620 = tpu.memref_slice %arg6[%dma_wait3A_1619] : memref<16384xi32, #tpu.memory_space<vmem>> -> memref<10xi32, #tpu.memory_space<vmem>>
      %dma_wait3A_1621 = arith.constant 0 : i32
      %dma_wait3A_1622 = arith.constant 0 : i32
      %dma_wait3A_1623 = tpu.memref_slice %arg3[%dma_wait3A_1621, %dma_wait3A_1622] : memref<1000000x32xf32, #tpu.memory_space<hbm>> -> memref<1000000x32xf32, #tpu.memory_space<hbm>>
      tpu.wait_indirect_dma semaphore(%arg10 : memref<!tpu.dma_semaphore, #tpu.memory_space<semaphore_mem>>) src(%dma_wait3A_1623 : memref<1000000x32xf32, #tpu.memory_space<hbm>>) dst(%dma_wait3A_1618 : memref<10x32xf32, #tpu.memory_space<vmem>>)
      %dma_wait3A_1624 = arith.constant 32 : i32
      %dma_wait3A_1625 = arith.constant 0 : i32
      %dma_wait3A_1626 = arith.constant 0 : i32
      %dma_wait3A_1627 = tpu.memref_slice %arg7[%dma_wait3A_1624, %dma_wait3A_1625, %dma_wait3A_1626] : memref<128x10x32xf32, #tpu.memory_space<vmem>> -> memref<1x10x32xf32, #tpu.memory_space<vmem>>
      %dma_wait3A_1628 = tpu.memref_squeeze %dma_wait3A_1627 : memref<1x10x32xf32, #tpu.memory_space<vmem>> -> memref<10x32xf32, #tpu.memory_space<vmem>>
      %dma_wait3A_1629 = arith.constant 4096 : i32
      %dma_wait3A_1630 = tpu.memref_slice %arg6[%dma_wait3A_1629] : memref<16384xi32, #tpu.memory_space<vmem>> -> memref<10xi32, #tpu.memory_space<vmem>>
      %dma_wait3A_1631 = arith.constant 0 : i32
      %dma_wait3A_1632 = arith.constant 0 : i32
      %dma_wait3A_1633 = tpu.memref_slice %arg3[%dma_wait3A_1631, %dma_wait3A_1632] : memref<1000000x32xf32, #tpu.memory_space<hbm>> -> memref<1000000x32xf32, #tpu.memory_space<hbm>>
      tpu.wait_indirect_dma semaphore(%arg10 : memref<!tpu.dma_semaphore, #tpu.memory_space<semaphore_mem>>) src(%dma_wait3A_1633 : memref<1000000x32xf32, #tpu.memory_space<hbm>>) dst(%dma_wait3A_1628 : memref<10x32xf32, #tpu.memory_space<vmem>>)
      %dma_wait3A_1634 = arith.constant 33 : i32
      %dma_wait3A_1635 = arith.constant 0 : i32
      %dma_wait3A_1636 = arith.constant 0 : i32
      %dma_wait3A_1637 = tpu.memref_slice %arg7[%dma_wait3A_1634, %dma_wait3A_1635, %dma_wait3A_1636] : memref<128x10x32xf32, #tpu.memory_space<vmem>> -> memref<1x10x32xf32, #tpu.memory_space<vmem>>
      %dma_wait3A_1638 = tpu.memref_squeeze %dma_wait3A_1637 : memref<1x10x32xf32, #tpu.memory_space<vmem>> -> memref<10x32xf32, #tpu.memory_space<vmem>>
      %dma_wait3A_1639 = arith.constant 4224 : i32
      %dma_wait3A_1640 = tpu.memref_slice %arg6[%dma_wait3A_1639] : memref<16384xi32, #tpu.memory_space<vmem>> -> memref<10xi32, #tpu.memory_space<vmem>>
      %dma_wait3A_1641 = arith.constant 0 : i32
      %dma_wait3A_1642 = arith.constant 0 : i32
      %dma_wait3A_1643 = tpu.memref_slice %arg3[%dma_wait3A_1641, %dma_wait3A_1642] : memref<1000000x32xf32, #tpu.memory_space<hbm>> -> memref<1000000x32xf32, #tpu.memory_space<hbm>>
      tpu.wait_indirect_dma semaphore(%arg10 : memref<!tpu.dma_semaphore, #tpu.memory_space<semaphore_mem>>) src(%dma_wait3A_1643 : memref<1000000x32xf32, #tpu.memory_space<hbm>>) dst(%dma_wait3A_1638 : memref<10x32xf32, #tpu.memory_space<vmem>>)
      %dma_wait3A_1644 = arith.constant 34 : i32
      %dma_wait3A_1645 = arith.constant 0 : i32
      %dma_wait3A_1646 = arith.constant 0 : i32
      %dma_wait3A_1647 = tpu.memref_slice %arg7[%dma_wait3A_1644, %dma_wait3A_1645, %dma_wait3A_1646] : memref<128x10x32xf32, #tpu.memory_space<vmem>> -> memref<1x10x32xf32, #tpu.memory_space<vmem>>
      %dma_wait3A_1648 = tpu.memref_squeeze %dma_wait3A_1647 : memref<1x10x32xf32, #tpu.memory_space<vmem>> -> memref<10x32xf32, #tpu.memory_space<vmem>>
      %dma_wait3A_1649 = arith.constant 4352 : i32
      %dma_wait3A_1650 = tpu.memref_slice %arg6[%dma_wait3A_1649] : memref<16384xi32, #tpu.memory_space<vmem>> -> memref<10xi32, #tpu.memory_space<vmem>>
      %dma_wait3A_1651 = arith.constant 0 : i32
      %dma_wait3A_1652 = arith.constant 0 : i32
      %dma_wait3A_1653 = tpu.memref_slice %arg3[%dma_wait3A_1651, %dma_wait3A_1652] : memref<1000000x32xf32, #tpu.memory_space<hbm>> -> memref<1000000x32xf32, #tpu.memory_space<hbm>>
      tpu.wait_indirect_dma semaphore(%arg10 : memref<!tpu.dma_semaphore, #tpu.memory_space<semaphore_mem>>) src(%dma_wait3A_1653 : memref<1000000x32xf32, #tpu.memory_space<hbm>>) dst(%dma_wait3A_1648 : memref<10x32xf32, #tpu.memory_space<vmem>>)
      %dma_wait3A_1654 = arith.constant 35 : i32
      %dma_wait3A_1655 = arith.constant 0 : i32
      %dma_wait3A_1656 = arith.constant 0 : i32
      %dma_wait3A_1657 = tpu.memref_slice %arg7[%dma_wait3A_1654, %dma_wait3A_1655, %dma_wait3A_1656] : memref<128x10x32xf32, #tpu.memory_space<vmem>> -> memref<1x10x32xf32, #tpu.memory_space<vmem>>
      %dma_wait3A_1658 = tpu.memref_squeeze %dma_wait3A_1657 : memref<1x10x32xf32, #tpu.memory_space<vmem>> -> memref<10x32xf32, #tpu.memory_space<vmem>>
      %dma_wait3A_1659 = arith.constant 4480 : i32
      %dma_wait3A_1660 = tpu.memref_slice %arg6[%dma_wait3A_1659] : memref<16384xi32, #tpu.memory_space<vmem>> -> memref<10xi32, #tpu.memory_space<vmem>>
      %dma_wait3A_1661 = arith.constant 0 : i32
      %dma_wait3A_1662 = arith.constant 0 : i32
      %dma_wait3A_1663 = tpu.memref_slice %arg3[%dma_wait3A_1661, %dma_wait3A_1662] : memref<1000000x32xf32, #tpu.memory_space<hbm>> -> memref<1000000x32xf32, #tpu.memory_space<hbm>>
      tpu.wait_indirect_dma semaphore(%arg10 : memref<!tpu.dma_semaphore, #tpu.memory_space<semaphore_mem>>) src(%dma_wait3A_1663 : memref<1000000x32xf32, #tpu.memory_space<hbm>>) dst(%dma_wait3A_1658 : memref<10x32xf32, #tpu.memory_space<vmem>>)
      %dma_wait3A_1664 = arith.constant 36 : i32
      %dma_wait3A_1665 = arith.constant 0 : i32
      %dma_wait3A_1666 = arith.constant 0 : i32
      %dma_wait3A_1667 = tpu.memref_slice %arg7[%dma_wait3A_1664, %dma_wait3A_1665, %dma_wait3A_1666] : memref<128x10x32xf32, #tpu.memory_space<vmem>> -> memref<1x10x32xf32, #tpu.memory_space<vmem>>
      %dma_wait3A_1668 = tpu.memref_squeeze %dma_wait3A_1667 : memref<1x10x32xf32, #tpu.memory_space<vmem>> -> memref<10x32xf32, #tpu.memory_space<vmem>>
      %dma_wait3A_1669 = arith.constant 4608 : i32
      %dma_wait3A_1670 = tpu.memref_slice %arg6[%dma_wait3A_1669] : memref<16384xi32, #tpu.memory_space<vmem>> -> memref<10xi32, #tpu.memory_space<vmem>>
      %dma_wait3A_1671 = arith.constant 0 : i32
      %dma_wait3A_1672 = arith.constant 0 : i32
      %dma_wait3A_1673 = tpu.memref_slice %arg3[%dma_wait3A_1671, %dma_wait3A_1672] : memref<1000000x32xf32, #tpu.memory_space<hbm>> -> memref<1000000x32xf32, #tpu.memory_space<hbm>>
      tpu.wait_indirect_dma semaphore(%arg10 : memref<!tpu.dma_semaphore, #tpu.memory_space<semaphore_mem>>) src(%dma_wait3A_1673 : memref<1000000x32xf32, #tpu.memory_space<hbm>>) dst(%dma_wait3A_1668 : memref<10x32xf32, #tpu.memory_space<vmem>>)
      %dma_wait3A_1674 = arith.constant 37 : i32
      %dma_wait3A_1675 = arith.constant 0 : i32
      %dma_wait3A_1676 = arith.constant 0 : i32
      %dma_wait3A_1677 = tpu.memref_slice %arg7[%dma_wait3A_1674, %dma_wait3A_1675, %dma_wait3A_1676] : memref<128x10x32xf32, #tpu.memory_space<vmem>> -> memref<1x10x32xf32, #tpu.memory_space<vmem>>
      %dma_wait3A_1678 = tpu.memref_squeeze %dma_wait3A_1677 : memref<1x10x32xf32, #tpu.memory_space<vmem>> -> memref<10x32xf32, #tpu.memory_space<vmem>>
      %dma_wait3A_1679 = arith.constant 4736 : i32
      %dma_wait3A_1680 = tpu.memref_slice %arg6[%dma_wait3A_1679] : memref<16384xi32, #tpu.memory_space<vmem>> -> memref<10xi32, #tpu.memory_space<vmem>>
      %dma_wait3A_1681 = arith.constant 0 : i32
      %dma_wait3A_1682 = arith.constant 0 : i32
      %dma_wait3A_1683 = tpu.memref_slice %arg3[%dma_wait3A_1681, %dma_wait3A_1682] : memref<1000000x32xf32, #tpu.memory_space<hbm>> -> memref<1000000x32xf32, #tpu.memory_space<hbm>>
      tpu.wait_indirect_dma semaphore(%arg10 : memref<!tpu.dma_semaphore, #tpu.memory_space<semaphore_mem>>) src(%dma_wait3A_1683 : memref<1000000x32xf32, #tpu.memory_space<hbm>>) dst(%dma_wait3A_1678 : memref<10x32xf32, #tpu.memory_space<vmem>>)
      %dma_wait3A_1684 = arith.constant 38 : i32
      %dma_wait3A_1685 = arith.constant 0 : i32
      %dma_wait3A_1686 = arith.constant 0 : i32
      %dma_wait3A_1687 = tpu.memref_slice %arg7[%dma_wait3A_1684, %dma_wait3A_1685, %dma_wait3A_1686] : memref<128x10x32xf32, #tpu.memory_space<vmem>> -> memref<1x10x32xf32, #tpu.memory_space<vmem>>
      %dma_wait3A_1688 = tpu.memref_squeeze %dma_wait3A_1687 : memref<1x10x32xf32, #tpu.memory_space<vmem>> -> memref<10x32xf32, #tpu.memory_space<vmem>>
      %dma_wait3A_1689 = arith.constant 4864 : i32
      %dma_wait3A_1690 = tpu.memref_slice %arg6[%dma_wait3A_1689] : memref<16384xi32, #tpu.memory_space<vmem>> -> memref<10xi32, #tpu.memory_space<vmem>>
      %dma_wait3A_1691 = arith.constant 0 : i32
      %dma_wait3A_1692 = arith.constant 0 : i32
      %dma_wait3A_1693 = tpu.memref_slice %arg3[%dma_wait3A_1691, %dma_wait3A_1692] : memref<1000000x32xf32, #tpu.memory_space<hbm>> -> memref<1000000x32xf32, #tpu.memory_space<hbm>>
      tpu.wait_indirect_dma semaphore(%arg10 : memref<!tpu.dma_semaphore, #tpu.memory_space<semaphore_mem>>) src(%dma_wait3A_1693 : memref<1000000x32xf32, #tpu.memory_space<hbm>>) dst(%dma_wait3A_1688 : memref<10x32xf32, #tpu.memory_space<vmem>>)
      %dma_wait3A_1694 = arith.constant 39 : i32
      %dma_wait3A_1695 = arith.constant 0 : i32
      %dma_wait3A_1696 = arith.constant 0 : i32
      %dma_wait3A_1697 = tpu.memref_slice %arg7[%dma_wait3A_1694, %dma_wait3A_1695, %dma_wait3A_1696] : memref<128x10x32xf32, #tpu.memory_space<vmem>> -> memref<1x10x32xf32, #tpu.memory_space<vmem>>
      %dma_wait3A_1698 = tpu.memref_squeeze %dma_wait3A_1697 : memref<1x10x32xf32, #tpu.memory_space<vmem>> -> memref<10x32xf32, #tpu.memory_space<vmem>>
      %dma_wait3A_1699 = arith.constant 4992 : i32
      %dma_wait3A_1700 = tpu.memref_slice %arg6[%dma_wait3A_1699] : memref<16384xi32, #tpu.memory_space<vmem>> -> memref<10xi32, #tpu.memory_space<vmem>>
      %dma_wait3A_1701 = arith.constant 0 : i32
      %dma_wait3A_1702 = arith.constant 0 : i32
      %dma_wait3A_1703 = tpu.memref_slice %arg3[%dma_wait3A_1701, %dma_wait3A_1702] : memref<1000000x32xf32, #tpu.memory_space<hbm>> -> memref<1000000x32xf32, #tpu.memory_space<hbm>>
      tpu.wait_indirect_dma semaphore(%arg10 : memref<!tpu.dma_semaphore, #tpu.memory_space<semaphore_mem>>) src(%dma_wait3A_1703 : memref<1000000x32xf32, #tpu.memory_space<hbm>>) dst(%dma_wait3A_1698 : memref<10x32xf32, #tpu.memory_space<vmem>>)
      %dma_wait3A_1704 = arith.constant 40 : i32
      %dma_wait3A_1705 = arith.constant 0 : i32
      %dma_wait3A_1706 = arith.constant 0 : i32
      %dma_wait3A_1707 = tpu.memref_slice %arg7[%dma_wait3A_1704, %dma_wait3A_1705, %dma_wait3A_1706] : memref<128x10x32xf32, #tpu.memory_space<vmem>> -> memref<1x10x32xf32, #tpu.memory_space<vmem>>
      %dma_wait3A_1708 = tpu.memref_squeeze %dma_wait3A_1707 : memref<1x10x32xf32, #tpu.memory_space<vmem>> -> memref<10x32xf32, #tpu.memory_space<vmem>>
      %dma_wait3A_1709 = arith.constant 5120 : i32
      %dma_wait3A_1710 = tpu.memref_slice %arg6[%dma_wait3A_1709] : memref<16384xi32, #tpu.memory_space<vmem>> -> memref<10xi32, #tpu.memory_space<vmem>>
      %dma_wait3A_1711 = arith.constant 0 : i32
      %dma_wait3A_1712 = arith.constant 0 : i32
      %dma_wait3A_1713 = tpu.memref_slice %arg3[%dma_wait3A_1711, %dma_wait3A_1712] : memref<1000000x32xf32, #tpu.memory_space<hbm>> -> memref<1000000x32xf32, #tpu.memory_space<hbm>>
      tpu.wait_indirect_dma semaphore(%arg10 : memref<!tpu.dma_semaphore, #tpu.memory_space<semaphore_mem>>) src(%dma_wait3A_1713 : memref<1000000x32xf32, #tpu.memory_space<hbm>>) dst(%dma_wait3A_1708 : memref<10x32xf32, #tpu.memory_space<vmem>>)
      %dma_wait3A_1714 = arith.constant 41 : i32
      %dma_wait3A_1715 = arith.constant 0 : i32
      %dma_wait3A_1716 = arith.constant 0 : i32
      %dma_wait3A_1717 = tpu.memref_slice %arg7[%dma_wait3A_1714, %dma_wait3A_1715, %dma_wait3A_1716] : memref<128x10x32xf32, #tpu.memory_space<vmem>> -> memref<1x10x32xf32, #tpu.memory_space<vmem>>
      %dma_wait3A_1718 = tpu.memref_squeeze %dma_wait3A_1717 : memref<1x10x32xf32, #tpu.memory_space<vmem>> -> memref<10x32xf32, #tpu.memory_space<vmem>>
      %dma_wait3A_1719 = arith.constant 5248 : i32
      %dma_wait3A_1720 = tpu.memref_slice %arg6[%dma_wait3A_1719] : memref<16384xi32, #tpu.memory_space<vmem>> -> memref<10xi32, #tpu.memory_space<vmem>>
      %dma_wait3A_1721 = arith.constant 0 : i32
      %dma_wait3A_1722 = arith.constant 0 : i32
      %dma_wait3A_1723 = tpu.memref_slice %arg3[%dma_wait3A_1721, %dma_wait3A_1722] : memref<1000000x32xf32, #tpu.memory_space<hbm>> -> memref<1000000x32xf32, #tpu.memory_space<hbm>>
      tpu.wait_indirect_dma semaphore(%arg10 : memref<!tpu.dma_semaphore, #tpu.memory_space<semaphore_mem>>) src(%dma_wait3A_1723 : memref<1000000x32xf32, #tpu.memory_space<hbm>>) dst(%dma_wait3A_1718 : memref<10x32xf32, #tpu.memory_space<vmem>>)
      %dma_wait3A_1724 = arith.constant 42 : i32
      %dma_wait3A_1725 = arith.constant 0 : i32
      %dma_wait3A_1726 = arith.constant 0 : i32
      %dma_wait3A_1727 = tpu.memref_slice %arg7[%dma_wait3A_1724, %dma_wait3A_1725, %dma_wait3A_1726] : memref<128x10x32xf32, #tpu.memory_space<vmem>> -> memref<1x10x32xf32, #tpu.memory_space<vmem>>
      %dma_wait3A_1728 = tpu.memref_squeeze %dma_wait3A_1727 : memref<1x10x32xf32, #tpu.memory_space<vmem>> -> memref<10x32xf32, #tpu.memory_space<vmem>>
      %dma_wait3A_1729 = arith.constant 5376 : i32
      %dma_wait3A_1730 = tpu.memref_slice %arg6[%dma_wait3A_1729] : memref<16384xi32, #tpu.memory_space<vmem>> -> memref<10xi32, #tpu.memory_space<vmem>>
      %dma_wait3A_1731 = arith.constant 0 : i32
      %dma_wait3A_1732 = arith.constant 0 : i32
      %dma_wait3A_1733 = tpu.memref_slice %arg3[%dma_wait3A_1731, %dma_wait3A_1732] : memref<1000000x32xf32, #tpu.memory_space<hbm>> -> memref<1000000x32xf32, #tpu.memory_space<hbm>>
      tpu.wait_indirect_dma semaphore(%arg10 : memref<!tpu.dma_semaphore, #tpu.memory_space<semaphore_mem>>) src(%dma_wait3A_1733 : memref<1000000x32xf32, #tpu.memory_space<hbm>>) dst(%dma_wait3A_1728 : memref<10x32xf32, #tpu.memory_space<vmem>>)
      %dma_wait3A_1734 = arith.constant 43 : i32
      %dma_wait3A_1735 = arith.constant 0 : i32
      %dma_wait3A_1736 = arith.constant 0 : i32
      %dma_wait3A_1737 = tpu.memref_slice %arg7[%dma_wait3A_1734, %dma_wait3A_1735, %dma_wait3A_1736] : memref<128x10x32xf32, #tpu.memory_space<vmem>> -> memref<1x10x32xf32, #tpu.memory_space<vmem>>
      %dma_wait3A_1738 = tpu.memref_squeeze %dma_wait3A_1737 : memref<1x10x32xf32, #tpu.memory_space<vmem>> -> memref<10x32xf32, #tpu.memory_space<vmem>>
      %dma_wait3A_1739 = arith.constant 5504 : i32
      %dma_wait3A_1740 = tpu.memref_slice %arg6[%dma_wait3A_1739] : memref<16384xi32, #tpu.memory_space<vmem>> -> memref<10xi32, #tpu.memory_space<vmem>>
      %dma_wait3A_1741 = arith.constant 0 : i32
      %dma_wait3A_1742 = arith.constant 0 : i32
      %dma_wait3A_1743 = tpu.memref_slice %arg3[%dma_wait3A_1741, %dma_wait3A_1742] : memref<1000000x32xf32, #tpu.memory_space<hbm>> -> memref<1000000x32xf32, #tpu.memory_space<hbm>>
      tpu.wait_indirect_dma semaphore(%arg10 : memref<!tpu.dma_semaphore, #tpu.memory_space<semaphore_mem>>) src(%dma_wait3A_1743 : memref<1000000x32xf32, #tpu.memory_space<hbm>>) dst(%dma_wait3A_1738 : memref<10x32xf32, #tpu.memory_space<vmem>>)
      %dma_wait3A_1744 = arith.constant 44 : i32
      %dma_wait3A_1745 = arith.constant 0 : i32
      %dma_wait3A_1746 = arith.constant 0 : i32
      %dma_wait3A_1747 = tpu.memref_slice %arg7[%dma_wait3A_1744, %dma_wait3A_1745, %dma_wait3A_1746] : memref<128x10x32xf32, #tpu.memory_space<vmem>> -> memref<1x10x32xf32, #tpu.memory_space<vmem>>
      %dma_wait3A_1748 = tpu.memref_squeeze %dma_wait3A_1747 : memref<1x10x32xf32, #tpu.memory_space<vmem>> -> memref<10x32xf32, #tpu.memory_space<vmem>>
      %dma_wait3A_1749 = arith.constant 5632 : i32
      %dma_wait3A_1750 = tpu.memref_slice %arg6[%dma_wait3A_1749] : memref<16384xi32, #tpu.memory_space<vmem>> -> memref<10xi32, #tpu.memory_space<vmem>>
      %dma_wait3A_1751 = arith.constant 0 : i32
      %dma_wait3A_1752 = arith.constant 0 : i32
      %dma_wait3A_1753 = tpu.memref_slice %arg3[%dma_wait3A_1751, %dma_wait3A_1752] : memref<1000000x32xf32, #tpu.memory_space<hbm>> -> memref<1000000x32xf32, #tpu.memory_space<hbm>>
      tpu.wait_indirect_dma semaphore(%arg10 : memref<!tpu.dma_semaphore, #tpu.memory_space<semaphore_mem>>) src(%dma_wait3A_1753 : memref<1000000x32xf32, #tpu.memory_space<hbm>>) dst(%dma_wait3A_1748 : memref<10x32xf32, #tpu.memory_space<vmem>>)
      %dma_wait3A_1754 = arith.constant 45 : i32
      %dma_wait3A_1755 = arith.constant 0 : i32
      %dma_wait3A_1756 = arith.constant 0 : i32
      %dma_wait3A_1757 = tpu.memref_slice %arg7[%dma_wait3A_1754, %dma_wait3A_1755, %dma_wait3A_1756] : memref<128x10x32xf32, #tpu.memory_space<vmem>> -> memref<1x10x32xf32, #tpu.memory_space<vmem>>
      %dma_wait3A_1758 = tpu.memref_squeeze %dma_wait3A_1757 : memref<1x10x32xf32, #tpu.memory_space<vmem>> -> memref<10x32xf32, #tpu.memory_space<vmem>>
      %dma_wait3A_1759 = arith.constant 5760 : i32
      %dma_wait3A_1760 = tpu.memref_slice %arg6[%dma_wait3A_1759] : memref<16384xi32, #tpu.memory_space<vmem>> -> memref<10xi32, #tpu.memory_space<vmem>>
      %dma_wait3A_1761 = arith.constant 0 : i32
      %dma_wait3A_1762 = arith.constant 0 : i32
      %dma_wait3A_1763 = tpu.memref_slice %arg3[%dma_wait3A_1761, %dma_wait3A_1762] : memref<1000000x32xf32, #tpu.memory_space<hbm>> -> memref<1000000x32xf32, #tpu.memory_space<hbm>>
      tpu.wait_indirect_dma semaphore(%arg10 : memref<!tpu.dma_semaphore, #tpu.memory_space<semaphore_mem>>) src(%dma_wait3A_1763 : memref<1000000x32xf32, #tpu.memory_space<hbm>>) dst(%dma_wait3A_1758 : memref<10x32xf32, #tpu.memory_space<vmem>>)
      %dma_wait3A_1764 = arith.constant 46 : i32
      %dma_wait3A_1765 = arith.constant 0 : i32
      %dma_wait3A_1766 = arith.constant 0 : i32
      %dma_wait3A_1767 = tpu.memref_slice %arg7[%dma_wait3A_1764, %dma_wait3A_1765, %dma_wait3A_1766] : memref<128x10x32xf32, #tpu.memory_space<vmem>> -> memref<1x10x32xf32, #tpu.memory_space<vmem>>
      %dma_wait3A_1768 = tpu.memref_squeeze %dma_wait3A_1767 : memref<1x10x32xf32, #tpu.memory_space<vmem>> -> memref<10x32xf32, #tpu.memory_space<vmem>>
      %dma_wait3A_1769 = arith.constant 5888 : i32
      %dma_wait3A_1770 = tpu.memref_slice %arg6[%dma_wait3A_1769] : memref<16384xi32, #tpu.memory_space<vmem>> -> memref<10xi32, #tpu.memory_space<vmem>>
      %dma_wait3A_1771 = arith.constant 0 : i32
      %dma_wait3A_1772 = arith.constant 0 : i32
      %dma_wait3A_1773 = tpu.memref_slice %arg3[%dma_wait3A_1771, %dma_wait3A_1772] : memref<1000000x32xf32, #tpu.memory_space<hbm>> -> memref<1000000x32xf32, #tpu.memory_space<hbm>>
      tpu.wait_indirect_dma semaphore(%arg10 : memref<!tpu.dma_semaphore, #tpu.memory_space<semaphore_mem>>) src(%dma_wait3A_1773 : memref<1000000x32xf32, #tpu.memory_space<hbm>>) dst(%dma_wait3A_1768 : memref<10x32xf32, #tpu.memory_space<vmem>>)
      %dma_wait3A_1774 = arith.constant 47 : i32
      %dma_wait3A_1775 = arith.constant 0 : i32
      %dma_wait3A_1776 = arith.constant 0 : i32
      %dma_wait3A_1777 = tpu.memref_slice %arg7[%dma_wait3A_1774, %dma_wait3A_1775, %dma_wait3A_1776] : memref<128x10x32xf32, #tpu.memory_space<vmem>> -> memref<1x10x32xf32, #tpu.memory_space<vmem>>
      %dma_wait3A_1778 = tpu.memref_squeeze %dma_wait3A_1777 : memref<1x10x32xf32, #tpu.memory_space<vmem>> -> memref<10x32xf32, #tpu.memory_space<vmem>>
      %dma_wait3A_1779 = arith.constant 6016 : i32
      %dma_wait3A_1780 = tpu.memref_slice %arg6[%dma_wait3A_1779] : memref<16384xi32, #tpu.memory_space<vmem>> -> memref<10xi32, #tpu.memory_space<vmem>>
      %dma_wait3A_1781 = arith.constant 0 : i32
      %dma_wait3A_1782 = arith.constant 0 : i32
      %dma_wait3A_1783 = tpu.memref_slice %arg3[%dma_wait3A_1781, %dma_wait3A_1782] : memref<1000000x32xf32, #tpu.memory_space<hbm>> -> memref<1000000x32xf32, #tpu.memory_space<hbm>>
      tpu.wait_indirect_dma semaphore(%arg10 : memref<!tpu.dma_semaphore, #tpu.memory_space<semaphore_mem>>) src(%dma_wait3A_1783 : memref<1000000x32xf32, #tpu.memory_space<hbm>>) dst(%dma_wait3A_1778 : memref<10x32xf32, #tpu.memory_space<vmem>>)
      %dma_wait3A_1784 = arith.constant 48 : i32
      %dma_wait3A_1785 = arith.constant 0 : i32
      %dma_wait3A_1786 = arith.constant 0 : i32
      %dma_wait3A_1787 = tpu.memref_slice %arg7[%dma_wait3A_1784, %dma_wait3A_1785, %dma_wait3A_1786] : memref<128x10x32xf32, #tpu.memory_space<vmem>> -> memref<1x10x32xf32, #tpu.memory_space<vmem>>
      %dma_wait3A_1788 = tpu.memref_squeeze %dma_wait3A_1787 : memref<1x10x32xf32, #tpu.memory_space<vmem>> -> memref<10x32xf32, #tpu.memory_space<vmem>>
      %dma_wait3A_1789 = arith.constant 6144 : i32
      %dma_wait3A_1790 = tpu.memref_slice %arg6[%dma_wait3A_1789] : memref<16384xi32, #tpu.memory_space<vmem>> -> memref<10xi32, #tpu.memory_space<vmem>>
      %dma_wait3A_1791 = arith.constant 0 : i32
      %dma_wait3A_1792 = arith.constant 0 : i32
      %dma_wait3A_1793 = tpu.memref_slice %arg3[%dma_wait3A_1791, %dma_wait3A_1792] : memref<1000000x32xf32, #tpu.memory_space<hbm>> -> memref<1000000x32xf32, #tpu.memory_space<hbm>>
      tpu.wait_indirect_dma semaphore(%arg10 : memref<!tpu.dma_semaphore, #tpu.memory_space<semaphore_mem>>) src(%dma_wait3A_1793 : memref<1000000x32xf32, #tpu.memory_space<hbm>>) dst(%dma_wait3A_1788 : memref<10x32xf32, #tpu.memory_space<vmem>>)
      %dma_wait3A_1794 = arith.constant 49 : i32
      %dma_wait3A_1795 = arith.constant 0 : i32
      %dma_wait3A_1796 = arith.constant 0 : i32
      %dma_wait3A_1797 = tpu.memref_slice %arg7[%dma_wait3A_1794, %dma_wait3A_1795, %dma_wait3A_1796] : memref<128x10x32xf32, #tpu.memory_space<vmem>> -> memref<1x10x32xf32, #tpu.memory_space<vmem>>
      %dma_wait3A_1798 = tpu.memref_squeeze %dma_wait3A_1797 : memref<1x10x32xf32, #tpu.memory_space<vmem>> -> memref<10x32xf32, #tpu.memory_space<vmem>>
      %dma_wait3A_1799 = arith.constant 6272 : i32
      %dma_wait3A_1800 = tpu.memref_slice %arg6[%dma_wait3A_1799] : memref<16384xi32, #tpu.memory_space<vmem>> -> memref<10xi32, #tpu.memory_space<vmem>>
      %dma_wait3A_1801 = arith.constant 0 : i32
      %dma_wait3A_1802 = arith.constant 0 : i32
      %dma_wait3A_1803 = tpu.memref_slice %arg3[%dma_wait3A_1801, %dma_wait3A_1802] : memref<1000000x32xf32, #tpu.memory_space<hbm>> -> memref<1000000x32xf32, #tpu.memory_space<hbm>>
      tpu.wait_indirect_dma semaphore(%arg10 : memref<!tpu.dma_semaphore, #tpu.memory_space<semaphore_mem>>) src(%dma_wait3A_1803 : memref<1000000x32xf32, #tpu.memory_space<hbm>>) dst(%dma_wait3A_1798 : memref<10x32xf32, #tpu.memory_space<vmem>>)
      %dma_wait3A_1804 = arith.constant 50 : i32
      %dma_wait3A_1805 = arith.constant 0 : i32
      %dma_wait3A_1806 = arith.constant 0 : i32
      %dma_wait3A_1807 = tpu.memref_slice %arg7[%dma_wait3A_1804, %dma_wait3A_1805, %dma_wait3A_1806] : memref<128x10x32xf32, #tpu.memory_space<vmem>> -> memref<1x10x32xf32, #tpu.memory_space<vmem>>
      %dma_wait3A_1808 = tpu.memref_squeeze %dma_wait3A_1807 : memref<1x10x32xf32, #tpu.memory_space<vmem>> -> memref<10x32xf32, #tpu.memory_space<vmem>>
      %dma_wait3A_1809 = arith.constant 6400 : i32
      %dma_wait3A_1810 = tpu.memref_slice %arg6[%dma_wait3A_1809] : memref<16384xi32, #tpu.memory_space<vmem>> -> memref<10xi32, #tpu.memory_space<vmem>>
      %dma_wait3A_1811 = arith.constant 0 : i32
      %dma_wait3A_1812 = arith.constant 0 : i32
      %dma_wait3A_1813 = tpu.memref_slice %arg3[%dma_wait3A_1811, %dma_wait3A_1812] : memref<1000000x32xf32, #tpu.memory_space<hbm>> -> memref<1000000x32xf32, #tpu.memory_space<hbm>>
      tpu.wait_indirect_dma semaphore(%arg10 : memref<!tpu.dma_semaphore, #tpu.memory_space<semaphore_mem>>) src(%dma_wait3A_1813 : memref<1000000x32xf32, #tpu.memory_space<hbm>>) dst(%dma_wait3A_1808 : memref<10x32xf32, #tpu.memory_space<vmem>>)
      %dma_wait3A_1814 = arith.constant 51 : i32
      %dma_wait3A_1815 = arith.constant 0 : i32
      %dma_wait3A_1816 = arith.constant 0 : i32
      %dma_wait3A_1817 = tpu.memref_slice %arg7[%dma_wait3A_1814, %dma_wait3A_1815, %dma_wait3A_1816] : memref<128x10x32xf32, #tpu.memory_space<vmem>> -> memref<1x10x32xf32, #tpu.memory_space<vmem>>
      %dma_wait3A_1818 = tpu.memref_squeeze %dma_wait3A_1817 : memref<1x10x32xf32, #tpu.memory_space<vmem>> -> memref<10x32xf32, #tpu.memory_space<vmem>>
      %dma_wait3A_1819 = arith.constant 6528 : i32
      %dma_wait3A_1820 = tpu.memref_slice %arg6[%dma_wait3A_1819] : memref<16384xi32, #tpu.memory_space<vmem>> -> memref<10xi32, #tpu.memory_space<vmem>>
      %dma_wait3A_1821 = arith.constant 0 : i32
      %dma_wait3A_1822 = arith.constant 0 : i32
      %dma_wait3A_1823 = tpu.memref_slice %arg3[%dma_wait3A_1821, %dma_wait3A_1822] : memref<1000000x32xf32, #tpu.memory_space<hbm>> -> memref<1000000x32xf32, #tpu.memory_space<hbm>>
      tpu.wait_indirect_dma semaphore(%arg10 : memref<!tpu.dma_semaphore, #tpu.memory_space<semaphore_mem>>) src(%dma_wait3A_1823 : memref<1000000x32xf32, #tpu.memory_space<hbm>>) dst(%dma_wait3A_1818 : memref<10x32xf32, #tpu.memory_space<vmem>>)
      %dma_wait3A_1824 = arith.constant 52 : i32
      %dma_wait3A_1825 = arith.constant 0 : i32
      %dma_wait3A_1826 = arith.constant 0 : i32
      %dma_wait3A_1827 = tpu.memref_slice %arg7[%dma_wait3A_1824, %dma_wait3A_1825, %dma_wait3A_1826] : memref<128x10x32xf32, #tpu.memory_space<vmem>> -> memref<1x10x32xf32, #tpu.memory_space<vmem>>
      %dma_wait3A_1828 = tpu.memref_squeeze %dma_wait3A_1827 : memref<1x10x32xf32, #tpu.memory_space<vmem>> -> memref<10x32xf32, #tpu.memory_space<vmem>>
      %dma_wait3A_1829 = arith.constant 6656 : i32
      %dma_wait3A_1830 = tpu.memref_slice %arg6[%dma_wait3A_1829] : memref<16384xi32, #tpu.memory_space<vmem>> -> memref<10xi32, #tpu.memory_space<vmem>>
      %dma_wait3A_1831 = arith.constant 0 : i32
      %dma_wait3A_1832 = arith.constant 0 : i32
      %dma_wait3A_1833 = tpu.memref_slice %arg3[%dma_wait3A_1831, %dma_wait3A_1832] : memref<1000000x32xf32, #tpu.memory_space<hbm>> -> memref<1000000x32xf32, #tpu.memory_space<hbm>>
      tpu.wait_indirect_dma semaphore(%arg10 : memref<!tpu.dma_semaphore, #tpu.memory_space<semaphore_mem>>) src(%dma_wait3A_1833 : memref<1000000x32xf32, #tpu.memory_space<hbm>>) dst(%dma_wait3A_1828 : memref<10x32xf32, #tpu.memory_space<vmem>>)
      %dma_wait3A_1834 = arith.constant 53 : i32
      %dma_wait3A_1835 = arith.constant 0 : i32
      %dma_wait3A_1836 = arith.constant 0 : i32
      %dma_wait3A_1837 = tpu.memref_slice %arg7[%dma_wait3A_1834, %dma_wait3A_1835, %dma_wait3A_1836] : memref<128x10x32xf32, #tpu.memory_space<vmem>> -> memref<1x10x32xf32, #tpu.memory_space<vmem>>
      %dma_wait3A_1838 = tpu.memref_squeeze %dma_wait3A_1837 : memref<1x10x32xf32, #tpu.memory_space<vmem>> -> memref<10x32xf32, #tpu.memory_space<vmem>>
      %dma_wait3A_1839 = arith.constant 6784 : i32
      %dma_wait3A_1840 = tpu.memref_slice %arg6[%dma_wait3A_1839] : memref<16384xi32, #tpu.memory_space<vmem>> -> memref<10xi32, #tpu.memory_space<vmem>>
      %dma_wait3A_1841 = arith.constant 0 : i32
      %dma_wait3A_1842 = arith.constant 0 : i32
      %dma_wait3A_1843 = tpu.memref_slice %arg3[%dma_wait3A_1841, %dma_wait3A_1842] : memref<1000000x32xf32, #tpu.memory_space<hbm>> -> memref<1000000x32xf32, #tpu.memory_space<hbm>>
      tpu.wait_indirect_dma semaphore(%arg10 : memref<!tpu.dma_semaphore, #tpu.memory_space<semaphore_mem>>) src(%dma_wait3A_1843 : memref<1000000x32xf32, #tpu.memory_space<hbm>>) dst(%dma_wait3A_1838 : memref<10x32xf32, #tpu.memory_space<vmem>>)
      %dma_wait3A_1844 = arith.constant 54 : i32
      %dma_wait3A_1845 = arith.constant 0 : i32
      %dma_wait3A_1846 = arith.constant 0 : i32
      %dma_wait3A_1847 = tpu.memref_slice %arg7[%dma_wait3A_1844, %dma_wait3A_1845, %dma_wait3A_1846] : memref<128x10x32xf32, #tpu.memory_space<vmem>> -> memref<1x10x32xf32, #tpu.memory_space<vmem>>
      %dma_wait3A_1848 = tpu.memref_squeeze %dma_wait3A_1847 : memref<1x10x32xf32, #tpu.memory_space<vmem>> -> memref<10x32xf32, #tpu.memory_space<vmem>>
      %dma_wait3A_1849 = arith.constant 6912 : i32
      %dma_wait3A_1850 = tpu.memref_slice %arg6[%dma_wait3A_1849] : memref<16384xi32, #tpu.memory_space<vmem>> -> memref<10xi32, #tpu.memory_space<vmem>>
      %dma_wait3A_1851 = arith.constant 0 : i32
      %dma_wait3A_1852 = arith.constant 0 : i32
      %dma_wait3A_1853 = tpu.memref_slice %arg3[%dma_wait3A_1851, %dma_wait3A_1852] : memref<1000000x32xf32, #tpu.memory_space<hbm>> -> memref<1000000x32xf32, #tpu.memory_space<hbm>>
      tpu.wait_indirect_dma semaphore(%arg10 : memref<!tpu.dma_semaphore, #tpu.memory_space<semaphore_mem>>) src(%dma_wait3A_1853 : memref<1000000x32xf32, #tpu.memory_space<hbm>>) dst(%dma_wait3A_1848 : memref<10x32xf32, #tpu.memory_space<vmem>>)
      %dma_wait3A_1854 = arith.constant 55 : i32
      %dma_wait3A_1855 = arith.constant 0 : i32
      %dma_wait3A_1856 = arith.constant 0 : i32
      %dma_wait3A_1857 = tpu.memref_slice %arg7[%dma_wait3A_1854, %dma_wait3A_1855, %dma_wait3A_1856] : memref<128x10x32xf32, #tpu.memory_space<vmem>> -> memref<1x10x32xf32, #tpu.memory_space<vmem>>
      %dma_wait3A_1858 = tpu.memref_squeeze %dma_wait3A_1857 : memref<1x10x32xf32, #tpu.memory_space<vmem>> -> memref<10x32xf32, #tpu.memory_space<vmem>>
      %dma_wait3A_1859 = arith.constant 7040 : i32
      %dma_wait3A_1860 = tpu.memref_slice %arg6[%dma_wait3A_1859] : memref<16384xi32, #tpu.memory_space<vmem>> -> memref<10xi32, #tpu.memory_space<vmem>>
      %dma_wait3A_1861 = arith.constant 0 : i32
      %dma_wait3A_1862 = arith.constant 0 : i32
      %dma_wait3A_1863 = tpu.memref_slice %arg3[%dma_wait3A_1861, %dma_wait3A_1862] : memref<1000000x32xf32, #tpu.memory_space<hbm>> -> memref<1000000x32xf32, #tpu.memory_space<hbm>>
      tpu.wait_indirect_dma semaphore(%arg10 : memref<!tpu.dma_semaphore, #tpu.memory_space<semaphore_mem>>) src(%dma_wait3A_1863 : memref<1000000x32xf32, #tpu.memory_space<hbm>>) dst(%dma_wait3A_1858 : memref<10x32xf32, #tpu.memory_space<vmem>>)
      %dma_wait3A_1864 = arith.constant 56 : i32
      %dma_wait3A_1865 = arith.constant 0 : i32
      %dma_wait3A_1866 = arith.constant 0 : i32
      %dma_wait3A_1867 = tpu.memref_slice %arg7[%dma_wait3A_1864, %dma_wait3A_1865, %dma_wait3A_1866] : memref<128x10x32xf32, #tpu.memory_space<vmem>> -> memref<1x10x32xf32, #tpu.memory_space<vmem>>
      %dma_wait3A_1868 = tpu.memref_squeeze %dma_wait3A_1867 : memref<1x10x32xf32, #tpu.memory_space<vmem>> -> memref<10x32xf32, #tpu.memory_space<vmem>>
      %dma_wait3A_1869 = arith.constant 7168 : i32
      %dma_wait3A_1870 = tpu.memref_slice %arg6[%dma_wait3A_1869] : memref<16384xi32, #tpu.memory_space<vmem>> -> memref<10xi32, #tpu.memory_space<vmem>>
      %dma_wait3A_1871 = arith.constant 0 : i32
      %dma_wait3A_1872 = arith.constant 0 : i32
      %dma_wait3A_1873 = tpu.memref_slice %arg3[%dma_wait3A_1871, %dma_wait3A_1872] : memref<1000000x32xf32, #tpu.memory_space<hbm>> -> memref<1000000x32xf32, #tpu.memory_space<hbm>>
      tpu.wait_indirect_dma semaphore(%arg10 : memref<!tpu.dma_semaphore, #tpu.memory_space<semaphore_mem>>) src(%dma_wait3A_1873 : memref<1000000x32xf32, #tpu.memory_space<hbm>>) dst(%dma_wait3A_1868 : memref<10x32xf32, #tpu.memory_space<vmem>>)
      %dma_wait3A_1874 = arith.constant 57 : i32
      %dma_wait3A_1875 = arith.constant 0 : i32
      %dma_wait3A_1876 = arith.constant 0 : i32
      %dma_wait3A_1877 = tpu.memref_slice %arg7[%dma_wait3A_1874, %dma_wait3A_1875, %dma_wait3A_1876] : memref<128x10x32xf32, #tpu.memory_space<vmem>> -> memref<1x10x32xf32, #tpu.memory_space<vmem>>
      %dma_wait3A_1878 = tpu.memref_squeeze %dma_wait3A_1877 : memref<1x10x32xf32, #tpu.memory_space<vmem>> -> memref<10x32xf32, #tpu.memory_space<vmem>>
      %dma_wait3A_1879 = arith.constant 7296 : i32
      %dma_wait3A_1880 = tpu.memref_slice %arg6[%dma_wait3A_1879] : memref<16384xi32, #tpu.memory_space<vmem>> -> memref<10xi32, #tpu.memory_space<vmem>>
      %dma_wait3A_1881 = arith.constant 0 : i32
      %dma_wait3A_1882 = arith.constant 0 : i32
      %dma_wait3A_1883 = tpu.memref_slice %arg3[%dma_wait3A_1881, %dma_wait3A_1882] : memref<1000000x32xf32, #tpu.memory_space<hbm>> -> memref<1000000x32xf32, #tpu.memory_space<hbm>>
      tpu.wait_indirect_dma semaphore(%arg10 : memref<!tpu.dma_semaphore, #tpu.memory_space<semaphore_mem>>) src(%dma_wait3A_1883 : memref<1000000x32xf32, #tpu.memory_space<hbm>>) dst(%dma_wait3A_1878 : memref<10x32xf32, #tpu.memory_space<vmem>>)
      %dma_wait3A_1884 = arith.constant 58 : i32
      %dma_wait3A_1885 = arith.constant 0 : i32
      %dma_wait3A_1886 = arith.constant 0 : i32
      %dma_wait3A_1887 = tpu.memref_slice %arg7[%dma_wait3A_1884, %dma_wait3A_1885, %dma_wait3A_1886] : memref<128x10x32xf32, #tpu.memory_space<vmem>> -> memref<1x10x32xf32, #tpu.memory_space<vmem>>
      %dma_wait3A_1888 = tpu.memref_squeeze %dma_wait3A_1887 : memref<1x10x32xf32, #tpu.memory_space<vmem>> -> memref<10x32xf32, #tpu.memory_space<vmem>>
      %dma_wait3A_1889 = arith.constant 7424 : i32
      %dma_wait3A_1890 = tpu.memref_slice %arg6[%dma_wait3A_1889] : memref<16384xi32, #tpu.memory_space<vmem>> -> memref<10xi32, #tpu.memory_space<vmem>>
      %dma_wait3A_1891 = arith.constant 0 : i32
      %dma_wait3A_1892 = arith.constant 0 : i32
      %dma_wait3A_1893 = tpu.memref_slice %arg3[%dma_wait3A_1891, %dma_wait3A_1892] : memref<1000000x32xf32, #tpu.memory_space<hbm>> -> memref<1000000x32xf32, #tpu.memory_space<hbm>>
      tpu.wait_indirect_dma semaphore(%arg10 : memref<!tpu.dma_semaphore, #tpu.memory_space<semaphore_mem>>) src(%dma_wait3A_1893 : memref<1000000x32xf32, #tpu.memory_space<hbm>>) dst(%dma_wait3A_1888 : memref<10x32xf32, #tpu.memory_space<vmem>>)
      %dma_wait3A_1894 = arith.constant 59 : i32
      %dma_wait3A_1895 = arith.constant 0 : i32
      %dma_wait3A_1896 = arith.constant 0 : i32
      %dma_wait3A_1897 = tpu.memref_slice %arg7[%dma_wait3A_1894, %dma_wait3A_1895, %dma_wait3A_1896] : memref<128x10x32xf32, #tpu.memory_space<vmem>> -> memref<1x10x32xf32, #tpu.memory_space<vmem>>
      %dma_wait3A_1898 = tpu.memref_squeeze %dma_wait3A_1897 : memref<1x10x32xf32, #tpu.memory_space<vmem>> -> memref<10x32xf32, #tpu.memory_space<vmem>>
      %dma_wait3A_1899 = arith.constant 7552 : i32
      %dma_wait3A_1900 = tpu.memref_slice %arg6[%dma_wait3A_1899] : memref<16384xi32, #tpu.memory_space<vmem>> -> memref<10xi32, #tpu.memory_space<vmem>>
      %dma_wait3A_1901 = arith.constant 0 : i32
      %dma_wait3A_1902 = arith.constant 0 : i32
      %dma_wait3A_1903 = tpu.memref_slice %arg3[%dma_wait3A_1901, %dma_wait3A_1902] : memref<1000000x32xf32, #tpu.memory_space<hbm>> -> memref<1000000x32xf32, #tpu.memory_space<hbm>>
      tpu.wait_indirect_dma semaphore(%arg10 : memref<!tpu.dma_semaphore, #tpu.memory_space<semaphore_mem>>) src(%dma_wait3A_1903 : memref<1000000x32xf32, #tpu.memory_space<hbm>>) dst(%dma_wait3A_1898 : memref<10x32xf32, #tpu.memory_space<vmem>>)
      %dma_wait3A_1904 = arith.constant 60 : i32
      %dma_wait3A_1905 = arith.constant 0 : i32
      %dma_wait3A_1906 = arith.constant 0 : i32
      %dma_wait3A_1907 = tpu.memref_slice %arg7[%dma_wait3A_1904, %dma_wait3A_1905, %dma_wait3A_1906] : memref<128x10x32xf32, #tpu.memory_space<vmem>> -> memref<1x10x32xf32, #tpu.memory_space<vmem>>
      %dma_wait3A_1908 = tpu.memref_squeeze %dma_wait3A_1907 : memref<1x10x32xf32, #tpu.memory_space<vmem>> -> memref<10x32xf32, #tpu.memory_space<vmem>>
      %dma_wait3A_1909 = arith.constant 7680 : i32
      %dma_wait3A_1910 = tpu.memref_slice %arg6[%dma_wait3A_1909] : memref<16384xi32, #tpu.memory_space<vmem>> -> memref<10xi32, #tpu.memory_space<vmem>>
      %dma_wait3A_1911 = arith.constant 0 : i32
      %dma_wait3A_1912 = arith.constant 0 : i32
      %dma_wait3A_1913 = tpu.memref_slice %arg3[%dma_wait3A_1911, %dma_wait3A_1912] : memref<1000000x32xf32, #tpu.memory_space<hbm>> -> memref<1000000x32xf32, #tpu.memory_space<hbm>>
      tpu.wait_indirect_dma semaphore(%arg10 : memref<!tpu.dma_semaphore, #tpu.memory_space<semaphore_mem>>) src(%dma_wait3A_1913 : memref<1000000x32xf32, #tpu.memory_space<hbm>>) dst(%dma_wait3A_1908 : memref<10x32xf32, #tpu.memory_space<vmem>>)
      %dma_wait3A_1914 = arith.constant 61 : i32
      %dma_wait3A_1915 = arith.constant 0 : i32
      %dma_wait3A_1916 = arith.constant 0 : i32
      %dma_wait3A_1917 = tpu.memref_slice %arg7[%dma_wait3A_1914, %dma_wait3A_1915, %dma_wait3A_1916] : memref<128x10x32xf32, #tpu.memory_space<vmem>> -> memref<1x10x32xf32, #tpu.memory_space<vmem>>
      %dma_wait3A_1918 = tpu.memref_squeeze %dma_wait3A_1917 : memref<1x10x32xf32, #tpu.memory_space<vmem>> -> memref<10x32xf32, #tpu.memory_space<vmem>>
      %dma_wait3A_1919 = arith.constant 7808 : i32
      %dma_wait3A_1920 = tpu.memref_slice %arg6[%dma_wait3A_1919] : memref<16384xi32, #tpu.memory_space<vmem>> -> memref<10xi32, #tpu.memory_space<vmem>>
      %dma_wait3A_1921 = arith.constant 0 : i32
      %dma_wait3A_1922 = arith.constant 0 : i32
      %dma_wait3A_1923 = tpu.memref_slice %arg3[%dma_wait3A_1921, %dma_wait3A_1922] : memref<1000000x32xf32, #tpu.memory_space<hbm>> -> memref<1000000x32xf32, #tpu.memory_space<hbm>>
      tpu.wait_indirect_dma semaphore(%arg10 : memref<!tpu.dma_semaphore, #tpu.memory_space<semaphore_mem>>) src(%dma_wait3A_1923 : memref<1000000x32xf32, #tpu.memory_space<hbm>>) dst(%dma_wait3A_1918 : memref<10x32xf32, #tpu.memory_space<vmem>>)
      %dma_wait3A_1924 = arith.constant 62 : i32
      %dma_wait3A_1925 = arith.constant 0 : i32
      %dma_wait3A_1926 = arith.constant 0 : i32
      %dma_wait3A_1927 = tpu.memref_slice %arg7[%dma_wait3A_1924, %dma_wait3A_1925, %dma_wait3A_1926] : memref<128x10x32xf32, #tpu.memory_space<vmem>> -> memref<1x10x32xf32, #tpu.memory_space<vmem>>
      %dma_wait3A_1928 = tpu.memref_squeeze %dma_wait3A_1927 : memref<1x10x32xf32, #tpu.memory_space<vmem>> -> memref<10x32xf32, #tpu.memory_space<vmem>>
      %dma_wait3A_1929 = arith.constant 7936 : i32
      %dma_wait3A_1930 = tpu.memref_slice %arg6[%dma_wait3A_1929] : memref<16384xi32, #tpu.memory_space<vmem>> -> memref<10xi32, #tpu.memory_space<vmem>>
      %dma_wait3A_1931 = arith.constant 0 : i32
      %dma_wait3A_1932 = arith.constant 0 : i32
      %dma_wait3A_1933 = tpu.memref_slice %arg3[%dma_wait3A_1931, %dma_wait3A_1932] : memref<1000000x32xf32, #tpu.memory_space<hbm>> -> memref<1000000x32xf32, #tpu.memory_space<hbm>>
      tpu.wait_indirect_dma semaphore(%arg10 : memref<!tpu.dma_semaphore, #tpu.memory_space<semaphore_mem>>) src(%dma_wait3A_1933 : memref<1000000x32xf32, #tpu.memory_space<hbm>>) dst(%dma_wait3A_1928 : memref<10x32xf32, #tpu.memory_space<vmem>>)
      %dma_wait3A_1934 = arith.constant 63 : i32
      %dma_wait3A_1935 = arith.constant 0 : i32
      %dma_wait3A_1936 = arith.constant 0 : i32
      %dma_wait3A_1937 = tpu.memref_slice %arg7[%dma_wait3A_1934, %dma_wait3A_1935, %dma_wait3A_1936] : memref<128x10x32xf32, #tpu.memory_space<vmem>> -> memref<1x10x32xf32, #tpu.memory_space<vmem>>
      %dma_wait3A_1938 = tpu.memref_squeeze %dma_wait3A_1937 : memref<1x10x32xf32, #tpu.memory_space<vmem>> -> memref<10x32xf32, #tpu.memory_space<vmem>>
      %dma_wait3A_1939 = arith.constant 8064 : i32
      %dma_wait3A_1940 = tpu.memref_slice %arg6[%dma_wait3A_1939] : memref<16384xi32, #tpu.memory_space<vmem>> -> memref<10xi32, #tpu.memory_space<vmem>>
      %dma_wait3A_1941 = arith.constant 0 : i32
      %dma_wait3A_1942 = arith.constant 0 : i32
      %dma_wait3A_1943 = tpu.memref_slice %arg3[%dma_wait3A_1941, %dma_wait3A_1942] : memref<1000000x32xf32, #tpu.memory_space<hbm>> -> memref<1000000x32xf32, #tpu.memory_space<hbm>>
      tpu.wait_indirect_dma semaphore(%arg10 : memref<!tpu.dma_semaphore, #tpu.memory_space<semaphore_mem>>) src(%dma_wait3A_1943 : memref<1000000x32xf32, #tpu.memory_space<hbm>>) dst(%dma_wait3A_1938 : memref<10x32xf32, #tpu.memory_space<vmem>>)
      %dma_wait3A_1944 = arith.constant 64 : i32
      %dma_wait3A_1945 = arith.constant 0 : i32
      %dma_wait3A_1946 = arith.constant 0 : i32
      %dma_wait3A_1947 = tpu.memref_slice %arg7[%dma_wait3A_1944, %dma_wait3A_1945, %dma_wait3A_1946] : memref<128x10x32xf32, #tpu.memory_space<vmem>> -> memref<1x10x32xf32, #tpu.memory_space<vmem>>
      %dma_wait3A_1948 = tpu.memref_squeeze %dma_wait3A_1947 : memref<1x10x32xf32, #tpu.memory_space<vmem>> -> memref<10x32xf32, #tpu.memory_space<vmem>>
      %dma_wait3A_1949 = arith.constant 8192 : i32
      %dma_wait3A_1950 = tpu.memref_slice %arg6[%dma_wait3A_1949] : memref<16384xi32, #tpu.memory_space<vmem>> -> memref<10xi32, #tpu.memory_space<vmem>>
      %dma_wait3A_1951 = arith.constant 0 : i32
      %dma_wait3A_1952 = arith.constant 0 : i32
      %dma_wait3A_1953 = tpu.memref_slice %arg3[%dma_wait3A_1951, %dma_wait3A_1952] : memref<1000000x32xf32, #tpu.memory_space<hbm>> -> memref<1000000x32xf32, #tpu.memory_space<hbm>>
      tpu.wait_indirect_dma semaphore(%arg10 : memref<!tpu.dma_semaphore, #tpu.memory_space<semaphore_mem>>) src(%dma_wait3A_1953 : memref<1000000x32xf32, #tpu.memory_space<hbm>>) dst(%dma_wait3A_1948 : memref<10x32xf32, #tpu.memory_space<vmem>>)
      %dma_wait3A_1954 = arith.constant 65 : i32
      %dma_wait3A_1955 = arith.constant 0 : i32
      %dma_wait3A_1956 = arith.constant 0 : i32
      %dma_wait3A_1957 = tpu.memref_slice %arg7[%dma_wait3A_1954, %dma_wait3A_1955, %dma_wait3A_1956] : memref<128x10x32xf32, #tpu.memory_space<vmem>> -> memref<1x10x32xf32, #tpu.memory_space<vmem>>
      %dma_wait3A_1958 = tpu.memref_squeeze %dma_wait3A_1957 : memref<1x10x32xf32, #tpu.memory_space<vmem>> -> memref<10x32xf32, #tpu.memory_space<vmem>>
      %dma_wait3A_1959 = arith.constant 8320 : i32
      %dma_wait3A_1960 = tpu.memref_slice %arg6[%dma_wait3A_1959] : memref<16384xi32, #tpu.memory_space<vmem>> -> memref<10xi32, #tpu.memory_space<vmem>>
      %dma_wait3A_1961 = arith.constant 0 : i32
      %dma_wait3A_1962 = arith.constant 0 : i32
      %dma_wait3A_1963 = tpu.memref_slice %arg3[%dma_wait3A_1961, %dma_wait3A_1962] : memref<1000000x32xf32, #tpu.memory_space<hbm>> -> memref<1000000x32xf32, #tpu.memory_space<hbm>>
      tpu.wait_indirect_dma semaphore(%arg10 : memref<!tpu.dma_semaphore, #tpu.memory_space<semaphore_mem>>) src(%dma_wait3A_1963 : memref<1000000x32xf32, #tpu.memory_space<hbm>>) dst(%dma_wait3A_1958 : memref<10x32xf32, #tpu.memory_space<vmem>>)
      %dma_wait3A_1964 = arith.constant 66 : i32
      %dma_wait3A_1965 = arith.constant 0 : i32
      %dma_wait3A_1966 = arith.constant 0 : i32
      %dma_wait3A_1967 = tpu.memref_slice %arg7[%dma_wait3A_1964, %dma_wait3A_1965, %dma_wait3A_1966] : memref<128x10x32xf32, #tpu.memory_space<vmem>> -> memref<1x10x32xf32, #tpu.memory_space<vmem>>
      %dma_wait3A_1968 = tpu.memref_squeeze %dma_wait3A_1967 : memref<1x10x32xf32, #tpu.memory_space<vmem>> -> memref<10x32xf32, #tpu.memory_space<vmem>>
      %dma_wait3A_1969 = arith.constant 8448 : i32
      %dma_wait3A_1970 = tpu.memref_slice %arg6[%dma_wait3A_1969] : memref<16384xi32, #tpu.memory_space<vmem>> -> memref<10xi32, #tpu.memory_space<vmem>>
      %dma_wait3A_1971 = arith.constant 0 : i32
      %dma_wait3A_1972 = arith.constant 0 : i32
      %dma_wait3A_1973 = tpu.memref_slice %arg3[%dma_wait3A_1971, %dma_wait3A_1972] : memref<1000000x32xf32, #tpu.memory_space<hbm>> -> memref<1000000x32xf32, #tpu.memory_space<hbm>>
      tpu.wait_indirect_dma semaphore(%arg10 : memref<!tpu.dma_semaphore, #tpu.memory_space<semaphore_mem>>) src(%dma_wait3A_1973 : memref<1000000x32xf32, #tpu.memory_space<hbm>>) dst(%dma_wait3A_1968 : memref<10x32xf32, #tpu.memory_space<vmem>>)
      %dma_wait3A_1974 = arith.constant 67 : i32
      %dma_wait3A_1975 = arith.constant 0 : i32
      %dma_wait3A_1976 = arith.constant 0 : i32
      %dma_wait3A_1977 = tpu.memref_slice %arg7[%dma_wait3A_1974, %dma_wait3A_1975, %dma_wait3A_1976] : memref<128x10x32xf32, #tpu.memory_space<vmem>> -> memref<1x10x32xf32, #tpu.memory_space<vmem>>
      %dma_wait3A_1978 = tpu.memref_squeeze %dma_wait3A_1977 : memref<1x10x32xf32, #tpu.memory_space<vmem>> -> memref<10x32xf32, #tpu.memory_space<vmem>>
      %dma_wait3A_1979 = arith.constant 8576 : i32
      %dma_wait3A_1980 = tpu.memref_slice %arg6[%dma_wait3A_1979] : memref<16384xi32, #tpu.memory_space<vmem>> -> memref<10xi32, #tpu.memory_space<vmem>>
      %dma_wait3A_1981 = arith.constant 0 : i32
      %dma_wait3A_1982 = arith.constant 0 : i32
      %dma_wait3A_1983 = tpu.memref_slice %arg3[%dma_wait3A_1981, %dma_wait3A_1982] : memref<1000000x32xf32, #tpu.memory_space<hbm>> -> memref<1000000x32xf32, #tpu.memory_space<hbm>>
      tpu.wait_indirect_dma semaphore(%arg10 : memref<!tpu.dma_semaphore, #tpu.memory_space<semaphore_mem>>) src(%dma_wait3A_1983 : memref<1000000x32xf32, #tpu.memory_space<hbm>>) dst(%dma_wait3A_1978 : memref<10x32xf32, #tpu.memory_space<vmem>>)
      %dma_wait3A_1984 = arith.constant 68 : i32
      %dma_wait3A_1985 = arith.constant 0 : i32
      %dma_wait3A_1986 = arith.constant 0 : i32
      %dma_wait3A_1987 = tpu.memref_slice %arg7[%dma_wait3A_1984, %dma_wait3A_1985, %dma_wait3A_1986] : memref<128x10x32xf32, #tpu.memory_space<vmem>> -> memref<1x10x32xf32, #tpu.memory_space<vmem>>
      %dma_wait3A_1988 = tpu.memref_squeeze %dma_wait3A_1987 : memref<1x10x32xf32, #tpu.memory_space<vmem>> -> memref<10x32xf32, #tpu.memory_space<vmem>>
      %dma_wait3A_1989 = arith.constant 8704 : i32
      %dma_wait3A_1990 = tpu.memref_slice %arg6[%dma_wait3A_1989] : memref<16384xi32, #tpu.memory_space<vmem>> -> memref<10xi32, #tpu.memory_space<vmem>>
      %dma_wait3A_1991 = arith.constant 0 : i32
      %dma_wait3A_1992 = arith.constant 0 : i32
      %dma_wait3A_1993 = tpu.memref_slice %arg3[%dma_wait3A_1991, %dma_wait3A_1992] : memref<1000000x32xf32, #tpu.memory_space<hbm>> -> memref<1000000x32xf32, #tpu.memory_space<hbm>>
      tpu.wait_indirect_dma semaphore(%arg10 : memref<!tpu.dma_semaphore, #tpu.memory_space<semaphore_mem>>) src(%dma_wait3A_1993 : memref<1000000x32xf32, #tpu.memory_space<hbm>>) dst(%dma_wait3A_1988 : memref<10x32xf32, #tpu.memory_space<vmem>>)
      %dma_wait3A_1994 = arith.constant 69 : i32
      %dma_wait3A_1995 = arith.constant 0 : i32
      %dma_wait3A_1996 = arith.constant 0 : i32
      %dma_wait3A_1997 = tpu.memref_slice %arg7[%dma_wait3A_1994, %dma_wait3A_1995, %dma_wait3A_1996] : memref<128x10x32xf32, #tpu.memory_space<vmem>> -> memref<1x10x32xf32, #tpu.memory_space<vmem>>
      %dma_wait3A_1998 = tpu.memref_squeeze %dma_wait3A_1997 : memref<1x10x32xf32, #tpu.memory_space<vmem>> -> memref<10x32xf32, #tpu.memory_space<vmem>>
      %dma_wait3A_1999 = arith.constant 8832 : i32
      %dma_wait3A_2000 = tpu.memref_slice %arg6[%dma_wait3A_1999] : memref<16384xi32, #tpu.memory_space<vmem>> -> memref<10xi32, #tpu.memory_space<vmem>>
      %dma_wait3A_2001 = arith.constant 0 : i32
      %dma_wait3A_2002 = arith.constant 0 : i32
      %dma_wait3A_2003 = tpu.memref_slice %arg3[%dma_wait3A_2001, %dma_wait3A_2002] : memref<1000000x32xf32, #tpu.memory_space<hbm>> -> memref<1000000x32xf32, #tpu.memory_space<hbm>>
      tpu.wait_indirect_dma semaphore(%arg10 : memref<!tpu.dma_semaphore, #tpu.memory_space<semaphore_mem>>) src(%dma_wait3A_2003 : memref<1000000x32xf32, #tpu.memory_space<hbm>>) dst(%dma_wait3A_1998 : memref<10x32xf32, #tpu.memory_space<vmem>>)
      %dma_wait3A_2004 = arith.constant 70 : i32
      %dma_wait3A_2005 = arith.constant 0 : i32
      %dma_wait3A_2006 = arith.constant 0 : i32
      %dma_wait3A_2007 = tpu.memref_slice %arg7[%dma_wait3A_2004, %dma_wait3A_2005, %dma_wait3A_2006] : memref<128x10x32xf32, #tpu.memory_space<vmem>> -> memref<1x10x32xf32, #tpu.memory_space<vmem>>
      %dma_wait3A_2008 = tpu.memref_squeeze %dma_wait3A_2007 : memref<1x10x32xf32, #tpu.memory_space<vmem>> -> memref<10x32xf32, #tpu.memory_space<vmem>>
      %dma_wait3A_2009 = arith.constant 8960 : i32
      %dma_wait3A_2010 = tpu.memref_slice %arg6[%dma_wait3A_2009] : memref<16384xi32, #tpu.memory_space<vmem>> -> memref<10xi32, #tpu.memory_space<vmem>>
      %dma_wait3A_2011 = arith.constant 0 : i32
      %dma_wait3A_2012 = arith.constant 0 : i32
      %dma_wait3A_2013 = tpu.memref_slice %arg3[%dma_wait3A_2011, %dma_wait3A_2012] : memref<1000000x32xf32, #tpu.memory_space<hbm>> -> memref<1000000x32xf32, #tpu.memory_space<hbm>>
      tpu.wait_indirect_dma semaphore(%arg10 : memref<!tpu.dma_semaphore, #tpu.memory_space<semaphore_mem>>) src(%dma_wait3A_2013 : memref<1000000x32xf32, #tpu.memory_space<hbm>>) dst(%dma_wait3A_2008 : memref<10x32xf32, #tpu.memory_space<vmem>>)
      %dma_wait3A_2014 = arith.constant 71 : i32
      %dma_wait3A_2015 = arith.constant 0 : i32
      %dma_wait3A_2016 = arith.constant 0 : i32
      %dma_wait3A_2017 = tpu.memref_slice %arg7[%dma_wait3A_2014, %dma_wait3A_2015, %dma_wait3A_2016] : memref<128x10x32xf32, #tpu.memory_space<vmem>> -> memref<1x10x32xf32, #tpu.memory_space<vmem>>
      %dma_wait3A_2018 = tpu.memref_squeeze %dma_wait3A_2017 : memref<1x10x32xf32, #tpu.memory_space<vmem>> -> memref<10x32xf32, #tpu.memory_space<vmem>>
      %dma_wait3A_2019 = arith.constant 9088 : i32
      %dma_wait3A_2020 = tpu.memref_slice %arg6[%dma_wait3A_2019] : memref<16384xi32, #tpu.memory_space<vmem>> -> memref<10xi32, #tpu.memory_space<vmem>>
      %dma_wait3A_2021 = arith.constant 0 : i32
      %dma_wait3A_2022 = arith.constant 0 : i32
      %dma_wait3A_2023 = tpu.memref_slice %arg3[%dma_wait3A_2021, %dma_wait3A_2022] : memref<1000000x32xf32, #tpu.memory_space<hbm>> -> memref<1000000x32xf32, #tpu.memory_space<hbm>>
      tpu.wait_indirect_dma semaphore(%arg10 : memref<!tpu.dma_semaphore, #tpu.memory_space<semaphore_mem>>) src(%dma_wait3A_2023 : memref<1000000x32xf32, #tpu.memory_space<hbm>>) dst(%dma_wait3A_2018 : memref<10x32xf32, #tpu.memory_space<vmem>>)
      %dma_wait3A_2024 = arith.constant 72 : i32
      %dma_wait3A_2025 = arith.constant 0 : i32
      %dma_wait3A_2026 = arith.constant 0 : i32
      %dma_wait3A_2027 = tpu.memref_slice %arg7[%dma_wait3A_2024, %dma_wait3A_2025, %dma_wait3A_2026] : memref<128x10x32xf32, #tpu.memory_space<vmem>> -> memref<1x10x32xf32, #tpu.memory_space<vmem>>
      %dma_wait3A_2028 = tpu.memref_squeeze %dma_wait3A_2027 : memref<1x10x32xf32, #tpu.memory_space<vmem>> -> memref<10x32xf32, #tpu.memory_space<vmem>>
      %dma_wait3A_2029 = arith.constant 9216 : i32
      %dma_wait3A_2030 = tpu.memref_slice %arg6[%dma_wait3A_2029] : memref<16384xi32, #tpu.memory_space<vmem>> -> memref<10xi32, #tpu.memory_space<vmem>>
      %dma_wait3A_2031 = arith.constant 0 : i32
      %dma_wait3A_2032 = arith.constant 0 : i32
      %dma_wait3A_2033 = tpu.memref_slice %arg3[%dma_wait3A_2031, %dma_wait3A_2032] : memref<1000000x32xf32, #tpu.memory_space<hbm>> -> memref<1000000x32xf32, #tpu.memory_space<hbm>>
      tpu.wait_indirect_dma semaphore(%arg10 : memref<!tpu.dma_semaphore, #tpu.memory_space<semaphore_mem>>) src(%dma_wait3A_2033 : memref<1000000x32xf32, #tpu.memory_space<hbm>>) dst(%dma_wait3A_2028 : memref<10x32xf32, #tpu.memory_space<vmem>>)
      %dma_wait3A_2034 = arith.constant 73 : i32
      %dma_wait3A_2035 = arith.constant 0 : i32
      %dma_wait3A_2036 = arith.constant 0 : i32
      %dma_wait3A_2037 = tpu.memref_slice %arg7[%dma_wait3A_2034, %dma_wait3A_2035, %dma_wait3A_2036] : memref<128x10x32xf32, #tpu.memory_space<vmem>> -> memref<1x10x32xf32, #tpu.memory_space<vmem>>
      %dma_wait3A_2038 = tpu.memref_squeeze %dma_wait3A_2037 : memref<1x10x32xf32, #tpu.memory_space<vmem>> -> memref<10x32xf32, #tpu.memory_space<vmem>>
      %dma_wait3A_2039 = arith.constant 9344 : i32
      %dma_wait3A_2040 = tpu.memref_slice %arg6[%dma_wait3A_2039] : memref<16384xi32, #tpu.memory_space<vmem>> -> memref<10xi32, #tpu.memory_space<vmem>>
      %dma_wait3A_2041 = arith.constant 0 : i32
      %dma_wait3A_2042 = arith.constant 0 : i32
      %dma_wait3A_2043 = tpu.memref_slice %arg3[%dma_wait3A_2041, %dma_wait3A_2042] : memref<1000000x32xf32, #tpu.memory_space<hbm>> -> memref<1000000x32xf32, #tpu.memory_space<hbm>>
      tpu.wait_indirect_dma semaphore(%arg10 : memref<!tpu.dma_semaphore, #tpu.memory_space<semaphore_mem>>) src(%dma_wait3A_2043 : memref<1000000x32xf32, #tpu.memory_space<hbm>>) dst(%dma_wait3A_2038 : memref<10x32xf32, #tpu.memory_space<vmem>>)
      %dma_wait3A_2044 = arith.constant 74 : i32
      %dma_wait3A_2045 = arith.constant 0 : i32
      %dma_wait3A_2046 = arith.constant 0 : i32
      %dma_wait3A_2047 = tpu.memref_slice %arg7[%dma_wait3A_2044, %dma_wait3A_2045, %dma_wait3A_2046] : memref<128x10x32xf32, #tpu.memory_space<vmem>> -> memref<1x10x32xf32, #tpu.memory_space<vmem>>
      %dma_wait3A_2048 = tpu.memref_squeeze %dma_wait3A_2047 : memref<1x10x32xf32, #tpu.memory_space<vmem>> -> memref<10x32xf32, #tpu.memory_space<vmem>>
      %dma_wait3A_2049 = arith.constant 9472 : i32
      %dma_wait3A_2050 = tpu.memref_slice %arg6[%dma_wait3A_2049] : memref<16384xi32, #tpu.memory_space<vmem>> -> memref<10xi32, #tpu.memory_space<vmem>>
      %dma_wait3A_2051 = arith.constant 0 : i32
      %dma_wait3A_2052 = arith.constant 0 : i32
      %dma_wait3A_2053 = tpu.memref_slice %arg3[%dma_wait3A_2051, %dma_wait3A_2052] : memref<1000000x32xf32, #tpu.memory_space<hbm>> -> memref<1000000x32xf32, #tpu.memory_space<hbm>>
      tpu.wait_indirect_dma semaphore(%arg10 : memref<!tpu.dma_semaphore, #tpu.memory_space<semaphore_mem>>) src(%dma_wait3A_2053 : memref<1000000x32xf32, #tpu.memory_space<hbm>>) dst(%dma_wait3A_2048 : memref<10x32xf32, #tpu.memory_space<vmem>>)
      %dma_wait3A_2054 = arith.constant 75 : i32
      %dma_wait3A_2055 = arith.constant 0 : i32
      %dma_wait3A_2056 = arith.constant 0 : i32
      %dma_wait3A_2057 = tpu.memref_slice %arg7[%dma_wait3A_2054, %dma_wait3A_2055, %dma_wait3A_2056] : memref<128x10x32xf32, #tpu.memory_space<vmem>> -> memref<1x10x32xf32, #tpu.memory_space<vmem>>
      %dma_wait3A_2058 = tpu.memref_squeeze %dma_wait3A_2057 : memref<1x10x32xf32, #tpu.memory_space<vmem>> -> memref<10x32xf32, #tpu.memory_space<vmem>>
      %dma_wait3A_2059 = arith.constant 9600 : i32
      %dma_wait3A_2060 = tpu.memref_slice %arg6[%dma_wait3A_2059] : memref<16384xi32, #tpu.memory_space<vmem>> -> memref<10xi32, #tpu.memory_space<vmem>>
      %dma_wait3A_2061 = arith.constant 0 : i32
      %dma_wait3A_2062 = arith.constant 0 : i32
      %dma_wait3A_2063 = tpu.memref_slice %arg3[%dma_wait3A_2061, %dma_wait3A_2062] : memref<1000000x32xf32, #tpu.memory_space<hbm>> -> memref<1000000x32xf32, #tpu.memory_space<hbm>>
      tpu.wait_indirect_dma semaphore(%arg10 : memref<!tpu.dma_semaphore, #tpu.memory_space<semaphore_mem>>) src(%dma_wait3A_2063 : memref<1000000x32xf32, #tpu.memory_space<hbm>>) dst(%dma_wait3A_2058 : memref<10x32xf32, #tpu.memory_space<vmem>>)
      %dma_wait3A_2064 = arith.constant 76 : i32
      %dma_wait3A_2065 = arith.constant 0 : i32
      %dma_wait3A_2066 = arith.constant 0 : i32
      %dma_wait3A_2067 = tpu.memref_slice %arg7[%dma_wait3A_2064, %dma_wait3A_2065, %dma_wait3A_2066] : memref<128x10x32xf32, #tpu.memory_space<vmem>> -> memref<1x10x32xf32, #tpu.memory_space<vmem>>
      %dma_wait3A_2068 = tpu.memref_squeeze %dma_wait3A_2067 : memref<1x10x32xf32, #tpu.memory_space<vmem>> -> memref<10x32xf32, #tpu.memory_space<vmem>>
      %dma_wait3A_2069 = arith.constant 9728 : i32
      %dma_wait3A_2070 = tpu.memref_slice %arg6[%dma_wait3A_2069] : memref<16384xi32, #tpu.memory_space<vmem>> -> memref<10xi32, #tpu.memory_space<vmem>>
      %dma_wait3A_2071 = arith.constant 0 : i32
      %dma_wait3A_2072 = arith.constant 0 : i32
      %dma_wait3A_2073 = tpu.memref_slice %arg3[%dma_wait3A_2071, %dma_wait3A_2072] : memref<1000000x32xf32, #tpu.memory_space<hbm>> -> memref<1000000x32xf32, #tpu.memory_space<hbm>>
      tpu.wait_indirect_dma semaphore(%arg10 : memref<!tpu.dma_semaphore, #tpu.memory_space<semaphore_mem>>) src(%dma_wait3A_2073 : memref<1000000x32xf32, #tpu.memory_space<hbm>>) dst(%dma_wait3A_2068 : memref<10x32xf32, #tpu.memory_space<vmem>>)
      %dma_wait3A_2074 = arith.constant 77 : i32
      %dma_wait3A_2075 = arith.constant 0 : i32
      %dma_wait3A_2076 = arith.constant 0 : i32
      %dma_wait3A_2077 = tpu.memref_slice %arg7[%dma_wait3A_2074, %dma_wait3A_2075, %dma_wait3A_2076] : memref<128x10x32xf32, #tpu.memory_space<vmem>> -> memref<1x10x32xf32, #tpu.memory_space<vmem>>
      %dma_wait3A_2078 = tpu.memref_squeeze %dma_wait3A_2077 : memref<1x10x32xf32, #tpu.memory_space<vmem>> -> memref<10x32xf32, #tpu.memory_space<vmem>>
      %dma_wait3A_2079 = arith.constant 9856 : i32
      %dma_wait3A_2080 = tpu.memref_slice %arg6[%dma_wait3A_2079] : memref<16384xi32, #tpu.memory_space<vmem>> -> memref<10xi32, #tpu.memory_space<vmem>>
      %dma_wait3A_2081 = arith.constant 0 : i32
      %dma_wait3A_2082 = arith.constant 0 : i32
      %dma_wait3A_2083 = tpu.memref_slice %arg3[%dma_wait3A_2081, %dma_wait3A_2082] : memref<1000000x32xf32, #tpu.memory_space<hbm>> -> memref<1000000x32xf32, #tpu.memory_space<hbm>>
      tpu.wait_indirect_dma semaphore(%arg10 : memref<!tpu.dma_semaphore, #tpu.memory_space<semaphore_mem>>) src(%dma_wait3A_2083 : memref<1000000x32xf32, #tpu.memory_space<hbm>>) dst(%dma_wait3A_2078 : memref<10x32xf32, #tpu.memory_space<vmem>>)
      %dma_wait3A_2084 = arith.constant 78 : i32
      %dma_wait3A_2085 = arith.constant 0 : i32
      %dma_wait3A_2086 = arith.constant 0 : i32
      %dma_wait3A_2087 = tpu.memref_slice %arg7[%dma_wait3A_2084, %dma_wait3A_2085, %dma_wait3A_2086] : memref<128x10x32xf32, #tpu.memory_space<vmem>> -> memref<1x10x32xf32, #tpu.memory_space<vmem>>
      %dma_wait3A_2088 = tpu.memref_squeeze %dma_wait3A_2087 : memref<1x10x32xf32, #tpu.memory_space<vmem>> -> memref<10x32xf32, #tpu.memory_space<vmem>>
      %dma_wait3A_2089 = arith.constant 9984 : i32
      %dma_wait3A_2090 = tpu.memref_slice %arg6[%dma_wait3A_2089] : memref<16384xi32, #tpu.memory_space<vmem>> -> memref<10xi32, #tpu.memory_space<vmem>>
      %dma_wait3A_2091 = arith.constant 0 : i32
      %dma_wait3A_2092 = arith.constant 0 : i32
      %dma_wait3A_2093 = tpu.memref_slice %arg3[%dma_wait3A_2091, %dma_wait3A_2092] : memref<1000000x32xf32, #tpu.memory_space<hbm>> -> memref<1000000x32xf32, #tpu.memory_space<hbm>>
      tpu.wait_indirect_dma semaphore(%arg10 : memref<!tpu.dma_semaphore, #tpu.memory_space<semaphore_mem>>) src(%dma_wait3A_2093 : memref<1000000x32xf32, #tpu.memory_space<hbm>>) dst(%dma_wait3A_2088 : memref<10x32xf32, #tpu.memory_space<vmem>>)
      %dma_wait3A_2094 = arith.constant 79 : i32
      %dma_wait3A_2095 = arith.constant 0 : i32
      %dma_wait3A_2096 = arith.constant 0 : i32
      %dma_wait3A_2097 = tpu.memref_slice %arg7[%dma_wait3A_2094, %dma_wait3A_2095, %dma_wait3A_2096] : memref<128x10x32xf32, #tpu.memory_space<vmem>> -> memref<1x10x32xf32, #tpu.memory_space<vmem>>
      %dma_wait3A_2098 = tpu.memref_squeeze %dma_wait3A_2097 : memref<1x10x32xf32, #tpu.memory_space<vmem>> -> memref<10x32xf32, #tpu.memory_space<vmem>>
      %dma_wait3A_2099 = arith.constant 10112 : i32
      %dma_wait3A_2100 = tpu.memref_slice %arg6[%dma_wait3A_2099] : memref<16384xi32, #tpu.memory_space<vmem>> -> memref<10xi32, #tpu.memory_space<vmem>>
      %dma_wait3A_2101 = arith.constant 0 : i32
      %dma_wait3A_2102 = arith.constant 0 : i32
      %dma_wait3A_2103 = tpu.memref_slice %arg3[%dma_wait3A_2101, %dma_wait3A_2102] : memref<1000000x32xf32, #tpu.memory_space<hbm>> -> memref<1000000x32xf32, #tpu.memory_space<hbm>>
      tpu.wait_indirect_dma semaphore(%arg10 : memref<!tpu.dma_semaphore, #tpu.memory_space<semaphore_mem>>) src(%dma_wait3A_2103 : memref<1000000x32xf32, #tpu.memory_space<hbm>>) dst(%dma_wait3A_2098 : memref<10x32xf32, #tpu.memory_space<vmem>>)
      %dma_wait3A_2104 = arith.constant 80 : i32
      %dma_wait3A_2105 = arith.constant 0 : i32
      %dma_wait3A_2106 = arith.constant 0 : i32
      %dma_wait3A_2107 = tpu.memref_slice %arg7[%dma_wait3A_2104, %dma_wait3A_2105, %dma_wait3A_2106] : memref<128x10x32xf32, #tpu.memory_space<vmem>> -> memref<1x10x32xf32, #tpu.memory_space<vmem>>
      %dma_wait3A_2108 = tpu.memref_squeeze %dma_wait3A_2107 : memref<1x10x32xf32, #tpu.memory_space<vmem>> -> memref<10x32xf32, #tpu.memory_space<vmem>>
      %dma_wait3A_2109 = arith.constant 10240 : i32
      %dma_wait3A_2110 = tpu.memref_slice %arg6[%dma_wait3A_2109] : memref<16384xi32, #tpu.memory_space<vmem>> -> memref<10xi32, #tpu.memory_space<vmem>>
      %dma_wait3A_2111 = arith.constant 0 : i32
      %dma_wait3A_2112 = arith.constant 0 : i32
      %dma_wait3A_2113 = tpu.memref_slice %arg3[%dma_wait3A_2111, %dma_wait3A_2112] : memref<1000000x32xf32, #tpu.memory_space<hbm>> -> memref<1000000x32xf32, #tpu.memory_space<hbm>>
      tpu.wait_indirect_dma semaphore(%arg10 : memref<!tpu.dma_semaphore, #tpu.memory_space<semaphore_mem>>) src(%dma_wait3A_2113 : memref<1000000x32xf32, #tpu.memory_space<hbm>>) dst(%dma_wait3A_2108 : memref<10x32xf32, #tpu.memory_space<vmem>>)
      %dma_wait3A_2114 = arith.constant 81 : i32
      %dma_wait3A_2115 = arith.constant 0 : i32
      %dma_wait3A_2116 = arith.constant 0 : i32
      %dma_wait3A_2117 = tpu.memref_slice %arg7[%dma_wait3A_2114, %dma_wait3A_2115, %dma_wait3A_2116] : memref<128x10x32xf32, #tpu.memory_space<vmem>> -> memref<1x10x32xf32, #tpu.memory_space<vmem>>
      %dma_wait3A_2118 = tpu.memref_squeeze %dma_wait3A_2117 : memref<1x10x32xf32, #tpu.memory_space<vmem>> -> memref<10x32xf32, #tpu.memory_space<vmem>>
      %dma_wait3A_2119 = arith.constant 10368 : i32
      %dma_wait3A_2120 = tpu.memref_slice %arg6[%dma_wait3A_2119] : memref<16384xi32, #tpu.memory_space<vmem>> -> memref<10xi32, #tpu.memory_space<vmem>>
      %dma_wait3A_2121 = arith.constant 0 : i32
      %dma_wait3A_2122 = arith.constant 0 : i32
      %dma_wait3A_2123 = tpu.memref_slice %arg3[%dma_wait3A_2121, %dma_wait3A_2122] : memref<1000000x32xf32, #tpu.memory_space<hbm>> -> memref<1000000x32xf32, #tpu.memory_space<hbm>>
      tpu.wait_indirect_dma semaphore(%arg10 : memref<!tpu.dma_semaphore, #tpu.memory_space<semaphore_mem>>) src(%dma_wait3A_2123 : memref<1000000x32xf32, #tpu.memory_space<hbm>>) dst(%dma_wait3A_2118 : memref<10x32xf32, #tpu.memory_space<vmem>>)
      %dma_wait3A_2124 = arith.constant 82 : i32
      %dma_wait3A_2125 = arith.constant 0 : i32
      %dma_wait3A_2126 = arith.constant 0 : i32
      %dma_wait3A_2127 = tpu.memref_slice %arg7[%dma_wait3A_2124, %dma_wait3A_2125, %dma_wait3A_2126] : memref<128x10x32xf32, #tpu.memory_space<vmem>> -> memref<1x10x32xf32, #tpu.memory_space<vmem>>
      %dma_wait3A_2128 = tpu.memref_squeeze %dma_wait3A_2127 : memref<1x10x32xf32, #tpu.memory_space<vmem>> -> memref<10x32xf32, #tpu.memory_space<vmem>>
      %dma_wait3A_2129 = arith.constant 10496 : i32
      %dma_wait3A_2130 = tpu.memref_slice %arg6[%dma_wait3A_2129] : memref<16384xi32, #tpu.memory_space<vmem>> -> memref<10xi32, #tpu.memory_space<vmem>>
      %dma_wait3A_2131 = arith.constant 0 : i32
      %dma_wait3A_2132 = arith.constant 0 : i32
      %dma_wait3A_2133 = tpu.memref_slice %arg3[%dma_wait3A_2131, %dma_wait3A_2132] : memref<1000000x32xf32, #tpu.memory_space<hbm>> -> memref<1000000x32xf32, #tpu.memory_space<hbm>>
      tpu.wait_indirect_dma semaphore(%arg10 : memref<!tpu.dma_semaphore, #tpu.memory_space<semaphore_mem>>) src(%dma_wait3A_2133 : memref<1000000x32xf32, #tpu.memory_space<hbm>>) dst(%dma_wait3A_2128 : memref<10x32xf32, #tpu.memory_space<vmem>>)
      %dma_wait3A_2134 = arith.constant 83 : i32
      %dma_wait3A_2135 = arith.constant 0 : i32
      %dma_wait3A_2136 = arith.constant 0 : i32
      %dma_wait3A_2137 = tpu.memref_slice %arg7[%dma_wait3A_2134, %dma_wait3A_2135, %dma_wait3A_2136] : memref<128x10x32xf32, #tpu.memory_space<vmem>> -> memref<1x10x32xf32, #tpu.memory_space<vmem>>
      %dma_wait3A_2138 = tpu.memref_squeeze %dma_wait3A_2137 : memref<1x10x32xf32, #tpu.memory_space<vmem>> -> memref<10x32xf32, #tpu.memory_space<vmem>>
      %dma_wait3A_2139 = arith.constant 10624 : i32
      %dma_wait3A_2140 = tpu.memref_slice %arg6[%dma_wait3A_2139] : memref<16384xi32, #tpu.memory_space<vmem>> -> memref<10xi32, #tpu.memory_space<vmem>>
      %dma_wait3A_2141 = arith.constant 0 : i32
      %dma_wait3A_2142 = arith.constant 0 : i32
      %dma_wait3A_2143 = tpu.memref_slice %arg3[%dma_wait3A_2141, %dma_wait3A_2142] : memref<1000000x32xf32, #tpu.memory_space<hbm>> -> memref<1000000x32xf32, #tpu.memory_space<hbm>>
      tpu.wait_indirect_dma semaphore(%arg10 : memref<!tpu.dma_semaphore, #tpu.memory_space<semaphore_mem>>) src(%dma_wait3A_2143 : memref<1000000x32xf32, #tpu.memory_space<hbm>>) dst(%dma_wait3A_2138 : memref<10x32xf32, #tpu.memory_space<vmem>>)
      %dma_wait3A_2144 = arith.constant 84 : i32
      %dma_wait3A_2145 = arith.constant 0 : i32
      %dma_wait3A_2146 = arith.constant 0 : i32
      %dma_wait3A_2147 = tpu.memref_slice %arg7[%dma_wait3A_2144, %dma_wait3A_2145, %dma_wait3A_2146] : memref<128x10x32xf32, #tpu.memory_space<vmem>> -> memref<1x10x32xf32, #tpu.memory_space<vmem>>
      %dma_wait3A_2148 = tpu.memref_squeeze %dma_wait3A_2147 : memref<1x10x32xf32, #tpu.memory_space<vmem>> -> memref<10x32xf32, #tpu.memory_space<vmem>>
      %dma_wait3A_2149 = arith.constant 10752 : i32
      %dma_wait3A_2150 = tpu.memref_slice %arg6[%dma_wait3A_2149] : memref<16384xi32, #tpu.memory_space<vmem>> -> memref<10xi32, #tpu.memory_space<vmem>>
      %dma_wait3A_2151 = arith.constant 0 : i32
      %dma_wait3A_2152 = arith.constant 0 : i32
      %dma_wait3A_2153 = tpu.memref_slice %arg3[%dma_wait3A_2151, %dma_wait3A_2152] : memref<1000000x32xf32, #tpu.memory_space<hbm>> -> memref<1000000x32xf32, #tpu.memory_space<hbm>>
      tpu.wait_indirect_dma semaphore(%arg10 : memref<!tpu.dma_semaphore, #tpu.memory_space<semaphore_mem>>) src(%dma_wait3A_2153 : memref<1000000x32xf32, #tpu.memory_space<hbm>>) dst(%dma_wait3A_2148 : memref<10x32xf32, #tpu.memory_space<vmem>>)
      %dma_wait3A_2154 = arith.constant 85 : i32
      %dma_wait3A_2155 = arith.constant 0 : i32
      %dma_wait3A_2156 = arith.constant 0 : i32
      %dma_wait3A_2157 = tpu.memref_slice %arg7[%dma_wait3A_2154, %dma_wait3A_2155, %dma_wait3A_2156] : memref<128x10x32xf32, #tpu.memory_space<vmem>> -> memref<1x10x32xf32, #tpu.memory_space<vmem>>
      %dma_wait3A_2158 = tpu.memref_squeeze %dma_wait3A_2157 : memref<1x10x32xf32, #tpu.memory_space<vmem>> -> memref<10x32xf32, #tpu.memory_space<vmem>>
      %dma_wait3A_2159 = arith.constant 10880 : i32
      %dma_wait3A_2160 = tpu.memref_slice %arg6[%dma_wait3A_2159] : memref<16384xi32, #tpu.memory_space<vmem>> -> memref<10xi32, #tpu.memory_space<vmem>>
      %dma_wait3A_2161 = arith.constant 0 : i32
      %dma_wait3A_2162 = arith.constant 0 : i32
      %dma_wait3A_2163 = tpu.memref_slice %arg3[%dma_wait3A_2161, %dma_wait3A_2162] : memref<1000000x32xf32, #tpu.memory_space<hbm>> -> memref<1000000x32xf32, #tpu.memory_space<hbm>>
      tpu.wait_indirect_dma semaphore(%arg10 : memref<!tpu.dma_semaphore, #tpu.memory_space<semaphore_mem>>) src(%dma_wait3A_2163 : memref<1000000x32xf32, #tpu.memory_space<hbm>>) dst(%dma_wait3A_2158 : memref<10x32xf32, #tpu.memory_space<vmem>>)
      %dma_wait3A_2164 = arith.constant 86 : i32
      %dma_wait3A_2165 = arith.constant 0 : i32
      %dma_wait3A_2166 = arith.constant 0 : i32
      %dma_wait3A_2167 = tpu.memref_slice %arg7[%dma_wait3A_2164, %dma_wait3A_2165, %dma_wait3A_2166] : memref<128x10x32xf32, #tpu.memory_space<vmem>> -> memref<1x10x32xf32, #tpu.memory_space<vmem>>
      %dma_wait3A_2168 = tpu.memref_squeeze %dma_wait3A_2167 : memref<1x10x32xf32, #tpu.memory_space<vmem>> -> memref<10x32xf32, #tpu.memory_space<vmem>>
      %dma_wait3A_2169 = arith.constant 11008 : i32
      %dma_wait3A_2170 = tpu.memref_slice %arg6[%dma_wait3A_2169] : memref<16384xi32, #tpu.memory_space<vmem>> -> memref<10xi32, #tpu.memory_space<vmem>>
      %dma_wait3A_2171 = arith.constant 0 : i32
      %dma_wait3A_2172 = arith.constant 0 : i32
      %dma_wait3A_2173 = tpu.memref_slice %arg3[%dma_wait3A_2171, %dma_wait3A_2172] : memref<1000000x32xf32, #tpu.memory_space<hbm>> -> memref<1000000x32xf32, #tpu.memory_space<hbm>>
      tpu.wait_indirect_dma semaphore(%arg10 : memref<!tpu.dma_semaphore, #tpu.memory_space<semaphore_mem>>) src(%dma_wait3A_2173 : memref<1000000x32xf32, #tpu.memory_space<hbm>>) dst(%dma_wait3A_2168 : memref<10x32xf32, #tpu.memory_space<vmem>>)
      %dma_wait3A_2174 = arith.constant 87 : i32
      %dma_wait3A_2175 = arith.constant 0 : i32
      %dma_wait3A_2176 = arith.constant 0 : i32
      %dma_wait3A_2177 = tpu.memref_slice %arg7[%dma_wait3A_2174, %dma_wait3A_2175, %dma_wait3A_2176] : memref<128x10x32xf32, #tpu.memory_space<vmem>> -> memref<1x10x32xf32, #tpu.memory_space<vmem>>
      %dma_wait3A_2178 = tpu.memref_squeeze %dma_wait3A_2177 : memref<1x10x32xf32, #tpu.memory_space<vmem>> -> memref<10x32xf32, #tpu.memory_space<vmem>>
      %dma_wait3A_2179 = arith.constant 11136 : i32
      %dma_wait3A_2180 = tpu.memref_slice %arg6[%dma_wait3A_2179] : memref<16384xi32, #tpu.memory_space<vmem>> -> memref<10xi32, #tpu.memory_space<vmem>>
      %dma_wait3A_2181 = arith.constant 0 : i32
      %dma_wait3A_2182 = arith.constant 0 : i32
      %dma_wait3A_2183 = tpu.memref_slice %arg3[%dma_wait3A_2181, %dma_wait3A_2182] : memref<1000000x32xf32, #tpu.memory_space<hbm>> -> memref<1000000x32xf32, #tpu.memory_space<hbm>>
      tpu.wait_indirect_dma semaphore(%arg10 : memref<!tpu.dma_semaphore, #tpu.memory_space<semaphore_mem>>) src(%dma_wait3A_2183 : memref<1000000x32xf32, #tpu.memory_space<hbm>>) dst(%dma_wait3A_2178 : memref<10x32xf32, #tpu.memory_space<vmem>>)
      %dma_wait3A_2184 = arith.constant 88 : i32
      %dma_wait3A_2185 = arith.constant 0 : i32
      %dma_wait3A_2186 = arith.constant 0 : i32
      %dma_wait3A_2187 = tpu.memref_slice %arg7[%dma_wait3A_2184, %dma_wait3A_2185, %dma_wait3A_2186] : memref<128x10x32xf32, #tpu.memory_space<vmem>> -> memref<1x10x32xf32, #tpu.memory_space<vmem>>
      %dma_wait3A_2188 = tpu.memref_squeeze %dma_wait3A_2187 : memref<1x10x32xf32, #tpu.memory_space<vmem>> -> memref<10x32xf32, #tpu.memory_space<vmem>>
      %dma_wait3A_2189 = arith.constant 11264 : i32
      %dma_wait3A_2190 = tpu.memref_slice %arg6[%dma_wait3A_2189] : memref<16384xi32, #tpu.memory_space<vmem>> -> memref<10xi32, #tpu.memory_space<vmem>>
      %dma_wait3A_2191 = arith.constant 0 : i32
      %dma_wait3A_2192 = arith.constant 0 : i32
      %dma_wait3A_2193 = tpu.memref_slice %arg3[%dma_wait3A_2191, %dma_wait3A_2192] : memref<1000000x32xf32, #tpu.memory_space<hbm>> -> memref<1000000x32xf32, #tpu.memory_space<hbm>>
      tpu.wait_indirect_dma semaphore(%arg10 : memref<!tpu.dma_semaphore, #tpu.memory_space<semaphore_mem>>) src(%dma_wait3A_2193 : memref<1000000x32xf32, #tpu.memory_space<hbm>>) dst(%dma_wait3A_2188 : memref<10x32xf32, #tpu.memory_space<vmem>>)
      %dma_wait3A_2194 = arith.constant 89 : i32
      %dma_wait3A_2195 = arith.constant 0 : i32
      %dma_wait3A_2196 = arith.constant 0 : i32
      %dma_wait3A_2197 = tpu.memref_slice %arg7[%dma_wait3A_2194, %dma_wait3A_2195, %dma_wait3A_2196] : memref<128x10x32xf32, #tpu.memory_space<vmem>> -> memref<1x10x32xf32, #tpu.memory_space<vmem>>
      %dma_wait3A_2198 = tpu.memref_squeeze %dma_wait3A_2197 : memref<1x10x32xf32, #tpu.memory_space<vmem>> -> memref<10x32xf32, #tpu.memory_space<vmem>>
      %dma_wait3A_2199 = arith.constant 11392 : i32
      %dma_wait3A_2200 = tpu.memref_slice %arg6[%dma_wait3A_2199] : memref<16384xi32, #tpu.memory_space<vmem>> -> memref<10xi32, #tpu.memory_space<vmem>>
      %dma_wait3A_2201 = arith.constant 0 : i32
      %dma_wait3A_2202 = arith.constant 0 : i32
      %dma_wait3A_2203 = tpu.memref_slice %arg3[%dma_wait3A_2201, %dma_wait3A_2202] : memref<1000000x32xf32, #tpu.memory_space<hbm>> -> memref<1000000x32xf32, #tpu.memory_space<hbm>>
      tpu.wait_indirect_dma semaphore(%arg10 : memref<!tpu.dma_semaphore, #tpu.memory_space<semaphore_mem>>) src(%dma_wait3A_2203 : memref<1000000x32xf32, #tpu.memory_space<hbm>>) dst(%dma_wait3A_2198 : memref<10x32xf32, #tpu.memory_space<vmem>>)
      %dma_wait3A_2204 = arith.constant 90 : i32
      %dma_wait3A_2205 = arith.constant 0 : i32
      %dma_wait3A_2206 = arith.constant 0 : i32
      %dma_wait3A_2207 = tpu.memref_slice %arg7[%dma_wait3A_2204, %dma_wait3A_2205, %dma_wait3A_2206] : memref<128x10x32xf32, #tpu.memory_space<vmem>> -> memref<1x10x32xf32, #tpu.memory_space<vmem>>
      %dma_wait3A_2208 = tpu.memref_squeeze %dma_wait3A_2207 : memref<1x10x32xf32, #tpu.memory_space<vmem>> -> memref<10x32xf32, #tpu.memory_space<vmem>>
      %dma_wait3A_2209 = arith.constant 11520 : i32
      %dma_wait3A_2210 = tpu.memref_slice %arg6[%dma_wait3A_2209] : memref<16384xi32, #tpu.memory_space<vmem>> -> memref<10xi32, #tpu.memory_space<vmem>>
      %dma_wait3A_2211 = arith.constant 0 : i32
      %dma_wait3A_2212 = arith.constant 0 : i32
      %dma_wait3A_2213 = tpu.memref_slice %arg3[%dma_wait3A_2211, %dma_wait3A_2212] : memref<1000000x32xf32, #tpu.memory_space<hbm>> -> memref<1000000x32xf32, #tpu.memory_space<hbm>>
      tpu.wait_indirect_dma semaphore(%arg10 : memref<!tpu.dma_semaphore, #tpu.memory_space<semaphore_mem>>) src(%dma_wait3A_2213 : memref<1000000x32xf32, #tpu.memory_space<hbm>>) dst(%dma_wait3A_2208 : memref<10x32xf32, #tpu.memory_space<vmem>>)
      %dma_wait3A_2214 = arith.constant 91 : i32
      %dma_wait3A_2215 = arith.constant 0 : i32
      %dma_wait3A_2216 = arith.constant 0 : i32
      %dma_wait3A_2217 = tpu.memref_slice %arg7[%dma_wait3A_2214, %dma_wait3A_2215, %dma_wait3A_2216] : memref<128x10x32xf32, #tpu.memory_space<vmem>> -> memref<1x10x32xf32, #tpu.memory_space<vmem>>
      %dma_wait3A_2218 = tpu.memref_squeeze %dma_wait3A_2217 : memref<1x10x32xf32, #tpu.memory_space<vmem>> -> memref<10x32xf32, #tpu.memory_space<vmem>>
      %dma_wait3A_2219 = arith.constant 11648 : i32
      %dma_wait3A_2220 = tpu.memref_slice %arg6[%dma_wait3A_2219] : memref<16384xi32, #tpu.memory_space<vmem>> -> memref<10xi32, #tpu.memory_space<vmem>>
      %dma_wait3A_2221 = arith.constant 0 : i32
      %dma_wait3A_2222 = arith.constant 0 : i32
      %dma_wait3A_2223 = tpu.memref_slice %arg3[%dma_wait3A_2221, %dma_wait3A_2222] : memref<1000000x32xf32, #tpu.memory_space<hbm>> -> memref<1000000x32xf32, #tpu.memory_space<hbm>>
      tpu.wait_indirect_dma semaphore(%arg10 : memref<!tpu.dma_semaphore, #tpu.memory_space<semaphore_mem>>) src(%dma_wait3A_2223 : memref<1000000x32xf32, #tpu.memory_space<hbm>>) dst(%dma_wait3A_2218 : memref<10x32xf32, #tpu.memory_space<vmem>>)
      %dma_wait3A_2224 = arith.constant 92 : i32
      %dma_wait3A_2225 = arith.constant 0 : i32
      %dma_wait3A_2226 = arith.constant 0 : i32
      %dma_wait3A_2227 = tpu.memref_slice %arg7[%dma_wait3A_2224, %dma_wait3A_2225, %dma_wait3A_2226] : memref<128x10x32xf32, #tpu.memory_space<vmem>> -> memref<1x10x32xf32, #tpu.memory_space<vmem>>
      %dma_wait3A_2228 = tpu.memref_squeeze %dma_wait3A_2227 : memref<1x10x32xf32, #tpu.memory_space<vmem>> -> memref<10x32xf32, #tpu.memory_space<vmem>>
      %dma_wait3A_2229 = arith.constant 11776 : i32
      %dma_wait3A_2230 = tpu.memref_slice %arg6[%dma_wait3A_2229] : memref<16384xi32, #tpu.memory_space<vmem>> -> memref<10xi32, #tpu.memory_space<vmem>>
      %dma_wait3A_2231 = arith.constant 0 : i32
      %dma_wait3A_2232 = arith.constant 0 : i32
      %dma_wait3A_2233 = tpu.memref_slice %arg3[%dma_wait3A_2231, %dma_wait3A_2232] : memref<1000000x32xf32, #tpu.memory_space<hbm>> -> memref<1000000x32xf32, #tpu.memory_space<hbm>>
      tpu.wait_indirect_dma semaphore(%arg10 : memref<!tpu.dma_semaphore, #tpu.memory_space<semaphore_mem>>) src(%dma_wait3A_2233 : memref<1000000x32xf32, #tpu.memory_space<hbm>>) dst(%dma_wait3A_2228 : memref<10x32xf32, #tpu.memory_space<vmem>>)
      %dma_wait3A_2234 = arith.constant 93 : i32
      %dma_wait3A_2235 = arith.constant 0 : i32
      %dma_wait3A_2236 = arith.constant 0 : i32
      %dma_wait3A_2237 = tpu.memref_slice %arg7[%dma_wait3A_2234, %dma_wait3A_2235, %dma_wait3A_2236] : memref<128x10x32xf32, #tpu.memory_space<vmem>> -> memref<1x10x32xf32, #tpu.memory_space<vmem>>
      %dma_wait3A_2238 = tpu.memref_squeeze %dma_wait3A_2237 : memref<1x10x32xf32, #tpu.memory_space<vmem>> -> memref<10x32xf32, #tpu.memory_space<vmem>>
      %dma_wait3A_2239 = arith.constant 11904 : i32
      %dma_wait3A_2240 = tpu.memref_slice %arg6[%dma_wait3A_2239] : memref<16384xi32, #tpu.memory_space<vmem>> -> memref<10xi32, #tpu.memory_space<vmem>>
      %dma_wait3A_2241 = arith.constant 0 : i32
      %dma_wait3A_2242 = arith.constant 0 : i32
      %dma_wait3A_2243 = tpu.memref_slice %arg3[%dma_wait3A_2241, %dma_wait3A_2242] : memref<1000000x32xf32, #tpu.memory_space<hbm>> -> memref<1000000x32xf32, #tpu.memory_space<hbm>>
      tpu.wait_indirect_dma semaphore(%arg10 : memref<!tpu.dma_semaphore, #tpu.memory_space<semaphore_mem>>) src(%dma_wait3A_2243 : memref<1000000x32xf32, #tpu.memory_space<hbm>>) dst(%dma_wait3A_2238 : memref<10x32xf32, #tpu.memory_space<vmem>>)
      %dma_wait3A_2244 = arith.constant 94 : i32
      %dma_wait3A_2245 = arith.constant 0 : i32
      %dma_wait3A_2246 = arith.constant 0 : i32
      %dma_wait3A_2247 = tpu.memref_slice %arg7[%dma_wait3A_2244, %dma_wait3A_2245, %dma_wait3A_2246] : memref<128x10x32xf32, #tpu.memory_space<vmem>> -> memref<1x10x32xf32, #tpu.memory_space<vmem>>
      %dma_wait3A_2248 = tpu.memref_squeeze %dma_wait3A_2247 : memref<1x10x32xf32, #tpu.memory_space<vmem>> -> memref<10x32xf32, #tpu.memory_space<vmem>>
      %dma_wait3A_2249 = arith.constant 12032 : i32
      %dma_wait3A_2250 = tpu.memref_slice %arg6[%dma_wait3A_2249] : memref<16384xi32, #tpu.memory_space<vmem>> -> memref<10xi32, #tpu.memory_space<vmem>>
      %dma_wait3A_2251 = arith.constant 0 : i32
      %dma_wait3A_2252 = arith.constant 0 : i32
      %dma_wait3A_2253 = tpu.memref_slice %arg3[%dma_wait3A_2251, %dma_wait3A_2252] : memref<1000000x32xf32, #tpu.memory_space<hbm>> -> memref<1000000x32xf32, #tpu.memory_space<hbm>>
      tpu.wait_indirect_dma semaphore(%arg10 : memref<!tpu.dma_semaphore, #tpu.memory_space<semaphore_mem>>) src(%dma_wait3A_2253 : memref<1000000x32xf32, #tpu.memory_space<hbm>>) dst(%dma_wait3A_2248 : memref<10x32xf32, #tpu.memory_space<vmem>>)
      %dma_wait3A_2254 = arith.constant 95 : i32
      %dma_wait3A_2255 = arith.constant 0 : i32
      %dma_wait3A_2256 = arith.constant 0 : i32
      %dma_wait3A_2257 = tpu.memref_slice %arg7[%dma_wait3A_2254, %dma_wait3A_2255, %dma_wait3A_2256] : memref<128x10x32xf32, #tpu.memory_space<vmem>> -> memref<1x10x32xf32, #tpu.memory_space<vmem>>
      %dma_wait3A_2258 = tpu.memref_squeeze %dma_wait3A_2257 : memref<1x10x32xf32, #tpu.memory_space<vmem>> -> memref<10x32xf32, #tpu.memory_space<vmem>>
      %dma_wait3A_2259 = arith.constant 12160 : i32
      %dma_wait3A_2260 = tpu.memref_slice %arg6[%dma_wait3A_2259] : memref<16384xi32, #tpu.memory_space<vmem>> -> memref<10xi32, #tpu.memory_space<vmem>>
      %dma_wait3A_2261 = arith.constant 0 : i32
      %dma_wait3A_2262 = arith.constant 0 : i32
      %dma_wait3A_2263 = tpu.memref_slice %arg3[%dma_wait3A_2261, %dma_wait3A_2262] : memref<1000000x32xf32, #tpu.memory_space<hbm>> -> memref<1000000x32xf32, #tpu.memory_space<hbm>>
      tpu.wait_indirect_dma semaphore(%arg10 : memref<!tpu.dma_semaphore, #tpu.memory_space<semaphore_mem>>) src(%dma_wait3A_2263 : memref<1000000x32xf32, #tpu.memory_space<hbm>>) dst(%dma_wait3A_2258 : memref<10x32xf32, #tpu.memory_space<vmem>>)
      %dma_wait3A_2264 = arith.constant 96 : i32
      %dma_wait3A_2265 = arith.constant 0 : i32
      %dma_wait3A_2266 = arith.constant 0 : i32
      %dma_wait3A_2267 = tpu.memref_slice %arg7[%dma_wait3A_2264, %dma_wait3A_2265, %dma_wait3A_2266] : memref<128x10x32xf32, #tpu.memory_space<vmem>> -> memref<1x10x32xf32, #tpu.memory_space<vmem>>
      %dma_wait3A_2268 = tpu.memref_squeeze %dma_wait3A_2267 : memref<1x10x32xf32, #tpu.memory_space<vmem>> -> memref<10x32xf32, #tpu.memory_space<vmem>>
      %dma_wait3A_2269 = arith.constant 12288 : i32
      %dma_wait3A_2270 = tpu.memref_slice %arg6[%dma_wait3A_2269] : memref<16384xi32, #tpu.memory_space<vmem>> -> memref<10xi32, #tpu.memory_space<vmem>>
      %dma_wait3A_2271 = arith.constant 0 : i32
      %dma_wait3A_2272 = arith.constant 0 : i32
      %dma_wait3A_2273 = tpu.memref_slice %arg3[%dma_wait3A_2271, %dma_wait3A_2272] : memref<1000000x32xf32, #tpu.memory_space<hbm>> -> memref<1000000x32xf32, #tpu.memory_space<hbm>>
      tpu.wait_indirect_dma semaphore(%arg10 : memref<!tpu.dma_semaphore, #tpu.memory_space<semaphore_mem>>) src(%dma_wait3A_2273 : memref<1000000x32xf32, #tpu.memory_space<hbm>>) dst(%dma_wait3A_2268 : memref<10x32xf32, #tpu.memory_space<vmem>>)
      %dma_wait3A_2274 = arith.constant 97 : i32
      %dma_wait3A_2275 = arith.constant 0 : i32
      %dma_wait3A_2276 = arith.constant 0 : i32
      %dma_wait3A_2277 = tpu.memref_slice %arg7[%dma_wait3A_2274, %dma_wait3A_2275, %dma_wait3A_2276] : memref<128x10x32xf32, #tpu.memory_space<vmem>> -> memref<1x10x32xf32, #tpu.memory_space<vmem>>
      %dma_wait3A_2278 = tpu.memref_squeeze %dma_wait3A_2277 : memref<1x10x32xf32, #tpu.memory_space<vmem>> -> memref<10x32xf32, #tpu.memory_space<vmem>>
      %dma_wait3A_2279 = arith.constant 12416 : i32
      %dma_wait3A_2280 = tpu.memref_slice %arg6[%dma_wait3A_2279] : memref<16384xi32, #tpu.memory_space<vmem>> -> memref<10xi32, #tpu.memory_space<vmem>>
      %dma_wait3A_2281 = arith.constant 0 : i32
      %dma_wait3A_2282 = arith.constant 0 : i32
      %dma_wait3A_2283 = tpu.memref_slice %arg3[%dma_wait3A_2281, %dma_wait3A_2282] : memref<1000000x32xf32, #tpu.memory_space<hbm>> -> memref<1000000x32xf32, #tpu.memory_space<hbm>>
      tpu.wait_indirect_dma semaphore(%arg10 : memref<!tpu.dma_semaphore, #tpu.memory_space<semaphore_mem>>) src(%dma_wait3A_2283 : memref<1000000x32xf32, #tpu.memory_space<hbm>>) dst(%dma_wait3A_2278 : memref<10x32xf32, #tpu.memory_space<vmem>>)
      %dma_wait3A_2284 = arith.constant 98 : i32
      %dma_wait3A_2285 = arith.constant 0 : i32
      %dma_wait3A_2286 = arith.constant 0 : i32
      %dma_wait3A_2287 = tpu.memref_slice %arg7[%dma_wait3A_2284, %dma_wait3A_2285, %dma_wait3A_2286] : memref<128x10x32xf32, #tpu.memory_space<vmem>> -> memref<1x10x32xf32, #tpu.memory_space<vmem>>
      %dma_wait3A_2288 = tpu.memref_squeeze %dma_wait3A_2287 : memref<1x10x32xf32, #tpu.memory_space<vmem>> -> memref<10x32xf32, #tpu.memory_space<vmem>>
      %dma_wait3A_2289 = arith.constant 12544 : i32
      %dma_wait3A_2290 = tpu.memref_slice %arg6[%dma_wait3A_2289] : memref<16384xi32, #tpu.memory_space<vmem>> -> memref<10xi32, #tpu.memory_space<vmem>>
      %dma_wait3A_2291 = arith.constant 0 : i32
      %dma_wait3A_2292 = arith.constant 0 : i32
      %dma_wait3A_2293 = tpu.memref_slice %arg3[%dma_wait3A_2291, %dma_wait3A_2292] : memref<1000000x32xf32, #tpu.memory_space<hbm>> -> memref<1000000x32xf32, #tpu.memory_space<hbm>>
      tpu.wait_indirect_dma semaphore(%arg10 : memref<!tpu.dma_semaphore, #tpu.memory_space<semaphore_mem>>) src(%dma_wait3A_2293 : memref<1000000x32xf32, #tpu.memory_space<hbm>>) dst(%dma_wait3A_2288 : memref<10x32xf32, #tpu.memory_space<vmem>>)
      %dma_wait3A_2294 = arith.constant 99 : i32
      %dma_wait3A_2295 = arith.constant 0 : i32
      %dma_wait3A_2296 = arith.constant 0 : i32
      %dma_wait3A_2297 = tpu.memref_slice %arg7[%dma_wait3A_2294, %dma_wait3A_2295, %dma_wait3A_2296] : memref<128x10x32xf32, #tpu.memory_space<vmem>> -> memref<1x10x32xf32, #tpu.memory_space<vmem>>
      %dma_wait3A_2298 = tpu.memref_squeeze %dma_wait3A_2297 : memref<1x10x32xf32, #tpu.memory_space<vmem>> -> memref<10x32xf32, #tpu.memory_space<vmem>>
      %dma_wait3A_2299 = arith.constant 12672 : i32
      %dma_wait3A_2300 = tpu.memref_slice %arg6[%dma_wait3A_2299] : memref<16384xi32, #tpu.memory_space<vmem>> -> memref<10xi32, #tpu.memory_space<vmem>>
      %dma_wait3A_2301 = arith.constant 0 : i32
      %dma_wait3A_2302 = arith.constant 0 : i32
      %dma_wait3A_2303 = tpu.memref_slice %arg3[%dma_wait3A_2301, %dma_wait3A_2302] : memref<1000000x32xf32, #tpu.memory_space<hbm>> -> memref<1000000x32xf32, #tpu.memory_space<hbm>>
      tpu.wait_indirect_dma semaphore(%arg10 : memref<!tpu.dma_semaphore, #tpu.memory_space<semaphore_mem>>) src(%dma_wait3A_2303 : memref<1000000x32xf32, #tpu.memory_space<hbm>>) dst(%dma_wait3A_2298 : memref<10x32xf32, #tpu.memory_space<vmem>>)
      %dma_wait3A_2304 = arith.constant 100 : i32
      %dma_wait3A_2305 = arith.constant 0 : i32
      %dma_wait3A_2306 = arith.constant 0 : i32
      %dma_wait3A_2307 = tpu.memref_slice %arg7[%dma_wait3A_2304, %dma_wait3A_2305, %dma_wait3A_2306] : memref<128x10x32xf32, #tpu.memory_space<vmem>> -> memref<1x10x32xf32, #tpu.memory_space<vmem>>
      %dma_wait3A_2308 = tpu.memref_squeeze %dma_wait3A_2307 : memref<1x10x32xf32, #tpu.memory_space<vmem>> -> memref<10x32xf32, #tpu.memory_space<vmem>>
      %dma_wait3A_2309 = arith.constant 12800 : i32
      %dma_wait3A_2310 = tpu.memref_slice %arg6[%dma_wait3A_2309] : memref<16384xi32, #tpu.memory_space<vmem>> -> memref<10xi32, #tpu.memory_space<vmem>>
      %dma_wait3A_2311 = arith.constant 0 : i32
      %dma_wait3A_2312 = arith.constant 0 : i32
      %dma_wait3A_2313 = tpu.memref_slice %arg3[%dma_wait3A_2311, %dma_wait3A_2312] : memref<1000000x32xf32, #tpu.memory_space<hbm>> -> memref<1000000x32xf32, #tpu.memory_space<hbm>>
      tpu.wait_indirect_dma semaphore(%arg10 : memref<!tpu.dma_semaphore, #tpu.memory_space<semaphore_mem>>) src(%dma_wait3A_2313 : memref<1000000x32xf32, #tpu.memory_space<hbm>>) dst(%dma_wait3A_2308 : memref<10x32xf32, #tpu.memory_space<vmem>>)
      %dma_wait3A_2314 = arith.constant 101 : i32
      %dma_wait3A_2315 = arith.constant 0 : i32
      %dma_wait3A_2316 = arith.constant 0 : i32
      %dma_wait3A_2317 = tpu.memref_slice %arg7[%dma_wait3A_2314, %dma_wait3A_2315, %dma_wait3A_2316] : memref<128x10x32xf32, #tpu.memory_space<vmem>> -> memref<1x10x32xf32, #tpu.memory_space<vmem>>
      %dma_wait3A_2318 = tpu.memref_squeeze %dma_wait3A_2317 : memref<1x10x32xf32, #tpu.memory_space<vmem>> -> memref<10x32xf32, #tpu.memory_space<vmem>>
      %dma_wait3A_2319 = arith.constant 12928 : i32
      %dma_wait3A_2320 = tpu.memref_slice %arg6[%dma_wait3A_2319] : memref<16384xi32, #tpu.memory_space<vmem>> -> memref<10xi32, #tpu.memory_space<vmem>>
      %dma_wait3A_2321 = arith.constant 0 : i32
      %dma_wait3A_2322 = arith.constant 0 : i32
      %dma_wait3A_2323 = tpu.memref_slice %arg3[%dma_wait3A_2321, %dma_wait3A_2322] : memref<1000000x32xf32, #tpu.memory_space<hbm>> -> memref<1000000x32xf32, #tpu.memory_space<hbm>>
      tpu.wait_indirect_dma semaphore(%arg10 : memref<!tpu.dma_semaphore, #tpu.memory_space<semaphore_mem>>) src(%dma_wait3A_2323 : memref<1000000x32xf32, #tpu.memory_space<hbm>>) dst(%dma_wait3A_2318 : memref<10x32xf32, #tpu.memory_space<vmem>>)
      %dma_wait3A_2324 = arith.constant 102 : i32
      %dma_wait3A_2325 = arith.constant 0 : i32
      %dma_wait3A_2326 = arith.constant 0 : i32
      %dma_wait3A_2327 = tpu.memref_slice %arg7[%dma_wait3A_2324, %dma_wait3A_2325, %dma_wait3A_2326] : memref<128x10x32xf32, #tpu.memory_space<vmem>> -> memref<1x10x32xf32, #tpu.memory_space<vmem>>
      %dma_wait3A_2328 = tpu.memref_squeeze %dma_wait3A_2327 : memref<1x10x32xf32, #tpu.memory_space<vmem>> -> memref<10x32xf32, #tpu.memory_space<vmem>>
      %dma_wait3A_2329 = arith.constant 13056 : i32
      %dma_wait3A_2330 = tpu.memref_slice %arg6[%dma_wait3A_2329] : memref<16384xi32, #tpu.memory_space<vmem>> -> memref<10xi32, #tpu.memory_space<vmem>>
      %dma_wait3A_2331 = arith.constant 0 : i32
      %dma_wait3A_2332 = arith.constant 0 : i32
      %dma_wait3A_2333 = tpu.memref_slice %arg3[%dma_wait3A_2331, %dma_wait3A_2332] : memref<1000000x32xf32, #tpu.memory_space<hbm>> -> memref<1000000x32xf32, #tpu.memory_space<hbm>>
      tpu.wait_indirect_dma semaphore(%arg10 : memref<!tpu.dma_semaphore, #tpu.memory_space<semaphore_mem>>) src(%dma_wait3A_2333 : memref<1000000x32xf32, #tpu.memory_space<hbm>>) dst(%dma_wait3A_2328 : memref<10x32xf32, #tpu.memory_space<vmem>>)
      %dma_wait3A_2334 = arith.constant 103 : i32
      %dma_wait3A_2335 = arith.constant 0 : i32
      %dma_wait3A_2336 = arith.constant 0 : i32
      %dma_wait3A_2337 = tpu.memref_slice %arg7[%dma_wait3A_2334, %dma_wait3A_2335, %dma_wait3A_2336] : memref<128x10x32xf32, #tpu.memory_space<vmem>> -> memref<1x10x32xf32, #tpu.memory_space<vmem>>
      %dma_wait3A_2338 = tpu.memref_squeeze %dma_wait3A_2337 : memref<1x10x32xf32, #tpu.memory_space<vmem>> -> memref<10x32xf32, #tpu.memory_space<vmem>>
      %dma_wait3A_2339 = arith.constant 13184 : i32
      %dma_wait3A_2340 = tpu.memref_slice %arg6[%dma_wait3A_2339] : memref<16384xi32, #tpu.memory_space<vmem>> -> memref<10xi32, #tpu.memory_space<vmem>>
      %dma_wait3A_2341 = arith.constant 0 : i32
      %dma_wait3A_2342 = arith.constant 0 : i32
      %dma_wait3A_2343 = tpu.memref_slice %arg3[%dma_wait3A_2341, %dma_wait3A_2342] : memref<1000000x32xf32, #tpu.memory_space<hbm>> -> memref<1000000x32xf32, #tpu.memory_space<hbm>>
      tpu.wait_indirect_dma semaphore(%arg10 : memref<!tpu.dma_semaphore, #tpu.memory_space<semaphore_mem>>) src(%dma_wait3A_2343 : memref<1000000x32xf32, #tpu.memory_space<hbm>>) dst(%dma_wait3A_2338 : memref<10x32xf32, #tpu.memory_space<vmem>>)
      %dma_wait3A_2344 = arith.constant 104 : i32
      %dma_wait3A_2345 = arith.constant 0 : i32
      %dma_wait3A_2346 = arith.constant 0 : i32
      %dma_wait3A_2347 = tpu.memref_slice %arg7[%dma_wait3A_2344, %dma_wait3A_2345, %dma_wait3A_2346] : memref<128x10x32xf32, #tpu.memory_space<vmem>> -> memref<1x10x32xf32, #tpu.memory_space<vmem>>
      %dma_wait3A_2348 = tpu.memref_squeeze %dma_wait3A_2347 : memref<1x10x32xf32, #tpu.memory_space<vmem>> -> memref<10x32xf32, #tpu.memory_space<vmem>>
      %dma_wait3A_2349 = arith.constant 13312 : i32
      %dma_wait3A_2350 = tpu.memref_slice %arg6[%dma_wait3A_2349] : memref<16384xi32, #tpu.memory_space<vmem>> -> memref<10xi32, #tpu.memory_space<vmem>>
      %dma_wait3A_2351 = arith.constant 0 : i32
      %dma_wait3A_2352 = arith.constant 0 : i32
      %dma_wait3A_2353 = tpu.memref_slice %arg3[%dma_wait3A_2351, %dma_wait3A_2352] : memref<1000000x32xf32, #tpu.memory_space<hbm>> -> memref<1000000x32xf32, #tpu.memory_space<hbm>>
      tpu.wait_indirect_dma semaphore(%arg10 : memref<!tpu.dma_semaphore, #tpu.memory_space<semaphore_mem>>) src(%dma_wait3A_2353 : memref<1000000x32xf32, #tpu.memory_space<hbm>>) dst(%dma_wait3A_2348 : memref<10x32xf32, #tpu.memory_space<vmem>>)
      %dma_wait3A_2354 = arith.constant 105 : i32
      %dma_wait3A_2355 = arith.constant 0 : i32
      %dma_wait3A_2356 = arith.constant 0 : i32
      %dma_wait3A_2357 = tpu.memref_slice %arg7[%dma_wait3A_2354, %dma_wait3A_2355, %dma_wait3A_2356] : memref<128x10x32xf32, #tpu.memory_space<vmem>> -> memref<1x10x32xf32, #tpu.memory_space<vmem>>
      %dma_wait3A_2358 = tpu.memref_squeeze %dma_wait3A_2357 : memref<1x10x32xf32, #tpu.memory_space<vmem>> -> memref<10x32xf32, #tpu.memory_space<vmem>>
      %dma_wait3A_2359 = arith.constant 13440 : i32
      %dma_wait3A_2360 = tpu.memref_slice %arg6[%dma_wait3A_2359] : memref<16384xi32, #tpu.memory_space<vmem>> -> memref<10xi32, #tpu.memory_space<vmem>>
      %dma_wait3A_2361 = arith.constant 0 : i32
      %dma_wait3A_2362 = arith.constant 0 : i32
      %dma_wait3A_2363 = tpu.memref_slice %arg3[%dma_wait3A_2361, %dma_wait3A_2362] : memref<1000000x32xf32, #tpu.memory_space<hbm>> -> memref<1000000x32xf32, #tpu.memory_space<hbm>>
      tpu.wait_indirect_dma semaphore(%arg10 : memref<!tpu.dma_semaphore, #tpu.memory_space<semaphore_mem>>) src(%dma_wait3A_2363 : memref<1000000x32xf32, #tpu.memory_space<hbm>>) dst(%dma_wait3A_2358 : memref<10x32xf32, #tpu.memory_space<vmem>>)
      %dma_wait3A_2364 = arith.constant 106 : i32
      %dma_wait3A_2365 = arith.constant 0 : i32
      %dma_wait3A_2366 = arith.constant 0 : i32
      %dma_wait3A_2367 = tpu.memref_slice %arg7[%dma_wait3A_2364, %dma_wait3A_2365, %dma_wait3A_2366] : memref<128x10x32xf32, #tpu.memory_space<vmem>> -> memref<1x10x32xf32, #tpu.memory_space<vmem>>
      %dma_wait3A_2368 = tpu.memref_squeeze %dma_wait3A_2367 : memref<1x10x32xf32, #tpu.memory_space<vmem>> -> memref<10x32xf32, #tpu.memory_space<vmem>>
      %dma_wait3A_2369 = arith.constant 13568 : i32
      %dma_wait3A_2370 = tpu.memref_slice %arg6[%dma_wait3A_2369] : memref<16384xi32, #tpu.memory_space<vmem>> -> memref<10xi32, #tpu.memory_space<vmem>>
      %dma_wait3A_2371 = arith.constant 0 : i32
      %dma_wait3A_2372 = arith.constant 0 : i32
      %dma_wait3A_2373 = tpu.memref_slice %arg3[%dma_wait3A_2371, %dma_wait3A_2372] : memref<1000000x32xf32, #tpu.memory_space<hbm>> -> memref<1000000x32xf32, #tpu.memory_space<hbm>>
      tpu.wait_indirect_dma semaphore(%arg10 : memref<!tpu.dma_semaphore, #tpu.memory_space<semaphore_mem>>) src(%dma_wait3A_2373 : memref<1000000x32xf32, #tpu.memory_space<hbm>>) dst(%dma_wait3A_2368 : memref<10x32xf32, #tpu.memory_space<vmem>>)
      %dma_wait3A_2374 = arith.constant 107 : i32
      %dma_wait3A_2375 = arith.constant 0 : i32
      %dma_wait3A_2376 = arith.constant 0 : i32
      %dma_wait3A_2377 = tpu.memref_slice %arg7[%dma_wait3A_2374, %dma_wait3A_2375, %dma_wait3A_2376] : memref<128x10x32xf32, #tpu.memory_space<vmem>> -> memref<1x10x32xf32, #tpu.memory_space<vmem>>
      %dma_wait3A_2378 = tpu.memref_squeeze %dma_wait3A_2377 : memref<1x10x32xf32, #tpu.memory_space<vmem>> -> memref<10x32xf32, #tpu.memory_space<vmem>>
      %dma_wait3A_2379 = arith.constant 13696 : i32
      %dma_wait3A_2380 = tpu.memref_slice %arg6[%dma_wait3A_2379] : memref<16384xi32, #tpu.memory_space<vmem>> -> memref<10xi32, #tpu.memory_space<vmem>>
      %dma_wait3A_2381 = arith.constant 0 : i32
      %dma_wait3A_2382 = arith.constant 0 : i32
      %dma_wait3A_2383 = tpu.memref_slice %arg3[%dma_wait3A_2381, %dma_wait3A_2382] : memref<1000000x32xf32, #tpu.memory_space<hbm>> -> memref<1000000x32xf32, #tpu.memory_space<hbm>>
      tpu.wait_indirect_dma semaphore(%arg10 : memref<!tpu.dma_semaphore, #tpu.memory_space<semaphore_mem>>) src(%dma_wait3A_2383 : memref<1000000x32xf32, #tpu.memory_space<hbm>>) dst(%dma_wait3A_2378 : memref<10x32xf32, #tpu.memory_space<vmem>>)
      %dma_wait3A_2384 = arith.constant 108 : i32
      %dma_wait3A_2385 = arith.constant 0 : i32
      %dma_wait3A_2386 = arith.constant 0 : i32
      %dma_wait3A_2387 = tpu.memref_slice %arg7[%dma_wait3A_2384, %dma_wait3A_2385, %dma_wait3A_2386] : memref<128x10x32xf32, #tpu.memory_space<vmem>> -> memref<1x10x32xf32, #tpu.memory_space<vmem>>
      %dma_wait3A_2388 = tpu.memref_squeeze %dma_wait3A_2387 : memref<1x10x32xf32, #tpu.memory_space<vmem>> -> memref<10x32xf32, #tpu.memory_space<vmem>>
      %dma_wait3A_2389 = arith.constant 13824 : i32
      %dma_wait3A_2390 = tpu.memref_slice %arg6[%dma_wait3A_2389] : memref<16384xi32, #tpu.memory_space<vmem>> -> memref<10xi32, #tpu.memory_space<vmem>>
      %dma_wait3A_2391 = arith.constant 0 : i32
      %dma_wait3A_2392 = arith.constant 0 : i32
      %dma_wait3A_2393 = tpu.memref_slice %arg3[%dma_wait3A_2391, %dma_wait3A_2392] : memref<1000000x32xf32, #tpu.memory_space<hbm>> -> memref<1000000x32xf32, #tpu.memory_space<hbm>>
      tpu.wait_indirect_dma semaphore(%arg10 : memref<!tpu.dma_semaphore, #tpu.memory_space<semaphore_mem>>) src(%dma_wait3A_2393 : memref<1000000x32xf32, #tpu.memory_space<hbm>>) dst(%dma_wait3A_2388 : memref<10x32xf32, #tpu.memory_space<vmem>>)
      %dma_wait3A_2394 = arith.constant 109 : i32
      %dma_wait3A_2395 = arith.constant 0 : i32
      %dma_wait3A_2396 = arith.constant 0 : i32
      %dma_wait3A_2397 = tpu.memref_slice %arg7[%dma_wait3A_2394, %dma_wait3A_2395, %dma_wait3A_2396] : memref<128x10x32xf32, #tpu.memory_space<vmem>> -> memref<1x10x32xf32, #tpu.memory_space<vmem>>
      %dma_wait3A_2398 = tpu.memref_squeeze %dma_wait3A_2397 : memref<1x10x32xf32, #tpu.memory_space<vmem>> -> memref<10x32xf32, #tpu.memory_space<vmem>>
      %dma_wait3A_2399 = arith.constant 13952 : i32
      %dma_wait3A_2400 = tpu.memref_slice %arg6[%dma_wait3A_2399] : memref<16384xi32, #tpu.memory_space<vmem>> -> memref<10xi32, #tpu.memory_space<vmem>>
      %dma_wait3A_2401 = arith.constant 0 : i32
      %dma_wait3A_2402 = arith.constant 0 : i32
      %dma_wait3A_2403 = tpu.memref_slice %arg3[%dma_wait3A_2401, %dma_wait3A_2402] : memref<1000000x32xf32, #tpu.memory_space<hbm>> -> memref<1000000x32xf32, #tpu.memory_space<hbm>>
      tpu.wait_indirect_dma semaphore(%arg10 : memref<!tpu.dma_semaphore, #tpu.memory_space<semaphore_mem>>) src(%dma_wait3A_2403 : memref<1000000x32xf32, #tpu.memory_space<hbm>>) dst(%dma_wait3A_2398 : memref<10x32xf32, #tpu.memory_space<vmem>>)
      %dma_wait3A_2404 = arith.constant 110 : i32
      %dma_wait3A_2405 = arith.constant 0 : i32
      %dma_wait3A_2406 = arith.constant 0 : i32
      %dma_wait3A_2407 = tpu.memref_slice %arg7[%dma_wait3A_2404, %dma_wait3A_2405, %dma_wait3A_2406] : memref<128x10x32xf32, #tpu.memory_space<vmem>> -> memref<1x10x32xf32, #tpu.memory_space<vmem>>
      %dma_wait3A_2408 = tpu.memref_squeeze %dma_wait3A_2407 : memref<1x10x32xf32, #tpu.memory_space<vmem>> -> memref<10x32xf32, #tpu.memory_space<vmem>>
      %dma_wait3A_2409 = arith.constant 14080 : i32
      %dma_wait3A_2410 = tpu.memref_slice %arg6[%dma_wait3A_2409] : memref<16384xi32, #tpu.memory_space<vmem>> -> memref<10xi32, #tpu.memory_space<vmem>>
      %dma_wait3A_2411 = arith.constant 0 : i32
      %dma_wait3A_2412 = arith.constant 0 : i32
      %dma_wait3A_2413 = tpu.memref_slice %arg3[%dma_wait3A_2411, %dma_wait3A_2412] : memref<1000000x32xf32, #tpu.memory_space<hbm>> -> memref<1000000x32xf32, #tpu.memory_space<hbm>>
      tpu.wait_indirect_dma semaphore(%arg10 : memref<!tpu.dma_semaphore, #tpu.memory_space<semaphore_mem>>) src(%dma_wait3A_2413 : memref<1000000x32xf32, #tpu.memory_space<hbm>>) dst(%dma_wait3A_2408 : memref<10x32xf32, #tpu.memory_space<vmem>>)
      %dma_wait3A_2414 = arith.constant 111 : i32
      %dma_wait3A_2415 = arith.constant 0 : i32
      %dma_wait3A_2416 = arith.constant 0 : i32
      %dma_wait3A_2417 = tpu.memref_slice %arg7[%dma_wait3A_2414, %dma_wait3A_2415, %dma_wait3A_2416] : memref<128x10x32xf32, #tpu.memory_space<vmem>> -> memref<1x10x32xf32, #tpu.memory_space<vmem>>
      %dma_wait3A_2418 = tpu.memref_squeeze %dma_wait3A_2417 : memref<1x10x32xf32, #tpu.memory_space<vmem>> -> memref<10x32xf32, #tpu.memory_space<vmem>>
      %dma_wait3A_2419 = arith.constant 14208 : i32
      %dma_wait3A_2420 = tpu.memref_slice %arg6[%dma_wait3A_2419] : memref<16384xi32, #tpu.memory_space<vmem>> -> memref<10xi32, #tpu.memory_space<vmem>>
      %dma_wait3A_2421 = arith.constant 0 : i32
      %dma_wait3A_2422 = arith.constant 0 : i32
      %dma_wait3A_2423 = tpu.memref_slice %arg3[%dma_wait3A_2421, %dma_wait3A_2422] : memref<1000000x32xf32, #tpu.memory_space<hbm>> -> memref<1000000x32xf32, #tpu.memory_space<hbm>>
      tpu.wait_indirect_dma semaphore(%arg10 : memref<!tpu.dma_semaphore, #tpu.memory_space<semaphore_mem>>) src(%dma_wait3A_2423 : memref<1000000x32xf32, #tpu.memory_space<hbm>>) dst(%dma_wait3A_2418 : memref<10x32xf32, #tpu.memory_space<vmem>>)
      %dma_wait3A_2424 = arith.constant 112 : i32
      %dma_wait3A_2425 = arith.constant 0 : i32
      %dma_wait3A_2426 = arith.constant 0 : i32
      %dma_wait3A_2427 = tpu.memref_slice %arg7[%dma_wait3A_2424, %dma_wait3A_2425, %dma_wait3A_2426] : memref<128x10x32xf32, #tpu.memory_space<vmem>> -> memref<1x10x32xf32, #tpu.memory_space<vmem>>
      %dma_wait3A_2428 = tpu.memref_squeeze %dma_wait3A_2427 : memref<1x10x32xf32, #tpu.memory_space<vmem>> -> memref<10x32xf32, #tpu.memory_space<vmem>>
      %dma_wait3A_2429 = arith.constant 14336 : i32
      %dma_wait3A_2430 = tpu.memref_slice %arg6[%dma_wait3A_2429] : memref<16384xi32, #tpu.memory_space<vmem>> -> memref<10xi32, #tpu.memory_space<vmem>>
      %dma_wait3A_2431 = arith.constant 0 : i32
      %dma_wait3A_2432 = arith.constant 0 : i32
      %dma_wait3A_2433 = tpu.memref_slice %arg3[%dma_wait3A_2431, %dma_wait3A_2432] : memref<1000000x32xf32, #tpu.memory_space<hbm>> -> memref<1000000x32xf32, #tpu.memory_space<hbm>>
      tpu.wait_indirect_dma semaphore(%arg10 : memref<!tpu.dma_semaphore, #tpu.memory_space<semaphore_mem>>) src(%dma_wait3A_2433 : memref<1000000x32xf32, #tpu.memory_space<hbm>>) dst(%dma_wait3A_2428 : memref<10x32xf32, #tpu.memory_space<vmem>>)
      %dma_wait3A_2434 = arith.constant 113 : i32
      %dma_wait3A_2435 = arith.constant 0 : i32
      %dma_wait3A_2436 = arith.constant 0 : i32
      %dma_wait3A_2437 = tpu.memref_slice %arg7[%dma_wait3A_2434, %dma_wait3A_2435, %dma_wait3A_2436] : memref<128x10x32xf32, #tpu.memory_space<vmem>> -> memref<1x10x32xf32, #tpu.memory_space<vmem>>
      %dma_wait3A_2438 = tpu.memref_squeeze %dma_wait3A_2437 : memref<1x10x32xf32, #tpu.memory_space<vmem>> -> memref<10x32xf32, #tpu.memory_space<vmem>>
      %dma_wait3A_2439 = arith.constant 14464 : i32
      %dma_wait3A_2440 = tpu.memref_slice %arg6[%dma_wait3A_2439] : memref<16384xi32, #tpu.memory_space<vmem>> -> memref<10xi32, #tpu.memory_space<vmem>>
      %dma_wait3A_2441 = arith.constant 0 : i32
      %dma_wait3A_2442 = arith.constant 0 : i32
      %dma_wait3A_2443 = tpu.memref_slice %arg3[%dma_wait3A_2441, %dma_wait3A_2442] : memref<1000000x32xf32, #tpu.memory_space<hbm>> -> memref<1000000x32xf32, #tpu.memory_space<hbm>>
      tpu.wait_indirect_dma semaphore(%arg10 : memref<!tpu.dma_semaphore, #tpu.memory_space<semaphore_mem>>) src(%dma_wait3A_2443 : memref<1000000x32xf32, #tpu.memory_space<hbm>>) dst(%dma_wait3A_2438 : memref<10x32xf32, #tpu.memory_space<vmem>>)
      %dma_wait3A_2444 = arith.constant 114 : i32
      %dma_wait3A_2445 = arith.constant 0 : i32
      %dma_wait3A_2446 = arith.constant 0 : i32
      %dma_wait3A_2447 = tpu.memref_slice %arg7[%dma_wait3A_2444, %dma_wait3A_2445, %dma_wait3A_2446] : memref<128x10x32xf32, #tpu.memory_space<vmem>> -> memref<1x10x32xf32, #tpu.memory_space<vmem>>
      %dma_wait3A_2448 = tpu.memref_squeeze %dma_wait3A_2447 : memref<1x10x32xf32, #tpu.memory_space<vmem>> -> memref<10x32xf32, #tpu.memory_space<vmem>>
      %dma_wait3A_2449 = arith.constant 14592 : i32
      %dma_wait3A_2450 = tpu.memref_slice %arg6[%dma_wait3A_2449] : memref<16384xi32, #tpu.memory_space<vmem>> -> memref<10xi32, #tpu.memory_space<vmem>>
      %dma_wait3A_2451 = arith.constant 0 : i32
      %dma_wait3A_2452 = arith.constant 0 : i32
      %dma_wait3A_2453 = tpu.memref_slice %arg3[%dma_wait3A_2451, %dma_wait3A_2452] : memref<1000000x32xf32, #tpu.memory_space<hbm>> -> memref<1000000x32xf32, #tpu.memory_space<hbm>>
      tpu.wait_indirect_dma semaphore(%arg10 : memref<!tpu.dma_semaphore, #tpu.memory_space<semaphore_mem>>) src(%dma_wait3A_2453 : memref<1000000x32xf32, #tpu.memory_space<hbm>>) dst(%dma_wait3A_2448 : memref<10x32xf32, #tpu.memory_space<vmem>>)
      %dma_wait3A_2454 = arith.constant 115 : i32
      %dma_wait3A_2455 = arith.constant 0 : i32
      %dma_wait3A_2456 = arith.constant 0 : i32
      %dma_wait3A_2457 = tpu.memref_slice %arg7[%dma_wait3A_2454, %dma_wait3A_2455, %dma_wait3A_2456] : memref<128x10x32xf32, #tpu.memory_space<vmem>> -> memref<1x10x32xf32, #tpu.memory_space<vmem>>
      %dma_wait3A_2458 = tpu.memref_squeeze %dma_wait3A_2457 : memref<1x10x32xf32, #tpu.memory_space<vmem>> -> memref<10x32xf32, #tpu.memory_space<vmem>>
      %dma_wait3A_2459 = arith.constant 14720 : i32
      %dma_wait3A_2460 = tpu.memref_slice %arg6[%dma_wait3A_2459] : memref<16384xi32, #tpu.memory_space<vmem>> -> memref<10xi32, #tpu.memory_space<vmem>>
      %dma_wait3A_2461 = arith.constant 0 : i32
      %dma_wait3A_2462 = arith.constant 0 : i32
      %dma_wait3A_2463 = tpu.memref_slice %arg3[%dma_wait3A_2461, %dma_wait3A_2462] : memref<1000000x32xf32, #tpu.memory_space<hbm>> -> memref<1000000x32xf32, #tpu.memory_space<hbm>>
      tpu.wait_indirect_dma semaphore(%arg10 : memref<!tpu.dma_semaphore, #tpu.memory_space<semaphore_mem>>) src(%dma_wait3A_2463 : memref<1000000x32xf32, #tpu.memory_space<hbm>>) dst(%dma_wait3A_2458 : memref<10x32xf32, #tpu.memory_space<vmem>>)
      %dma_wait3A_2464 = arith.constant 116 : i32
      %dma_wait3A_2465 = arith.constant 0 : i32
      %dma_wait3A_2466 = arith.constant 0 : i32
      %dma_wait3A_2467 = tpu.memref_slice %arg7[%dma_wait3A_2464, %dma_wait3A_2465, %dma_wait3A_2466] : memref<128x10x32xf32, #tpu.memory_space<vmem>> -> memref<1x10x32xf32, #tpu.memory_space<vmem>>
      %dma_wait3A_2468 = tpu.memref_squeeze %dma_wait3A_2467 : memref<1x10x32xf32, #tpu.memory_space<vmem>> -> memref<10x32xf32, #tpu.memory_space<vmem>>
      %dma_wait3A_2469 = arith.constant 14848 : i32
      %dma_wait3A_2470 = tpu.memref_slice %arg6[%dma_wait3A_2469] : memref<16384xi32, #tpu.memory_space<vmem>> -> memref<10xi32, #tpu.memory_space<vmem>>
      %dma_wait3A_2471 = arith.constant 0 : i32
      %dma_wait3A_2472 = arith.constant 0 : i32
      %dma_wait3A_2473 = tpu.memref_slice %arg3[%dma_wait3A_2471, %dma_wait3A_2472] : memref<1000000x32xf32, #tpu.memory_space<hbm>> -> memref<1000000x32xf32, #tpu.memory_space<hbm>>
      tpu.wait_indirect_dma semaphore(%arg10 : memref<!tpu.dma_semaphore, #tpu.memory_space<semaphore_mem>>) src(%dma_wait3A_2473 : memref<1000000x32xf32, #tpu.memory_space<hbm>>) dst(%dma_wait3A_2468 : memref<10x32xf32, #tpu.memory_space<vmem>>)
      %dma_wait3A_2474 = arith.constant 117 : i32
      %dma_wait3A_2475 = arith.constant 0 : i32
      %dma_wait3A_2476 = arith.constant 0 : i32
      %dma_wait3A_2477 = tpu.memref_slice %arg7[%dma_wait3A_2474, %dma_wait3A_2475, %dma_wait3A_2476] : memref<128x10x32xf32, #tpu.memory_space<vmem>> -> memref<1x10x32xf32, #tpu.memory_space<vmem>>
      %dma_wait3A_2478 = tpu.memref_squeeze %dma_wait3A_2477 : memref<1x10x32xf32, #tpu.memory_space<vmem>> -> memref<10x32xf32, #tpu.memory_space<vmem>>
      %dma_wait3A_2479 = arith.constant 14976 : i32
      %dma_wait3A_2480 = tpu.memref_slice %arg6[%dma_wait3A_2479] : memref<16384xi32, #tpu.memory_space<vmem>> -> memref<10xi32, #tpu.memory_space<vmem>>
      %dma_wait3A_2481 = arith.constant 0 : i32
      %dma_wait3A_2482 = arith.constant 0 : i32
      %dma_wait3A_2483 = tpu.memref_slice %arg3[%dma_wait3A_2481, %dma_wait3A_2482] : memref<1000000x32xf32, #tpu.memory_space<hbm>> -> memref<1000000x32xf32, #tpu.memory_space<hbm>>
      tpu.wait_indirect_dma semaphore(%arg10 : memref<!tpu.dma_semaphore, #tpu.memory_space<semaphore_mem>>) src(%dma_wait3A_2483 : memref<1000000x32xf32, #tpu.memory_space<hbm>>) dst(%dma_wait3A_2478 : memref<10x32xf32, #tpu.memory_space<vmem>>)
      %dma_wait3A_2484 = arith.constant 118 : i32
      %dma_wait3A_2485 = arith.constant 0 : i32
      %dma_wait3A_2486 = arith.constant 0 : i32
      %dma_wait3A_2487 = tpu.memref_slice %arg7[%dma_wait3A_2484, %dma_wait3A_2485, %dma_wait3A_2486] : memref<128x10x32xf32, #tpu.memory_space<vmem>> -> memref<1x10x32xf32, #tpu.memory_space<vmem>>
      %dma_wait3A_2488 = tpu.memref_squeeze %dma_wait3A_2487 : memref<1x10x32xf32, #tpu.memory_space<vmem>> -> memref<10x32xf32, #tpu.memory_space<vmem>>
      %dma_wait3A_2489 = arith.constant 15104 : i32
      %dma_wait3A_2490 = tpu.memref_slice %arg6[%dma_wait3A_2489] : memref<16384xi32, #tpu.memory_space<vmem>> -> memref<10xi32, #tpu.memory_space<vmem>>
      %dma_wait3A_2491 = arith.constant 0 : i32
      %dma_wait3A_2492 = arith.constant 0 : i32
      %dma_wait3A_2493 = tpu.memref_slice %arg3[%dma_wait3A_2491, %dma_wait3A_2492] : memref<1000000x32xf32, #tpu.memory_space<hbm>> -> memref<1000000x32xf32, #tpu.memory_space<hbm>>
      tpu.wait_indirect_dma semaphore(%arg10 : memref<!tpu.dma_semaphore, #tpu.memory_space<semaphore_mem>>) src(%dma_wait3A_2493 : memref<1000000x32xf32, #tpu.memory_space<hbm>>) dst(%dma_wait3A_2488 : memref<10x32xf32, #tpu.memory_space<vmem>>)
      %dma_wait3A_2494 = arith.constant 119 : i32
      %dma_wait3A_2495 = arith.constant 0 : i32
      %dma_wait3A_2496 = arith.constant 0 : i32
      %dma_wait3A_2497 = tpu.memref_slice %arg7[%dma_wait3A_2494, %dma_wait3A_2495, %dma_wait3A_2496] : memref<128x10x32xf32, #tpu.memory_space<vmem>> -> memref<1x10x32xf32, #tpu.memory_space<vmem>>
      %dma_wait3A_2498 = tpu.memref_squeeze %dma_wait3A_2497 : memref<1x10x32xf32, #tpu.memory_space<vmem>> -> memref<10x32xf32, #tpu.memory_space<vmem>>
      %dma_wait3A_2499 = arith.constant 15232 : i32
      %dma_wait3A_2500 = tpu.memref_slice %arg6[%dma_wait3A_2499] : memref<16384xi32, #tpu.memory_space<vmem>> -> memref<10xi32, #tpu.memory_space<vmem>>
      %dma_wait3A_2501 = arith.constant 0 : i32
      %dma_wait3A_2502 = arith.constant 0 : i32
      %dma_wait3A_2503 = tpu.memref_slice %arg3[%dma_wait3A_2501, %dma_wait3A_2502] : memref<1000000x32xf32, #tpu.memory_space<hbm>> -> memref<1000000x32xf32, #tpu.memory_space<hbm>>
      tpu.wait_indirect_dma semaphore(%arg10 : memref<!tpu.dma_semaphore, #tpu.memory_space<semaphore_mem>>) src(%dma_wait3A_2503 : memref<1000000x32xf32, #tpu.memory_space<hbm>>) dst(%dma_wait3A_2498 : memref<10x32xf32, #tpu.memory_space<vmem>>)
      %dma_wait3A_2504 = arith.constant 120 : i32
      %dma_wait3A_2505 = arith.constant 0 : i32
      %dma_wait3A_2506 = arith.constant 0 : i32
      %dma_wait3A_2507 = tpu.memref_slice %arg7[%dma_wait3A_2504, %dma_wait3A_2505, %dma_wait3A_2506] : memref<128x10x32xf32, #tpu.memory_space<vmem>> -> memref<1x10x32xf32, #tpu.memory_space<vmem>>
      %dma_wait3A_2508 = tpu.memref_squeeze %dma_wait3A_2507 : memref<1x10x32xf32, #tpu.memory_space<vmem>> -> memref<10x32xf32, #tpu.memory_space<vmem>>
      %dma_wait3A_2509 = arith.constant 15360 : i32
      %dma_wait3A_2510 = tpu.memref_slice %arg6[%dma_wait3A_2509] : memref<16384xi32, #tpu.memory_space<vmem>> -> memref<10xi32, #tpu.memory_space<vmem>>
      %dma_wait3A_2511 = arith.constant 0 : i32
      %dma_wait3A_2512 = arith.constant 0 : i32
      %dma_wait3A_2513 = tpu.memref_slice %arg3[%dma_wait3A_2511, %dma_wait3A_2512] : memref<1000000x32xf32, #tpu.memory_space<hbm>> -> memref<1000000x32xf32, #tpu.memory_space<hbm>>
      tpu.wait_indirect_dma semaphore(%arg10 : memref<!tpu.dma_semaphore, #tpu.memory_space<semaphore_mem>>) src(%dma_wait3A_2513 : memref<1000000x32xf32, #tpu.memory_space<hbm>>) dst(%dma_wait3A_2508 : memref<10x32xf32, #tpu.memory_space<vmem>>)
      %dma_wait3A_2514 = arith.constant 121 : i32
      %dma_wait3A_2515 = arith.constant 0 : i32
      %dma_wait3A_2516 = arith.constant 0 : i32
      %dma_wait3A_2517 = tpu.memref_slice %arg7[%dma_wait3A_2514, %dma_wait3A_2515, %dma_wait3A_2516] : memref<128x10x32xf32, #tpu.memory_space<vmem>> -> memref<1x10x32xf32, #tpu.memory_space<vmem>>
      %dma_wait3A_2518 = tpu.memref_squeeze %dma_wait3A_2517 : memref<1x10x32xf32, #tpu.memory_space<vmem>> -> memref<10x32xf32, #tpu.memory_space<vmem>>
      %dma_wait3A_2519 = arith.constant 15488 : i32
      %dma_wait3A_2520 = tpu.memref_slice %arg6[%dma_wait3A_2519] : memref<16384xi32, #tpu.memory_space<vmem>> -> memref<10xi32, #tpu.memory_space<vmem>>
      %dma_wait3A_2521 = arith.constant 0 : i32
      %dma_wait3A_2522 = arith.constant 0 : i32
      %dma_wait3A_2523 = tpu.memref_slice %arg3[%dma_wait3A_2521, %dma_wait3A_2522] : memref<1000000x32xf32, #tpu.memory_space<hbm>> -> memref<1000000x32xf32, #tpu.memory_space<hbm>>
      tpu.wait_indirect_dma semaphore(%arg10 : memref<!tpu.dma_semaphore, #tpu.memory_space<semaphore_mem>>) src(%dma_wait3A_2523 : memref<1000000x32xf32, #tpu.memory_space<hbm>>) dst(%dma_wait3A_2518 : memref<10x32xf32, #tpu.memory_space<vmem>>)
      %dma_wait3A_2524 = arith.constant 122 : i32
      %dma_wait3A_2525 = arith.constant 0 : i32
      %dma_wait3A_2526 = arith.constant 0 : i32
      %dma_wait3A_2527 = tpu.memref_slice %arg7[%dma_wait3A_2524, %dma_wait3A_2525, %dma_wait3A_2526] : memref<128x10x32xf32, #tpu.memory_space<vmem>> -> memref<1x10x32xf32, #tpu.memory_space<vmem>>
      %dma_wait3A_2528 = tpu.memref_squeeze %dma_wait3A_2527 : memref<1x10x32xf32, #tpu.memory_space<vmem>> -> memref<10x32xf32, #tpu.memory_space<vmem>>
      %dma_wait3A_2529 = arith.constant 15616 : i32
      %dma_wait3A_2530 = tpu.memref_slice %arg6[%dma_wait3A_2529] : memref<16384xi32, #tpu.memory_space<vmem>> -> memref<10xi32, #tpu.memory_space<vmem>>
      %dma_wait3A_2531 = arith.constant 0 : i32
      %dma_wait3A_2532 = arith.constant 0 : i32
      %dma_wait3A_2533 = tpu.memref_slice %arg3[%dma_wait3A_2531, %dma_wait3A_2532] : memref<1000000x32xf32, #tpu.memory_space<hbm>> -> memref<1000000x32xf32, #tpu.memory_space<hbm>>
      tpu.wait_indirect_dma semaphore(%arg10 : memref<!tpu.dma_semaphore, #tpu.memory_space<semaphore_mem>>) src(%dma_wait3A_2533 : memref<1000000x32xf32, #tpu.memory_space<hbm>>) dst(%dma_wait3A_2528 : memref<10x32xf32, #tpu.memory_space<vmem>>)
      %dma_wait3A_2534 = arith.constant 123 : i32
      %dma_wait3A_2535 = arith.constant 0 : i32
      %dma_wait3A_2536 = arith.constant 0 : i32
      %dma_wait3A_2537 = tpu.memref_slice %arg7[%dma_wait3A_2534, %dma_wait3A_2535, %dma_wait3A_2536] : memref<128x10x32xf32, #tpu.memory_space<vmem>> -> memref<1x10x32xf32, #tpu.memory_space<vmem>>
      %dma_wait3A_2538 = tpu.memref_squeeze %dma_wait3A_2537 : memref<1x10x32xf32, #tpu.memory_space<vmem>> -> memref<10x32xf32, #tpu.memory_space<vmem>>
      %dma_wait3A_2539 = arith.constant 15744 : i32
      %dma_wait3A_2540 = tpu.memref_slice %arg6[%dma_wait3A_2539] : memref<16384xi32, #tpu.memory_space<vmem>> -> memref<10xi32, #tpu.memory_space<vmem>>
      %dma_wait3A_2541 = arith.constant 0 : i32
      %dma_wait3A_2542 = arith.constant 0 : i32
      %dma_wait3A_2543 = tpu.memref_slice %arg3[%dma_wait3A_2541, %dma_wait3A_2542] : memref<1000000x32xf32, #tpu.memory_space<hbm>> -> memref<1000000x32xf32, #tpu.memory_space<hbm>>
      tpu.wait_indirect_dma semaphore(%arg10 : memref<!tpu.dma_semaphore, #tpu.memory_space<semaphore_mem>>) src(%dma_wait3A_2543 : memref<1000000x32xf32, #tpu.memory_space<hbm>>) dst(%dma_wait3A_2538 : memref<10x32xf32, #tpu.memory_space<vmem>>)
      %dma_wait3A_2544 = arith.constant 124 : i32
      %dma_wait3A_2545 = arith.constant 0 : i32
      %dma_wait3A_2546 = arith.constant 0 : i32
      %dma_wait3A_2547 = tpu.memref_slice %arg7[%dma_wait3A_2544, %dma_wait3A_2545, %dma_wait3A_2546] : memref<128x10x32xf32, #tpu.memory_space<vmem>> -> memref<1x10x32xf32, #tpu.memory_space<vmem>>
      %dma_wait3A_2548 = tpu.memref_squeeze %dma_wait3A_2547 : memref<1x10x32xf32, #tpu.memory_space<vmem>> -> memref<10x32xf32, #tpu.memory_space<vmem>>
      %dma_wait3A_2549 = arith.constant 15872 : i32
      %dma_wait3A_2550 = tpu.memref_slice %arg6[%dma_wait3A_2549] : memref<16384xi32, #tpu.memory_space<vmem>> -> memref<10xi32, #tpu.memory_space<vmem>>
      %dma_wait3A_2551 = arith.constant 0 : i32
      %dma_wait3A_2552 = arith.constant 0 : i32
      %dma_wait3A_2553 = tpu.memref_slice %arg3[%dma_wait3A_2551, %dma_wait3A_2552] : memref<1000000x32xf32, #tpu.memory_space<hbm>> -> memref<1000000x32xf32, #tpu.memory_space<hbm>>
      tpu.wait_indirect_dma semaphore(%arg10 : memref<!tpu.dma_semaphore, #tpu.memory_space<semaphore_mem>>) src(%dma_wait3A_2553 : memref<1000000x32xf32, #tpu.memory_space<hbm>>) dst(%dma_wait3A_2548 : memref<10x32xf32, #tpu.memory_space<vmem>>)
      %dma_wait3A_2554 = arith.constant 125 : i32
      %dma_wait3A_2555 = arith.constant 0 : i32
      %dma_wait3A_2556 = arith.constant 0 : i32
      %dma_wait3A_2557 = tpu.memref_slice %arg7[%dma_wait3A_2554, %dma_wait3A_2555, %dma_wait3A_2556] : memref<128x10x32xf32, #tpu.memory_space<vmem>> -> memref<1x10x32xf32, #tpu.memory_space<vmem>>
      %dma_wait3A_2558 = tpu.memref_squeeze %dma_wait3A_2557 : memref<1x10x32xf32, #tpu.memory_space<vmem>> -> memref<10x32xf32, #tpu.memory_space<vmem>>
      %dma_wait3A_2559 = arith.constant 16000 : i32
      %dma_wait3A_2560 = tpu.memref_slice %arg6[%dma_wait3A_2559] : memref<16384xi32, #tpu.memory_space<vmem>> -> memref<10xi32, #tpu.memory_space<vmem>>
      %dma_wait3A_2561 = arith.constant 0 : i32
      %dma_wait3A_2562 = arith.constant 0 : i32
      %dma_wait3A_2563 = tpu.memref_slice %arg3[%dma_wait3A_2561, %dma_wait3A_2562] : memref<1000000x32xf32, #tpu.memory_space<hbm>> -> memref<1000000x32xf32, #tpu.memory_space<hbm>>
      tpu.wait_indirect_dma semaphore(%arg10 : memref<!tpu.dma_semaphore, #tpu.memory_space<semaphore_mem>>) src(%dma_wait3A_2563 : memref<1000000x32xf32, #tpu.memory_space<hbm>>) dst(%dma_wait3A_2558 : memref<10x32xf32, #tpu.memory_space<vmem>>)
      %dma_wait3A_2564 = arith.constant 126 : i32
      %dma_wait3A_2565 = arith.constant 0 : i32
      %dma_wait3A_2566 = arith.constant 0 : i32
      %dma_wait3A_2567 = tpu.memref_slice %arg7[%dma_wait3A_2564, %dma_wait3A_2565, %dma_wait3A_2566] : memref<128x10x32xf32, #tpu.memory_space<vmem>> -> memref<1x10x32xf32, #tpu.memory_space<vmem>>
      %dma_wait3A_2568 = tpu.memref_squeeze %dma_wait3A_2567 : memref<1x10x32xf32, #tpu.memory_space<vmem>> -> memref<10x32xf32, #tpu.memory_space<vmem>>
      %dma_wait3A_2569 = arith.constant 16128 : i32
      %dma_wait3A_2570 = tpu.memref_slice %arg6[%dma_wait3A_2569] : memref<16384xi32, #tpu.memory_space<vmem>> -> memref<10xi32, #tpu.memory_space<vmem>>
      %dma_wait3A_2571 = arith.constant 0 : i32
      %dma_wait3A_2572 = arith.constant 0 : i32
      %dma_wait3A_2573 = tpu.memref_slice %arg3[%dma_wait3A_2571, %dma_wait3A_2572] : memref<1000000x32xf32, #tpu.memory_space<hbm>> -> memref<1000000x32xf32, #tpu.memory_space<hbm>>
      tpu.wait_indirect_dma semaphore(%arg10 : memref<!tpu.dma_semaphore, #tpu.memory_space<semaphore_mem>>) src(%dma_wait3A_2573 : memref<1000000x32xf32, #tpu.memory_space<hbm>>) dst(%dma_wait3A_2568 : memref<10x32xf32, #tpu.memory_space<vmem>>)
      %dma_wait3A_2574 = arith.constant 127 : i32
      %dma_wait3A_2575 = arith.constant 0 : i32
      %dma_wait3A_2576 = arith.constant 0 : i32
      %dma_wait3A_2577 = tpu.memref_slice %arg7[%dma_wait3A_2574, %dma_wait3A_2575, %dma_wait3A_2576] : memref<128x10x32xf32, #tpu.memory_space<vmem>> -> memref<1x10x32xf32, #tpu.memory_space<vmem>>
      %dma_wait3A_2578 = tpu.memref_squeeze %dma_wait3A_2577 : memref<1x10x32xf32, #tpu.memory_space<vmem>> -> memref<10x32xf32, #tpu.memory_space<vmem>>
      %dma_wait3A_2579 = arith.constant 16256 : i32
      %dma_wait3A_2580 = tpu.memref_slice %arg6[%dma_wait3A_2579] : memref<16384xi32, #tpu.memory_space<vmem>> -> memref<10xi32, #tpu.memory_space<vmem>>
      %dma_wait3A_2581 = arith.constant 0 : i32
      %dma_wait3A_2582 = arith.constant 0 : i32
      %dma_wait3A_2583 = tpu.memref_slice %arg3[%dma_wait3A_2581, %dma_wait3A_2582] : memref<1000000x32xf32, #tpu.memory_space<hbm>> -> memref<1000000x32xf32, #tpu.memory_space<hbm>>
      tpu.wait_indirect_dma semaphore(%arg10 : memref<!tpu.dma_semaphore, #tpu.memory_space<semaphore_mem>>) src(%dma_wait3A_2583 : memref<1000000x32xf32, #tpu.memory_space<hbm>>) dst(%dma_wait3A_2578 : memref<10x32xf32, #tpu.memory_space<vmem>>)
      %iota3A = tpu.iota {dimensions = array<i32: 0>} : vector<16xi32>
      %scan3A_2584 = arith.constant 0 : i32
      %scan3A_2585 = arith.constant 0 : i32
      %scan3A_2586 = arith.constant 8 : i32
      %scan3A_2587 = arith.addi %scan3A_2585, %scan3A_2586 : i32
      %scan3A_2588 = arith.constant 1 : i32
      scf.for %scan3A_2592 = %scan3A_2585 to %scan3A_2587 step %scan3A_2588  : i32 {
        %broadcast_in_dim3A = arith.constant 0.000000e+00 : f32
        %broadcast_in_dim3A_2593 = vector.broadcast %broadcast_in_dim3A : f32 to vector<16xf32>
        %scan3A_2594 = arith.constant 0 : i32
        %scan3A_2595 = arith.constant 16 : i32
        %scan3A_2596 = arith.addi %scan3A_2594, %scan3A_2595 : i32
        %scan3A_2597 = arith.constant 1 : i32
        %scan3A_2598 = scf.for %scan3A_2608 = %scan3A_2594 to %scan3A_2596 step %scan3A_2597 iter_args(%scan3A_2609 = %broadcast_in_dim3A_2593) -> (vector<16xf32>)  : i32 {
          %mul3A_2610 = arith.constant 16 : i32
          %mul3A_2611 = arith.muli %scan3A_2592, %mul3A_2610 : i32
          %add3A_2612 = arith.addi %mul3A_2611, %scan3A_2608 : i32
          %get3A_2613 = arith.constant 0 : i32
          %get3A_2614 = arith.index_cast %add3A_2612 : i32 to index
          %get3A_2615 = arith.index_cast %get3A_2613 : i32 to index
          %get3A_2616 = arith.constant 0 : index
          %get3A_2617 = tpu.vector_load %arg7[%get3A_2614, %get3A_2615, %get3A_2616] {strides = array<i32>} : memref<128x10x32xf32, #tpu.memory_space<vmem>>, vector<1x1x16xf32>,
          %get3A_2618 = vector.shape_cast %get3A_2617 : vector<1x1x16xf32> to vector<16xf32>
          %get3A_2619 = arith.constant 0 : i32
          %get3A_2620 = arith.index_cast %add3A_2612 : i32 to index
          %get3A_2621 = arith.index_cast %get3A_2619 : i32 to index
          %get3A_2622 = arith.constant 16 : index
          %get3A_2623 = tpu.vector_load %arg7[%get3A_2620, %get3A_2621, %get3A_2622] {strides = array<i32>} : memref<128x10x32xf32, #tpu.memory_space<vmem>>, vector<1x1x16xf32>,
          %get3A_2624 = vector.shape_cast %get3A_2623 : vector<1x1x16xf32> to vector<16xf32>
          %mul3A_2625 = arith.mulf %get3A_2618, %get3A_2618 : vector<16xf32>
          %mul3A_2626 = arith.mulf %get3A_2624, %get3A_2624 : vector<16xf32>
          %add3A_2627 = arith.addf %mul3A_2625, %mul3A_2626 : vector<16xf32>
          %get3A_2628 = arith.constant 1 : i32
          %get3A_2629 = arith.index_cast %add3A_2612 : i32 to index
          %get3A_2630 = arith.index_cast %get3A_2628 : i32 to index
          %get3A_2631 = arith.constant 0 : index
          %get3A_2632 = tpu.vector_load %arg7[%get3A_2629, %get3A_2630, %get3A_2631] {strides = array<i32>} : memref<128x10x32xf32, #tpu.memory_space<vmem>>, vector<1x1x16xf32>,
          %get3A_2633 = vector.shape_cast %get3A_2632 : vector<1x1x16xf32> to vector<16xf32>
          %get3A_2634 = arith.constant 1 : i32
          %get3A_2635 = arith.index_cast %add3A_2612 : i32 to index
          %get3A_2636 = arith.index_cast %get3A_2634 : i32 to index
          %get3A_2637 = arith.constant 16 : index
          %get3A_2638 = tpu.vector_load %arg7[%get3A_2635, %get3A_2636, %get3A_2637] {strides = array<i32>} : memref<128x10x32xf32, #tpu.memory_space<vmem>>, vector<1x1x16xf32>,
          %get3A_2639 = vector.shape_cast %get3A_2638 : vector<1x1x16xf32> to vector<16xf32>
          %add3A_2640 = arith.addf %get3A_2618, %get3A_2633 : vector<16xf32>
          %add3A_2641 = arith.addf %get3A_2624, %get3A_2639 : vector<16xf32>
          %mul3A_2642 = arith.mulf %get3A_2633, %get3A_2633 : vector<16xf32>
          %add3A_2643 = arith.addf %add3A_2627, %mul3A_2642 : vector<16xf32>
          %mul3A_2644 = arith.mulf %get3A_2639, %get3A_2639 : vector<16xf32>
          %add3A_2645 = arith.addf %add3A_2643, %mul3A_2644 : vector<16xf32>
          %get3A_2646 = arith.constant 2 : i32
          %get3A_2647 = arith.index_cast %add3A_2612 : i32 to index
          %get3A_2648 = arith.index_cast %get3A_2646 : i32 to index
          %get3A_2649 = arith.constant 0 : index
          %get3A_2650 = tpu.vector_load %arg7[%get3A_2647, %get3A_2648, %get3A_2649] {strides = array<i32>} : memref<128x10x32xf32, #tpu.memory_space<vmem>>, vector<1x1x16xf32>,
          %get3A_2651 = vector.shape_cast %get3A_2650 : vector<1x1x16xf32> to vector<16xf32>
          %get3A_2652 = arith.constant 2 : i32
          %get3A_2653 = arith.index_cast %add3A_2612 : i32 to index
          %get3A_2654 = arith.index_cast %get3A_2652 : i32 to index
          %get3A_2655 = arith.constant 16 : index
          %get3A_2656 = tpu.vector_load %arg7[%get3A_2653, %get3A_2654, %get3A_2655] {strides = array<i32>} : memref<128x10x32xf32, #tpu.memory_space<vmem>>, vector<1x1x16xf32>,
          %get3A_2657 = vector.shape_cast %get3A_2656 : vector<1x1x16xf32> to vector<16xf32>
          %add3A_2658 = arith.addf %add3A_2640, %get3A_2651 : vector<16xf32>
          %add3A_2659 = arith.addf %add3A_2641, %get3A_2657 : vector<16xf32>
          %mul3A_2660 = arith.mulf %get3A_2651, %get3A_2651 : vector<16xf32>
          %add3A_2661 = arith.addf %add3A_2645, %mul3A_2660 : vector<16xf32>
          %mul3A_2662 = arith.mulf %get3A_2657, %get3A_2657 : vector<16xf32>
          %add3A_2663 = arith.addf %add3A_2661, %mul3A_2662 : vector<16xf32>
          %get3A_2664 = arith.constant 3 : i32
          %get3A_2665 = arith.index_cast %add3A_2612 : i32 to index
          %get3A_2666 = arith.index_cast %get3A_2664 : i32 to index
          %get3A_2667 = arith.constant 0 : index
          %get3A_2668 = tpu.vector_load %arg7[%get3A_2665, %get3A_2666, %get3A_2667] {strides = array<i32>} : memref<128x10x32xf32, #tpu.memory_space<vmem>>, vector<1x1x16xf32>,
          %get3A_2669 = vector.shape_cast %get3A_2668 : vector<1x1x16xf32> to vector<16xf32>
          %get3A_2670 = arith.constant 3 : i32
          %get3A_2671 = arith.index_cast %add3A_2612 : i32 to index
          %get3A_2672 = arith.index_cast %get3A_2670 : i32 to index
          %get3A_2673 = arith.constant 16 : index
          %get3A_2674 = tpu.vector_load %arg7[%get3A_2671, %get3A_2672, %get3A_2673] {strides = array<i32>} : memref<128x10x32xf32, #tpu.memory_space<vmem>>, vector<1x1x16xf32>,
          %get3A_2675 = vector.shape_cast %get3A_2674 : vector<1x1x16xf32> to vector<16xf32>
          %add3A_2676 = arith.addf %add3A_2658, %get3A_2669 : vector<16xf32>
          %add3A_2677 = arith.addf %add3A_2659, %get3A_2675 : vector<16xf32>
          %mul3A_2678 = arith.mulf %get3A_2669, %get3A_2669 : vector<16xf32>
          %add3A_2679 = arith.addf %add3A_2663, %mul3A_2678 : vector<16xf32>
          %mul3A_2680 = arith.mulf %get3A_2675, %get3A_2675 : vector<16xf32>
          %add3A_2681 = arith.addf %add3A_2679, %mul3A_2680 : vector<16xf32>
          %get3A_2682 = arith.constant 4 : i32
          %get3A_2683 = arith.index_cast %add3A_2612 : i32 to index
          %get3A_2684 = arith.index_cast %get3A_2682 : i32 to index
          %get3A_2685 = arith.constant 0 : index
          %get3A_2686 = tpu.vector_load %arg7[%get3A_2683, %get3A_2684, %get3A_2685] {strides = array<i32>} : memref<128x10x32xf32, #tpu.memory_space<vmem>>, vector<1x1x16xf32>,
          %get3A_2687 = vector.shape_cast %get3A_2686 : vector<1x1x16xf32> to vector<16xf32>
          %get3A_2688 = arith.constant 4 : i32
          %get3A_2689 = arith.index_cast %add3A_2612 : i32 to index
          %get3A_2690 = arith.index_cast %get3A_2688 : i32 to index
          %get3A_2691 = arith.constant 16 : index
          %get3A_2692 = tpu.vector_load %arg7[%get3A_2689, %get3A_2690, %get3A_2691] {strides = array<i32>} : memref<128x10x32xf32, #tpu.memory_space<vmem>>, vector<1x1x16xf32>,
          %get3A_2693 = vector.shape_cast %get3A_2692 : vector<1x1x16xf32> to vector<16xf32>
          %add3A_2694 = arith.addf %add3A_2676, %get3A_2687 : vector<16xf32>
          %add3A_2695 = arith.addf %add3A_2677, %get3A_2693 : vector<16xf32>
          %mul3A_2696 = arith.mulf %get3A_2687, %get3A_2687 : vector<16xf32>
          %add3A_2697 = arith.addf %add3A_2681, %mul3A_2696 : vector<16xf32>
          %mul3A_2698 = arith.mulf %get3A_2693, %get3A_2693 : vector<16xf32>
          %add3A_2699 = arith.addf %add3A_2697, %mul3A_2698 : vector<16xf32>
          %get3A_2700 = arith.constant 5 : i32
          %get3A_2701 = arith.index_cast %add3A_2612 : i32 to index
          %get3A_2702 = arith.index_cast %get3A_2700 : i32 to index
          %get3A_2703 = arith.constant 0 : index
          %get3A_2704 = tpu.vector_load %arg7[%get3A_2701, %get3A_2702, %get3A_2703] {strides = array<i32>} : memref<128x10x32xf32, #tpu.memory_space<vmem>>, vector<1x1x16xf32>,
          %get3A_2705 = vector.shape_cast %get3A_2704 : vector<1x1x16xf32> to vector<16xf32>
          %get3A_2706 = arith.constant 5 : i32
          %get3A_2707 = arith.index_cast %add3A_2612 : i32 to index
          %get3A_2708 = arith.index_cast %get3A_2706 : i32 to index
          %get3A_2709 = arith.constant 16 : index
          %get3A_2710 = tpu.vector_load %arg7[%get3A_2707, %get3A_2708, %get3A_2709] {strides = array<i32>} : memref<128x10x32xf32, #tpu.memory_space<vmem>>, vector<1x1x16xf32>,
          %get3A_2711 = vector.shape_cast %get3A_2710 : vector<1x1x16xf32> to vector<16xf32>
          %add3A_2712 = arith.addf %add3A_2694, %get3A_2705 : vector<16xf32>
          %add3A_2713 = arith.addf %add3A_2695, %get3A_2711 : vector<16xf32>
          %mul3A_2714 = arith.mulf %get3A_2705, %get3A_2705 : vector<16xf32>
          %add3A_2715 = arith.addf %add3A_2699, %mul3A_2714 : vector<16xf32>
          %mul3A_2716 = arith.mulf %get3A_2711, %get3A_2711 : vector<16xf32>
          %add3A_2717 = arith.addf %add3A_2715, %mul3A_2716 : vector<16xf32>
          %get3A_2718 = arith.constant 6 : i32
          %get3A_2719 = arith.index_cast %add3A_2612 : i32 to index
          %get3A_2720 = arith.index_cast %get3A_2718 : i32 to index
          %get3A_2721 = arith.constant 0 : index
          %get3A_2722 = tpu.vector_load %arg7[%get3A_2719, %get3A_2720, %get3A_2721] {strides = array<i32>} : memref<128x10x32xf32, #tpu.memory_space<vmem>>, vector<1x1x16xf32>,
          %get3A_2723 = vector.shape_cast %get3A_2722 : vector<1x1x16xf32> to vector<16xf32>
          %get3A_2724 = arith.constant 6 : i32
          %get3A_2725 = arith.index_cast %add3A_2612 : i32 to index
          %get3A_2726 = arith.index_cast %get3A_2724 : i32 to index
          %get3A_2727 = arith.constant 16 : index
          %get3A_2728 = tpu.vector_load %arg7[%get3A_2725, %get3A_2726, %get3A_2727] {strides = array<i32>} : memref<128x10x32xf32, #tpu.memory_space<vmem>>, vector<1x1x16xf32>,
          %get3A_2729 = vector.shape_cast %get3A_2728 : vector<1x1x16xf32> to vector<16xf32>
          %add3A_2730 = arith.addf %add3A_2712, %get3A_2723 : vector<16xf32>
          %add3A_2731 = arith.addf %add3A_2713, %get3A_2729 : vector<16xf32>
          %mul3A_2732 = arith.mulf %get3A_2723, %get3A_2723 : vector<16xf32>
          %add3A_2733 = arith.addf %add3A_2717, %mul3A_2732 : vector<16xf32>
          %mul3A_2734 = arith.mulf %get3A_2729, %get3A_2729 : vector<16xf32>
          %add3A_2735 = arith.addf %add3A_2733, %mul3A_2734 : vector<16xf32>
          %get3A_2736 = arith.constant 7 : i32
          %get3A_2737 = arith.index_cast %add3A_2612 : i32 to index
          %get3A_2738 = arith.index_cast %get3A_2736 : i32 to index
          %get3A_2739 = arith.constant 0 : index
          %get3A_2740 = tpu.vector_load %arg7[%get3A_2737, %get3A_2738, %get3A_2739] {strides = array<i32>} : memref<128x10x32xf32, #tpu.memory_space<vmem>>, vector<1x1x16xf32>,
          %get3A_2741 = vector.shape_cast %get3A_2740 : vector<1x1x16xf32> to vector<16xf32>
          %get3A_2742 = arith.constant 7 : i32
          %get3A_2743 = arith.index_cast %add3A_2612 : i32 to index
          %get3A_2744 = arith.index_cast %get3A_2742 : i32 to index
          %get3A_2745 = arith.constant 16 : index
          %get3A_2746 = tpu.vector_load %arg7[%get3A_2743, %get3A_2744, %get3A_2745] {strides = array<i32>} : memref<128x10x32xf32, #tpu.memory_space<vmem>>, vector<1x1x16xf32>,
          %get3A_2747 = vector.shape_cast %get3A_2746 : vector<1x1x16xf32> to vector<16xf32>
          %add3A_2748 = arith.addf %add3A_2730, %get3A_2741 : vector<16xf32>
          %add3A_2749 = arith.addf %add3A_2731, %get3A_2747 : vector<16xf32>
          %mul3A_2750 = arith.mulf %get3A_2741, %get3A_2741 : vector<16xf32>
          %add3A_2751 = arith.addf %add3A_2735, %mul3A_2750 : vector<16xf32>
          %mul3A_2752 = arith.mulf %get3A_2747, %get3A_2747 : vector<16xf32>
          %add3A_2753 = arith.addf %add3A_2751, %mul3A_2752 : vector<16xf32>
          %get3A_2754 = arith.constant 8 : i32
          %get3A_2755 = arith.index_cast %add3A_2612 : i32 to index
          %get3A_2756 = arith.index_cast %get3A_2754 : i32 to index
          %get3A_2757 = arith.constant 0 : index
          %get3A_2758 = tpu.vector_load %arg7[%get3A_2755, %get3A_2756, %get3A_2757] {strides = array<i32>} : memref<128x10x32xf32, #tpu.memory_space<vmem>>, vector<1x1x16xf32>,
          %get3A_2759 = vector.shape_cast %get3A_2758 : vector<1x1x16xf32> to vector<16xf32>
          %get3A_2760 = arith.constant 8 : i32
          %get3A_2761 = arith.index_cast %add3A_2612 : i32 to index
          %get3A_2762 = arith.index_cast %get3A_2760 : i32 to index
          %get3A_2763 = arith.constant 16 : index
          %get3A_2764 = tpu.vector_load %arg7[%get3A_2761, %get3A_2762, %get3A_2763] {strides = array<i32>} : memref<128x10x32xf32, #tpu.memory_space<vmem>>, vector<1x1x16xf32>,
          %get3A_2765 = vector.shape_cast %get3A_2764 : vector<1x1x16xf32> to vector<16xf32>
          %add3A_2766 = arith.addf %add3A_2748, %get3A_2759 : vector<16xf32>
          %add3A_2767 = arith.addf %add3A_2749, %get3A_2765 : vector<16xf32>
          %mul3A_2768 = arith.mulf %get3A_2759, %get3A_2759 : vector<16xf32>
          %add3A_2769 = arith.addf %add3A_2753, %mul3A_2768 : vector<16xf32>
          %mul3A_2770 = arith.mulf %get3A_2765, %get3A_2765 : vector<16xf32>
          %add3A_2771 = arith.addf %add3A_2769, %mul3A_2770 : vector<16xf32>
          %get3A_2772 = arith.constant 9 : i32
          %get3A_2773 = arith.index_cast %add3A_2612 : i32 to index
          %get3A_2774 = arith.index_cast %get3A_2772 : i32 to index
          %get3A_2775 = arith.constant 0 : index
          %get3A_2776 = tpu.vector_load %arg7[%get3A_2773, %get3A_2774, %get3A_2775] {strides = array<i32>} : memref<128x10x32xf32, #tpu.memory_space<vmem>>, vector<1x1x16xf32>,
          %get3A_2777 = vector.shape_cast %get3A_2776 : vector<1x1x16xf32> to vector<16xf32>
          %get3A_2778 = arith.constant 9 : i32
          %get3A_2779 = arith.index_cast %add3A_2612 : i32 to index
          %get3A_2780 = arith.index_cast %get3A_2778 : i32 to index
          %get3A_2781 = arith.constant 16 : index
          %get3A_2782 = tpu.vector_load %arg7[%get3A_2779, %get3A_2780, %get3A_2781] {strides = array<i32>} : memref<128x10x32xf32, #tpu.memory_space<vmem>>, vector<1x1x16xf32>,
          %get3A_2783 = vector.shape_cast %get3A_2782 : vector<1x1x16xf32> to vector<16xf32>
          %add3A_2784 = arith.addf %add3A_2766, %get3A_2777 : vector<16xf32>
          %add3A_2785 = arith.addf %add3A_2767, %get3A_2783 : vector<16xf32>
          %mul3A_2786 = arith.mulf %get3A_2777, %get3A_2777 : vector<16xf32>
          %add3A_2787 = arith.addf %add3A_2771, %mul3A_2786 : vector<16xf32>
          %mul3A_2788 = arith.mulf %get3A_2783, %get3A_2783 : vector<16xf32>
          %add3A_2789 = arith.addf %add3A_2787, %mul3A_2788 : vector<16xf32>
          %mul3A_2790 = arith.mulf %add3A_2784, %add3A_2784 : vector<16xf32>
          %mul3A_2791 = arith.mulf %add3A_2785, %add3A_2785 : vector<16xf32>
          %add3A_2792 = arith.addf %mul3A_2790, %mul3A_2791 : vector<16xf32>
          %sub3A = arith.subf %add3A_2792, %add3A_2789 : vector<16xf32>
          %xor3A = arith.constant 8 : i32
          %xor3A_2793 = vector.broadcast %xor3A : i32 to vector<16xi32>
          %xor3A_2794 = arith.xori %iota3A, %xor3A_2793 : vector<16xi32>
          %lt3A = arith.constant 0 : i32
          %lt3A_2795 = vector.broadcast %lt3A : i32 to vector<16xi32>
          %lt3A_2796 = arith.cmpi slt, %xor3A_2794, %lt3A_2795 : vector<16xi32>
          %add3A_2797 = arith.constant 16 : i32
          %add3A_2798 = vector.broadcast %add3A_2797 : i32 to vector<16xi32>
          %add3A_2799 = arith.addi %xor3A_2794, %add3A_2798 : vector<16xi32>
          %select_n3A = arith.select %lt3A_2796, %add3A_2799, %xor3A_2794 : vector<16xi1>, vector<16xi32>
          %broadcast_in_dim3A_2800 = vector.shape_cast %select_n3A : vector<16xi32> to vector<16x1xi32>
          %gather3A = vector.shape_cast %broadcast_in_dim3A_2800 : vector<16x1xi32> to vector<16xi32>
          %gather3A_2801 = tpu.dynamic_gather %sub3A[%gather3A] in [0] : vector<16xf32>, vector<16xi32> -> vector<16xf32>
          %add3A_2802 = arith.addf %sub3A, %gather3A_2801 : vector<16xf32>
          %xor3A_2803 = arith.constant 4 : i32
          %xor3A_2804 = vector.broadcast %xor3A_2803 : i32 to vector<16xi32>
          %xor3A_2805 = arith.xori %iota3A, %xor3A_2804 : vector<16xi32>
          %lt3A_2806 = arith.constant 0 : i32
          %lt3A_2807 = vector.broadcast %lt3A_2806 : i32 to vector<16xi32>
          %lt3A_2808 = arith.cmpi slt, %xor3A_2805, %lt3A_2807 : vector<16xi32>
          %add3A_2809 = arith.constant 16 : i32
          %add3A_2810 = vector.broadcast %add3A_2809 : i32 to vector<16xi32>
          %add3A_2811 = arith.addi %xor3A_2805, %add3A_2810 : vector<16xi32>
          %select_n3A_2812 = arith.select %lt3A_2808, %add3A_2811, %xor3A_2805 : vector<16xi1>, vector<16xi32>
          %broadcast_in_dim3A_2813 = vector.shape_cast %select_n3A_2812 : vector<16xi32> to vector<16x1xi32>
          %gather3A_2814 = vector.shape_cast %broadcast_in_dim3A_2813 : vector<16x1xi32> to vector<16xi32>
          %gather3A_2815 = tpu.dynamic_gather %add3A_2802[%gather3A_2814] in [0] : vector<16xf32>, vector<16xi32> -> vector<16xf32>
          %add3A_2816 = arith.addf %add3A_2802, %gather3A_2815 : vector<16xf32>
          %xor3A_2817 = arith.constant 2 : i32
          %xor3A_2818 = vector.broadcast %xor3A_2817 : i32 to vector<16xi32>
          %xor3A_2819 = arith.xori %iota3A, %xor3A_2818 : vector<16xi32>
          %lt3A_2820 = arith.constant 0 : i32
          %lt3A_2821 = vector.broadcast %lt3A_2820 : i32 to vector<16xi32>
          %lt3A_2822 = arith.cmpi slt, %xor3A_2819, %lt3A_2821 : vector<16xi32>
          %add3A_2823 = arith.constant 16 : i32
          %add3A_2824 = vector.broadcast %add3A_2823 : i32 to vector<16xi32>
          %add3A_2825 = arith.addi %xor3A_2819, %add3A_2824 : vector<16xi32>
          %select_n3A_2826 = arith.select %lt3A_2822, %add3A_2825, %xor3A_2819 : vector<16xi1>, vector<16xi32>
          %broadcast_in_dim3A_2827 = vector.shape_cast %select_n3A_2826 : vector<16xi32> to vector<16x1xi32>
          %gather3A_2828 = vector.shape_cast %broadcast_in_dim3A_2827 : vector<16x1xi32> to vector<16xi32>
          %gather3A_2829 = tpu.dynamic_gather %add3A_2816[%gather3A_2828] in [0] : vector<16xf32>, vector<16xi32> -> vector<16xf32>
          %add3A_2830 = arith.addf %add3A_2816, %gather3A_2829 : vector<16xf32>
          %xor3A_2831 = arith.constant 1 : i32
          %xor3A_2832 = vector.broadcast %xor3A_2831 : i32 to vector<16xi32>
          %xor3A_2833 = arith.xori %iota3A, %xor3A_2832 : vector<16xi32>
          %lt3A_2834 = arith.constant 0 : i32
          %lt3A_2835 = vector.broadcast %lt3A_2834 : i32 to vector<16xi32>
          %lt3A_2836 = arith.cmpi slt, %xor3A_2833, %lt3A_2835 : vector<16xi32>
          %add3A_2837 = arith.constant 16 : i32
          %add3A_2838 = vector.broadcast %add3A_2837 : i32 to vector<16xi32>
          %add3A_2839 = arith.addi %xor3A_2833, %add3A_2838 : vector<16xi32>
          %select_n3A_2840 = arith.select %lt3A_2836, %add3A_2839, %xor3A_2833 : vector<16xi1>, vector<16xi32>
          %broadcast_in_dim3A_2841 = vector.shape_cast %select_n3A_2840 : vector<16xi32> to vector<16x1xi32>
          %gather3A_2842 = vector.shape_cast %broadcast_in_dim3A_2841 : vector<16x1xi32> to vector<16xi32>
          %gather3A_2843 = tpu.dynamic_gather %add3A_2830[%gather3A_2842] in [0] : vector<16xf32>, vector<16xi32> -> vector<16xf32>
          %add3A_2844 = arith.addf %add3A_2830, %gather3A_2843 : vector<16xf32>
          %eq3A = vector.broadcast %scan3A_2608 : i32 to vector<16xi32>
          %eq3A_2845 = arith.cmpi eq, %iota3A, %eq3A : vector<16xi32>
          %select_n3A_2846 = arith.select %eq3A_2845, %add3A_2844, %scan3A_2609 : vector<16xi1>, vector<16xf32>
          scf.yield %select_n3A_2846 : vector<16xf32>
        }
        %scan3A_2599 = arith.constant 16 : i32
        %mul3A_2600 = arith.mulf %scan3A_2598, %mul3A_12 : vector<16xf32>
        %add3A_2601 = arith.addf %mul3A_2600, %get3A_9 : vector<16xf32>
        %exp3A_2602 = math.exp %add3A_2601 : vector<16xf32>
        %mul3A_2603 = arith.constant 16 : i32
        %mul3A_2604 = arith.muli %scan3A_2592, %mul3A_2603 : i32
        %swap3A = arith.index_cast %mul3A_2604 : i32 to index
        %swap3A_2605 = tpu.vector_load %arg9[%swap3A] {strides = array<i32>} : memref<128xf32, #tpu.memory_space<vmem>>, vector<16xf32>,
        %swap3A_2606 = vector.shape_cast %swap3A_2605 : vector<16xf32> to vector<16xf32>
        %swap3A_2607 = vector.shape_cast %exp3A_2602 : vector<16xf32> to vector<16xf32>
        tpu.vector_store %arg9[%swap3A], %swap3A_2607 {strides = array<i32>} : memref<128xf32, #tpu.memory_space<vmem>>, vector<16xf32>,
      }
      %scan3A_2589 = arith.constant 8 : i32
      %mul3A_2590 = arith.constant 128 : i32
      %mul3A_2591 = arith.muli %add3A_21, %mul3A_2590 : i32
      "tpu.region"() ({
        %run_scoped3A = tpu.sem_alloc : memref<!tpu.dma_semaphore, #tpu.memory_space<semaphore_mem>>
        %dma_start3A_2592 = tpu.memref_slice %arg5[%mul3A_2591] : memref<98304xf32, #tpu.memory_space<hbm>> -> memref<128xf32, #tpu.memory_space<hbm>>
        %dma_start3A_2593 = tpu.memref_slice %arg5[%mul3A_2591] : memref<98304xf32, #tpu.memory_space<hbm>> -> memref<128xf32, #tpu.memory_space<hbm>>
        tpu.enqueue_dma source(%arg9 : memref<128xf32, #tpu.memory_space<vmem>>) target(%dma_start3A_2593 : memref<128xf32, #tpu.memory_space<hbm>>) target_semaphore(%run_scoped3A : memref<!tpu.dma_semaphore, #tpu.memory_space<semaphore_mem>>)
        %dma_wait3A_2594 = tpu.memref_slice %arg5[%mul3A_2591] : memref<98304xf32, #tpu.memory_space<hbm>> -> memref<128xf32, #tpu.memory_space<hbm>>
        %dma_wait3A_2595 = tpu.memref_slice %arg5[%mul3A_2591] : memref<98304xf32, #tpu.memory_space<hbm>> -> memref<128xf32, #tpu.memory_space<hbm>>
        tpu.wait_dma2 semaphore(%run_scoped3A : memref<!tpu.dma_semaphore, #tpu.memory_space<semaphore_mem>>) src(%arg9 : memref<128xf32, #tpu.memory_space<vmem>>) dst(%dma_wait3A_2595 : memref<128xf32, #tpu.memory_space<hbm>>)
        tpu.yield
      }) : () -> ()
    }
    %scan3A_17 = arith.constant 24 : i32
    return
  }
}

</mosaic_0001>

<sc_bundles>
// kernel: kernel.3.cloned.1.call-start
scs
__scs_entry_jumppad:
0x0: {  	(pc) =	sbr.rel $0x88, $3  }
0x1: {  	(tag) =	ssettag $0x0;
	lr =	simm.s32 $0x1  }
0x2: {  	[smem:$0x3F9C] =	sst lr;
	_ =	strace $0xD0000000  }
0x3: {  	_ = 	snop  }
0x4: {  	_ = 	snop  }
0x5: {  	_ = 	snop  }
0x6: {  	_ = 	snop  }
0x7: {  	_ = 	snop  }
__scs_overlays_trampoline_lowered:
0x8: {  	[smem:$0x3FAB] =	sst s0  }
0x9: {  	[smem:$0x3FAC] =	sst s1  }
0xa: {  	[smem:$0x3FAD] =	sst s2  }
0xb: {  	[smem:$0x3FAE] =	sst s3  }
0xc: {  	[smem:$0x3FAF] =	sst s4  }
0xd: {  	[smem:$0x3FB0] =	sst s5  }
0xe: {  	[smem:$0x3FB1] =	sst s6  }
0xf: {  	[smem:$0x3FB2] =	sst s7  }
0x10: {  	[smem:$0x3FB3] =	sst s8  }
0x11: {  	[smem:$0x3FB4] =	sst s9;
	s0 =	simm.s32 @!p0 $0x0  }
0x12: {  	s1 =	sld [smem:$0x3F9A];
	s0 =	simm.s32 @p0 $0x1  }
0x13: {  	[smem:$0x3FB5] =	sst s0;
	s0 =	simm.s32 @!p1 $0x0  }
0x14: {  	s2 =	sld [smem:$0x3F99];
	s0 =	simm.s32 @p1 $0x1  }
0x15: {  	[smem:$0x3FB6] =	sst s0;
	s0 =	simm.s32 @!p2 $0x0  }
0x16: {  	s3 =	sld [smem:$0x3FDB];
	s0 =	simm.s32 @p2 $0x1  }
0x17: {  	s4 =	simm.s32 $0x1BF5;
	[smem:$0x3FB8] =	sst s0  }
0x18: {  	s0 =	sld [smem:$0x3F9B];
	_ =	swait.ge [sflag:s4], $0x0  }
0x19: {  	s7 =	sld [smem:$0x3F9C]  }
0x1a: {  	s8 =	sadd.s32 $0xFFFFE003, lr  }
0x1b: {  	s9 =	sadd.s32 $0xFFFFFEF7, lr;
	s5 =	simm.s32 $0xFFFFFFFF;
	p2 =	slt.u32 s8, $0xFFFFF086  }
0x1c: {  	p1 =	slt.u32 s9, $0xF7A;
	s5 =	simm.s32 @!p2 $0x0  }
0x1d: {  	s5 =	simm.s32 @p1 $0x1;
	p0 =	seq.s32 s7, s2  }
0x1e: {  	s7 =	smul.u32 @!p0 $0xF7A, s2;
	p2 =	seq.s32 @!p0 s5, $0x0  }
0x1f: {  	s9 =	smul.u32 $0xF7A, s1;
	s8 =	simm.s32 @!p0 $0x1BF5;
	p2 =	por !p2, p0  }
0x20: {  	[sflag:s8] =	ssyncset.s32 @!p0 $0xFFFFF086;
	s6 =	sadd.s32 @!p0 s3, s7;
	s7 =	simm.s32 @!p0 $0x108  }
0x21: {  	s3 =	sadd.s32 s3, s9;
	s6 =	sadd.s32 @!p0 $0x88, s6;
	s7 =	simm.s32 @p2 $0x1082  }
0x22: {  	[simem:s7], [sflag:s8] =	dma.local @!p0 [hbm:s6], $0xF7A  }
0x23: {  	s9 =	sor.u32 $0xD0000000, s2;
	s6 =	simm.s32 $0x108;
	_ =	swait.ge @!p0 [sflag:s8], $0x0  }
0x24: {  	s3 =	sadd.s32 $0x88, s3;
	s6 =	simm.s32 @!p1 $0x1082;
	[sflag:s4] =	ssyncset.s32 $0xFFFFF086  }
0x25: {  	[simem:s6], [sflag:s4] =	dma.local [hbm:s3], $0xF7A  }
0x26: {  	[smem:$0x3F9C] =	sst s1;
	(tag) =	ssettag s2;
	_ =	strace s9  }
0x27: {  	s1 =	sld [smem:$0x3FAC]  }
0x28: {  	s2 =	sld [smem:$0x3FAD]  }
0x29: {  	s4 =	sld [smem:$0x3FAF]  }
0x2a: {  	p0 =	seq.s32 s5, $0x0;
	s5 =	sld [smem:$0x3FB0]  }
0x2b: {  	s6 =	sld [smem:$0x3FB1]  }
0x2c: {  	s7 =	sld [smem:$0x3FB2]  }
0x2d: {  	s3 =	simm.s32 $0x108;
	s8 =	sld [smem:$0x3FB3]  }
0x2e: {  	s3 =	simm.s32 @!p0 $0x1082;
	s9 =	sld [smem:$0x3FB4]  }
0x2f: {  	lr =	sadd.s32 s0, s3;
	s0 =	sld [smem:$0x3FAB]  }
0x30: {  	s3 =	sld [smem:$0x3FAE]  }
0x31: {  	[smem:$0x3FB7] =	sst s10  }
0x32: {  	s10 =	sld [smem:$0x3FB5];
	_ =	sdelay $0x3  }
0x33: {  	p0 =	seq.s32 s10, $0x1;
	s10 =	sld [smem:$0x3FB7];
	_ =	sdelay $0x3  }
0x34: {  	[smem:$0x3FB7] =	sst s10  }
0x35: {  	s10 =	sld [smem:$0x3FB6];
	_ =	sdelay $0x3  }
0x36: {  	p1 =	seq.s32 s10, $0x1;
	s10 =	sld [smem:$0x3FB7];
	_ =	sdelay $0x3  }
0x37: {  	[smem:$0x3FB7] =	sst s10  }
0x38: {  	s10 =	sld [smem:$0x3FB8]  }
0x39: {  	_ = 	snop;
	(pc) =	sbr.ind lr, $3  }
0x3a: {  	_ = 	snop  }
0x3b: {  	_ = 	snop  }
0x3c: {  	p2 =	seq.s32 s10, $0x1;
	s10 =	sld [smem:$0x3FB7]  }
0x3d: {  	_ =	shalt  }
0x3e: {  	_ =	shalt  }
0x3f: {  	_ =	shalt  }
0x40: {  	_ =	shalt  }
0x41: {  	_ =	shalt  }
0x42: {  	_ =	shalt  }
0x43: {  	_ =	shalt  }
0x44: {  	_ =	shalt  }
0x45: {  	_ =	shalt  }
0x46: {  	_ =	shalt  }
0x47: {  	_ =	shalt  }
0x48: {  	_ =	shalt  }
0x49: {  	_ =	shalt  }
0x4a: {  	_ =	shalt  }
0x4b: {  	_ =	shalt  }
0x4c: {  	_ =	shalt  }
0x4d: {  	_ =	shalt  }
0x4e: {  	_ =	shalt  }
0x4f: {  	_ =	shalt  }
0x50: {  	_ =	shalt  }
0x51: {  	_ =	shalt  }
0x52: {  	_ =	shalt  }
0x53: {  	_ =	shalt  }
0x54: {  	_ =	shalt  }
0x55: {  	_ =	shalt  }
0x56: {  	_ =	shalt  }
0x57: {  	_ =	shalt  }
0x58: {  	_ =	shalt  }
0x59: {  	_ =	shalt  }
0x5a: {  	_ =	shalt  }
0x5b: {  	_ =	shalt  }
0x5c: {  	_ =	shalt  }
0x5d: {  	_ =	shalt  }
0x5e: {  	_ =	shalt  }
0x5f: {  	_ =	shalt  }
0x60: {  	_ =	shalt  }
0x61: {  	_ =	shalt  }
0x62: {  	_ =	shalt  }
0x63: {  	_ =	shalt  }
0x64: {  	_ =	shalt  }
0x65: {  	_ =	shalt  }
0x66: {  	_ =	shalt  }
0x67: {  	_ =	shalt  }
0x68: {  	_ =	shalt  }
0x69: {  	_ =	shalt  }
0x6a: {  	_ =	shalt  }
0x6b: {  	_ =	shalt  }
0x6c: {  	_ =	shalt  }
0x6d: {  	_ =	shalt  }
0x6e: {  	_ =	shalt  }
0x6f: {  	_ =	shalt  }
0x70: {  	_ =	shalt  }
0x71: {  	_ =	shalt  }
0x72: {  	_ =	shalt  }
0x73: {  	_ =	shalt  }
0x74: {  	_ =	shalt  }
0x75: {  	_ =	shalt  }
0x76: {  	_ =	shalt  }
0x77: {  	_ =	shalt  }
0x78: {  	_ =	shalt  }
0x79: {  	_ =	shalt  }
0x7a: {  	_ =	shalt  }
0x7b: {  	_ =	shalt  }
0x7c: {  	_ =	shalt  }
0x7d: {  	_ =	shalt  }
0x7e: {  	_ =	shalt  }
0x7f: {  	_ =	shalt  }
0x80: {  	_ =	shalt  }
0x81: {  	_ =	shalt  }
0x82: {  	_ =	shalt  }
0x83: {  	_ =	shalt  }
0x84: {  	_ =	shalt  }
0x85: {  	_ =	shalt  }
0x86: {  	_ =	shalt  }
0x87: {  	_ =	shalt  }
.Lfunc_end0:
.L_simem_size_0:
called_computation_lowered:
.L_overlay_start_0:
0x88: {  	s2 =	sld [smem:$0x3FD9]  }
0x89: {  	s3 =	sld [smem:$0x3FFE];
	_ =	sdelay $0x1  }
0x8a: {  	s1 =	srdreg.scid  }
0x8b: {  	s0 =	sand.u32 $0x1, s1  }
0x8c: {  	s14 =	sshll.u32 s0, $0xA;
	s2 =	sadd.s32 s3, s2  }
0x8d: {  	s2 =	sadd.s32 s2, s14  }
0x8e: {  	[smem:$0x3FC3] =	sst s2  }
0x8f: {  	_ = 	snop  }
0x90: {  	s2 =	sld [smem:$0x3FD0];
	_ =	sdelay $0x2  }
0x91: {  	s15 =	simm.s32 $0xA;
	s4 =	simm.s32 $0x10  }
0x92: {  	[smem:s4], [sflag:s15] =	dma.local [hbm:s2], $0x1  }
0x93: {  	_ =	swait.eq [sflag:s15], $0x1  }
0x94: {  	[sflag:s15] =	ssyncset.done $0x0  }
0x95: {  	s16 =	sld [smem:$0x10];
	[sflag:s15] =	ssyncadd.s32 $0xFFFFFFFF  }
0x96: {  	s17 =	sld [smem:$0x11];
	(tm) =	ssettm $0x1  }
0x97: {  	s18 =	sld [smem:$0x3FFB];
	_ =	sdelay $0x3  }
0x98: {  	_ =	strace s18  }
0x99: {  	s4 =	sld [smem:$0x3FFC];
	_ =	sdelay $0x3  }
0x9a: {  	_ =	strace s4  }
0x9b: {  	s4 =	sld [smem:$0x3FFD];
	_ =	sdelay $0x3  }
0x9c: {  	_ =	strace s4  }
0x9d: {  	_ =	strace $0x8FFFFFFF  }
0x9e: {  	s19 =	sld [smem:$0x3FDB];
	_ =	sdelay $0x1  }
0x9f: {  	s5 =	simm.s32 $_scs_section_size  }
0xa0: {  	s6 =	simm.s32 $_size__tile_overlayer_lowered;
	s7 =	simm.s32 $_tile_overlayer_lowered  }
0xa1: {  	s22 =	simm.s32 $0x1BFF;
	s21 =	sshll.u32 s7, $0x1;
	s4 =	sadd.s32 s5, s19  }
0xa2: {  	s8 =	simm.s32 $0x0;
	s20 =	sshll.u32 s6, $0x1;
	s6 =	sadd.s32 s21, s4  }
0xa3: {  	[timem:s8], [sflag:s22] =	dma.local [hbm:s6], s20  }
0xa4: {  	_ =	swait.ge [sflag:s22], s20  }
0xa5: {  	s5 =	ssub.s32 $0x0, s20;
	[sflag:s22] =	ssyncset.done $0x0  }
0xa6: {  	[sflag:s22] =	ssyncadd.s32 s5;
	_ =	sdelay $0x1  }
0xa7: {  	s23 =	simm.s32 $0x1B8B  }
0xa8: {  	_ =	swait.ge [sflag:s23], $0x1  }
0xa9: {  	[sflag:s23] =	ssyncset.done $0x0  }
0xaa: {  	s25 =	simm.s32 $0x1B8E;
	s24 =	sld [smem:$0x3FFE];
	[sflag:s23] =	ssyncadd.s32 $0xFFFFFFFF  }
0xab: {  	s26 =	simm.s32 $execute0_lowered;
	[smem:$0x3FD2] =	sst s25  }
0xac: {  	s6 =	sshll.u32 s26, $0x1;
	_ =	strace $0x80000046;
	[dreg:$0x1] =	wrdreg $0xFFFFFFFF  }
0xad: {  	s28 =	simm.s32 $_size_execute0_lowered;
	s4 =	sadd.s32 s4, s6;
	[dreg:$0x0] =	wrdreg $0x0  }
0xae: {  	s6 =	sshll.u32 s28, $0x1;
	[dreg:$0x2] =	wrdreg s4  }
0xaf: {  	[dreg:$0x3] =	wrdreg s6  }
0xb0: {  	[dreg:$0x4] =	wrdreg $0xC0  }
0xb1: {  	_ =	task [dreg:s8], $0x5FFFF  }
0xb2: {  	[dreg:$0x1] =	wrdreg $0xFFFFFFFF  }
0xb3: {  	[dreg:$0x0] =	wrdreg $0x60  }
0xb4: {  	[dreg:$0x2] =	wrdreg s24  }
0xb5: {  	[dreg:$0x3] =	wrdreg s16  }
0xb6: {  	[dreg:$0x4] =	wrdreg s17  }
0xb7: {  	[dreg:$0x5] =	wrdreg $0x9  }
0xb8: {  	_ =	task.clear_ibuf [dreg:s8], $0x6FFFF;
	_ =	strace $0x90000046  }
0xb9: {  	s29 =	simm.s32 $0x9;
	_ =	strace $0x80000048  }
0xba: {  	_ =	swait.ge [sflag:s29], $0x1  }
0xbb: {  	[sflag:s29] =	ssyncadd.s32 $0xFFFFFFFF  }
0xbc: {  	_ =	strace $0x90000048  }
0xbd: {  	_ =	sfence  }
0xbe: {  	s30 =	sld [smem:$0x0];
	_ =	sdelay $0x2  }
0xbf: {  	s31 =	sshll.u32 s1, $0xD;
	s1 =	sshrl.u32 s1, $0x2  }
0xc0: {  	s3 =	sand.u32 $0x4000, s31;
	s1 =	sadd.s32 s1, s30  }
0xc1: {  	s0 =	sor.u32 s3, s0;
	s1 =	sshll.u32 s1, $0x11  }
0xc2: {  	s0 =	sor.u32 s1, s0  }
0xc3: {  	s0 =	sadd.s32 $0x8F2B, s0  }
0xc4: {  	[sflag:s0] =	ssyncadd.remote.s32 $0x1  }
0xc5: {  	_ =	sfence.sel $0xFFFF  }
0xc6: {  	[dreg:$0x0] =	wrdreg $0xFFFFFFFF;
	(pc) =	sbr.abs _section_cstart, $3  }
0xc7: {  	[dreg:$0x1] =	wrdreg $0xFFFFFFFF  }
0xc8: {  	_ =	task.clear_ibuf [dreg:s8], $0x2FFFF;
	_ =	strace $0x9FFFFFFF  }
0xc9: {  	(tm) =	ssettm $0x7FFFFFFF  }
tec
execute0_lowered:
.L_overlay_start_1:
0x0: {  	(tag) =	ssettag $0x1  }
0x1: {  	s0 =	rddreg [dreg:$0x0]  }
0x2: {  	s1 =	srdreg.scid;
	s2 =	simm.s32 $0x0;
	s4 =	stileid.u32;
	v0 =	vimm.s32 $0x76543210;
	v1 =	vimm.s32 $0xFEDCBA98;
	v2 =	vimm.s32 $0xBA98FEDC  }
0x3: {  	s10 =	simm.s32 $0x2;
	s11 =	simm.s32 $0xA;
	v3 =	vimm.s32 $0x32107654;
	v4 =	vimm.s32 $0xDCFE98BA;
	s19 =	simm.s32 $0xD600  }
0x4: {  	v5 =	vimm.s32 $0x54761032;
	s20 =	simm.s32 $0x3C80;
	s21 =	simm.s32 $0xD740;
	s22 =	simm.s32 $0x3D00  }
0x5: {  	v6 =	vimm.s32 $0xEFCDAB89;
	s23 =	simm.s32 $0xD880;
	s24 =	simm.s32 $0x3D80;
	s28 =	simm.s32 $0xDB00  }
0x6: {  	v7 =	vimm.s32 $0x67452301;
	s29 =	simm.s32 $0x3E80;
	s30 =	simm.s32 $0xDC40;
	s31 =	simm.s32 $0x3F00;
	v1 =	vunpack.c.l.s4.s8 v1;
	v0 =	vunpack.c.l.s4.s8 v0  }
0x7: {  	s9 =	simm.s32 $0x1;
	s8 =	simm.s32 $0xE020;
	s1 =	sand.u32 $0x1, s1;
	v2 =	vunpack.c.l.s4.s8 v2;
	v3 =	vunpack.c.l.s4.s8 v3;
	v4 =	vunpack.c.l.s4.s8 v4  }
0x8: {  	[smem:$0x7FF] =	sst s2;
	s4 =	sshll.u32 s4, $0x1;
	s5 =	sadd.s32 $0x140800, s0;
	v5 =	vunpack.c.l.s4.s8 v5;
	v6 =	vunpack.c.l.s4.s8 v6;
	v7 =	vunpack.c.l.s4.s8 v7  }
0x9: {  	s6 =	sadd.s32 $0xF42C00, s0;
	s0 =	simm.s32 $0xDD80;
	s25 =	ssub.s32 $0x2, s1;
	v1 =	vunpack.c.0.s8.s32 v1;
	v0 =	vunpack.c.0.s8.s32 v0;
	v2 =	vunpack.c.0.s8.s32 v2  }
0xa: {  	_ =	strace $0x80000047;
	s1 =	sor.u32 s1, s4;
	s3 =	sshrl.u32 s25, $0x1;
	v3 =	vunpack.c.0.s8.s32 v3;
	v4 =	vunpack.c.0.s8.s32 v4;
	v5 =	vunpack.c.0.s8.s32 v5  }
0xb: {  	s4 =	simm.s32 $0x0;
	s7 =	smul.u32 $0x18, s1;
	v6 =	vunpack.c.0.s8.s32 v6;
	v7 =	vunpack.c.0.s8.s32 v7;
	s2 =	ssub.s32 s25, s3;
	v1 =	vand.u32 $0xF, v1  }
0xc: {  	s1 =	simm.s32 $0xDEC0;
	s25 =	simm.s32 $0xD9C0;
	s26 =	smax.u32 s2, $0x1;
	v0 =	vcombine.low v1, v0;
	v1 =	vcombine.low v3, v2  }
0xd: {  	s3 =	simm.s32 $0x3F80;
	[dreg:$0x4] =	wrdreg s26;
	s26 =	simm.s32 $0x3E00;
	v2 =	vcombine.low v5, v4;
	v3 =	vcombine.low v7, v6;
	v4 =	vlaneseq.u32  }
.LBB2_1:
0xe: {  	[dreg:$0x5] =	wrdreg s4  }
0xf: {  	s2 =	rddreg [dreg:$0x1];
	s18 =	simm.s32 $0x0;
	s12 =	simm.s32 $0xE000  }
0x10: {  	[tilespmem:s12], [sflag:$0x2] =	stream.linear.gather [hbm4b:s2+s18], $0x20, $0x38;
	[tilespmem:$0xE0A0] =	vst v63  }
0x11: {  	_ =	swait.ge [sflag:s10], $0x20  }
0x12: {  	[sflag:s10] =	ssyncset.done $0x0  }
0x13: {  	[sflag:s10] =	ssyncadd.s32 $0xFFFFFFE0  }
0x14: {  	v5 =	vld [tilespmem:$0xE000];
	_ =	sdelay $0x4  }
0x15: {  	v5 =	vmul.f32 $1.442695020e+00, v5;
	_ =	sdelay $0x1  }
0x16: {  	(erf) = vpow2.f32 v5;
	_ =	sdelay $0x8  }
0x17: {  	v6 =	vpop (erf)  }
0x18: {  	s4 =	simm.s32 $0x0;
	v5 =	vld [tilespmem:$0xE010];
	v6 =	vmul.f32 $5.000000000e-01, v6  }
.LBB2_2:
0x19: {  	s2 =	sadd.s32 s7, s4  }
0x1a: {  	s12 =	sshll.u32 s2, $0xB  }
0x1b: {  	s13 =	sadd.s32 s5, s12;
	s12 =	simm.s32 $0x0  }
0x1c: {  	[tilespmem:s12], [sflag:$0x2] =	stream.linear.gather [hbm4b:s13+s12], $0x4000, $0x38;
	[tilespmem:$0xE0A0] =	vst v63  }
0x1d: {  	_ =	swait.ge [sflag:s10], $0x4000  }
0x1e: {  	[sflag:s10] =	ssyncset.done $0x0  }
0x1f: {  	s17 =	simm.s32 $0x4000;
	[sflag:s10] =	ssyncadd.s32 $0xFFFFC000  }
0x20: {  	[tilespmem:s17], [sflag:$0x1] =	stream.indirect.gather [hbm4b:s6+s11], $0x20, s12, s11, $0xb8;
	[tilespmem:$0xE0A0] =	vst v63  }
0x21: {  	s18 =	simm.s32 $0x80;
	s14 =	simm.s32 $0x4140  }
0x22: {  	[tilespmem:s14], [sflag:$0x1] =	stream.indirect.gather [hbm4b:s6+s11], $0x20, s18, s11, $0xb8;
	[tilespmem:$0xE0A0] =	vst v63  }
0x23: {  	s15 =	simm.s32 $0x100;
	s16 =	simm.s32 $0x4280  }
0x24: {  	[tilespmem:s16], [sflag:$0x1] =	stream.indirect.gather [hbm4b:s6+s11], $0x20, s15, s11, $0xb8;
	[tilespmem:$0xE0A0] =	vst v63  }
0x25: {  	s17 =	simm.s32 $0x180;
	s18 =	simm.s32 $0x43C0  }
0x26: {  	[tilespmem:s18], [sflag:$0x1] =	stream.indirect.gather [hbm4b:s6+s11], $0x20, s17, s11, $0xb8;
	[tilespmem:$0xE0A0] =	vst v63  }
0x27: {  	s15 =	simm.s32 $0x200;
	s16 =	simm.s32 $0x4500  }
0x28: {  	[tilespmem:s16], [sflag:$0x1] =	stream.indirect.gather [hbm4b:s6+s11], $0x20, s15, s11, $0xb8;
	[tilespmem:$0xE0A0] =	vst v63  }
0x29: {  	s17 =	simm.s32 $0x280;
	s18 =	simm.s32 $0x4640  }
0x2a: {  	[tilespmem:s18], [sflag:$0x1] =	stream.indirect.gather [hbm4b:s6+s11], $0x20, s17, s11, $0xb8;
	[tilespmem:$0xE0A0] =	vst v63  }
0x2b: {  	s15 =	simm.s32 $0x300;
	s16 =	simm.s32 $0x4780  }
0x2c: {  	[tilespmem:s16], [sflag:$0x1] =	stream.indirect.gather [hbm4b:s6+s11], $0x20, s15, s11, $0xb8;
	[tilespmem:$0xE0A0] =	vst v63  }
0x2d: {  	s17 =	simm.s32 $0x380;
	s18 =	simm.s32 $0x48C0  }
0x2e: {  	[tilespmem:s18], [sflag:$0x1] =	stream.indirect.gather [hbm4b:s6+s11], $0x20, s17, s11, $0xb8;
	[tilespmem:$0xE0A0] =	vst v63  }
0x2f: {  	s15 =	simm.s32 $0x400;
	s16 =	simm.s32 $0x4A00  }
0x30: {  	[tilespmem:s16], [sflag:$0x1] =	stream.indirect.gather [hbm4b:s6+s11], $0x20, s15, s11, $0xb8;
	[tilespmem:$0xE0A0] =	vst v63  }
0x31: {  	s17 =	simm.s32 $0x480;
	s18 =	simm.s32 $0x4B40  }
0x32: {  	[tilespmem:s18], [sflag:$0x1] =	stream.indirect.gather [hbm4b:s6+s11], $0x20, s17, s11, $0xb8;
	[tilespmem:$0xE0A0] =	vst v63  }
0x33: {  	s15 =	simm.s32 $0x500;
	s16 =	simm.s32 $0x4C80  }
0x34: {  	[tilespmem:s16], [sflag:$0x1] =	stream.indirect.gather [hbm4b:s6+s11], $0x20, s15, s11, $0xb8;
	[tilespmem:$0xE0A0] =	vst v63  }
0x35: {  	s17 =	simm.s32 $0x580;
	s18 =	simm.s32 $0x4DC0  }
0x36: {  	[tilespmem:s18], [sflag:$0x1] =	stream.indirect.gather [hbm4b:s6+s11], $0x20, s17, s11, $0xb8;
	[tilespmem:$0xE0A0] =	vst v63  }
0x37: {  	s15 =	simm.s32 $0x600;
	s16 =	simm.s32 $0x4F00  }
0x38: {  	[tilespmem:s16], [sflag:$0x1] =	stream.indirect.gather [hbm4b:s6+s11], $0x20, s15, s11, $0xb8;
	[tilespmem:$0xE0A0] =	vst v63  }
0x39: {  	s17 =	simm.s32 $0x680;
	s18 =	simm.s32 $0x5040  }
0x3a: {  	[tilespmem:s18], [sflag:$0x1] =	stream.indirect.gather [hbm4b:s6+s11], $0x20, s17, s11, $0xb8;
	[tilespmem:$0xE0A0] =	vst v63  }
0x3b: {  	s15 =	simm.s32 $0x700;
	s16 =	simm.s32 $0x5180  }
0x3c: {  	[tilespmem:s16], [sflag:$0x1] =	stream.indirect.gather [hbm4b:s6+s11], $0x20, s15, s11, $0xb8;
	[tilespmem:$0xE0A0] =	vst v63  }
0x3d: {  	s17 =	simm.s32 $0x780;
	s18 =	simm.s32 $0x52C0  }
0x3e: {  	[tilespmem:s18], [sflag:$0x1] =	stream.indirect.gather [hbm4b:s6+s11], $0x20, s17, s11, $0xb8;
	[tilespmem:$0xE0A0] =	vst v63  }
0x3f: {  	s15 =	simm.s32 $0x800;
	s16 =	simm.s32 $0x5400  }
0x40: {  	[tilespmem:s16], [sflag:$0x1] =	stream.indirect.gather [hbm4b:s6+s11], $0x20, s15, s11, $0xb8;
	[tilespmem:$0xE0A0] =	vst v63  }
0x41: {  	s17 =	simm.s32 $0x880;
	s18 =	simm.s32 $0x5540  }
0x42: {  	[tilespmem:s18], [sflag:$0x1] =	stream.indirect.gather [hbm4b:s6+s11], $0x20, s17, s11, $0xb8;
	[tilespmem:$0xE0A0] =	vst v63  }
0x43: {  	s15 =	simm.s32 $0x900;
	s16 =	simm.s32 $0x5680  }
0x44: {  	[tilespmem:s16], [sflag:$0x1] =	stream.indirect.gather [hbm4b:s6+s11], $0x20, s15, s11, $0xb8;
	[tilespmem:$0xE0A0] =	vst v63  }
0x45: {  	s17 =	simm.s32 $0x980;
	s18 =	simm.s32 $0x57C0  }
0x46: {  	[tilespmem:s18], [sflag:$0x1] =	stream.indirect.gather [hbm4b:s6+s11], $0x20, s17, s11, $0xb8;
	[tilespmem:$0xE0A0] =	vst v63  }
0x47: {  	s15 =	simm.s32 $0xA00;
	s16 =	simm.s32 $0x5900  }
0x48: {  	[tilespmem:s16], [sflag:$0x1] =	stream.indirect.gather [hbm4b:s6+s11], $0x20, s15, s11, $0xb8;
	[tilespmem:$0xE0A0] =	vst v63  }
0x49: {  	s17 =	simm.s32 $0xA80;
	s18 =	simm.s32 $0x5A40  }
0x4a: {  	[tilespmem:s18], [sflag:$0x1] =	stream.indirect.gather [hbm4b:s6+s11], $0x20, s17, s11, $0xb8;
	[tilespmem:$0xE0A0] =	vst v63  }
0x4b: {  	s15 =	simm.s32 $0xB00;
	s16 =	simm.s32 $0x5B80  }
0x4c: {  	[tilespmem:s16], [sflag:$0x1] =	stream.indirect.gather [hbm4b:s6+s11], $0x20, s15, s11, $0xb8;
	[tilespmem:$0xE0A0] =	vst v63  }
0x4d: {  	s17 =	simm.s32 $0xB80;
	s18 =	simm.s32 $0x5CC0  }
0x4e: {  	[tilespmem:s18], [sflag:$0x1] =	stream.indirect.gather [hbm4b:s6+s11], $0x20, s17, s11, $0xb8;
	[tilespmem:$0xE0A0] =	vst v63  }
0x4f: {  	s15 =	simm.s32 $0xC00;
	s16 =	simm.s32 $0x5E00  }
0x50: {  	[tilespmem:s16], [sflag:$0x1] =	stream.indirect.gather [hbm4b:s6+s11], $0x20, s15, s11, $0xb8;
	[tilespmem:$0xE0A0] =	vst v63  }
0x51: {  	s17 =	simm.s32 $0xC80;
	s18 =	simm.s32 $0x5F40  }
0x52: {  	[tilespmem:s18], [sflag:$0x1] =	stream.indirect.gather [hbm4b:s6+s11], $0x20, s17, s11, $0xb8;
	[tilespmem:$0xE0A0] =	vst v63  }
0x53: {  	s15 =	simm.s32 $0xD00;
	s16 =	simm.s32 $0x6080  }
0x54: {  	[tilespmem:s16], [sflag:$0x1] =	stream.indirect.gather [hbm4b:s6+s11], $0x20, s15, s11, $0xb8;
	[tilespmem:$0xE0A0] =	vst v63  }
0x55: {  	s17 =	simm.s32 $0xD80;
	s18 =	simm.s32 $0x61C0  }
0x56: {  	[tilespmem:s18], [sflag:$0x1] =	stream.indirect.gather [hbm4b:s6+s11], $0x20, s17, s11, $0xb8;
	[tilespmem:$0xE0A0] =	vst v63  }
0x57: {  	s15 =	simm.s32 $0xE00;
	s16 =	simm.s32 $0x6300  }
0x58: {  	[tilespmem:s16], [sflag:$0x1] =	stream.indirect.gather [hbm4b:s6+s11], $0x20, s15, s11, $0xb8;
	[tilespmem:$0xE0A0] =	vst v63  }
0x59: {  	s17 =	simm.s32 $0xE80;
	s18 =	simm.s32 $0x6440  }
0x5a: {  	[tilespmem:s18], [sflag:$0x1] =	stream.indirect.gather [hbm4b:s6+s11], $0x20, s17, s11, $0xb8;
	[tilespmem:$0xE0A0] =	vst v63  }
0x5b: {  	s15 =	simm.s32 $0xF00;
	s16 =	simm.s32 $0x6580  }
0x5c: {  	[tilespmem:s16], [sflag:$0x1] =	stream.indirect.gather [hbm4b:s6+s11], $0x20, s15, s11, $0xb8;
	[tilespmem:$0xE0A0] =	vst v63  }
0x5d: {  	s17 =	simm.s32 $0xF80;
	s18 =	simm.s32 $0x66C0  }
0x5e: {  	[tilespmem:s18], [sflag:$0x1] =	stream.indirect.gather [hbm4b:s6+s11], $0x20, s17, s11, $0xb8;
	[tilespmem:$0xE0A0] =	vst v63  }
0x5f: {  	s15 =	simm.s32 $0x1000;
	s16 =	simm.s32 $0x6800  }
0x60: {  	[tilespmem:s16], [sflag:$0x1] =	stream.indirect.gather [hbm4b:s6+s11], $0x20, s15, s11, $0xb8;
	[tilespmem:$0xE0A0] =	vst v63  }
0x61: {  	s17 =	simm.s32 $0x1080;
	s18 =	simm.s32 $0x6940  }
0x62: {  	[tilespmem:s18], [sflag:$0x1] =	stream.indirect.gather [hbm4b:s6+s11], $0x20, s17, s11, $0xb8;
	[tilespmem:$0xE0A0] =	vst v63  }
0x63: {  	s15 =	simm.s32 $0x1100;
	s16 =	simm.s32 $0x6A80  }
0x64: {  	[tilespmem:s16], [sflag:$0x1] =	stream.indirect.gather [hbm4b:s6+s11], $0x20, s15, s11, $0xb8;
	[tilespmem:$0xE0A0] =	vst v63  }
0x65: {  	s17 =	simm.s32 $0x1180;
	s18 =	simm.s32 $0x6BC0  }
0x66: {  	[tilespmem:s18], [sflag:$0x1] =	stream.indirect.gather [hbm4b:s6+s11], $0x20, s17, s11, $0xb8;
	[tilespmem:$0xE0A0] =	vst v63  }
0x67: {  	s15 =	simm.s32 $0x1200;
	s16 =	simm.s32 $0x6D00  }
0x68: {  	[tilespmem:s16], [sflag:$0x1] =	stream.indirect.gather [hbm4b:s6+s11], $0x20, s15, s11, $0xb8;
	[tilespmem:$0xE0A0] =	vst v63  }
0x69: {  	s17 =	simm.s32 $0x1280;
	s18 =	simm.s32 $0x6E40  }
0x6a: {  	[tilespmem:s18], [sflag:$0x1] =	stream.indirect.gather [hbm4b:s6+s11], $0x20, s17, s11, $0xb8;
	[tilespmem:$0xE0A0] =	vst v63  }
0x6b: {  	s15 =	simm.s32 $0x1300;
	s16 =	simm.s32 $0x6F80  }
0x6c: {  	[tilespmem:s16], [sflag:$0x1] =	stream.indirect.gather [hbm4b:s6+s11], $0x20, s15, s11, $0xb8;
	[tilespmem:$0xE0A0] =	vst v63  }
0x6d: {  	s17 =	simm.s32 $0x1380;
	s18 =	simm.s32 $0x70C0  }
0x6e: {  	[tilespmem:s18], [sflag:$0x1] =	stream.indirect.gather [hbm4b:s6+s11], $0x20, s17, s11, $0xb8;
	[tilespmem:$0xE0A0] =	vst v63  }
0x6f: {  	s15 =	simm.s32 $0x1400;
	s16 =	simm.s32 $0x7200  }
0x70: {  	[tilespmem:s16], [sflag:$0x1] =	stream.indirect.gather [hbm4b:s6+s11], $0x20, s15, s11, $0xb8;
	[tilespmem:$0xE0A0] =	vst v63  }
0x71: {  	s17 =	simm.s32 $0x1480;
	s18 =	simm.s32 $0x7340  }
0x72: {  	[tilespmem:s18], [sflag:$0x1] =	stream.indirect.gather [hbm4b:s6+s11], $0x20, s17, s11, $0xb8;
	[tilespmem:$0xE0A0] =	vst v63  }
0x73: {  	s15 =	simm.s32 $0x1500;
	s16 =	simm.s32 $0x7480  }
0x74: {  	[tilespmem:s16], [sflag:$0x1] =	stream.indirect.gather [hbm4b:s6+s11], $0x20, s15, s11, $0xb8;
	[tilespmem:$0xE0A0] =	vst v63  }
0x75: {  	s17 =	simm.s32 $0x1580;
	s18 =	simm.s32 $0x75C0  }
0x76: {  	[tilespmem:s18], [sflag:$0x1] =	stream.indirect.gather [hbm4b:s6+s11], $0x20, s17, s11, $0xb8;
	[tilespmem:$0xE0A0] =	vst v63  }
0x77: {  	s15 =	simm.s32 $0x1600;
	s16 =	simm.s32 $0x7700  }
0x78: {  	[tilespmem:s16], [sflag:$0x1] =	stream.indirect.gather [hbm4b:s6+s11], $0x20, s15, s11, $0xb8;
	[tilespmem:$0xE0A0] =	vst v63  }
0x79: {  	s17 =	simm.s32 $0x1680;
	s18 =	simm.s32 $0x7840  }
0x7a: {  	[tilespmem:s18], [sflag:$0x1] =	stream.indirect.gather [hbm4b:s6+s11], $0x20, s17, s11, $0xb8;
	[tilespmem:$0xE0A0] =	vst v63  }
0x7b: {  	s15 =	simm.s32 $0x1700;
	s16 =	simm.s32 $0x7980  }
0x7c: {  	[tilespmem:s16], [sflag:$0x1] =	stream.indirect.gather [hbm4b:s6+s11], $0x20, s15, s11, $0xb8;
	[tilespmem:$0xE0A0] =	vst v63  }
0x7d: {  	s17 =	simm.s32 $0x1780;
	s18 =	simm.s32 $0x7AC0  }
0x7e: {  	[tilespmem:s18], [sflag:$0x1] =	stream.indirect.gather [hbm4b:s6+s11], $0x20, s17, s11, $0xb8;
	[tilespmem:$0xE0A0] =	vst v63  }
0x7f: {  	s15 =	simm.s32 $0x1800;
	s16 =	simm.s32 $0x7C00  }
0x80: {  	[tilespmem:s16], [sflag:$0x1] =	stream.indirect.gather [hbm4b:s6+s11], $0x20, s15, s11, $0xb8;
	[tilespmem:$0xE0A0] =	vst v63  }
0x81: {  	s17 =	simm.s32 $0x1880;
	s18 =	simm.s32 $0x7D40  }
0x82: {  	[tilespmem:s18], [sflag:$0x1] =	stream.indirect.gather [hbm4b:s6+s11], $0x20, s17, s11, $0xb8;
	[tilespmem:$0xE0A0] =	vst v63  }
0x83: {  	s15 =	simm.s32 $0x1900;
	s16 =	simm.s32 $0x7E80  }
0x84: {  	[tilespmem:s16], [sflag:$0x1] =	stream.indirect.gather [hbm4b:s6+s11], $0x20, s15, s11, $0xb8;
	[tilespmem:$0xE0A0] =	vst v63  }
0x85: {  	s17 =	simm.s32 $0x1980;
	s18 =	simm.s32 $0x7FC0  }
0x86: {  	[tilespmem:s18], [sflag:$0x1] =	stream.indirect.gather [hbm4b:s6+s11], $0x20, s17, s11, $0xb8;
	[tilespmem:$0xE0A0] =	vst v63  }
0x87: {  	s15 =	simm.s32 $0x1A00;
	s16 =	simm.s32 $0x8100  }
0x88: {  	[tilespmem:s16], [sflag:$0x1] =	stream.indirect.gather [hbm4b:s6+s11], $0x20, s15, s11, $0xb8;
	[tilespmem:$0xE0A0] =	vst v63  }
0x89: {  	s17 =	simm.s32 $0x1A80;
	s18 =	simm.s32 $0x8240  }
0x8a: {  	[tilespmem:s18], [sflag:$0x1] =	stream.indirect.gather [hbm4b:s6+s11], $0x20, s17, s11, $0xb8;
	[tilespmem:$0xE0A0] =	vst v63  }
0x8b: {  	s15 =	simm.s32 $0x1B00;
	s16 =	simm.s32 $0x8380  }
0x8c: {  	[tilespmem:s16], [sflag:$0x1] =	stream.indirect.gather [hbm4b:s6+s11], $0x20, s15, s11, $0xb8;
	[tilespmem:$0xE0A0] =	vst v63  }
0x8d: {  	s17 =	simm.s32 $0x1B80;
	s18 =	simm.s32 $0x84C0  }
0x8e: {  	[tilespmem:s18], [sflag:$0x1] =	stream.indirect.gather [hbm4b:s6+s11], $0x20, s17, s11, $0xb8;
	[tilespmem:$0xE0A0] =	vst v63  }
0x8f: {  	s15 =	simm.s32 $0x1C00;
	s16 =	simm.s32 $0x8600  }
0x90: {  	[tilespmem:s16], [sflag:$0x1] =	stream.indirect.gather [hbm4b:s6+s11], $0x20, s15, s11, $0xb8;
	[tilespmem:$0xE0A0] =	vst v63  }
0x91: {  	s17 =	simm.s32 $0x1C80;
	s18 =	simm.s32 $0x8740  }
0x92: {  	[tilespmem:s18], [sflag:$0x1] =	stream.indirect.gather [hbm4b:s6+s11], $0x20, s17, s11, $0xb8;
	[tilespmem:$0xE0A0] =	vst v63  }
0x93: {  	s15 =	simm.s32 $0x1D00;
	s16 =	simm.s32 $0x8880  }
0x94: {  	[tilespmem:s16], [sflag:$0x1] =	stream.indirect.gather [hbm4b:s6+s11], $0x20, s15, s11, $0xb8;
	[tilespmem:$0xE0A0] =	vst v63  }
0x95: {  	s17 =	simm.s32 $0x1D80;
	s18 =	simm.s32 $0x89C0  }
0x96: {  	[tilespmem:s18], [sflag:$0x1] =	stream.indirect.gather [hbm4b:s6+s11], $0x20, s17, s11, $0xb8;
	[tilespmem:$0xE0A0] =	vst v63  }
0x97: {  	s15 =	simm.s32 $0x1E00;
	s16 =	simm.s32 $0x8B00  }
0x98: {  	[tilespmem:s16], [sflag:$0x1] =	stream.indirect.gather [hbm4b:s6+s11], $0x20, s15, s11, $0xb8;
	[tilespmem:$0xE0A0] =	vst v63  }
0x99: {  	s17 =	simm.s32 $0x1E80;
	s18 =	simm.s32 $0x8C40  }
0x9a: {  	[tilespmem:s18], [sflag:$0x1] =	stream.indirect.gather [hbm4b:s6+s11], $0x20, s17, s11, $0xb8;
	[tilespmem:$0xE0A0] =	vst v63  }
0x9b: {  	s15 =	simm.s32 $0x1F00;
	s16 =	simm.s32 $0x8D80  }
0x9c: {  	[tilespmem:s16], [sflag:$0x1] =	stream.indirect.gather [hbm4b:s6+s11], $0x20, s15, s11, $0xb8;
	[tilespmem:$0xE0A0] =	vst v63  }
0x9d: {  	s17 =	simm.s32 $0x1F80;
	s18 =	simm.s32 $0x8EC0  }
0x9e: {  	[tilespmem:s18], [sflag:$0x1] =	stream.indirect.gather [hbm4b:s6+s11], $0x20, s17, s11, $0xb8;
	[tilespmem:$0xE0A0] =	vst v63  }
0x9f: {  	s15 =	simm.s32 $0x2000;
	s16 =	simm.s32 $0x9000  }
0xa0: {  	[tilespmem:s16], [sflag:$0x1] =	stream.indirect.gather [hbm4b:s6+s11], $0x20, s15, s11, $0xb8;
	[tilespmem:$0xE0A0] =	vst v63  }
0xa1: {  	s17 =	simm.s32 $0x2080;
	s18 =	simm.s32 $0x9140  }
0xa2: {  	[tilespmem:s18], [sflag:$0x1] =	stream.indirect.gather [hbm4b:s6+s11], $0x20, s17, s11, $0xb8;
	[tilespmem:$0xE0A0] =	vst v63  }
0xa3: {  	s15 =	simm.s32 $0x2100;
	s16 =	simm.s32 $0x9280  }
0xa4: {  	[tilespmem:s16], [sflag:$0x1] =	stream.indirect.gather [hbm4b:s6+s11], $0x20, s15, s11, $0xb8;
	[tilespmem:$0xE0A0] =	vst v63  }
0xa5: {  	s17 =	simm.s32 $0x2180;
	s18 =	simm.s32 $0x93C0  }
0xa6: {  	[tilespmem:s18], [sflag:$0x1] =	stream.indirect.gather [hbm4b:s6+s11], $0x20, s17, s11, $0xb8;
	[tilespmem:$0xE0A0] =	vst v63  }
0xa7: {  	s15 =	simm.s32 $0x2200;
	s16 =	simm.s32 $0x9500  }
0xa8: {  	[tilespmem:s16], [sflag:$0x1] =	stream.indirect.gather [hbm4b:s6+s11], $0x20, s15, s11, $0xb8;
	[tilespmem:$0xE0A0] =	vst v63  }
0xa9: {  	s17 =	simm.s32 $0x2280;
	s18 =	simm.s32 $0x9640  }
0xaa: {  	[tilespmem:s18], [sflag:$0x1] =	stream.indirect.gather [hbm4b:s6+s11], $0x20, s17, s11, $0xb8;
	[tilespmem:$0xE0A0] =	vst v63  }
0xab: {  	s15 =	simm.s32 $0x2300;
	s16 =	simm.s32 $0x9780  }
0xac: {  	[tilespmem:s16], [sflag:$0x1] =	stream.indirect.gather [hbm4b:s6+s11], $0x20, s15, s11, $0xb8;
	[tilespmem:$0xE0A0] =	vst v63  }
0xad: {  	s17 =	simm.s32 $0x2380;
	s18 =	simm.s32 $0x98C0  }
0xae: {  	[tilespmem:s18], [sflag:$0x1] =	stream.indirect.gather [hbm4b:s6+s11], $0x20, s17, s11, $0xb8;
	[tilespmem:$0xE0A0] =	vst v63  }
0xaf: {  	s15 =	simm.s32 $0x2400;
	s16 =	simm.s32 $0x9A00  }
0xb0: {  	[tilespmem:s16], [sflag:$0x1] =	stream.indirect.gather [hbm4b:s6+s11], $0x20, s15, s11, $0xb8;
	[tilespmem:$0xE0A0] =	vst v63  }
0xb1: {  	s17 =	simm.s32 $0x2480;
	s18 =	simm.s32 $0x9B40  }
0xb2: {  	[tilespmem:s18], [sflag:$0x1] =	stream.indirect.gather [hbm4b:s6+s11], $0x20, s17, s11, $0xb8;
	[tilespmem:$0xE0A0] =	vst v63  }
0xb3: {  	s15 =	simm.s32 $0x2500;
	s16 =	simm.s32 $0x9C80  }
0xb4: {  	[tilespmem:s16], [sflag:$0x1] =	stream.indirect.gather [hbm4b:s6+s11], $0x20, s15, s11, $0xb8;
	[tilespmem:$0xE0A0] =	vst v63  }
0xb5: {  	s17 =	simm.s32 $0x2580;
	s18 =	simm.s32 $0x9DC0  }
0xb6: {  	[tilespmem:s18], [sflag:$0x1] =	stream.indirect.gather [hbm4b:s6+s11], $0x20, s17, s11, $0xb8;
	[tilespmem:$0xE0A0] =	vst v63  }
0xb7: {  	s15 =	simm.s32 $0x2600;
	s16 =	simm.s32 $0x9F00  }
0xb8: {  	[tilespmem:s16], [sflag:$0x1] =	stream.indirect.gather [hbm4b:s6+s11], $0x20, s15, s11, $0xb8;
	[tilespmem:$0xE0A0] =	vst v63  }
0xb9: {  	s17 =	simm.s32 $0x2680;
	s18 =	simm.s32 $0xA040  }
0xba: {  	[tilespmem:s18], [sflag:$0x1] =	stream.indirect.gather [hbm4b:s6+s11], $0x20, s17, s11, $0xb8;
	[tilespmem:$0xE0A0] =	vst v63  }
0xbb: {  	s15 =	simm.s32 $0x2700;
	s16 =	simm.s32 $0xA180  }
0xbc: {  	[tilespmem:s16], [sflag:$0x1] =	stream.indirect.gather [hbm4b:s6+s11], $0x20, s15, s11, $0xb8;
	[tilespmem:$0xE0A0] =	vst v63  }
0xbd: {  	s17 =	simm.s32 $0x2780;
	s18 =	simm.s32 $0xA2C0  }
0xbe: {  	[tilespmem:s18], [sflag:$0x1] =	stream.indirect.gather [hbm4b:s6+s11], $0x20, s17, s11, $0xb8;
	[tilespmem:$0xE0A0] =	vst v63  }
0xbf: {  	s15 =	simm.s32 $0x2800;
	s16 =	simm.s32 $0xA400  }
0xc0: {  	[tilespmem:s16], [sflag:$0x1] =	stream.indirect.gather [hbm4b:s6+s11], $0x20, s15, s11, $0xb8;
	[tilespmem:$0xE0A0] =	vst v63  }
0xc1: {  	s17 =	simm.s32 $0x2880;
	s18 =	simm.s32 $0xA540  }
0xc2: {  	[tilespmem:s18], [sflag:$0x1] =	stream.indirect.gather [hbm4b:s6+s11], $0x20, s17, s11, $0xb8;
	[tilespmem:$0xE0A0] =	vst v63  }
0xc3: {  	s15 =	simm.s32 $0x2900;
	s16 =	simm.s32 $0xA680  }
0xc4: {  	[tilespmem:s16], [sflag:$0x1] =	stream.indirect.gather [hbm4b:s6+s11], $0x20, s15, s11, $0xb8;
	[tilespmem:$0xE0A0] =	vst v63  }
0xc5: {  	s17 =	simm.s32 $0x2980;
	s18 =	simm.s32 $0xA7C0  }
0xc6: {  	[tilespmem:s18], [sflag:$0x1] =	stream.indirect.gather [hbm4b:s6+s11], $0x20, s17, s11, $0xb8;
	[tilespmem:$0xE0A0] =	vst v63  }
0xc7: {  	s15 =	simm.s32 $0x2A00;
	s16 =	simm.s32 $0xA900  }
0xc8: {  	[tilespmem:s16], [sflag:$0x1] =	stream.indirect.gather [hbm4b:s6+s11], $0x20, s15, s11, $0xb8;
	[tilespmem:$0xE0A0] =	vst v63  }
0xc9: {  	s17 =	simm.s32 $0x2A80;
	s18 =	simm.s32 $0xAA40  }
0xca: {  	[tilespmem:s18], [sflag:$0x1] =	stream.indirect.gather [hbm4b:s6+s11], $0x20, s17, s11, $0xb8;
	[tilespmem:$0xE0A0] =	vst v63  }
0xcb: {  	s15 =	simm.s32 $0x2B00;
	s16 =	simm.s32 $0xAB80  }
0xcc: {  	[tilespmem:s16], [sflag:$0x1] =	stream.indirect.gather [hbm4b:s6+s11], $0x20, s15, s11, $0xb8;
	[tilespmem:$0xE0A0] =	vst v63  }
0xcd: {  	s17 =	simm.s32 $0x2B80;
	s18 =	simm.s32 $0xACC0  }
0xce: {  	[tilespmem:s18], [sflag:$0x1] =	stream.indirect.gather [hbm4b:s6+s11], $0x20, s17, s11, $0xb8;
	[tilespmem:$0xE0A0] =	vst v63  }
0xcf: {  	s15 =	simm.s32 $0x2C00;
	s16 =	simm.s32 $0xAE00  }
0xd0: {  	[tilespmem:s16], [sflag:$0x1] =	stream.indirect.gather [hbm4b:s6+s11], $0x20, s15, s11, $0xb8;
	[tilespmem:$0xE0A0] =	vst v63  }
0xd1: {  	s17 =	simm.s32 $0x2C80;
	s18 =	simm.s32 $0xAF40  }
0xd2: {  	[tilespmem:s18], [sflag:$0x1] =	stream.indirect.gather [hbm4b:s6+s11], $0x20, s17, s11, $0xb8;
	[tilespmem:$0xE0A0] =	vst v63  }
0xd3: {  	s15 =	simm.s32 $0x2D00;
	s16 =	simm.s32 $0xB080  }
0xd4: {  	[tilespmem:s16], [sflag:$0x1] =	stream.indirect.gather [hbm4b:s6+s11], $0x20, s15, s11, $0xb8;
	[tilespmem:$0xE0A0] =	vst v63  }
0xd5: {  	s17 =	simm.s32 $0x2D80;
	s18 =	simm.s32 $0xB1C0  }
0xd6: {  	[tilespmem:s18], [sflag:$0x1] =	stream.indirect.gather [hbm4b:s6+s11], $0x20, s17, s11, $0xb8;
	[tilespmem:$0xE0A0] =	vst v63  }
0xd7: {  	s15 =	simm.s32 $0x2E00;
	s16 =	simm.s32 $0xB300  }
0xd8: {  	[tilespmem:s16], [sflag:$0x1] =	stream.indirect.gather [hbm4b:s6+s11], $0x20, s15, s11, $0xb8;
	[tilespmem:$0xE0A0] =	vst v63  }
0xd9: {  	s17 =	simm.s32 $0x2E80;
	s18 =	simm.s32 $0xB440  }
0xda: {  	[tilespmem:s18], [sflag:$0x1] =	stream.indirect.gather [hbm4b:s6+s11], $0x20, s17, s11, $0xb8;
	[tilespmem:$0xE0A0] =	vst v63  }
0xdb: {  	s15 =	simm.s32 $0x2F00;
	s16 =	simm.s32 $0xB580  }
0xdc: {  	[tilespmem:s16], [sflag:$0x1] =	stream.indirect.gather [hbm4b:s6+s11], $0x20, s15, s11, $0xb8;
	[tilespmem:$0xE0A0] =	vst v63  }
0xdd: {  	s17 =	simm.s32 $0x2F80;
	s18 =	simm.s32 $0xB6C0  }
0xde: {  	[tilespmem:s18], [sflag:$0x1] =	stream.indirect.gather [hbm4b:s6+s11], $0x20, s17, s11, $0xb8;
	[tilespmem:$0xE0A0] =	vst v63  }
0xdf: {  	s15 =	simm.s32 $0x3000;
	s16 =	simm.s32 $0xB800  }
0xe0: {  	[tilespmem:s16], [sflag:$0x1] =	stream.indirect.gather [hbm4b:s6+s11], $0x20, s15, s11, $0xb8;
	[tilespmem:$0xE0A0] =	vst v63  }
0xe1: {  	s17 =	simm.s32 $0x3080;
	s18 =	simm.s32 $0xB940  }
0xe2: {  	[tilespmem:s18], [sflag:$0x1] =	stream.indirect.gather [hbm4b:s6+s11], $0x20, s17, s11, $0xb8;
	[tilespmem:$0xE0A0] =	vst v63  }
0xe3: {  	s15 =	simm.s32 $0x3100;
	s16 =	simm.s32 $0xBA80  }
0xe4: {  	[tilespmem:s16], [sflag:$0x1] =	stream.indirect.gather [hbm4b:s6+s11], $0x20, s15, s11, $0xb8;
	[tilespmem:$0xE0A0] =	vst v63  }
0xe5: {  	s17 =	simm.s32 $0x3180;
	s18 =	simm.s32 $0xBBC0  }
0xe6: {  	[tilespmem:s18], [sflag:$0x1] =	stream.indirect.gather [hbm4b:s6+s11], $0x20, s17, s11, $0xb8;
	[tilespmem:$0xE0A0] =	vst v63  }
0xe7: {  	s15 =	simm.s32 $0x3200;
	s16 =	simm.s32 $0xBD00  }
0xe8: {  	[tilespmem:s16], [sflag:$0x1] =	stream.indirect.gather [hbm4b:s6+s11], $0x20, s15, s11, $0xb8;
	[tilespmem:$0xE0A0] =	vst v63  }
0xe9: {  	s17 =	simm.s32 $0x3280;
	s18 =	simm.s32 $0xBE40  }
0xea: {  	[tilespmem:s18], [sflag:$0x1] =	stream.indirect.gather [hbm4b:s6+s11], $0x20, s17, s11, $0xb8;
	[tilespmem:$0xE0A0] =	vst v63  }
0xeb: {  	s15 =	simm.s32 $0x3300;
	s16 =	simm.s32 $0xBF80  }
0xec: {  	[tilespmem:s16], [sflag:$0x1] =	stream.indirect.gather [hbm4b:s6+s11], $0x20, s15, s11, $0xb8;
	[tilespmem:$0xE0A0] =	vst v63  }
0xed: {  	s17 =	simm.s32 $0x3380;
	s18 =	simm.s32 $0xC0C0  }
0xee: {  	[tilespmem:s18], [sflag:$0x1] =	stream.indirect.gather [hbm4b:s6+s11], $0x20, s17, s11, $0xb8;
	[tilespmem:$0xE0A0] =	vst v63  }
0xef: {  	s15 =	simm.s32 $0x3400;
	s16 =	simm.s32 $0xC200  }
0xf0: {  	[tilespmem:s16], [sflag:$0x1] =	stream.indirect.gather [hbm4b:s6+s11], $0x20, s15, s11, $0xb8;
	[tilespmem:$0xE0A0] =	vst v63  }
0xf1: {  	s17 =	simm.s32 $0x3480;
	s18 =	simm.s32 $0xC340  }
0xf2: {  	[tilespmem:s18], [sflag:$0x1] =	stream.indirect.gather [hbm4b:s6+s11], $0x20, s17, s11, $0xb8;
	[tilespmem:$0xE0A0] =	vst v63  }
0xf3: {  	s15 =	simm.s32 $0x3500;
	s16 =	simm.s32 $0xC480  }
0xf4: {  	[tilespmem:s16], [sflag:$0x1] =	stream.indirect.gather [hbm4b:s6+s11], $0x20, s15, s11, $0xb8;
	[tilespmem:$0xE0A0] =	vst v63  }
0xf5: {  	s17 =	simm.s32 $0x3580;
	s18 =	simm.s32 $0xC5C0  }
0xf6: {  	[tilespmem:s18], [sflag:$0x1] =	stream.indirect.gather [hbm4b:s6+s11], $0x20, s17, s11, $0xb8;
	[tilespmem:$0xE0A0] =	vst v63  }
0xf7: {  	s15 =	simm.s32 $0x3600;
	s16 =	simm.s32 $0xC700  }
0xf8: {  	[tilespmem:s16], [sflag:$0x1] =	stream.indirect.gather [hbm4b:s6+s11], $0x20, s15, s11, $0xb8;
	[tilespmem:$0xE0A0] =	vst v63  }
0xf9: {  	s17 =	simm.s32 $0x3680;
	s18 =	simm.s32 $0xC840  }
0xfa: {  	[tilespmem:s18], [sflag:$0x1] =	stream.indirect.gather [hbm4b:s6+s11], $0x20, s17, s11, $0xb8;
	[tilespmem:$0xE0A0] =	vst v63  }
0xfb: {  	s15 =	simm.s32 $0x3700;
	s16 =	simm.s32 $0xC980  }
0xfc: {  	[tilespmem:s16], [sflag:$0x1] =	stream.indirect.gather [hbm4b:s6+s11], $0x20, s15, s11, $0xb8;
	[tilespmem:$0xE0A0] =	vst v63  }
0xfd: {  	s17 =	simm.s32 $0x3780;
	s18 =	simm.s32 $0xCAC0  }
0xfe: {  	[tilespmem:s18], [sflag:$0x1] =	stream.indirect.gather [hbm4b:s6+s11], $0x20, s17, s11, $0xb8;
	[tilespmem:$0xE0A0] =	vst v63  }
0xff: {  	s15 =	simm.s32 $0x3800;
	s16 =	simm.s32 $0xCC00  }
0x100: {  	[tilespmem:s16], [sflag:$0x1] =	stream.indirect.gather [hbm4b:s6+s11], $0x20, s15, s11, $0xb8;
	[tilespmem:$0xE0A0] =	vst v63  }
0x101: {  	s17 =	simm.s32 $0x3880;
	s18 =	simm.s32 $0xCD40  }
0x102: {  	[tilespmem:s18], [sflag:$0x1] =	stream.indirect.gather [hbm4b:s6+s11], $0x20, s17, s11, $0xb8;
	[tilespmem:$0xE0A0] =	vst v63  }
0x103: {  	s15 =	simm.s32 $0x3900;
	s16 =	simm.s32 $0xCE80  }
0x104: {  	[tilespmem:s16], [sflag:$0x1] =	stream.indirect.gather [hbm4b:s6+s11], $0x20, s15, s11, $0xb8;
	[tilespmem:$0xE0A0] =	vst v63  }
0x105: {  	s17 =	simm.s32 $0x3980;
	s18 =	simm.s32 $0xCFC0  }
0x106: {  	[tilespmem:s18], [sflag:$0x1] =	stream.indirect.gather [hbm4b:s6+s11], $0x20, s17, s11, $0xb8;
	[tilespmem:$0xE0A0] =	vst v63  }
0x107: {  	s15 =	simm.s32 $0x3A00;
	s16 =	simm.s32 $0xD100  }
0x108: {  	[tilespmem:s16], [sflag:$0x1] =	stream.indirect.gather [hbm4b:s6+s11], $0x20, s15, s11, $0xb8;
	[tilespmem:$0xE0A0] =	vst v63  }
0x109: {  	s17 =	simm.s32 $0x3A80;
	s18 =	simm.s32 $0xD240  }
0x10a: {  	[tilespmem:s18], [sflag:$0x1] =	stream.indirect.gather [hbm4b:s6+s11], $0x20, s17, s11, $0xb8;
	[tilespmem:$0xE0A0] =	vst v63  }
0x10b: {  	s14 =	simm.s32 $0x3B00;
	s15 =	simm.s32 $0xD380  }
0x10c: {  	[tilespmem:s15], [sflag:$0x1] =	stream.indirect.gather [hbm4b:s6+s11], $0x20, s14, s11, $0xb8;
	[tilespmem:$0xE0A0] =	vst v63  }
0x10d: {  	s16 =	simm.s32 $0x3B80;
	s17 =	simm.s32 $0xD4C0  }
0x10e: {  	[tilespmem:s17], [sflag:$0x1] =	stream.indirect.gather [hbm4b:s6+s11], $0x20, s16, s11, $0xb8;
	[tilespmem:$0xE0A0] =	vst v63  }
0x10f: {  	s18 =	simm.s32 $0x3C00  }
0x110: {  	[tilespmem:s19], [sflag:$0x1] =	stream.indirect.gather [hbm4b:s6+s11], $0x20, s18, s11, $0xb8;
	[tilespmem:$0xE0A0] =	vst v63  }
0x111: {  	_ = 	snop  }
0x112: {  	[tilespmem:s21], [sflag:$0x1] =	stream.indirect.gather [hbm4b:s6+s11], $0x20, s20, s11, $0xb8;
	[tilespmem:$0xE0A0] =	vst v63  }
0x113: {  	_ = 	snop  }
0x114: {  	[tilespmem:s23], [sflag:$0x1] =	stream.indirect.gather [hbm4b:s6+s11], $0x20, s22, s11, $0xb8;
	[tilespmem:$0xE0A0] =	vst v63  }
0x115: {  	_ = 	snop  }
0x116: {  	[tilespmem:s25], [sflag:$0x1] =	stream.indirect.gather [hbm4b:s6+s11], $0x20, s24, s11, $0xb8;
	[tilespmem:$0xE0A0] =	vst v63  }
0x117: {  	_ = 	snop  }
0x118: {  	[tilespmem:s28], [sflag:$0x1] =	stream.indirect.gather [hbm4b:s6+s11], $0x20, s26, s11, $0xb8;
	[tilespmem:$0xE0A0] =	vst v63  }
0x119: {  	_ = 	snop  }
0x11a: {  	[tilespmem:s30], [sflag:$0x1] =	stream.indirect.gather [hbm4b:s6+s11], $0x20, s29, s11, $0xb8;
	[tilespmem:$0xE0A0] =	vst v63  }
0x11b: {  	_ = 	snop  }
0x11c: {  	[tilespmem:s0], [sflag:$0x1] =	stream.indirect.gather [hbm4b:s6+s11], $0x20, s31, s11, $0xb8;
	[tilespmem:$0xE0A0] =	vst v63  }
0x11d: {  	_ = 	snop  }
0x11e: {  	[tilespmem:s1], [sflag:$0x1] =	stream.indirect.gather [hbm4b:s6+s11], $0x20, s3, s11, $0xb8;
	[tilespmem:$0xE0A0] =	vst v63  }
0x11f: {  	_ =	swait.ge [sflag:s9], $0x140  }
0x120: {  	[sflag:s9] =	ssyncset.done $0x0  }
0x121: {  	[sflag:s9] =	ssyncadd.s32 $0xFFFFFEC0  }
0x122: {  	_ =	swait.ge [sflag:s9], $0x140  }
0x123: {  	[sflag:s9] =	ssyncset.done $0x0  }
0x124: {  	[sflag:s9] =	ssyncadd.s32 $0xFFFFFEC0  }
0x125: {  	_ =	swait.ge [sflag:s9], $0x140  }
0x126: {  	[sflag:s9] =	ssyncset.done $0x0  }
0x127: {  	[sflag:s9] =	ssyncadd.s32 $0xFFFFFEC0  }
0x128: {  	_ =	swait.ge [sflag:s9], $0x140  }
0x129: {  	[sflag:s9] =	ssyncset.done $0x0  }
0x12a: {  	[sflag:s9] =	ssyncadd.s32 $0xFFFFFEC0  }
0x12b: {  	_ =	swait.ge [sflag:s9], $0x140  }
0x12c: {  	[sflag:s9] =	ssyncset.done $0x0  }
0x12d: {  	[sflag:s9] =	ssyncadd.s32 $0xFFFFFEC0  }
0x12e: {  	_ =	swait.ge [sflag:s9], $0x140  }
0x12f: {  	[sflag:s9] =	ssyncset.done $0x0  }
0x130: {  	[sflag:s9] =	ssyncadd.s32 $0xFFFFFEC0  }
0x131: {  	_ =	swait.ge [sflag:s9], $0x140  }
0x132: {  	[sflag:s9] =	ssyncset.done $0x0  }
0x133: {  	[sflag:s9] =	ssyncadd.s32 $0xFFFFFEC0  }
0x134: {  	_ =	swait.ge [sflag:s9], $0x140  }
0x135: {  	[sflag:s9] =	ssyncset.done $0x0  }
0x136: {  	[sflag:s9] =	ssyncadd.s32 $0xFFFFFEC0  }
0x137: {  	_ =	swait.ge [sflag:s9], $0x140  }
0x138: {  	[sflag:s9] =	ssyncset.done $0x0  }
0x139: {  	[sflag:s9] =	ssyncadd.s32 $0xFFFFFEC0  }
0x13a: {  	_ =	swait.ge [sflag:s9], $0x140  }
0x13b: {  	[sflag:s9] =	ssyncset.done $0x0  }
0x13c: {  	[sflag:s9] =	ssyncadd.s32 $0xFFFFFEC0  }
0x13d: {  	_ =	swait.ge [sflag:s9], $0x140  }
0x13e: {  	[sflag:s9] =	ssyncset.done $0x0  }
0x13f: {  	[sflag:s9] =	ssyncadd.s32 $0xFFFFFEC0  }
0x140: {  	_ =	swait.ge [sflag:s9], $0x140  }
0x141: {  	[sflag:s9] =	ssyncset.done $0x0  }
0x142: {  	[sflag:s9] =	ssyncadd.s32 $0xFFFFFEC0  }
0x143: {  	_ =	swait.ge [sflag:s9], $0x140  }
0x144: {  	[sflag:s9] =	ssyncset.done $0x0  }
0x145: {  	[sflag:s9] =	ssyncadd.s32 $0xFFFFFEC0  }
0x146: {  	_ =	swait.ge [sflag:s9], $0x140  }
0x147: {  	[sflag:s9] =	ssyncset.done $0x0  }
0x148: {  	[sflag:s9] =	ssyncadd.s32 $0xFFFFFEC0  }
0x149: {  	_ =	swait.ge [sflag:s9], $0x140  }
0x14a: {  	[sflag:s9] =	ssyncset.done $0x0  }
0x14b: {  	[sflag:s9] =	ssyncadd.s32 $0xFFFFFEC0  }
0x14c: {  	_ =	swait.ge [sflag:s9], $0x140  }
0x14d: {  	[sflag:s9] =	ssyncset.done $0x0  }
0x14e: {  	[sflag:s9] =	ssyncadd.s32 $0xFFFFFEC0  }
0x14f: {  	_ =	swait.ge [sflag:s9], $0x140  }
0x150: {  	[sflag:s9] =	ssyncset.done $0x0  }
0x151: {  	[sflag:s9] =	ssyncadd.s32 $0xFFFFFEC0  }
0x152: {  	_ =	swait.ge [sflag:s9], $0x140  }
0x153: {  	[sflag:s9] =	ssyncset.done $0x0  }
0x154: {  	[sflag:s9] =	ssyncadd.s32 $0xFFFFFEC0  }
0x155: {  	_ =	swait.ge [sflag:s9], $0x140  }
0x156: {  	[sflag:s9] =	ssyncset.done $0x0  }
0x157: {  	[sflag:s9] =	ssyncadd.s32 $0xFFFFFEC0  }
0x158: {  	_ =	swait.ge [sflag:s9], $0x140  }
0x159: {  	[sflag:s9] =	ssyncset.done $0x0  }
0x15a: {  	[sflag:s9] =	ssyncadd.s32 $0xFFFFFEC0  }
0x15b: {  	_ =	swait.ge [sflag:s9], $0x140  }
0x15c: {  	[sflag:s9] =	ssyncset.done $0x0  }
0x15d: {  	[sflag:s9] =	ssyncadd.s32 $0xFFFFFEC0  }
0x15e: {  	_ =	swait.ge [sflag:s9], $0x140  }
0x15f: {  	[sflag:s9] =	ssyncset.done $0x0  }
0x160: {  	[sflag:s9] =	ssyncadd.s32 $0xFFFFFEC0  }
0x161: {  	_ =	swait.ge [sflag:s9], $0x140  }
0x162: {  	[sflag:s9] =	ssyncset.done $0x0  }
0x163: {  	[sflag:s9] =	ssyncadd.s32 $0xFFFFFEC0  }
0x164: {  	_ =	swait.ge [sflag:s9], $0x140  }
0x165: {  	[sflag:s9] =	ssyncset.done $0x0  }
0x166: {  	[sflag:s9] =	ssyncadd.s32 $0xFFFFFEC0  }
0x167: {  	_ =	swait.ge [sflag:s9], $0x140  }
0x168: {  	[sflag:s9] =	ssyncset.done $0x0  }
0x169: {  	[sflag:s9] =	ssyncadd.s32 $0xFFFFFEC0  }
0x16a: {  	_ =	swait.ge [sflag:s9], $0x140  }
0x16b: {  	[sflag:s9] =	ssyncset.done $0x0  }
0x16c: {  	[sflag:s9] =	ssyncadd.s32 $0xFFFFFEC0  }
0x16d: {  	_ =	swait.ge [sflag:s9], $0x140  }
0x16e: {  	[sflag:s9] =	ssyncset.done $0x0  }
0x16f: {  	[sflag:s9] =	ssyncadd.s32 $0xFFFFFEC0  }
0x170: {  	_ =	swait.ge [sflag:s9], $0x140  }
0x171: {  	[sflag:s9] =	ssyncset.done $0x0  }
0x172: {  	[sflag:s9] =	ssyncadd.s32 $0xFFFFFEC0  }
0x173: {  	_ =	swait.ge [sflag:s9], $0x140  }
0x174: {  	[sflag:s9] =	ssyncset.done $0x0  }
0x175: {  	[sflag:s9] =	ssyncadd.s32 $0xFFFFFEC0  }
0x176: {  	_ =	swait.ge [sflag:s9], $0x140  }
0x177: {  	[sflag:s9] =	ssyncset.done $0x0  }
0x178: {  	[sflag:s9] =	ssyncadd.s32 $0xFFFFFEC0  }
0x179: {  	_ =	swait.ge [sflag:s9], $0x140  }
0x17a: {  	[sflag:s9] =	ssyncset.done $0x0  }
0x17b: {  	[sflag:s9] =	ssyncadd.s32 $0xFFFFFEC0  }
0x17c: {  	_ =	swait.ge [sflag:s9], $0x140  }
0x17d: {  	[sflag:s9] =	ssyncset.done $0x0  }
0x17e: {  	[sflag:s9] =	ssyncadd.s32 $0xFFFFFEC0  }
0x17f: {  	_ =	swait.ge [sflag:s9], $0x140  }
0x180: {  	[sflag:s9] =	ssyncset.done $0x0  }
0x181: {  	[sflag:s9] =	ssyncadd.s32 $0xFFFFFEC0  }
0x182: {  	_ =	swait.ge [sflag:s9], $0x140  }
0x183: {  	[sflag:s9] =	ssyncset.done $0x0  }
0x184: {  	[sflag:s9] =	ssyncadd.s32 $0xFFFFFEC0  }
0x185: {  	_ =	swait.ge [sflag:s9], $0x140  }
0x186: {  	[sflag:s9] =	ssyncset.done $0x0  }
0x187: {  	[sflag:s9] =	ssyncadd.s32 $0xFFFFFEC0  }
0x188: {  	_ =	swait.ge [sflag:s9], $0x140  }
0x189: {  	[sflag:s9] =	ssyncset.done $0x0  }
0x18a: {  	[sflag:s9] =	ssyncadd.s32 $0xFFFFFEC0  }
0x18b: {  	_ =	swait.ge [sflag:s9], $0x140  }
0x18c: {  	[sflag:s9] =	ssyncset.done $0x0  }
0x18d: {  	[sflag:s9] =	ssyncadd.s32 $0xFFFFFEC0  }
0x18e: {  	_ =	swait.ge [sflag:s9], $0x140  }
0x18f: {  	[sflag:s9] =	ssyncset.done $0x0  }
0x190: {  	[sflag:s9] =	ssyncadd.s32 $0xFFFFFEC0  }
0x191: {  	_ =	swait.ge [sflag:s9], $0x140  }
0x192: {  	[sflag:s9] =	ssyncset.done $0x0  }
0x193: {  	[sflag:s9] =	ssyncadd.s32 $0xFFFFFEC0  }
0x194: {  	_ =	swait.ge [sflag:s9], $0x140  }
0x195: {  	[sflag:s9] =	ssyncset.done $0x0  }
0x196: {  	[sflag:s9] =	ssyncadd.s32 $0xFFFFFEC0  }
0x197: {  	_ =	swait.ge [sflag:s9], $0x140  }
0x198: {  	[sflag:s9] =	ssyncset.done $0x0  }
0x199: {  	[sflag:s9] =	ssyncadd.s32 $0xFFFFFEC0  }
0x19a: {  	_ =	swait.ge [sflag:s9], $0x140  }
0x19b: {  	[sflag:s9] =	ssyncset.done $0x0  }
0x19c: {  	[sflag:s9] =	ssyncadd.s32 $0xFFFFFEC0  }
0x19d: {  	_ =	swait.ge [sflag:s9], $0x140  }
0x19e: {  	[sflag:s9] =	ssyncset.done $0x0  }
0x19f: {  	[sflag:s9] =	ssyncadd.s32 $0xFFFFFEC0  }
0x1a0: {  	_ =	swait.ge [sflag:s9], $0x140  }
0x1a1: {  	[sflag:s9] =	ssyncset.done $0x0  }
0x1a2: {  	[sflag:s9] =	ssyncadd.s32 $0xFFFFFEC0  }
0x1a3: {  	_ =	swait.ge [sflag:s9], $0x140  }
0x1a4: {  	[sflag:s9] =	ssyncset.done $0x0  }
0x1a5: {  	[sflag:s9] =	ssyncadd.s32 $0xFFFFFEC0  }
0x1a6: {  	_ =	swait.ge [sflag:s9], $0x140  }
0x1a7: {  	[sflag:s9] =	ssyncset.done $0x0  }
0x1a8: {  	[sflag:s9] =	ssyncadd.s32 $0xFFFFFEC0  }
0x1a9: {  	_ =	swait.ge [sflag:s9], $0x140  }
0x1aa: {  	[sflag:s9] =	ssyncset.done $0x0  }
0x1ab: {  	[sflag:s9] =	ssyncadd.s32 $0xFFFFFEC0  }
0x1ac: {  	_ =	swait.ge [sflag:s9], $0x140  }
0x1ad: {  	[sflag:s9] =	ssyncset.done $0x0  }
0x1ae: {  	[sflag:s9] =	ssyncadd.s32 $0xFFFFFEC0  }
0x1af: {  	_ =	swait.ge [sflag:s9], $0x140  }
0x1b0: {  	[sflag:s9] =	ssyncset.done $0x0  }
0x1b1: {  	[sflag:s9] =	ssyncadd.s32 $0xFFFFFEC0  }
0x1b2: {  	_ =	swait.ge [sflag:s9], $0x140  }
0x1b3: {  	[sflag:s9] =	ssyncset.done $0x0  }
0x1b4: {  	[sflag:s9] =	ssyncadd.s32 $0xFFFFFEC0  }
0x1b5: {  	_ =	swait.ge [sflag:s9], $0x140  }
0x1b6: {  	[sflag:s9] =	ssyncset.done $0x0  }
0x1b7: {  	[sflag:s9] =	ssyncadd.s32 $0xFFFFFEC0  }
0x1b8: {  	_ =	swait.ge [sflag:s9], $0x140  }
0x1b9: {  	[sflag:s9] =	ssyncset.done $0x0  }
0x1ba: {  	[sflag:s9] =	ssyncadd.s32 $0xFFFFFEC0  }
0x1bb: {  	_ =	swait.ge [sflag:s9], $0x140  }
0x1bc: {  	[sflag:s9] =	ssyncset.done $0x0  }
0x1bd: {  	[sflag:s9] =	ssyncadd.s32 $0xFFFFFEC0  }
0x1be: {  	_ =	swait.ge [sflag:s9], $0x140  }
0x1bf: {  	[sflag:s9] =	ssyncset.done $0x0  }
0x1c0: {  	[sflag:s9] =	ssyncadd.s32 $0xFFFFFEC0  }
0x1c1: {  	_ =	swait.ge [sflag:s9], $0x140  }
0x1c2: {  	[sflag:s9] =	ssyncset.done $0x0  }
0x1c3: {  	[sflag:s9] =	ssyncadd.s32 $0xFFFFFEC0  }
0x1c4: {  	_ =	swait.ge [sflag:s9], $0x140  }
0x1c5: {  	[sflag:s9] =	ssyncset.done $0x0  }
0x1c6: {  	[sflag:s9] =	ssyncadd.s32 $0xFFFFFEC0  }
0x1c7: {  	_ =	swait.ge [sflag:s9], $0x140  }
0x1c8: {  	[sflag:s9] =	ssyncset.done $0x0  }
0x1c9: {  	[sflag:s9] =	ssyncadd.s32 $0xFFFFFEC0  }
0x1ca: {  	_ =	swait.ge [sflag:s9], $0x140  }
0x1cb: {  	[sflag:s9] =	ssyncset.done $0x0  }
0x1cc: {  	[sflag:s9] =	ssyncadd.s32 $0xFFFFFEC0  }
0x1cd: {  	_ =	swait.ge [sflag:s9], $0x140  }
0x1ce: {  	[sflag:s9] =	ssyncset.done $0x0  }
0x1cf: {  	[sflag:s9] =	ssyncadd.s32 $0xFFFFFEC0  }
0x1d0: {  	_ =	swait.ge [sflag:s9], $0x140  }
0x1d1: {  	[sflag:s9] =	ssyncset.done $0x0  }
0x1d2: {  	[sflag:s9] =	ssyncadd.s32 $0xFFFFFEC0  }
0x1d3: {  	_ =	swait.ge [sflag:s9], $0x140  }
0x1d4: {  	[sflag:s9] =	ssyncset.done $0x0  }
0x1d5: {  	[sflag:s9] =	ssyncadd.s32 $0xFFFFFEC0  }
0x1d6: {  	_ =	swait.ge [sflag:s9], $0x140  }
0x1d7: {  	[sflag:s9] =	ssyncset.done $0x0  }
0x1d8: {  	[sflag:s9] =	ssyncadd.s32 $0xFFFFFEC0  }
0x1d9: {  	_ =	swait.ge [sflag:s9], $0x140  }
0x1da: {  	[sflag:s9] =	ssyncset.done $0x0  }
0x1db: {  	[sflag:s9] =	ssyncadd.s32 $0xFFFFFEC0  }
0x1dc: {  	_ =	swait.ge [sflag:s9], $0x140  }
0x1dd: {  	[sflag:s9] =	ssyncset.done $0x0  }
0x1de: {  	[sflag:s9] =	ssyncadd.s32 $0xFFFFFEC0  }
0x1df: {  	_ =	swait.ge [sflag:s9], $0x140  }
0x1e0: {  	[sflag:s9] =	ssyncset.done $0x0  }
0x1e1: {  	[sflag:s9] =	ssyncadd.s32 $0xFFFFFEC0  }
0x1e2: {  	_ =	swait.ge [sflag:s9], $0x140  }
0x1e3: {  	[sflag:s9] =	ssyncset.done $0x0  }
0x1e4: {  	[sflag:s9] =	ssyncadd.s32 $0xFFFFFEC0  }
0x1e5: {  	_ =	swait.ge [sflag:s9], $0x140  }
0x1e6: {  	[sflag:s9] =	ssyncset.done $0x0  }
0x1e7: {  	[sflag:s9] =	ssyncadd.s32 $0xFFFFFEC0  }
0x1e8: {  	_ =	swait.ge [sflag:s9], $0x140  }
0x1e9: {  	[sflag:s9] =	ssyncset.done $0x0  }
0x1ea: {  	[sflag:s9] =	ssyncadd.s32 $0xFFFFFEC0  }
0x1eb: {  	_ =	swait.ge [sflag:s9], $0x140  }
0x1ec: {  	[sflag:s9] =	ssyncset.done $0x0  }
0x1ed: {  	[sflag:s9] =	ssyncadd.s32 $0xFFFFFEC0  }
0x1ee: {  	_ =	swait.ge [sflag:s9], $0x140  }
0x1ef: {  	[sflag:s9] =	ssyncset.done $0x0  }
0x1f0: {  	[sflag:s9] =	ssyncadd.s32 $0xFFFFFEC0  }
0x1f1: {  	_ =	swait.ge [sflag:s9], $0x140  }
0x1f2: {  	[sflag:s9] =	ssyncset.done $0x0  }
0x1f3: {  	[sflag:s9] =	ssyncadd.s32 $0xFFFFFEC0  }
0x1f4: {  	_ =	swait.ge [sflag:s9], $0x140  }
0x1f5: {  	[sflag:s9] =	ssyncset.done $0x0  }
0x1f6: {  	[sflag:s9] =	ssyncadd.s32 $0xFFFFFEC0  }
0x1f7: {  	_ =	swait.ge [sflag:s9], $0x140  }
0x1f8: {  	[sflag:s9] =	ssyncset.done $0x0  }
0x1f9: {  	[sflag:s9] =	ssyncadd.s32 $0xFFFFFEC0  }
0x1fa: {  	_ =	swait.ge [sflag:s9], $0x140  }
0x1fb: {  	[sflag:s9] =	ssyncset.done $0x0  }
0x1fc: {  	[sflag:s9] =	ssyncadd.s32 $0xFFFFFEC0  }
0x1fd: {  	_ =	swait.ge [sflag:s9], $0x140  }
0x1fe: {  	[sflag:s9] =	ssyncset.done $0x0  }
0x1ff: {  	[sflag:s9] =	ssyncadd.s32 $0xFFFFFEC0  }
0x200: {  	_ =	swait.ge [sflag:s9], $0x140  }
0x201: {  	[sflag:s9] =	ssyncset.done $0x0  }
0x202: {  	[sflag:s9] =	ssyncadd.s32 $0xFFFFFEC0  }
0x203: {  	_ =	swait.ge [sflag:s9], $0x140  }
0x204: {  	[sflag:s9] =	ssyncset.done $0x0  }
0x205: {  	[sflag:s9] =	ssyncadd.s32 $0xFFFFFEC0  }
0x206: {  	_ =	swait.ge [sflag:s9], $0x140  }
0x207: {  	[sflag:s9] =	ssyncset.done $0x0  }
0x208: {  	[sflag:s9] =	ssyncadd.s32 $0xFFFFFEC0  }
0x209: {  	_ =	swait.ge [sflag:s9], $0x140  }
0x20a: {  	[sflag:s9] =	ssyncset.done $0x0  }
0x20b: {  	[sflag:s9] =	ssyncadd.s32 $0xFFFFFEC0  }
0x20c: {  	_ =	swait.ge [sflag:s9], $0x140  }
0x20d: {  	[sflag:s9] =	ssyncset.done $0x0  }
0x20e: {  	[sflag:s9] =	ssyncadd.s32 $0xFFFFFEC0  }
0x20f: {  	_ =	swait.ge [sflag:s9], $0x140  }
0x210: {  	[sflag:s9] =	ssyncset.done $0x0  }
0x211: {  	[sflag:s9] =	ssyncadd.s32 $0xFFFFFEC0  }
0x212: {  	_ =	swait.ge [sflag:s9], $0x140  }
0x213: {  	[sflag:s9] =	ssyncset.done $0x0  }
0x214: {  	[sflag:s9] =	ssyncadd.s32 $0xFFFFFEC0  }
0x215: {  	_ =	swait.ge [sflag:s9], $0x140  }
0x216: {  	[sflag:s9] =	ssyncset.done $0x0  }
0x217: {  	[sflag:s9] =	ssyncadd.s32 $0xFFFFFEC0  }
0x218: {  	_ =	swait.ge [sflag:s9], $0x140  }
0x219: {  	[sflag:s9] =	ssyncset.done $0x0  }
0x21a: {  	[sflag:s9] =	ssyncadd.s32 $0xFFFFFEC0  }
0x21b: {  	_ =	swait.ge [sflag:s9], $0x140  }
0x21c: {  	[sflag:s9] =	ssyncset.done $0x0  }
0x21d: {  	[sflag:s9] =	ssyncadd.s32 $0xFFFFFEC0  }
0x21e: {  	_ =	swait.ge [sflag:s9], $0x140  }
0x21f: {  	[sflag:s9] =	ssyncset.done $0x0  }
0x220: {  	[sflag:s9] =	ssyncadd.s32 $0xFFFFFEC0  }
0x221: {  	_ =	swait.ge [sflag:s9], $0x140  }
0x222: {  	[sflag:s9] =	ssyncset.done $0x0  }
0x223: {  	[sflag:s9] =	ssyncadd.s32 $0xFFFFFEC0  }
0x224: {  	_ =	swait.ge [sflag:s9], $0x140  }
0x225: {  	[sflag:s9] =	ssyncset.done $0x0  }
0x226: {  	[sflag:s9] =	ssyncadd.s32 $0xFFFFFEC0  }
0x227: {  	_ =	swait.ge [sflag:s9], $0x140  }
0x228: {  	[sflag:s9] =	ssyncset.done $0x0  }
0x229: {  	[sflag:s9] =	ssyncadd.s32 $0xFFFFFEC0  }
0x22a: {  	_ =	swait.ge [sflag:s9], $0x140  }
0x22b: {  	[sflag:s9] =	ssyncset.done $0x0  }
0x22c: {  	[sflag:s9] =	ssyncadd.s32 $0xFFFFFEC0  }
0x22d: {  	_ =	swait.ge [sflag:s9], $0x140  }
0x22e: {  	[sflag:s9] =	ssyncset.done $0x0  }
0x22f: {  	[sflag:s9] =	ssyncadd.s32 $0xFFFFFEC0  }
0x230: {  	_ =	swait.ge [sflag:s9], $0x140  }
0x231: {  	[sflag:s9] =	ssyncset.done $0x0  }
0x232: {  	[sflag:s9] =	ssyncadd.s32 $0xFFFFFEC0  }
0x233: {  	_ =	swait.ge [sflag:s9], $0x140  }
0x234: {  	[sflag:s9] =	ssyncset.done $0x0  }
0x235: {  	[sflag:s9] =	ssyncadd.s32 $0xFFFFFEC0  }
0x236: {  	_ =	swait.ge [sflag:s9], $0x140  }
0x237: {  	[sflag:s9] =	ssyncset.done $0x0  }
0x238: {  	[sflag:s9] =	ssyncadd.s32 $0xFFFFFEC0  }
0x239: {  	_ =	swait.ge [sflag:s9], $0x140  }
0x23a: {  	[sflag:s9] =	ssyncset.done $0x0  }
0x23b: {  	[sflag:s9] =	ssyncadd.s32 $0xFFFFFEC0  }
0x23c: {  	_ =	swait.ge [sflag:s9], $0x140  }
0x23d: {  	[sflag:s9] =	ssyncset.done $0x0  }
0x23e: {  	[sflag:s9] =	ssyncadd.s32 $0xFFFFFEC0  }
0x23f: {  	_ =	swait.ge [sflag:s9], $0x140  }
0x240: {  	[sflag:s9] =	ssyncset.done $0x0  }
0x241: {  	[sflag:s9] =	ssyncadd.s32 $0xFFFFFEC0  }
0x242: {  	_ =	swait.ge [sflag:s9], $0x140  }
0x243: {  	[sflag:s9] =	ssyncset.done $0x0  }
0x244: {  	[sflag:s9] =	ssyncadd.s32 $0xFFFFFEC0  }
0x245: {  	_ =	swait.ge [sflag:s9], $0x140  }
0x246: {  	[sflag:s9] =	ssyncset.done $0x0  }
0x247: {  	[sflag:s9] =	ssyncadd.s32 $0xFFFFFEC0  }
0x248: {  	_ =	swait.ge [sflag:s9], $0x140  }
0x249: {  	[sflag:s9] =	ssyncset.done $0x0  }
0x24a: {  	[sflag:s9] =	ssyncadd.s32 $0xFFFFFEC0  }
0x24b: {  	_ =	swait.ge [sflag:s9], $0x140  }
0x24c: {  	[sflag:s9] =	ssyncset.done $0x0  }
0x24d: {  	[sflag:s9] =	ssyncadd.s32 $0xFFFFFEC0  }
0x24e: {  	_ =	swait.ge [sflag:s9], $0x140  }
0x24f: {  	[sflag:s9] =	ssyncset.done $0x0  }
0x250: {  	[sflag:s9] =	ssyncadd.s32 $0xFFFFFEC0  }
0x251: {  	_ =	swait.ge [sflag:s9], $0x140  }
0x252: {  	[sflag:s9] =	ssyncset.done $0x0  }
0x253: {  	[sflag:s9] =	ssyncadd.s32 $0xFFFFFEC0  }
0x254: {  	_ =	swait.ge [sflag:s9], $0x140  }
0x255: {  	[sflag:s9] =	ssyncset.done $0x0  }
0x256: {  	[sflag:s9] =	ssyncadd.s32 $0xFFFFFEC0  }
0x257: {  	_ =	swait.ge [sflag:s9], $0x140  }
0x258: {  	[sflag:s9] =	ssyncset.done $0x0  }
0x259: {  	[sflag:s9] =	ssyncadd.s32 $0xFFFFFEC0  }
0x25a: {  	_ =	swait.ge [sflag:s9], $0x140  }
0x25b: {  	[sflag:s9] =	ssyncset.done $0x0  }
0x25c: {  	[sflag:s9] =	ssyncadd.s32 $0xFFFFFEC0  }
0x25d: {  	_ =	swait.ge [sflag:s9], $0x140  }
0x25e: {  	[sflag:s9] =	ssyncset.done $0x0  }
0x25f: {  	[sflag:s9] =	ssyncadd.s32 $0xFFFFFEC0  }
0x260: {  	_ =	swait.ge [sflag:s9], $0x140  }
0x261: {  	[sflag:s9] =	ssyncset.done $0x0  }
0x262: {  	[sflag:s9] =	ssyncadd.s32 $0xFFFFFEC0  }
0x263: {  	_ =	swait.ge [sflag:s9], $0x140  }
0x264: {  	[sflag:s9] =	ssyncset.done $0x0  }
0x265: {  	[sflag:s9] =	ssyncadd.s32 $0xFFFFFEC0  }
0x266: {  	_ =	swait.ge [sflag:s9], $0x140  }
0x267: {  	[sflag:s9] =	ssyncset.done $0x0  }
0x268: {  	[sflag:s9] =	ssyncadd.s32 $0xFFFFFEC0  }
0x269: {  	_ =	swait.ge [sflag:s9], $0x140  }
0x26a: {  	[sflag:s9] =	ssyncset.done $0x0  }
0x26b: {  	[sflag:s9] =	ssyncadd.s32 $0xFFFFFEC0  }
0x26c: {  	_ =	swait.ge [sflag:s9], $0x140  }
0x26d: {  	[sflag:s9] =	ssyncset.done $0x0  }
0x26e: {  	[sflag:s9] =	ssyncadd.s32 $0xFFFFFEC0  }
0x26f: {  	_ =	swait.ge [sflag:s9], $0x140  }
0x270: {  	[sflag:s9] =	ssyncset.done $0x0  }
0x271: {  	[sflag:s9] =	ssyncadd.s32 $0xFFFFFEC0  }
0x272: {  	_ =	swait.ge [sflag:s9], $0x140  }
0x273: {  	[sflag:s9] =	ssyncset.done $0x0  }
0x274: {  	[sflag:s9] =	ssyncadd.s32 $0xFFFFFEC0  }
0x275: {  	_ =	swait.ge [sflag:s9], $0x140  }
0x276: {  	[sflag:s9] =	ssyncset.done $0x0  }
0x277: {  	[sflag:s9] =	ssyncadd.s32 $0xFFFFFEC0  }
0x278: {  	_ =	swait.ge [sflag:s9], $0x140  }
0x279: {  	[sflag:s9] =	ssyncset.done $0x0  }
0x27a: {  	[sflag:s9] =	ssyncadd.s32 $0xFFFFFEC0  }
0x27b: {  	_ =	swait.ge [sflag:s9], $0x140  }
0x27c: {  	[sflag:s9] =	ssyncset.done $0x0  }
0x27d: {  	[sflag:s9] =	ssyncadd.s32 $0xFFFFFEC0  }
0x27e: {  	_ =	swait.ge [sflag:s9], $0x140  }
0x27f: {  	[sflag:s9] =	ssyncset.done $0x0  }
0x280: {  	[sflag:s9] =	ssyncadd.s32 $0xFFFFFEC0  }
0x281: {  	_ =	swait.ge [sflag:s9], $0x140  }
0x282: {  	[sflag:s9] =	ssyncset.done $0x0  }
0x283: {  	[sflag:s9] =	ssyncadd.s32 $0xFFFFFEC0  }
0x284: {  	_ =	swait.ge [sflag:s9], $0x140  }
0x285: {  	[sflag:s9] =	ssyncset.done $0x0  }
0x286: {  	[sflag:s9] =	ssyncadd.s32 $0xFFFFFEC0  }
0x287: {  	_ =	swait.ge [sflag:s9], $0x140  }
0x288: {  	[sflag:s9] =	ssyncset.done $0x0  }
0x289: {  	[sflag:s9] =	ssyncadd.s32 $0xFFFFFEC0  }
0x28a: {  	_ =	swait.ge [sflag:s9], $0x140  }
0x28b: {  	[sflag:s9] =	ssyncset.done $0x0  }
0x28c: {  	[sflag:s9] =	ssyncadd.s32 $0xFFFFFEC0  }
0x28d: {  	_ =	swait.ge [sflag:s9], $0x140  }
0x28e: {  	[sflag:s9] =	ssyncset.done $0x0  }
0x28f: {  	[sflag:s9] =	ssyncadd.s32 $0xFFFFFEC0  }
0x290: {  	_ =	swait.ge [sflag:s9], $0x140  }
0x291: {  	[sflag:s9] =	ssyncset.done $0x0  }
0x292: {  	[sflag:s9] =	ssyncadd.s32 $0xFFFFFEC0  }
0x293: {  	_ =	swait.ge [sflag:s9], $0x140  }
0x294: {  	[sflag:s9] =	ssyncset.done $0x0  }
0x295: {  	[sflag:s9] =	ssyncadd.s32 $0xFFFFFEC0  }
0x296: {  	_ =	swait.ge [sflag:s9], $0x140  }
0x297: {  	[sflag:s9] =	ssyncset.done $0x0  }
0x298: {  	[sflag:s9] =	ssyncadd.s32 $0xFFFFFEC0  }
0x299: {  	_ =	swait.ge [sflag:s9], $0x140  }
0x29a: {  	[sflag:s9] =	ssyncset.done $0x0  }
0x29b: {  	[sflag:s9] =	ssyncadd.s32 $0xFFFFFEC0  }
0x29c: {  	_ =	swait.ge [sflag:s9], $0x140  }
0x29d: {  	[sflag:s9] =	ssyncset.done $0x0  }
0x29e: {  	s13 =	simm.s32 $0x40A0;
	s14 =	simm.s32 $0x0;
	[sflag:s9] =	ssyncadd.s32 $0xFFFFFEC0  }
.LBB2_3:
0x29f: {  	v7 =	vld [tilespmem:s13+$0xFFFFFF60]  }
0x2a0: {  	v8 =	vld [tilespmem:s13+$0xFFFFFF70];
	_ =	sdelay $0x1  }
0x2a1: {  	v9 =	vld [tilespmem:s13+$0xFFFFFF80];
	_ =	sdelay $0x1  }
0x2a2: {  	v10 =	vld [tilespmem:s13+$0xFFFFFF90]  }
0x2a3: {  	v11 =	vmul.f32 v7, v7;
	v12 =	vmul.f32 v8, v8  }
0x2a4: {  	v13 =	vld [tilespmem:s13+$0xFFFFFFA0]  }
0x2a5: {  	v11 =	vadd.f32 v12, v11;
	v12 =	vmul.f32 v9, v9  }
0x2a6: {  	v14 =	vld [tilespmem:s13+$0xFFFFFFB0]  }
0x2a7: {  	v11 =	vadd.f32 v12, v11;
	v12 =	vmul.f32 v10, v10  }
0x2a8: {  	v15 =	vld [tilespmem:s13+$0xFFFFFFC0]  }
0x2a9: {  	v11 =	vadd.f32 v12, v11;
	v12 =	vmul.f32 v13, v13  }
0x2aa: {  	v16 =	vld [tilespmem:s13+$0xFFFFFFD0]  }
0x2ab: {  	v11 =	vadd.f32 v12, v11;
	v12 =	vmul.f32 v14, v14  }
0x2ac: {  	v17 =	vld [tilespmem:s13+$0xFFFFFFE0]  }
0x2ad: {  	v11 =	vadd.f32 v12, v11;
	v12 =	vmul.f32 v15, v15  }
0x2ae: {  	v18 =	vld [tilespmem:s13+$0xFFFFFFF0]  }
0x2af: {  	v11 =	vadd.f32 v12, v11;
	v12 =	vmul.f32 v16, v16  }
0x2b0: {  	v19 =	vld [tilespmem:s13+$0x0]  }
0x2b1: {  	s15 =	sadd.s32 $0x140, s13;
	v21 =	vld [tilespmem:s13+$0x10];
	v11 =	vadd.f32 v12, v11;
	v12 =	vmul.f32 v17, v17  }
0x2b2: {  	v24 =	vld [tilespmem:s15+$0xFFFFFF70]  }
0x2b3: {  	v26 =	vld [tilespmem:s15+$0xFFFFFF90];
	v8 =	vadd.f32 v10, v8;
	v11 =	vadd.f32 v12, v11;
	v12 =	vmul.f32 v18, v18  }
0x2b4: {  	v7 =	vadd.f32 v9, v7;
	v9 =	vld [tilespmem:s13+$0x20]  }
0x2b5: {  	v23 =	vld [tilespmem:s15+$0xFFFFFF60];
	v22 =	vmul.f32 v19, v19;
	v8 =	vadd.f32 v14, v8;
	v10 =	vadd.f32 v12, v11  }
0x2b6: {  	v11 =	vadd.f32 v13, v7;
	v12 =	vld [tilespmem:s13+$0x30]  }
0x2b7: {  	v8 =	vadd.f32 v16, v8;
	v14 =	vmul.f32 v21, v21;
	v13 =	vld [tilespmem:s15+$0xFFFFFF80];
	v10 =	vadd.f32 v22, v10  }
0x2b8: {  	v25 =	vld [tilespmem:s13+$0x40];
	v32 =	vadd.f32 v26, v24;
	v11 =	vadd.f32 v15, v11  }
0x2b9: {  	v20 =	vld [tilespmem:s13+$0x80];
	v8 =	vadd.f32 v18, v8;
	v15 =	vmul.f32 v9, v9;
	v10 =	vadd.f32 v14, v10  }
0x2ba: {  	v27 =	vld [tilespmem:s13+$0x50];
	v16 =	vmul.f32 v24, v24;
	v14 =	vmul.f32 v23, v23;
	v11 =	vadd.f32 v17, v11  }
0x2bb: {  	v28 =	vld [tilespmem:s15+$0xFFFFFFA0];
	v8 =	vadd.f32 v21, v8;
	v17 =	vmul.f32 v12, v12;
	v10 =	vadd.f32 v15, v10  }
0x2bc: {  	v14 =	vadd.f32 v16, v14;
	v15 =	vmul.f32 v13, v13;
	v16 =	vld [tilespmem:s13+$0x60];
	v11 =	vadd.f32 v19, v11  }
0x2bd: {  	v29 =	vld [tilespmem:s15+$0xFFFFFFB0];
	v18 =	vmul.f32 v25, v25;
	v22 =	vmov s12;
	v10 =	vadd.f32 v17, v10  }
0x2be: {  	v19 =	vld [tilespmem:s13+$0x70];
	v14 =	vadd.f32 v15, v14;
	v17 =	vmul.f32 v26, v26;
	v9 =	vadd.f32 v9, v11  }
0x2bf: {  	v8 =	vadd.f32 v12, v8;
	v11 =	vmul.f32 v27, v27;
	v15 =	vld [tilespmem:s15+$0xFFFFFFC0];
	v10 =	vadd.f32 v18, v10  }
0x2c0: {  	v12 =	vadd.f32 v17, v14;
	v14 =	vmul.f32 v28, v28;
	v17 =	vadd.f32 v25, v9;
	v25 =	vld [tilespmem:s13+$0x90]  }
0x2c1: {  	v8 =	vadd.f32 v27, v8;
	v18 =	vld [tilespmem:s15+$0xFFFFFFD0];
	v21 =	vmul.f32 v16, v16;
	v10 =	vadd.f32 v11, v10  }
0x2c2: {  	v11 =	vadd.f32 v14, v12;
	v12 =	vmul.f32 v29, v29;
	v14 =	vadd.f32 v16, v17  }
0x2c3: {  	v8 =	vadd.f32 v19, v8;
	v16 =	vld [tilespmem:s15+$0x0];
	v17 =	vmul.f32 v19, v19;
	v10 =	vadd.f32 v21, v10  }
0x2c4: {  	v19 =	vld [tilespmem:s15+$0xFFFFFFE0];
	v27 =	vmul.f32 v15, v15;
	v11 =	vadd.f32 v12, v11;
	v14 =	vadd.f32 v20, v14  }
0x2c5: {  	s17 =	sadd.s32 $0x140, s15;
	v20 =	vmul.f32 v20, v20;
	v21 =	vld [tilespmem:s15+$0xFFFFFFF0];
	v8 =	vadd.f32 v25, v8;
	v10 =	vadd.f32 v17, v10  }
0x2c6: {  	v12 =	vld [tilespmem:s17+$0xFFFFFF60];
	v25 =	vmul.f32 v25, v25;
	v17 =	vadd.f32 v27, v11;
	v27 =	vmul.f32 v18, v18  }
0x2c7: {  	v11 =	vld [tilespmem:s17+$0xFFFFFF70];
	v14 =	vmul.f32 v14, v14;
	v10 =	vadd.f32 v20, v10;
	v20 =	vmul.f32 v8, v8  }
0x2c8: {  	v7 =	vimm.f32 $0.0e+00;
	vm0 =	veq.s32 v22, v4;
	v22 =	vld [tilespmem:s15+$0x10];
	v17 =	vadd.f32 v27, v17  }
0x2c9: {  	v9 =	vld [tilespmem:s15+$0x80];
	v27 =	vmul.f32 v19, v19;
	v30 =	vadd.f32 v25, v10;
	v14 =	vadd.f32 v20, v14  }
0x2ca: {  	v29 =	vadd.f32 v29, v32;
	v31 =	vmul.f32 v21, v21;
	v20 =	vadd.f32 v13, v23;
	v13 =	vld [tilespmem:s17+$0xFFFFFF80]  }
0x2cb: {  	s16 =	simm.s32 $0x1;
	v25 =	vmul.f32 v16, v16;
	v27 =	vadd.f32 v27, v17;
	v23 =	vld [tilespmem:s15+$0x20];
	v17 =	vsub.f32 v14, v30  }
0x2cc: {  	v8 =	vmov s16;
	v14 =	vmul.f32 v12, v12;
	v30 =	vmul.f32 v11, v11  }
0x2cd: {  	v24 =	vld [tilespmem:s15+$0x30];
	v26 =	vadd.f32 v28, v20;
	v28 =	vadd.f32 v31, v27;
	v20 =	vperm.xlane v17, v0  }
0x2ce: {  	s18 =	simm.s32 $0x3;
	s16 =	simm.s32 $0x2;
	v10 =	vmul.f32 v9, v9;
	v27 =	vmul.f32 v22, v22;
	v30 =	vadd.f32 v30, v14;
	v14 =	vld [tilespmem:s17+$0xFFFFFF90]  }
.LBB2_4:
0x2cf: {  	p0 =	sne.s32 s18, $0xF;
	v31 =	vmul.f32 v13, v13;
	v25 =	vadd.f32 v25, v28;
	v28 =	vld [tilespmem:s15+$0x40];
	v17 =	vadd.f32 v17, v20  }
0x2d0: {  	v15 =	vadd.f32 v15, v26;
	v18 =	vadd.f32 v18, v29;
	v20 =	vmul.f32 v23, v23  }
0x2d1: {  	v26 =	vadd.f32 v31, v30;
	v25 =	vadd.f32 v27, v25;
	v27 =	vld [tilespmem:s15+$0x50];
	v29 =	vperm.xlane v17, v1  }
0x2d2: {  	v15 =	vadd.f32 v19, v15;
	v30 =	vld [tilespmem:s17+$0xFFFFFFA0];
	v18 =	vadd.f32 v21, v18;
	v19 =	vmul.f32 v24, v24  }
0x2d3: {  	v21 =	vmul.f32 v14, v14;
	v20 =	vadd.f32 v20, v25;
	v25 =	vld [tilespmem:s15+$0x60];
	v17 =	vadd.f32 v17, v29  }
0x2d4: {  	v15 =	vadd.f32 v16, v15;
	v16 =	vadd.f32 v22, v18;
	v18 =	vmul.f32 v28, v28;
	v22 =	vld [tilespmem:s15+$0x70]  }
0x2d5: {  	v21 =	vadd.f32 v21, v26;
	v29 =	vld [tilespmem:s17+$0xFFFFFFB0];
	v19 =	vadd.f32 v19, v20;
	v20 =	vperm.xlane v17, v2  }
0x2d6: {  	v23 =	vadd.f32 v23, v15;
	v16 =	vadd.f32 v24, v16;
	v24 =	vmul.f32 v27, v27  }
0x2d7: {  	v26 =	vmul.f32 v30, v30;
	v15 =	vld [tilespmem:s17+$0xFFFFFFC0];
	v19 =	vadd.f32 v18, v19;
	v17 =	vadd.f32 v17, v20  }
0x2d8: {  	v20 =	vadd.f32 v28, v23;
	v16 =	vadd.f32 v27, v16;
	v23 =	vmul.f32 v25, v25;
	v27 =	vld [tilespmem:s15+$0x90];
	s15 =	smov.u32 s17  }
0x2d9: {  	v21 =	vadd.f32 v26, v21;
	v18 =	vld [tilespmem:s17+$0xFFFFFFD0];
	v19 =	vadd.f32 v24, v19;
	v24 =	vperm.xlane v17, v3  }
0x2da: {  	v20 =	vadd.f32 v25, v20;
	v26 =	vmul.f32 v29, v29;
	v28 =	vld [tilespmem:s17+$0x80];
	v25 =	vadd.f32 v22, v16  }
0x2db: {  	v22 =	vmul.f32 v22, v22;
	v16 =	vld [tilespmem:s17+$0x0];
	v23 =	vadd.f32 v23, v19;
	v17 =	vadd.f32 v17, v24  }
0x2dc: {  	v32 =	vadd.f32 v9, v20;
	v24 =	vadd.f32 v26, v21;
	v26 =	vmul.f32 v15, v15;
	v19 =	vld [tilespmem:s17+$0xFFFFFFE0]  }
0x2dd: {  	s17 =	sadd.s32 $0x140, s17;
	v21 =	vld [tilespmem:s15+$0xFFFFFFF0];
	v20 =	vadd.f32 v22, v23;
	v22 =	vadd.f32 v27, v25;
	v7 =	vsel vm0, v17, v7  }
0x2de: {  	v31 =	vld [tilespmem:s17+$0xFFFFFF60];
	v17 =	vadd.f32 v26, v24;
	v23 =	vmul.f32 v18, v18;
	v24 =	vmul.f32 v27, v27  }
0x2df: {  	v26 =	vld [tilespmem:s17+$0xFFFFFF70];
	v10 =	vadd.f32 v10, v20;
	v20 =	vmul.f32 v32, v32;
	v25 =	vmul.f32 v22, v22;
	v9 =	vmovc v28  }
0x2e0: {  	vm0 =	veq.s32 v8, v4;
	v8 =	vmov s16;
	s16 =	smov.u32 s18;
	v17 =	vadd.f32 v23, v17  }
0x2e1: {  	v23 =	vmul.f32 v19, v19;
	v22 =	vld [tilespmem:s15+$0x10];
	v24 =	vadd.f32 v24, v10;
	v20 =	vadd.f32 v25, v20  }
.Ltmp0:
0x2e2: {  	v27 =	vadd.f32 v13, v12;
	v25 =	vmul.f32 v16, v16;
	v10 =	vmul.f32 v28, v9;
	v13 =	vld [tilespmem:s17+$0xFFFFFF80];
	(pc) =	sbr.rel @p0 .LBB2_4-.Ltmp0, $4  }
0x2e3: {  	v32 =	vmul.f32 v21, v21;
	v28 =	vadd.f32 v23, v17;
	v23 =	vld [tilespmem:s15+$0x20];
	v17 =	vsub.f32 v20, v24;
	v12 =	vmovc v31  }
0x2e4: {  	v34 =	vadd.f32 v14, v11;
	v31 =	vmul.f32 v31, v12;
	v33 =	vmul.f32 v26, v26;
	v11 =	vmovc v26  }
0x2e5: {  	v26 =	vadd.f32 v30, v27;
	v28 =	vadd.f32 v32, v28;
	v24 =	vld [tilespmem:s15+$0x30];
	v20 =	vperm.xlane v17, v0  }
0x2e6: {  	v29 =	vadd.f32 v29, v34;
	s18 =	sadd.s32 $0x1, s18;
	v30 =	vadd.f32 v33, v31;
	v14 =	vld [tilespmem:s17+$0xFFFFFF90];
	v27 =	vmul.f32 v22, v22  }
0x2e7: {  	_ = 	snop  }
0x2e8: {  	v31 =	vld [tilespmem:s17+$0xFFFFFFA0]  }
0x2e9: {  	v32 =	vmul.f32 v13, v13  }
0x2ea: {  	v33 =	vld [tilespmem:s17+$0xFFFFFFB0]  }
0x2eb: {  	v30 =	vadd.f32 v32, v30;
	v51 =	vmul.f32 v14, v14  }
0x2ec: {  	v34 =	vld [tilespmem:s17+$0xFFFFFFC0]  }
0x2ed: {  	v52 =	vmul.f32 v31, v31;
	v30 =	vadd.f32 v51, v30  }
0x2ee: {  	v53 =	vld [tilespmem:s17+$0xFFFFFFD0]  }
0x2ef: {  	v25 =	vadd.f32 v25, v28;
	v55 =	vmul.f32 v33, v33;
	v30 =	vadd.f32 v52, v30  }
0x2f0: {  	v15 =	vadd.f32 v15, v26;
	v57 =	vld [tilespmem:s17+$0xFFFFFFE0];
	v12 =	vadd.f32 v13, v12  }
0x2f1: {  	v18 =	vadd.f32 v18, v29;
	v59 =	vmul.f32 v34, v34;
	v58 =	vadd.f32 v55, v30  }
0x2f2: {  	v61 =	vld [tilespmem:s17+$0xFFFFFFF0];
	v56 =	vmul.f32 v23, v23;
	v25 =	vadd.f32 v27, v25;
	v15 =	vadd.f32 v19, v15  }
0x2f3: {  	v54 =	vld [tilespmem:s15+$0x40];
	v18 =	vadd.f32 v21, v18;
	v63 =	vmul.f32 v53, v53;
	v19 =	vadd.f32 v59, v58  }
0x2f4: {  	v35 =	vld [tilespmem:s17+$0x0];
	v60 =	vmul.f32 v24, v24;
	v25 =	vadd.f32 v56, v25;
	v15 =	vadd.f32 v16, v15  }
0x2f5: {  	v11 =	vadd.f32 v14, v11;
	v36 =	vmul.f32 v57, v57;
	v19 =	vadd.f32 v63, v19  }
0x2f6: {  	v37 =	vld [tilespmem:s17+$0x10];
	v18 =	vadd.f32 v22, v18;
	v12 =	vadd.f32 v31, v12  }
0x2f7: {  	v62 =	vld [tilespmem:s15+$0x50];
	v39 =	vmul.f32 v61, v61;
	v21 =	vadd.f32 v60, v25;
	v19 =	vadd.f32 v36, v19  }
0x2f8: {  	v40 =	vld [tilespmem:s17+$0x20];
	v32 =	vmul.f32 v54, v54;
	v15 =	vadd.f32 v23, v15;
	v11 =	vadd.f32 v33, v11  }
0x2f9: {  	v38 =	vld [tilespmem:s15+$0x60];
	v42 =	vmul.f32 v35, v35;
	v18 =	vadd.f32 v24, v18;
	v19 =	vadd.f32 v39, v19  }
0x2fa: {  	v43 =	vld [tilespmem:s17+$0x30];
	v12 =	vadd.f32 v34, v12;
	v21 =	vadd.f32 v32, v21  }
0x2fb: {  	v41 =	vld [tilespmem:s15+$0x70];
	v44 =	vmul.f32 v37, v37;
	v15 =	vadd.f32 v54, v15;
	v19 =	vadd.f32 v42, v19  }
0x2fc: {  	v45 =	vld [tilespmem:s17+$0x40];
	v16 =	vmul.f32 v62, v62;
	v11 =	vadd.f32 v53, v11;
	v18 =	vadd.f32 v62, v18  }
0x2fd: {  	v46 =	vmul.f32 v40, v40;
	v12 =	vadd.f32 v57, v12;
	v19 =	vadd.f32 v44, v19  }
0x2fe: {  	v47 =	vld [tilespmem:s17+$0x50];
	v16 =	vadd.f32 v16, v21;
	v15 =	vadd.f32 v38, v15  }
0x2ff: {  	v48 =	vmul.f32 v43, v43;
	v11 =	vadd.f32 v61, v11;
	v19 =	vadd.f32 v46, v19  }
0x300: {  	v49 =	vld [tilespmem:s17+$0x60];
	v24 =	vmul.f32 v38, v38;
	v18 =	vadd.f32 v41, v18;
	v12 =	vadd.f32 v35, v12  }
0x301: {  	v50 =	vld [tilespmem:s15+$0x90];
	v51 =	vmul.f32 v45, v45;
	v11 =	vadd.f32 v37, v11;
	v19 =	vadd.f32 v48, v19  }
0x302: {  	v52 =	vld [tilespmem:s17+$0x70];
	v16 =	vadd.f32 v24, v16;
	v12 =	vadd.f32 v40, v12  }
0x303: {  	v53 =	vld [tilespmem:s17+$0x80];
	v54 =	vmul.f32 v47, v47;
	v11 =	vadd.f32 v43, v11;
	v19 =	vadd.f32 v51, v19  }
0x304: {  	v14 =	vmul.f32 v41, v41;
	v55 =	vld [tilespmem:s17+$0x90];
	v9 =	vadd.f32 v9, v15;
	v12 =	vadd.f32 v45, v12  }
0x305: {  	v56 =	vmul.f32 v49, v49;
	v11 =	vadd.f32 v47, v11;
	v19 =	vadd.f32 v54, v19  }
0x306: {  	v57 =	vmul.f32 v50, v50;
	v18 =	vadd.f32 v50, v18;
	v12 =	vadd.f32 v49, v12  }
0x307: {  	v15 =	vmul.f32 v52, v52;
	v11 =	vadd.f32 v52, v11;
	v19 =	vadd.f32 v56, v19  }
0x308: {  	v13 =	vmul.f32 v53, v53;
	v14 =	vadd.f32 v14, v16;
	v12 =	vadd.f32 v53, v12  }
0x309: {  	v9 =	vmul.f32 v9, v9;
	v11 =	vadd.f32 v55, v11;
	v15 =	vadd.f32 v15, v19  }
0x30a: {  	v58 =	vmul.f32 v18, v18;
	v16 =	vmul.f32 v55, v55;
	v10 =	vadd.f32 v10, v14  }
0x30b: {  	v12 =	vmul.f32 v12, v12;
	v11 =	vmul.f32 v11, v11;
	v13 =	vadd.f32 v13, v15  }
0x30c: {  	v9 =	vadd.f32 v58, v9;
	v10 =	vadd.f32 v57, v10  }
0x30d: {  	v11 =	vadd.f32 v11, v12;
	v13 =	vadd.f32 v16, v13  }
0x30e: {  	v9 =	vsub.f32 v9, v10  }
0x30f: {  	v59 =	vsub.f32 v11, v13  }
0x310: {  	v61 =	vperm.xlane v9, v0  }
0x311: {  	v60 =	vadd.f32 v17, v20;
	v13 =	vperm.xlane v59, v0  }
0x312: {  	v9 =	vadd.f32 v9, v61  }
0x313: {  	v62 =	vperm.xlane v60, v1;
	v10 =	vadd.f32 v59, v13  }
0x314: {  	v12 =	vperm.xlane v9, v1  }
0x315: {  	v11 =	vadd.f32 v60, v62;
	v13 =	vperm.xlane v10, v1  }
0x316: {  	v9 =	vadd.f32 v9, v12  }
0x317: {  	v14 =	vperm.xlane v11, v2;
	v10 =	vadd.f32 v10, v13  }
0x318: {  	v12 =	vperm.xlane v9, v2  }
0x319: {  	v11 =	vadd.f32 v11, v14;
	v13 =	vperm.xlane v10, v2  }
0x31a: {  	v9 =	vadd.f32 v9, v12  }
0x31b: {  	v14 =	vperm.xlane v11, v3;
	v10 =	vadd.f32 v10, v13  }
0x31c: {  	v12 =	vperm.xlane v9, v3  }
0x31d: {  	v11 =	vadd.f32 v11, v14;
	v13 =	vperm.xlane v10, v3  }
0x31e: {  	vm14 =	veq.s32 v8, v4;
	v9 =	vadd.f32 v9, v12  }
0x31f: {  	v63 =	vmov s16;
	v7 =	vsel vm0, v11, v7;
	v8 =	vadd.f32 v10, v13  }
0x320: {  	vm15 =	veq.s32 v63, v4;
	v7 =	vsel vm14, v9, v7  }
0x321: {  	v7 =	vsel vm15, v8, v7  }
0x322: {  	v7 =	vmul.f32 v7, v6;
	_ =	sdelay $0x1  }
0x323: {  	v7 =	vadd.f32 v7, v5;
	_ =	sdelay $0x1  }
0x324: {  	v7 =	vmul.f32 $1.442695020e+00, v7;
	_ =	sdelay $0x1  }
0x325: {  	(erf) = vpow2.f32 v7;
	_ =	sdelay $0x3  }
0x326: {  	s18 =	sshll.u32 s14, $0x4;
	s14 =	sadd.s32 $0x1, s14  }
0x327: {  	p0 =	sne.s32 s14, $0x8  }
.Ltmp1:
0x328: {  	_ = 	snop;
	(pc) =	sbr.rel @p0 .LBB2_3-.Ltmp1, $3  }
0x329: {  	_ =	sdelay $0x1  }
0x32a: {  	s15 =	sand.u32 $0x3FFFFFF0, s18;
	v7 =	vpop (erf)  }
0x32b: {  	s13 =	sadd.s32 $0x1400, s13;
	[tilespmem:s15+$0xE020] =	vst v7  }
0x32c: {  	s4 =	sadd.s32 $0x1, s4  }
0x32d: {  	s2 =	sshll.u32 s2, $0x4;
	s12 =	rddreg [dreg:$0x2];
	p0 =	sne.s32 s4, $0x18  }
.Ltmp2:
0x32e: {  	s18 =	simm.s32 $0x0;
	s2 =	sadd.s32 s12, s2;
	(pc) =	sbr.rel @p0 .LBB2_2-.Ltmp2, $4  }
0x32f: {  	[hbm4b:s2+s18] =	stream.linear.scatter [tilespmem:s8], [sflag:$0x2], $0x80, $0x38;
	[tilespmem:$0xE0A0] =	vst v63  }
0x330: {  	_ =	swait.ge [sflag:s10], $0x80  }
0x331: {  	[sflag:s10] =	ssyncset.done $0x0  }
0x332: {  	[sflag:s10] =	ssyncadd.s32 $0xFFFFFF80  }
0x333: {  	s4 =	rddreg [dreg:$0x5]  }
0x334: {  	s2 =	rddreg [dreg:$0x4];
	s4 =	sadd.s32 $0x1, s4  }
0x335: {  	p0 =	sne.s32 s4, s2  }
.Ltmp3:
0x336: {  	_ = 	snop;
	(pc) =	sbr.rel @p0 .LBB2_1-.Ltmp3, $1  }
0x337: {  	_ =	sdelay $0x3  }
0x338: {  	_ =	sfence.sel $0x180000  }
0x339: {  	[bflag:$0x0] =	sbarrier.arrive $0xFFFF  }
0x33a: {  	_ =	strace $0x90000047  }
0x33b: {  	s0 =	stileid.u32;
	[bflag:$0x2] =	sbarrier.arrive $0xFFFF  }
0x33c: {  	p0 =	sne.s32 s0, $0x0;
	s0 =	rddreg [dreg:$0x3]  }
0x33d: {  	s0 =	sadd.s32 @!p0 $0x100000, s0  }
0x33e: {  	[sflag:s0] =	ssyncadd.tile.s32 @!p0 $0x1;
	_ =	shalt  }
.Lfunc_end2:
_tile_overlayer_lowered:
.L_overlay_start_2:
0x33f: {  	(tag) =	ssettag $0x2  }
0x340: {  	s0 =	rddreg [dreg:$0x0];
	s2 =	stileid.u32  }
0x341: {  	s1 =	rddreg [dreg:$0x1];
	p0 =	sne.s32 s2, $0x0  }
0x342: {  	s3 =	rddreg [dreg:$0x2];
	[bflag:$0x3] =	sbarrier.arrive $0xFFFF;
	s2 =	simm.s32 @!p0 $0x1C02  }
0x343: {  	[timem:s3], [sflag:s2] =	dma.local @!p0 [hbm:s0], s1  }
0x344: {  	s0 =	simm.s32 @!p0 $0x2  }
0x345: {  	_ =	swait.ge @!p0 [sflag:s0], s1  }
0x346: {  	s1 =	ssub.s32 @!p0 $0x0, s1;
	[sflag:s0] =	ssyncset.done @!p0 $0x0  }
0x347: {  	[sflag:s0] =	ssyncadd.s32 @!p0 s1  }
0x348: {  	[bflag:$0x3] =	sbarrier.arrive $0xFFFF  }
0x349: {  	_ =	shalt  }

</sc_bundles>
